<compile_context>
chip_gen: v7x
topology: tpu7x:2x2x1
jax: 0.10.2.dev20260603
libtpu: 0.0.44.dev20260713+nightly
codegen_flags: <defaults>
</compile_context>

<pallas_src>
import functools

import jax
import jax.numpy as jnp
from jax import lax
from jax.experimental import pallas as pl
from jax.experimental.pallas import tpu as pltpu
from jax.experimental.pallas import tpu_sc as plsc

N_NODES = 10000
N_EDGES = 320000
FEAT = 128
HF = FEAT // 2

NC = 2
NS = 16
NW = NC * NS
EPW = N_EDGES // NW
CH = 125
NCHUNK = EPW // CH
NBUF = 8
NROUND = NCHUNK // NBUF
NPAD = 10240
RPS = NPAD // NS


@functools.cache
def _make_sc_scatter():
    mesh = plsc.VectorSubcoreMesh(core_axis_name="c", subcore_axis_name="s")

    @functools.partial(
        pl.kernel,
        out_type=(
            jax.ShapeDtypeStruct((NC, NPAD, HF), jnp.float32),
            jax.ShapeDtypeStruct((NC, NPAD, HF), jnp.float32),
        ),
        mesh=mesh,
        compiler_params=pltpu.CompilerParams(use_tc_tiling_on_sc=False),
        scratch_types=(
            [
                pltpu.VMEM((NCHUNK, CH), jnp.int32),
                pltpu.VMEM((NCHUNK, CH), jnp.int32),
                pltpu.VMEM((NBUF, CH, HF), jnp.float32),
                pltpu.VMEM_SHARED((NPAD, HF), jnp.float32),
            ]
            + [pltpu.SemaphoreType.DMA] * (2 * NBUF)
        ),
    )
    def sc_scatter(temp0_hbm, temp1_hbm, src_hbm, dst_hbm, zeros_hbm,
                   out0_hbm, out1_hbm, src_v, dst_v, rows_v, acc, *sems):
        gsem = sems[:NBUF]
        ssem = sems[NBUF:]
        c = lax.axis_index("c")
        s = lax.axis_index("s")
        wid = c * NS + s

        pltpu.sync_copy(src_hbm.at[wid], src_v)
        pltpu.sync_copy(dst_hbm.at[wid], dst_v)

        for h, temp_hbm, out_hbm in ((0, temp0_hbm, out0_hbm),
                                     (1, temp1_hbm, out1_hbm)):
            pltpu.async_copy(zeros_hbm, acc.at[pl.ds(s * RPS, RPS)], ssem[0])

            def gather(i, b):
                return pltpu.async_copy(temp_hbm.at[src_v.at[i]],
                                        rows_v.at[b], gsem[b])

            def gwait(i, b):
                pltpu.make_async_copy(temp_hbm.at[src_v.at[i]],
                                      rows_v.at[b], gsem[b]).wait()

            def scatter(i, b):
                return pltpu.async_copy(rows_v.at[b], acc.at[dst_v.at[i]],
                                        ssem[b], add=True)

            def swait(i, b):
                pltpu.make_async_copy(rows_v.at[b], acc.at[dst_v.at[i]],
                                      ssem[b]).wait()

            for b in range(NBUF):
                gather(b, b)
            pltpu.make_async_copy(zeros_hbm, acc.at[pl.ds(s * RPS, RPS)],
                                  ssem[0]).wait()
            plsc.subcore_barrier()

            def round_body(j, carry):
                i0 = j * NBUF
                for b in range(NBUF):
                    gwait(i0 + b, b)
                    scatter(i0 + b, b)
                for b in range(NBUF):
                    @pl.when(i0 + b + NBUF < NCHUNK)
                    def _refill(b=b, i0=i0):
                        swait(i0 + b, b)
                        gather(i0 + b + NBUF, b)
                return carry

            lax.fori_loop(0, NROUND, round_body, 0)
            for b in range(NBUF):
                swait(NCHUNK - NBUF + b, b)
            plsc.subcore_barrier()
            pltpu.sync_copy(acc.at[pl.ds(s * RPS, RPS)],
                            out_hbm.at[c, pl.ds(s * RPS, RPS)])

    return sc_scatter


def _mm1_body(x_ref, w_ref, b_ref, o0_ref, o1_ref):
    t = (jnp.dot(x_ref[...], w_ref[...], preferred_element_type=jnp.float32)
         + b_ref[...])
    o0_ref[...] = t[:, :HF]
    o1_ref[...] = t[:, HF:]


def _mm2_body(p0_ref, p1_ref, w_ref, b_ref, o0_ref, o1_ref):
    feat0 = p0_ref[0] + p0_ref[1]
    feat1 = p1_ref[0] + p1_ref[1]
    w = w_ref[:FEAT, :] + w_ref[FEAT:, :]
    t = (jnp.dot(feat0, w[:HF, :], preferred_element_type=jnp.float32)
         + jnp.dot(feat1, w[HF:, :], preferred_element_type=jnp.float32)
         + b_ref[...])
    o0_ref[...] = t[:, :HF]
    o1_ref[...] = t[:, HF:]


def _assemble_body(p0_ref, p1_ref, o_ref):
    s0 = p0_ref[0, :N_NODES, :] + p0_ref[1, :N_NODES, :]
    s1 = p1_ref[0, :N_NODES, :] + p1_ref[1, :N_NODES, :]
    o_ref[:, 0 * HF:1 * HF] = s0
    o_ref[:, 1 * HF:2 * HF] = s1
    o_ref[:, 2 * HF:3 * HF] = s0
    o_ref[:, 3 * HF:4 * HF] = s1


def kernel(x, edge_index, W1, b1, W2, b2):
    e32 = edge_index.astype(jnp.int32)
    src = e32[0].reshape(NW, NCHUNK, CH)
    dst = e32[1].reshape(NW, NCHUNK, CH)
    zeros = jnp.zeros((RPS, HF), jnp.float32)
    b1r = b1.reshape(1, FEAT)
    b2r = b2.reshape(1, FEAT)

    half = jax.ShapeDtypeStruct((N_NODES, HF), jnp.float32)
    half_pad = jax.ShapeDtypeStruct((NPAD, HF), jnp.float32)

    t10, t11 = pl.pallas_call(
        _mm1_body, out_shape=(half, half),
    )(x, W1, b1r)

    sc_scatter = _make_sc_scatter()
    p10, p11 = sc_scatter(t10, t11, src, dst, zeros)

    t20, t21 = pl.pallas_call(
        _mm2_body, out_shape=(half_pad, half_pad),
    )(p10, p11, W2, b2r)

    p20, p21 = sc_scatter(t20, t21, src, dst, zeros)

    out = pl.pallas_call(
        _assemble_body,
        out_shape=jax.ShapeDtypeStruct((N_NODES, 2 * FEAT), jnp.float32),
    )(p20, p21)
    return out

# --- scband reference (transcript-rebuilt; emitter-appended) ---
"""Pipeline reference for scband-gnn-31860067402053 (READ-ONLY COPY).

The authoritative reference and input builder live on the scoring server;
editing this copy changes nothing except your own understanding.
"""

import jax, jax.numpy as jnp
import numpy as np

N_NODES = 10000
N_EDGES = 320000
IN_FEAT = 128
OUT_FEAT = 128


def setup_inputs(seed: int = 0) -> dict:
    key = jax.random.key(seed)
    k_x, k_e, k_w1, k_b1, k_w2, k_b2 = jax.random.split(key, 6)
    x = jax.random.normal(k_x, (N_NODES, IN_FEAT), dtype=jnp.float32)
    edge_index = jax.random.randint(k_e, (2, N_EDGES), 0, N_NODES, dtype=jnp.int64)
    # Layer 1: Linear(in_feat=128, out_feat=128)
    W1 = jax.random.normal(k_w1, (IN_FEAT, OUT_FEAT), dtype=jnp.float32) * (1.0 / np.sqrt(IN_FEAT))
    b1 = jax.random.normal(k_b1, (OUT_FEAT,), dtype=jnp.float32) * 0.01
    # Layer 2: Linear(2*out_feat=256, out_feat=128)
    W2 = jax.random.normal(k_w2, (2 * OUT_FEAT, OUT_FEAT), dtype=jnp.float32) * (1.0 / np.sqrt(2 * OUT_FEAT))
    b2 = jax.random.normal(k_b2, (OUT_FEAT,), dtype=jnp.float32) * 0.01
    return {"x": x, "edge_index": edge_index, "W1": W1, "b1": b1, "W2": W2, "b2": b2}


def _gnn_layer(feat, edge_index, W, b):
    # temp_feat = self.layer(feat)
    temp = feat @ W + b
    # feat = torch.cat((temp_feat, temp_feat), dim=1)
    h = jnp.concatenate([temp, temp], axis=1)
    # propagate with aggr='add': message is feat_j (source features),
    # scatter-added at destination nodes
    src = edge_index[0]
    dst = edge_index[1]
    msgs = jnp.take(h, src, axis=0)
    out = jax.ops.segment_sum(msgs, dst, num_segments=feat.shape[0])
    return out


def reference(x, edge_index, W1, b1, W2, b2):
    feat = x
    feat = _gnn_layer(feat, edge_index, W1, b1)
    feat = _gnn_layer(feat, edge_index, W2, b2)
    return feat

if __name__ == "__main__":
    import jax
    _d = setup_inputs()
    print(jax.jit(kernel)(*tuple(_d.values())))

</pallas_src>

<mosaic_0001>
#map = affine_map<(d0, d1) -> (0, 0)>
#map1 = affine_map<(d0, d1) -> (0, 0, 0)>
module attributes {stable_mosaic.version = 14 : i64} {
  func.func @sc_scatter(%arg0: i32, %arg1: i32, %arg2: memref<10000x64xf32, #tpu.memory_space<hbm>>, %arg3: memref<10000x64xf32, #tpu.memory_space<hbm>>, %arg4: memref<32x80x125xi32, #tpu.memory_space<hbm>>, %arg5: memref<32x80x125xi32, #tpu.memory_space<hbm>>, %arg6: memref<640x64xf32, #tpu.memory_space<hbm>>, %arg7: memref<2x10240x64xf32, #tpu.memory_space<hbm>>, %arg8: memref<2x10240x64xf32, #tpu.memory_space<hbm>>, %arg9: memref<80x125xi32, #tpu.memory_space<vmem>>, %arg10: memref<80x125xi32, #tpu.memory_space<vmem>>, %arg11: memref<8x125x64xf32, #tpu.memory_space<vmem>>, %arg12: memref<10240x64xf32, #tpu.memory_space<vmem_shared>>, %arg13: memref<!tpu.dma_semaphore, #tpu.memory_space<semaphore_mem>>, %arg14: memref<!tpu.dma_semaphore, #tpu.memory_space<semaphore_mem>>, %arg15: memref<!tpu.dma_semaphore, #tpu.memory_space<semaphore_mem>>, %arg16: memref<!tpu.dma_semaphore, #tpu.memory_space<semaphore_mem>>, %arg17: memref<!tpu.dma_semaphore, #tpu.memory_space<semaphore_mem>>, %arg18: memref<!tpu.dma_semaphore, #tpu.memory_space<semaphore_mem>>, %arg19: memref<!tpu.dma_semaphore, #tpu.memory_space<semaphore_mem>>, %arg20: memref<!tpu.dma_semaphore, #tpu.memory_space<semaphore_mem>>, %arg21: memref<!tpu.dma_semaphore, #tpu.memory_space<semaphore_mem>>, %arg22: memref<!tpu.dma_semaphore, #tpu.memory_space<semaphore_mem>>, %arg23: memref<!tpu.dma_semaphore, #tpu.memory_space<semaphore_mem>>, %arg24: memref<!tpu.dma_semaphore, #tpu.memory_space<semaphore_mem>>, %arg25: memref<!tpu.dma_semaphore, #tpu.memory_space<semaphore_mem>>, %arg26: memref<!tpu.dma_semaphore, #tpu.memory_space<semaphore_mem>>, %arg27: memref<!tpu.dma_semaphore, #tpu.memory_space<semaphore_mem>>, %arg28: memref<!tpu.dma_semaphore, #tpu.memory_space<semaphore_mem>>) attributes {dimension_semantics = [#tpu.dimension_semantics<core_parallel>, #tpu.dimension_semantics<subcore_parallel>], iteration_bounds = array<i64: 2, 16>, scalar_prefetch = 0 : i64, scratch_operands = 20 : i64, tpu.core_type = #tpu.core_type<sc_vector_subcore>, window_params = [{transform_indices = #map}, {transform_indices = #map}, {transform_indices = #map1}, {transform_indices = #map1}, {transform_indices = #map}, {transform_indices = #map1}, {transform_indices = #map1}]} {
    %mul3A = arith.constant 16 : i32
    %mul3A_0 = arith.muli %arg0, %mul3A : i32
    %add3A = arith.addi %mul3A_0, %arg1 : i32
    "tpu.region"() ({
      %run_scoped3A = tpu.sem_alloc : memref<!tpu.dma_semaphore, #tpu.memory_space<semaphore_mem>>
      %dma_start3A_421 = arith.constant 0 : i32
      %dma_start3A_422 = arith.constant 0 : i32
      %dma_start3A_423 = tpu.memref_slice %arg4[%add3A, %dma_start3A_421, %dma_start3A_422] : memref<32x80x125xi32, #tpu.memory_space<hbm>> -> memref<1x80x125xi32, #tpu.memory_space<hbm>>
      %dma_start3A_424 = tpu.memref_squeeze %dma_start3A_423 : memref<1x80x125xi32, #tpu.memory_space<hbm>> -> memref<80x125xi32, #tpu.memory_space<hbm>>
      %dma_start3A_425 = arith.constant 0 : i32
      %dma_start3A_426 = arith.constant 0 : i32
      %dma_start3A_427 = tpu.memref_slice %arg4[%add3A, %dma_start3A_425, %dma_start3A_426] : memref<32x80x125xi32, #tpu.memory_space<hbm>> -> memref<1x80x125xi32, #tpu.memory_space<hbm>>
      %dma_start3A_428 = tpu.memref_squeeze %dma_start3A_427 : memref<1x80x125xi32, #tpu.memory_space<hbm>> -> memref<80x125xi32, #tpu.memory_space<hbm>>
      tpu.enqueue_dma source(%dma_start3A_428 : memref<80x125xi32, #tpu.memory_space<hbm>>) target(%arg9 : memref<80x125xi32, #tpu.memory_space<vmem>>) target_semaphore(%run_scoped3A : memref<!tpu.dma_semaphore, #tpu.memory_space<semaphore_mem>>)
      %dma_wait3A_429 = arith.constant 0 : i32
      %dma_wait3A_430 = arith.constant 0 : i32
      %dma_wait3A_431 = tpu.memref_slice %arg4[%add3A, %dma_wait3A_429, %dma_wait3A_430] : memref<32x80x125xi32, #tpu.memory_space<hbm>> -> memref<1x80x125xi32, #tpu.memory_space<hbm>>
      %dma_wait3A_432 = tpu.memref_squeeze %dma_wait3A_431 : memref<1x80x125xi32, #tpu.memory_space<hbm>> -> memref<80x125xi32, #tpu.memory_space<hbm>>
      %dma_wait3A_433 = arith.constant 0 : i32
      %dma_wait3A_434 = arith.constant 0 : i32
      %dma_wait3A_435 = tpu.memref_slice %arg4[%add3A, %dma_wait3A_433, %dma_wait3A_434] : memref<32x80x125xi32, #tpu.memory_space<hbm>> -> memref<1x80x125xi32, #tpu.memory_space<hbm>>
      %dma_wait3A_436 = tpu.memref_squeeze %dma_wait3A_435 : memref<1x80x125xi32, #tpu.memory_space<hbm>> -> memref<80x125xi32, #tpu.memory_space<hbm>>
      tpu.wait_dma2 semaphore(%run_scoped3A : memref<!tpu.dma_semaphore, #tpu.memory_space<semaphore_mem>>) src(%dma_wait3A_436 : memref<80x125xi32, #tpu.memory_space<hbm>>) dst(%arg9 : memref<80x125xi32, #tpu.memory_space<vmem>>)
      tpu.yield
    }) : () -> ()
    "tpu.region"() ({
      %run_scoped3A = tpu.sem_alloc : memref<!tpu.dma_semaphore, #tpu.memory_space<semaphore_mem>>
      %dma_start3A_421 = arith.constant 0 : i32
      %dma_start3A_422 = arith.constant 0 : i32
      %dma_start3A_423 = tpu.memref_slice %arg5[%add3A, %dma_start3A_421, %dma_start3A_422] : memref<32x80x125xi32, #tpu.memory_space<hbm>> -> memref<1x80x125xi32, #tpu.memory_space<hbm>>
      %dma_start3A_424 = tpu.memref_squeeze %dma_start3A_423 : memref<1x80x125xi32, #tpu.memory_space<hbm>> -> memref<80x125xi32, #tpu.memory_space<hbm>>
      %dma_start3A_425 = arith.constant 0 : i32
      %dma_start3A_426 = arith.constant 0 : i32
      %dma_start3A_427 = tpu.memref_slice %arg5[%add3A, %dma_start3A_425, %dma_start3A_426] : memref<32x80x125xi32, #tpu.memory_space<hbm>> -> memref<1x80x125xi32, #tpu.memory_space<hbm>>
      %dma_start3A_428 = tpu.memref_squeeze %dma_start3A_427 : memref<1x80x125xi32, #tpu.memory_space<hbm>> -> memref<80x125xi32, #tpu.memory_space<hbm>>
      tpu.enqueue_dma source(%dma_start3A_428 : memref<80x125xi32, #tpu.memory_space<hbm>>) target(%arg10 : memref<80x125xi32, #tpu.memory_space<vmem>>) target_semaphore(%run_scoped3A : memref<!tpu.dma_semaphore, #tpu.memory_space<semaphore_mem>>)
      %dma_wait3A_429 = arith.constant 0 : i32
      %dma_wait3A_430 = arith.constant 0 : i32
      %dma_wait3A_431 = tpu.memref_slice %arg5[%add3A, %dma_wait3A_429, %dma_wait3A_430] : memref<32x80x125xi32, #tpu.memory_space<hbm>> -> memref<1x80x125xi32, #tpu.memory_space<hbm>>
      %dma_wait3A_432 = tpu.memref_squeeze %dma_wait3A_431 : memref<1x80x125xi32, #tpu.memory_space<hbm>> -> memref<80x125xi32, #tpu.memory_space<hbm>>
      %dma_wait3A_433 = arith.constant 0 : i32
      %dma_wait3A_434 = arith.constant 0 : i32
      %dma_wait3A_435 = tpu.memref_slice %arg5[%add3A, %dma_wait3A_433, %dma_wait3A_434] : memref<32x80x125xi32, #tpu.memory_space<hbm>> -> memref<1x80x125xi32, #tpu.memory_space<hbm>>
      %dma_wait3A_436 = tpu.memref_squeeze %dma_wait3A_435 : memref<1x80x125xi32, #tpu.memory_space<hbm>> -> memref<80x125xi32, #tpu.memory_space<hbm>>
      tpu.wait_dma2 semaphore(%run_scoped3A : memref<!tpu.dma_semaphore, #tpu.memory_space<semaphore_mem>>) src(%dma_wait3A_436 : memref<80x125xi32, #tpu.memory_space<hbm>>) dst(%arg10 : memref<80x125xi32, #tpu.memory_space<vmem>>)
      tpu.yield
    }) : () -> ()
    %mul3A_1 = arith.constant 640 : i32
    %mul3A_2 = arith.muli %arg1, %mul3A_1 : i32
    %dma_start3A = arith.constant 0 : i32
    %dma_start3A_3 = tpu.memref_slice %arg12[%mul3A_2, %dma_start3A] : memref<10240x64xf32, #tpu.memory_space<vmem_shared>> -> memref<640x64xf32, #tpu.memory_space<vmem_shared>>
    tpu.enqueue_dma source(%arg6 : memref<640x64xf32, #tpu.memory_space<hbm>>) target(%dma_start3A_3 : memref<640x64xf32, #tpu.memory_space<vmem_shared>>) target_semaphore(%arg21 : memref<!tpu.dma_semaphore, #tpu.memory_space<semaphore_mem>>)
    %dma_start3A_4 = arith.constant 0 : i32
    %dma_start3A_5 = arith.constant 0 : i32
    %dma_start3A_6 = arith.constant 0 : i32
    %dma_start3A_7 = arith.constant 0 : i32
    %dma_start3A_8 = tpu.memref_slice %arg11[%dma_start3A_5, %dma_start3A_6, %dma_start3A_7] : memref<8x125x64xf32, #tpu.memory_space<vmem>> -> memref<1x125x64xf32, #tpu.memory_space<vmem>>
    %dma_start3A_9 = tpu.memref_squeeze %dma_start3A_8 : memref<1x125x64xf32, #tpu.memory_space<vmem>> -> memref<125x64xf32, #tpu.memory_space<vmem>>
    %dma_start3A_10 = arith.constant 0 : i32
    %dma_start3A_11 = tpu.memref_slice %arg9[%dma_start3A_4, %dma_start3A_10] : memref<80x125xi32, #tpu.memory_space<vmem>> -> memref<1x125xi32, #tpu.memory_space<vmem>>
    %dma_start3A_12 = tpu.memref_squeeze %dma_start3A_11 : memref<1x125xi32, #tpu.memory_space<vmem>> -> memref<125xi32, #tpu.memory_space<vmem>>
    %dma_start3A_13 = arith.constant 0 : i32
    %dma_start3A_14 = arith.constant 0 : i32
    %dma_start3A_15 = tpu.memref_slice %arg2[%dma_start3A_13, %dma_start3A_14] : memref<10000x64xf32, #tpu.memory_space<hbm>> -> memref<10000x64xf32, #tpu.memory_space<hbm>>
    tpu.enqueue_indirect_dma source(%dma_start3A_15 : memref<10000x64xf32, #tpu.memory_space<hbm>>) target(%dma_start3A_9 : memref<125x64xf32, #tpu.memory_space<vmem>>) offsets(%dma_start3A_12 : memref<125xi32, #tpu.memory_space<vmem>>) semaphore(%arg13 : memref<!tpu.dma_semaphore, #tpu.memory_space<semaphore_mem>>)
    %dma_start3A_16 = arith.constant 1 : i32
    %dma_start3A_17 = arith.constant 1 : i32
    %dma_start3A_18 = arith.constant 0 : i32
    %dma_start3A_19 = arith.constant 0 : i32
    %dma_start3A_20 = tpu.memref_slice %arg11[%dma_start3A_17, %dma_start3A_18, %dma_start3A_19] : memref<8x125x64xf32, #tpu.memory_space<vmem>> -> memref<1x125x64xf32, #tpu.memory_space<vmem>>
    %dma_start3A_21 = tpu.memref_squeeze %dma_start3A_20 : memref<1x125x64xf32, #tpu.memory_space<vmem>> -> memref<125x64xf32, #tpu.memory_space<vmem>>
    %dma_start3A_22 = arith.constant 0 : i32
    %dma_start3A_23 = tpu.memref_slice %arg9[%dma_start3A_16, %dma_start3A_22] : memref<80x125xi32, #tpu.memory_space<vmem>> -> memref<1x125xi32, #tpu.memory_space<vmem>>
    %dma_start3A_24 = tpu.memref_squeeze %dma_start3A_23 : memref<1x125xi32, #tpu.memory_space<vmem>> -> memref<125xi32, #tpu.memory_space<vmem>>
    %dma_start3A_25 = arith.constant 0 : i32
    %dma_start3A_26 = arith.constant 0 : i32
    %dma_start3A_27 = tpu.memref_slice %arg2[%dma_start3A_25, %dma_start3A_26] : memref<10000x64xf32, #tpu.memory_space<hbm>> -> memref<10000x64xf32, #tpu.memory_space<hbm>>
    tpu.enqueue_indirect_dma source(%dma_start3A_27 : memref<10000x64xf32, #tpu.memory_space<hbm>>) target(%dma_start3A_21 : memref<125x64xf32, #tpu.memory_space<vmem>>) offsets(%dma_start3A_24 : memref<125xi32, #tpu.memory_space<vmem>>) semaphore(%arg14 : memref<!tpu.dma_semaphore, #tpu.memory_space<semaphore_mem>>)
    %dma_start3A_28 = arith.constant 2 : i32
    %dma_start3A_29 = arith.constant 2 : i32
    %dma_start3A_30 = arith.constant 0 : i32
    %dma_start3A_31 = arith.constant 0 : i32
    %dma_start3A_32 = tpu.memref_slice %arg11[%dma_start3A_29, %dma_start3A_30, %dma_start3A_31] : memref<8x125x64xf32, #tpu.memory_space<vmem>> -> memref<1x125x64xf32, #tpu.memory_space<vmem>>
    %dma_start3A_33 = tpu.memref_squeeze %dma_start3A_32 : memref<1x125x64xf32, #tpu.memory_space<vmem>> -> memref<125x64xf32, #tpu.memory_space<vmem>>
    %dma_start3A_34 = arith.constant 0 : i32
    %dma_start3A_35 = tpu.memref_slice %arg9[%dma_start3A_28, %dma_start3A_34] : memref<80x125xi32, #tpu.memory_space<vmem>> -> memref<1x125xi32, #tpu.memory_space<vmem>>
    %dma_start3A_36 = tpu.memref_squeeze %dma_start3A_35 : memref<1x125xi32, #tpu.memory_space<vmem>> -> memref<125xi32, #tpu.memory_space<vmem>>
    %dma_start3A_37 = arith.constant 0 : i32
    %dma_start3A_38 = arith.constant 0 : i32
    %dma_start3A_39 = tpu.memref_slice %arg2[%dma_start3A_37, %dma_start3A_38] : memref<10000x64xf32, #tpu.memory_space<hbm>> -> memref<10000x64xf32, #tpu.memory_space<hbm>>
    tpu.enqueue_indirect_dma source(%dma_start3A_39 : memref<10000x64xf32, #tpu.memory_space<hbm>>) target(%dma_start3A_33 : memref<125x64xf32, #tpu.memory_space<vmem>>) offsets(%dma_start3A_36 : memref<125xi32, #tpu.memory_space<vmem>>) semaphore(%arg15 : memref<!tpu.dma_semaphore, #tpu.memory_space<semaphore_mem>>)
    %dma_start3A_40 = arith.constant 3 : i32
    %dma_start3A_41 = arith.constant 3 : i32
    %dma_start3A_42 = arith.constant 0 : i32
    %dma_start3A_43 = arith.constant 0 : i32
    %dma_start3A_44 = tpu.memref_slice %arg11[%dma_start3A_41, %dma_start3A_42, %dma_start3A_43] : memref<8x125x64xf32, #tpu.memory_space<vmem>> -> memref<1x125x64xf32, #tpu.memory_space<vmem>>
    %dma_start3A_45 = tpu.memref_squeeze %dma_start3A_44 : memref<1x125x64xf32, #tpu.memory_space<vmem>> -> memref<125x64xf32, #tpu.memory_space<vmem>>
    %dma_start3A_46 = arith.constant 0 : i32
    %dma_start3A_47 = tpu.memref_slice %arg9[%dma_start3A_40, %dma_start3A_46] : memref<80x125xi32, #tpu.memory_space<vmem>> -> memref<1x125xi32, #tpu.memory_space<vmem>>
    %dma_start3A_48 = tpu.memref_squeeze %dma_start3A_47 : memref<1x125xi32, #tpu.memory_space<vmem>> -> memref<125xi32, #tpu.memory_space<vmem>>
    %dma_start3A_49 = arith.constant 0 : i32
    %dma_start3A_50 = arith.constant 0 : i32
    %dma_start3A_51 = tpu.memref_slice %arg2[%dma_start3A_49, %dma_start3A_50] : memref<10000x64xf32, #tpu.memory_space<hbm>> -> memref<10000x64xf32, #tpu.memory_space<hbm>>
    tpu.enqueue_indirect_dma source(%dma_start3A_51 : memref<10000x64xf32, #tpu.memory_space<hbm>>) target(%dma_start3A_45 : memref<125x64xf32, #tpu.memory_space<vmem>>) offsets(%dma_start3A_48 : memref<125xi32, #tpu.memory_space<vmem>>) semaphore(%arg16 : memref<!tpu.dma_semaphore, #tpu.memory_space<semaphore_mem>>)
    %dma_start3A_52 = arith.constant 4 : i32
    %dma_start3A_53 = arith.constant 4 : i32
    %dma_start3A_54 = arith.constant 0 : i32
    %dma_start3A_55 = arith.constant 0 : i32
    %dma_start3A_56 = tpu.memref_slice %arg11[%dma_start3A_53, %dma_start3A_54, %dma_start3A_55] : memref<8x125x64xf32, #tpu.memory_space<vmem>> -> memref<1x125x64xf32, #tpu.memory_space<vmem>>
    %dma_start3A_57 = tpu.memref_squeeze %dma_start3A_56 : memref<1x125x64xf32, #tpu.memory_space<vmem>> -> memref<125x64xf32, #tpu.memory_space<vmem>>
    %dma_start3A_58 = arith.constant 0 : i32
    %dma_start3A_59 = tpu.memref_slice %arg9[%dma_start3A_52, %dma_start3A_58] : memref<80x125xi32, #tpu.memory_space<vmem>> -> memref<1x125xi32, #tpu.memory_space<vmem>>
    %dma_start3A_60 = tpu.memref_squeeze %dma_start3A_59 : memref<1x125xi32, #tpu.memory_space<vmem>> -> memref<125xi32, #tpu.memory_space<vmem>>
    %dma_start3A_61 = arith.constant 0 : i32
    %dma_start3A_62 = arith.constant 0 : i32
    %dma_start3A_63 = tpu.memref_slice %arg2[%dma_start3A_61, %dma_start3A_62] : memref<10000x64xf32, #tpu.memory_space<hbm>> -> memref<10000x64xf32, #tpu.memory_space<hbm>>
    tpu.enqueue_indirect_dma source(%dma_start3A_63 : memref<10000x64xf32, #tpu.memory_space<hbm>>) target(%dma_start3A_57 : memref<125x64xf32, #tpu.memory_space<vmem>>) offsets(%dma_start3A_60 : memref<125xi32, #tpu.memory_space<vmem>>) semaphore(%arg17 : memref<!tpu.dma_semaphore, #tpu.memory_space<semaphore_mem>>)
    %dma_start3A_64 = arith.constant 5 : i32
    %dma_start3A_65 = arith.constant 5 : i32
    %dma_start3A_66 = arith.constant 0 : i32
    %dma_start3A_67 = arith.constant 0 : i32
    %dma_start3A_68 = tpu.memref_slice %arg11[%dma_start3A_65, %dma_start3A_66, %dma_start3A_67] : memref<8x125x64xf32, #tpu.memory_space<vmem>> -> memref<1x125x64xf32, #tpu.memory_space<vmem>>
    %dma_start3A_69 = tpu.memref_squeeze %dma_start3A_68 : memref<1x125x64xf32, #tpu.memory_space<vmem>> -> memref<125x64xf32, #tpu.memory_space<vmem>>
    %dma_start3A_70 = arith.constant 0 : i32
    %dma_start3A_71 = tpu.memref_slice %arg9[%dma_start3A_64, %dma_start3A_70] : memref<80x125xi32, #tpu.memory_space<vmem>> -> memref<1x125xi32, #tpu.memory_space<vmem>>
    %dma_start3A_72 = tpu.memref_squeeze %dma_start3A_71 : memref<1x125xi32, #tpu.memory_space<vmem>> -> memref<125xi32, #tpu.memory_space<vmem>>
    %dma_start3A_73 = arith.constant 0 : i32
    %dma_start3A_74 = arith.constant 0 : i32
    %dma_start3A_75 = tpu.memref_slice %arg2[%dma_start3A_73, %dma_start3A_74] : memref<10000x64xf32, #tpu.memory_space<hbm>> -> memref<10000x64xf32, #tpu.memory_space<hbm>>
    tpu.enqueue_indirect_dma source(%dma_start3A_75 : memref<10000x64xf32, #tpu.memory_space<hbm>>) target(%dma_start3A_69 : memref<125x64xf32, #tpu.memory_space<vmem>>) offsets(%dma_start3A_72 : memref<125xi32, #tpu.memory_space<vmem>>) semaphore(%arg18 : memref<!tpu.dma_semaphore, #tpu.memory_space<semaphore_mem>>)
    %dma_start3A_76 = arith.constant 6 : i32
    %dma_start3A_77 = arith.constant 6 : i32
    %dma_start3A_78 = arith.constant 0 : i32
    %dma_start3A_79 = arith.constant 0 : i32
    %dma_start3A_80 = tpu.memref_slice %arg11[%dma_start3A_77, %dma_start3A_78, %dma_start3A_79] : memref<8x125x64xf32, #tpu.memory_space<vmem>> -> memref<1x125x64xf32, #tpu.memory_space<vmem>>
    %dma_start3A_81 = tpu.memref_squeeze %dma_start3A_80 : memref<1x125x64xf32, #tpu.memory_space<vmem>> -> memref<125x64xf32, #tpu.memory_space<vmem>>
    %dma_start3A_82 = arith.constant 0 : i32
    %dma_start3A_83 = tpu.memref_slice %arg9[%dma_start3A_76, %dma_start3A_82] : memref<80x125xi32, #tpu.memory_space<vmem>> -> memref<1x125xi32, #tpu.memory_space<vmem>>
    %dma_start3A_84 = tpu.memref_squeeze %dma_start3A_83 : memref<1x125xi32, #tpu.memory_space<vmem>> -> memref<125xi32, #tpu.memory_space<vmem>>
    %dma_start3A_85 = arith.constant 0 : i32
    %dma_start3A_86 = arith.constant 0 : i32
    %dma_start3A_87 = tpu.memref_slice %arg2[%dma_start3A_85, %dma_start3A_86] : memref<10000x64xf32, #tpu.memory_space<hbm>> -> memref<10000x64xf32, #tpu.memory_space<hbm>>
    tpu.enqueue_indirect_dma source(%dma_start3A_87 : memref<10000x64xf32, #tpu.memory_space<hbm>>) target(%dma_start3A_81 : memref<125x64xf32, #tpu.memory_space<vmem>>) offsets(%dma_start3A_84 : memref<125xi32, #tpu.memory_space<vmem>>) semaphore(%arg19 : memref<!tpu.dma_semaphore, #tpu.memory_space<semaphore_mem>>)
    %dma_start3A_88 = arith.constant 7 : i32
    %dma_start3A_89 = arith.constant 7 : i32
    %dma_start3A_90 = arith.constant 0 : i32
    %dma_start3A_91 = arith.constant 0 : i32
    %dma_start3A_92 = tpu.memref_slice %arg11[%dma_start3A_89, %dma_start3A_90, %dma_start3A_91] : memref<8x125x64xf32, #tpu.memory_space<vmem>> -> memref<1x125x64xf32, #tpu.memory_space<vmem>>
    %dma_start3A_93 = tpu.memref_squeeze %dma_start3A_92 : memref<1x125x64xf32, #tpu.memory_space<vmem>> -> memref<125x64xf32, #tpu.memory_space<vmem>>
    %dma_start3A_94 = arith.constant 0 : i32
    %dma_start3A_95 = tpu.memref_slice %arg9[%dma_start3A_88, %dma_start3A_94] : memref<80x125xi32, #tpu.memory_space<vmem>> -> memref<1x125xi32, #tpu.memory_space<vmem>>
    %dma_start3A_96 = tpu.memref_squeeze %dma_start3A_95 : memref<1x125xi32, #tpu.memory_space<vmem>> -> memref<125xi32, #tpu.memory_space<vmem>>
    %dma_start3A_97 = arith.constant 0 : i32
    %dma_start3A_98 = arith.constant 0 : i32
    %dma_start3A_99 = tpu.memref_slice %arg2[%dma_start3A_97, %dma_start3A_98] : memref<10000x64xf32, #tpu.memory_space<hbm>> -> memref<10000x64xf32, #tpu.memory_space<hbm>>
    tpu.enqueue_indirect_dma source(%dma_start3A_99 : memref<10000x64xf32, #tpu.memory_space<hbm>>) target(%dma_start3A_93 : memref<125x64xf32, #tpu.memory_space<vmem>>) offsets(%dma_start3A_96 : memref<125xi32, #tpu.memory_space<vmem>>) semaphore(%arg20 : memref<!tpu.dma_semaphore, #tpu.memory_space<semaphore_mem>>)
    %mul3A_100 = arith.constant 640 : i32
    %mul3A_101 = arith.muli %arg1, %mul3A_100 : i32
    %dma_wait3A = arith.constant 0 : i32
    %dma_wait3A_102 = tpu.memref_slice %arg12[%mul3A_101, %dma_wait3A] : memref<10240x64xf32, #tpu.memory_space<vmem_shared>> -> memref<640x64xf32, #tpu.memory_space<vmem_shared>>
    tpu.wait_dma2 semaphore(%arg21 : memref<!tpu.dma_semaphore, #tpu.memory_space<semaphore_mem>>) src(%arg6 : memref<640x64xf32, #tpu.memory_space<hbm>>) dst(%dma_wait3A_102 : memref<640x64xf32, #tpu.memory_space<vmem_shared>>)
    %barrier3A = arith.constant 0 : index
    tpu.barrier barrier_id(%barrier3A)
    %scan3A = arith.constant 0 : i32
    %scan3A_103 = arith.constant 0 : i32
    %scan3A_104 = arith.constant 10 : i32
    %scan3A_105 = arith.addi %scan3A_103, %scan3A_104 : i32
    %scan3A_106 = arith.constant 1 : i32
    scf.for %scan3A_421 = %scan3A_103 to %scan3A_105 step %scan3A_106  : i32 {
      %mul3A_422 = arith.constant 8 : i32
      %mul3A_423 = arith.muli %scan3A_421, %mul3A_422 : i32
      %add3A_424 = arith.constant 0 : i32
      %add3A_425 = arith.addi %mul3A_423, %add3A_424 : i32
      %dma_wait3A_426 = arith.constant 0 : i32
      %dma_wait3A_427 = arith.constant 0 : i32
      %dma_wait3A_428 = arith.constant 0 : i32
      %dma_wait3A_429 = tpu.memref_slice %arg11[%dma_wait3A_426, %dma_wait3A_427, %dma_wait3A_428] : memref<8x125x64xf32, #tpu.memory_space<vmem>> -> memref<1x125x64xf32, #tpu.memory_space<vmem>>
      %dma_wait3A_430 = tpu.memref_squeeze %dma_wait3A_429 : memref<1x125x64xf32, #tpu.memory_space<vmem>> -> memref<125x64xf32, #tpu.memory_space<vmem>>
      %dma_wait3A_431 = arith.constant 0 : i32
      %dma_wait3A_432 = tpu.memref_slice %arg9[%add3A_425, %dma_wait3A_431] : memref<80x125xi32, #tpu.memory_space<vmem>> -> memref<1x125xi32, #tpu.memory_space<vmem>>
      %dma_wait3A_433 = tpu.memref_squeeze %dma_wait3A_432 : memref<1x125xi32, #tpu.memory_space<vmem>> -> memref<125xi32, #tpu.memory_space<vmem>>
      %dma_wait3A_434 = arith.constant 0 : i32
      %dma_wait3A_435 = arith.constant 0 : i32
      %dma_wait3A_436 = tpu.memref_slice %arg2[%dma_wait3A_434, %dma_wait3A_435] : memref<10000x64xf32, #tpu.memory_space<hbm>> -> memref<10000x64xf32, #tpu.memory_space<hbm>>
      tpu.wait_indirect_dma semaphore(%arg13 : memref<!tpu.dma_semaphore, #tpu.memory_space<semaphore_mem>>) src(%dma_wait3A_436 : memref<10000x64xf32, #tpu.memory_space<hbm>>) dst(%dma_wait3A_430 : memref<125x64xf32, #tpu.memory_space<vmem>>)
      %add3A_437 = arith.constant 0 : i32
      %add3A_438 = arith.addi %mul3A_423, %add3A_437 : i32
      %dma_start3A_439 = arith.constant 0 : i32
      %dma_start3A_440 = arith.constant 0 : i32
      %dma_start3A_441 = arith.constant 0 : i32
      %dma_start3A_442 = tpu.memref_slice %arg11[%dma_start3A_439, %dma_start3A_440, %dma_start3A_441] : memref<8x125x64xf32, #tpu.memory_space<vmem>> -> memref<1x125x64xf32, #tpu.memory_space<vmem>>
      %dma_start3A_443 = tpu.memref_squeeze %dma_start3A_442 : memref<1x125x64xf32, #tpu.memory_space<vmem>> -> memref<125x64xf32, #tpu.memory_space<vmem>>
      %dma_start3A_444 = arith.constant 0 : i32
      %dma_start3A_445 = tpu.memref_slice %arg10[%add3A_438, %dma_start3A_444] : memref<80x125xi32, #tpu.memory_space<vmem>> -> memref<1x125xi32, #tpu.memory_space<vmem>>
      %dma_start3A_446 = tpu.memref_squeeze %dma_start3A_445 : memref<1x125xi32, #tpu.memory_space<vmem>> -> memref<125xi32, #tpu.memory_space<vmem>>
      %dma_start3A_447 = arith.constant 0 : i32
      %dma_start3A_448 = arith.constant 0 : i32
      %dma_start3A_449 = tpu.memref_slice %arg12[%dma_start3A_447, %dma_start3A_448] : memref<10240x64xf32, #tpu.memory_space<vmem_shared>> -> memref<10240x64xf32, #tpu.memory_space<vmem_shared>>
      tpu.enqueue_indirect_dma source(%dma_start3A_443 : memref<125x64xf32, #tpu.memory_space<vmem>>) target(%dma_start3A_449 : memref<10240x64xf32, #tpu.memory_space<vmem_shared>>) offsets(%dma_start3A_446 : memref<125xi32, #tpu.memory_space<vmem>>) semaphore(%arg21 : memref<!tpu.dma_semaphore, #tpu.memory_space<semaphore_mem>>) {add = true}
      %add3A_450 = arith.constant 1 : i32
      %add3A_451 = arith.addi %mul3A_423, %add3A_450 : i32
      %dma_wait3A_452 = arith.constant 1 : i32
      %dma_wait3A_453 = arith.constant 0 : i32
      %dma_wait3A_454 = arith.constant 0 : i32
      %dma_wait3A_455 = tpu.memref_slice %arg11[%dma_wait3A_452, %dma_wait3A_453, %dma_wait3A_454] : memref<8x125x64xf32, #tpu.memory_space<vmem>> -> memref<1x125x64xf32, #tpu.memory_space<vmem>>
      %dma_wait3A_456 = tpu.memref_squeeze %dma_wait3A_455 : memref<1x125x64xf32, #tpu.memory_space<vmem>> -> memref<125x64xf32, #tpu.memory_space<vmem>>
      %dma_wait3A_457 = arith.constant 0 : i32
      %dma_wait3A_458 = tpu.memref_slice %arg9[%add3A_451, %dma_wait3A_457] : memref<80x125xi32, #tpu.memory_space<vmem>> -> memref<1x125xi32, #tpu.memory_space<vmem>>
      %dma_wait3A_459 = tpu.memref_squeeze %dma_wait3A_458 : memref<1x125xi32, #tpu.memory_space<vmem>> -> memref<125xi32, #tpu.memory_space<vmem>>
      %dma_wait3A_460 = arith.constant 0 : i32
      %dma_wait3A_461 = arith.constant 0 : i32
      %dma_wait3A_462 = tpu.memref_slice %arg2[%dma_wait3A_460, %dma_wait3A_461] : memref<10000x64xf32, #tpu.memory_space<hbm>> -> memref<10000x64xf32, #tpu.memory_space<hbm>>
      tpu.wait_indirect_dma semaphore(%arg14 : memref<!tpu.dma_semaphore, #tpu.memory_space<semaphore_mem>>) src(%dma_wait3A_462 : memref<10000x64xf32, #tpu.memory_space<hbm>>) dst(%dma_wait3A_456 : memref<125x64xf32, #tpu.memory_space<vmem>>)
      %add3A_463 = arith.constant 1 : i32
      %add3A_464 = arith.addi %mul3A_423, %add3A_463 : i32
      %dma_start3A_465 = arith.constant 1 : i32
      %dma_start3A_466 = arith.constant 0 : i32
      %dma_start3A_467 = arith.constant 0 : i32
      %dma_start3A_468 = tpu.memref_slice %arg11[%dma_start3A_465, %dma_start3A_466, %dma_start3A_467] : memref<8x125x64xf32, #tpu.memory_space<vmem>> -> memref<1x125x64xf32, #tpu.memory_space<vmem>>
      %dma_start3A_469 = tpu.memref_squeeze %dma_start3A_468 : memref<1x125x64xf32, #tpu.memory_space<vmem>> -> memref<125x64xf32, #tpu.memory_space<vmem>>
      %dma_start3A_470 = arith.constant 0 : i32
      %dma_start3A_471 = tpu.memref_slice %arg10[%add3A_464, %dma_start3A_470] : memref<80x125xi32, #tpu.memory_space<vmem>> -> memref<1x125xi32, #tpu.memory_space<vmem>>
      %dma_start3A_472 = tpu.memref_squeeze %dma_start3A_471 : memref<1x125xi32, #tpu.memory_space<vmem>> -> memref<125xi32, #tpu.memory_space<vmem>>
      %dma_start3A_473 = arith.constant 0 : i32
      %dma_start3A_474 = arith.constant 0 : i32
      %dma_start3A_475 = tpu.memref_slice %arg12[%dma_start3A_473, %dma_start3A_474] : memref<10240x64xf32, #tpu.memory_space<vmem_shared>> -> memref<10240x64xf32, #tpu.memory_space<vmem_shared>>
      tpu.enqueue_indirect_dma source(%dma_start3A_469 : memref<125x64xf32, #tpu.memory_space<vmem>>) target(%dma_start3A_475 : memref<10240x64xf32, #tpu.memory_space<vmem_shared>>) offsets(%dma_start3A_472 : memref<125xi32, #tpu.memory_space<vmem>>) semaphore(%arg22 : memref<!tpu.dma_semaphore, #tpu.memory_space<semaphore_mem>>) {add = true}
      %add3A_476 = arith.constant 2 : i32
      %add3A_477 = arith.addi %mul3A_423, %add3A_476 : i32
      %dma_wait3A_478 = arith.constant 2 : i32
      %dma_wait3A_479 = arith.constant 0 : i32
      %dma_wait3A_480 = arith.constant 0 : i32
      %dma_wait3A_481 = tpu.memref_slice %arg11[%dma_wait3A_478, %dma_wait3A_479, %dma_wait3A_480] : memref<8x125x64xf32, #tpu.memory_space<vmem>> -> memref<1x125x64xf32, #tpu.memory_space<vmem>>
      %dma_wait3A_482 = tpu.memref_squeeze %dma_wait3A_481 : memref<1x125x64xf32, #tpu.memory_space<vmem>> -> memref<125x64xf32, #tpu.memory_space<vmem>>
      %dma_wait3A_483 = arith.constant 0 : i32
      %dma_wait3A_484 = tpu.memref_slice %arg9[%add3A_477, %dma_wait3A_483] : memref<80x125xi32, #tpu.memory_space<vmem>> -> memref<1x125xi32, #tpu.memory_space<vmem>>
      %dma_wait3A_485 = tpu.memref_squeeze %dma_wait3A_484 : memref<1x125xi32, #tpu.memory_space<vmem>> -> memref<125xi32, #tpu.memory_space<vmem>>
      %dma_wait3A_486 = arith.constant 0 : i32
      %dma_wait3A_487 = arith.constant 0 : i32
      %dma_wait3A_488 = tpu.memref_slice %arg2[%dma_wait3A_486, %dma_wait3A_487] : memref<10000x64xf32, #tpu.memory_space<hbm>> -> memref<10000x64xf32, #tpu.memory_space<hbm>>
      tpu.wait_indirect_dma semaphore(%arg15 : memref<!tpu.dma_semaphore, #tpu.memory_space<semaphore_mem>>) src(%dma_wait3A_488 : memref<10000x64xf32, #tpu.memory_space<hbm>>) dst(%dma_wait3A_482 : memref<125x64xf32, #tpu.memory_space<vmem>>)
      %add3A_489 = arith.constant 2 : i32
      %add3A_490 = arith.addi %mul3A_423, %add3A_489 : i32
      %dma_start3A_491 = arith.constant 2 : i32
      %dma_start3A_492 = arith.constant 0 : i32
      %dma_start3A_493 = arith.constant 0 : i32
      %dma_start3A_494 = tpu.memref_slice %arg11[%dma_start3A_491, %dma_start3A_492, %dma_start3A_493] : memref<8x125x64xf32, #tpu.memory_space<vmem>> -> memref<1x125x64xf32, #tpu.memory_space<vmem>>
      %dma_start3A_495 = tpu.memref_squeeze %dma_start3A_494 : memref<1x125x64xf32, #tpu.memory_space<vmem>> -> memref<125x64xf32, #tpu.memory_space<vmem>>
      %dma_start3A_496 = arith.constant 0 : i32
      %dma_start3A_497 = tpu.memref_slice %arg10[%add3A_490, %dma_start3A_496] : memref<80x125xi32, #tpu.memory_space<vmem>> -> memref<1x125xi32, #tpu.memory_space<vmem>>
      %dma_start3A_498 = tpu.memref_squeeze %dma_start3A_497 : memref<1x125xi32, #tpu.memory_space<vmem>> -> memref<125xi32, #tpu.memory_space<vmem>>
      %dma_start3A_499 = arith.constant 0 : i32
      %dma_start3A_500 = arith.constant 0 : i32
      %dma_start3A_501 = tpu.memref_slice %arg12[%dma_start3A_499, %dma_start3A_500] : memref<10240x64xf32, #tpu.memory_space<vmem_shared>> -> memref<10240x64xf32, #tpu.memory_space<vmem_shared>>
      tpu.enqueue_indirect_dma source(%dma_start3A_495 : memref<125x64xf32, #tpu.memory_space<vmem>>) target(%dma_start3A_501 : memref<10240x64xf32, #tpu.memory_space<vmem_shared>>) offsets(%dma_start3A_498 : memref<125xi32, #tpu.memory_space<vmem>>) semaphore(%arg23 : memref<!tpu.dma_semaphore, #tpu.memory_space<semaphore_mem>>) {add = true}
      %add3A_502 = arith.constant 3 : i32
      %add3A_503 = arith.addi %mul3A_423, %add3A_502 : i32
      %dma_wait3A_504 = arith.constant 3 : i32
      %dma_wait3A_505 = arith.constant 0 : i32
      %dma_wait3A_506 = arith.constant 0 : i32
      %dma_wait3A_507 = tpu.memref_slice %arg11[%dma_wait3A_504, %dma_wait3A_505, %dma_wait3A_506] : memref<8x125x64xf32, #tpu.memory_space<vmem>> -> memref<1x125x64xf32, #tpu.memory_space<vmem>>
      %dma_wait3A_508 = tpu.memref_squeeze %dma_wait3A_507 : memref<1x125x64xf32, #tpu.memory_space<vmem>> -> memref<125x64xf32, #tpu.memory_space<vmem>>
      %dma_wait3A_509 = arith.constant 0 : i32
      %dma_wait3A_510 = tpu.memref_slice %arg9[%add3A_503, %dma_wait3A_509] : memref<80x125xi32, #tpu.memory_space<vmem>> -> memref<1x125xi32, #tpu.memory_space<vmem>>
      %dma_wait3A_511 = tpu.memref_squeeze %dma_wait3A_510 : memref<1x125xi32, #tpu.memory_space<vmem>> -> memref<125xi32, #tpu.memory_space<vmem>>
      %dma_wait3A_512 = arith.constant 0 : i32
      %dma_wait3A_513 = arith.constant 0 : i32
      %dma_wait3A_514 = tpu.memref_slice %arg2[%dma_wait3A_512, %dma_wait3A_513] : memref<10000x64xf32, #tpu.memory_space<hbm>> -> memref<10000x64xf32, #tpu.memory_space<hbm>>
      tpu.wait_indirect_dma semaphore(%arg16 : memref<!tpu.dma_semaphore, #tpu.memory_space<semaphore_mem>>) src(%dma_wait3A_514 : memref<10000x64xf32, #tpu.memory_space<hbm>>) dst(%dma_wait3A_508 : memref<125x64xf32, #tpu.memory_space<vmem>>)
      %add3A_515 = arith.constant 3 : i32
      %add3A_516 = arith.addi %mul3A_423, %add3A_515 : i32
      %dma_start3A_517 = arith.constant 3 : i32
      %dma_start3A_518 = arith.constant 0 : i32
      %dma_start3A_519 = arith.constant 0 : i32
      %dma_start3A_520 = tpu.memref_slice %arg11[%dma_start3A_517, %dma_start3A_518, %dma_start3A_519] : memref<8x125x64xf32, #tpu.memory_space<vmem>> -> memref<1x125x64xf32, #tpu.memory_space<vmem>>
      %dma_start3A_521 = tpu.memref_squeeze %dma_start3A_520 : memref<1x125x64xf32, #tpu.memory_space<vmem>> -> memref<125x64xf32, #tpu.memory_space<vmem>>
      %dma_start3A_522 = arith.constant 0 : i32
      %dma_start3A_523 = tpu.memref_slice %arg10[%add3A_516, %dma_start3A_522] : memref<80x125xi32, #tpu.memory_space<vmem>> -> memref<1x125xi32, #tpu.memory_space<vmem>>
      %dma_start3A_524 = tpu.memref_squeeze %dma_start3A_523 : memref<1x125xi32, #tpu.memory_space<vmem>> -> memref<125xi32, #tpu.memory_space<vmem>>
      %dma_start3A_525 = arith.constant 0 : i32
      %dma_start3A_526 = arith.constant 0 : i32
      %dma_start3A_527 = tpu.memref_slice %arg12[%dma_start3A_525, %dma_start3A_526] : memref<10240x64xf32, #tpu.memory_space<vmem_shared>> -> memref<10240x64xf32, #tpu.memory_space<vmem_shared>>
      tpu.enqueue_indirect_dma source(%dma_start3A_521 : memref<125x64xf32, #tpu.memory_space<vmem>>) target(%dma_start3A_527 : memref<10240x64xf32, #tpu.memory_space<vmem_shared>>) offsets(%dma_start3A_524 : memref<125xi32, #tpu.memory_space<vmem>>) semaphore(%arg24 : memref<!tpu.dma_semaphore, #tpu.memory_space<semaphore_mem>>) {add = true}
      %add3A_528 = arith.constant 4 : i32
      %add3A_529 = arith.addi %mul3A_423, %add3A_528 : i32
      %dma_wait3A_530 = arith.constant 4 : i32
      %dma_wait3A_531 = arith.constant 0 : i32
      %dma_wait3A_532 = arith.constant 0 : i32
      %dma_wait3A_533 = tpu.memref_slice %arg11[%dma_wait3A_530, %dma_wait3A_531, %dma_wait3A_532] : memref<8x125x64xf32, #tpu.memory_space<vmem>> -> memref<1x125x64xf32, #tpu.memory_space<vmem>>
      %dma_wait3A_534 = tpu.memref_squeeze %dma_wait3A_533 : memref<1x125x64xf32, #tpu.memory_space<vmem>> -> memref<125x64xf32, #tpu.memory_space<vmem>>
      %dma_wait3A_535 = arith.constant 0 : i32
      %dma_wait3A_536 = tpu.memref_slice %arg9[%add3A_529, %dma_wait3A_535] : memref<80x125xi32, #tpu.memory_space<vmem>> -> memref<1x125xi32, #tpu.memory_space<vmem>>
      %dma_wait3A_537 = tpu.memref_squeeze %dma_wait3A_536 : memref<1x125xi32, #tpu.memory_space<vmem>> -> memref<125xi32, #tpu.memory_space<vmem>>
      %dma_wait3A_538 = arith.constant 0 : i32
      %dma_wait3A_539 = arith.constant 0 : i32
      %dma_wait3A_540 = tpu.memref_slice %arg2[%dma_wait3A_538, %dma_wait3A_539] : memref<10000x64xf32, #tpu.memory_space<hbm>> -> memref<10000x64xf32, #tpu.memory_space<hbm>>
      tpu.wait_indirect_dma semaphore(%arg17 : memref<!tpu.dma_semaphore, #tpu.memory_space<semaphore_mem>>) src(%dma_wait3A_540 : memref<10000x64xf32, #tpu.memory_space<hbm>>) dst(%dma_wait3A_534 : memref<125x64xf32, #tpu.memory_space<vmem>>)
      %add3A_541 = arith.constant 4 : i32
      %add3A_542 = arith.addi %mul3A_423, %add3A_541 : i32
      %dma_start3A_543 = arith.constant 4 : i32
      %dma_start3A_544 = arith.constant 0 : i32
      %dma_start3A_545 = arith.constant 0 : i32
      %dma_start3A_546 = tpu.memref_slice %arg11[%dma_start3A_543, %dma_start3A_544, %dma_start3A_545] : memref<8x125x64xf32, #tpu.memory_space<vmem>> -> memref<1x125x64xf32, #tpu.memory_space<vmem>>
      %dma_start3A_547 = tpu.memref_squeeze %dma_start3A_546 : memref<1x125x64xf32, #tpu.memory_space<vmem>> -> memref<125x64xf32, #tpu.memory_space<vmem>>
      %dma_start3A_548 = arith.constant 0 : i32
      %dma_start3A_549 = tpu.memref_slice %arg10[%add3A_542, %dma_start3A_548] : memref<80x125xi32, #tpu.memory_space<vmem>> -> memref<1x125xi32, #tpu.memory_space<vmem>>
      %dma_start3A_550 = tpu.memref_squeeze %dma_start3A_549 : memref<1x125xi32, #tpu.memory_space<vmem>> -> memref<125xi32, #tpu.memory_space<vmem>>
      %dma_start3A_551 = arith.constant 0 : i32
      %dma_start3A_552 = arith.constant 0 : i32
      %dma_start3A_553 = tpu.memref_slice %arg12[%dma_start3A_551, %dma_start3A_552] : memref<10240x64xf32, #tpu.memory_space<vmem_shared>> -> memref<10240x64xf32, #tpu.memory_space<vmem_shared>>
      tpu.enqueue_indirect_dma source(%dma_start3A_547 : memref<125x64xf32, #tpu.memory_space<vmem>>) target(%dma_start3A_553 : memref<10240x64xf32, #tpu.memory_space<vmem_shared>>) offsets(%dma_start3A_550 : memref<125xi32, #tpu.memory_space<vmem>>) semaphore(%arg25 : memref<!tpu.dma_semaphore, #tpu.memory_space<semaphore_mem>>) {add = true}
      %add3A_554 = arith.constant 5 : i32
      %add3A_555 = arith.addi %mul3A_423, %add3A_554 : i32
      %dma_wait3A_556 = arith.constant 5 : i32
      %dma_wait3A_557 = arith.constant 0 : i32
      %dma_wait3A_558 = arith.constant 0 : i32
      %dma_wait3A_559 = tpu.memref_slice %arg11[%dma_wait3A_556, %dma_wait3A_557, %dma_wait3A_558] : memref<8x125x64xf32, #tpu.memory_space<vmem>> -> memref<1x125x64xf32, #tpu.memory_space<vmem>>
      %dma_wait3A_560 = tpu.memref_squeeze %dma_wait3A_559 : memref<1x125x64xf32, #tpu.memory_space<vmem>> -> memref<125x64xf32, #tpu.memory_space<vmem>>
      %dma_wait3A_561 = arith.constant 0 : i32
      %dma_wait3A_562 = tpu.memref_slice %arg9[%add3A_555, %dma_wait3A_561] : memref<80x125xi32, #tpu.memory_space<vmem>> -> memref<1x125xi32, #tpu.memory_space<vmem>>
      %dma_wait3A_563 = tpu.memref_squeeze %dma_wait3A_562 : memref<1x125xi32, #tpu.memory_space<vmem>> -> memref<125xi32, #tpu.memory_space<vmem>>
      %dma_wait3A_564 = arith.constant 0 : i32
      %dma_wait3A_565 = arith.constant 0 : i32
      %dma_wait3A_566 = tpu.memref_slice %arg2[%dma_wait3A_564, %dma_wait3A_565] : memref<10000x64xf32, #tpu.memory_space<hbm>> -> memref<10000x64xf32, #tpu.memory_space<hbm>>
      tpu.wait_indirect_dma semaphore(%arg18 : memref<!tpu.dma_semaphore, #tpu.memory_space<semaphore_mem>>) src(%dma_wait3A_566 : memref<10000x64xf32, #tpu.memory_space<hbm>>) dst(%dma_wait3A_560 : memref<125x64xf32, #tpu.memory_space<vmem>>)
      %add3A_567 = arith.constant 5 : i32
      %add3A_568 = arith.addi %mul3A_423, %add3A_567 : i32
      %dma_start3A_569 = arith.constant 5 : i32
      %dma_start3A_570 = arith.constant 0 : i32
      %dma_start3A_571 = arith.constant 0 : i32
      %dma_start3A_572 = tpu.memref_slice %arg11[%dma_start3A_569, %dma_start3A_570, %dma_start3A_571] : memref<8x125x64xf32, #tpu.memory_space<vmem>> -> memref<1x125x64xf32, #tpu.memory_space<vmem>>
      %dma_start3A_573 = tpu.memref_squeeze %dma_start3A_572 : memref<1x125x64xf32, #tpu.memory_space<vmem>> -> memref<125x64xf32, #tpu.memory_space<vmem>>
      %dma_start3A_574 = arith.constant 0 : i32
      %dma_start3A_575 = tpu.memref_slice %arg10[%add3A_568, %dma_start3A_574] : memref<80x125xi32, #tpu.memory_space<vmem>> -> memref<1x125xi32, #tpu.memory_space<vmem>>
      %dma_start3A_576 = tpu.memref_squeeze %dma_start3A_575 : memref<1x125xi32, #tpu.memory_space<vmem>> -> memref<125xi32, #tpu.memory_space<vmem>>
      %dma_start3A_577 = arith.constant 0 : i32
      %dma_start3A_578 = arith.constant 0 : i32
      %dma_start3A_579 = tpu.memref_slice %arg12[%dma_start3A_577, %dma_start3A_578] : memref<10240x64xf32, #tpu.memory_space<vmem_shared>> -> memref<10240x64xf32, #tpu.memory_space<vmem_shared>>
      tpu.enqueue_indirect_dma source(%dma_start3A_573 : memref<125x64xf32, #tpu.memory_space<vmem>>) target(%dma_start3A_579 : memref<10240x64xf32, #tpu.memory_space<vmem_shared>>) offsets(%dma_start3A_576 : memref<125xi32, #tpu.memory_space<vmem>>) semaphore(%arg26 : memref<!tpu.dma_semaphore, #tpu.memory_space<semaphore_mem>>) {add = true}
      %add3A_580 = arith.constant 6 : i32
      %add3A_581 = arith.addi %mul3A_423, %add3A_580 : i32
      %dma_wait3A_582 = arith.constant 6 : i32
      %dma_wait3A_583 = arith.constant 0 : i32
      %dma_wait3A_584 = arith.constant 0 : i32
      %dma_wait3A_585 = tpu.memref_slice %arg11[%dma_wait3A_582, %dma_wait3A_583, %dma_wait3A_584] : memref<8x125x64xf32, #tpu.memory_space<vmem>> -> memref<1x125x64xf32, #tpu.memory_space<vmem>>
      %dma_wait3A_586 = tpu.memref_squeeze %dma_wait3A_585 : memref<1x125x64xf32, #tpu.memory_space<vmem>> -> memref<125x64xf32, #tpu.memory_space<vmem>>
      %dma_wait3A_587 = arith.constant 0 : i32
      %dma_wait3A_588 = tpu.memref_slice %arg9[%add3A_581, %dma_wait3A_587] : memref<80x125xi32, #tpu.memory_space<vmem>> -> memref<1x125xi32, #tpu.memory_space<vmem>>
      %dma_wait3A_589 = tpu.memref_squeeze %dma_wait3A_588 : memref<1x125xi32, #tpu.memory_space<vmem>> -> memref<125xi32, #tpu.memory_space<vmem>>
      %dma_wait3A_590 = arith.constant 0 : i32
      %dma_wait3A_591 = arith.constant 0 : i32
      %dma_wait3A_592 = tpu.memref_slice %arg2[%dma_wait3A_590, %dma_wait3A_591] : memref<10000x64xf32, #tpu.memory_space<hbm>> -> memref<10000x64xf32, #tpu.memory_space<hbm>>
      tpu.wait_indirect_dma semaphore(%arg19 : memref<!tpu.dma_semaphore, #tpu.memory_space<semaphore_mem>>) src(%dma_wait3A_592 : memref<10000x64xf32, #tpu.memory_space<hbm>>) dst(%dma_wait3A_586 : memref<125x64xf32, #tpu.memory_space<vmem>>)
      %add3A_593 = arith.constant 6 : i32
      %add3A_594 = arith.addi %mul3A_423, %add3A_593 : i32
      %dma_start3A_595 = arith.constant 6 : i32
      %dma_start3A_596 = arith.constant 0 : i32
      %dma_start3A_597 = arith.constant 0 : i32
      %dma_start3A_598 = tpu.memref_slice %arg11[%dma_start3A_595, %dma_start3A_596, %dma_start3A_597] : memref<8x125x64xf32, #tpu.memory_space<vmem>> -> memref<1x125x64xf32, #tpu.memory_space<vmem>>
      %dma_start3A_599 = tpu.memref_squeeze %dma_start3A_598 : memref<1x125x64xf32, #tpu.memory_space<vmem>> -> memref<125x64xf32, #tpu.memory_space<vmem>>
      %dma_start3A_600 = arith.constant 0 : i32
      %dma_start3A_601 = tpu.memref_slice %arg10[%add3A_594, %dma_start3A_600] : memref<80x125xi32, #tpu.memory_space<vmem>> -> memref<1x125xi32, #tpu.memory_space<vmem>>
      %dma_start3A_602 = tpu.memref_squeeze %dma_start3A_601 : memref<1x125xi32, #tpu.memory_space<vmem>> -> memref<125xi32, #tpu.memory_space<vmem>>
      %dma_start3A_603 = arith.constant 0 : i32
      %dma_start3A_604 = arith.constant 0 : i32
      %dma_start3A_605 = tpu.memref_slice %arg12[%dma_start3A_603, %dma_start3A_604] : memref<10240x64xf32, #tpu.memory_space<vmem_shared>> -> memref<10240x64xf32, #tpu.memory_space<vmem_shared>>
      tpu.enqueue_indirect_dma source(%dma_start3A_599 : memref<125x64xf32, #tpu.memory_space<vmem>>) target(%dma_start3A_605 : memref<10240x64xf32, #tpu.memory_space<vmem_shared>>) offsets(%dma_start3A_602 : memref<125xi32, #tpu.memory_space<vmem>>) semaphore(%arg27 : memref<!tpu.dma_semaphore, #tpu.memory_space<semaphore_mem>>) {add = true}
      %add3A_606 = arith.constant 7 : i32
      %add3A_607 = arith.addi %mul3A_423, %add3A_606 : i32
      %dma_wait3A_608 = arith.constant 7 : i32
      %dma_wait3A_609 = arith.constant 0 : i32
      %dma_wait3A_610 = arith.constant 0 : i32
      %dma_wait3A_611 = tpu.memref_slice %arg11[%dma_wait3A_608, %dma_wait3A_609, %dma_wait3A_610] : memref<8x125x64xf32, #tpu.memory_space<vmem>> -> memref<1x125x64xf32, #tpu.memory_space<vmem>>
      %dma_wait3A_612 = tpu.memref_squeeze %dma_wait3A_611 : memref<1x125x64xf32, #tpu.memory_space<vmem>> -> memref<125x64xf32, #tpu.memory_space<vmem>>
      %dma_wait3A_613 = arith.constant 0 : i32
      %dma_wait3A_614 = tpu.memref_slice %arg9[%add3A_607, %dma_wait3A_613] : memref<80x125xi32, #tpu.memory_space<vmem>> -> memref<1x125xi32, #tpu.memory_space<vmem>>
      %dma_wait3A_615 = tpu.memref_squeeze %dma_wait3A_614 : memref<1x125xi32, #tpu.memory_space<vmem>> -> memref<125xi32, #tpu.memory_space<vmem>>
      %dma_wait3A_616 = arith.constant 0 : i32
      %dma_wait3A_617 = arith.constant 0 : i32
      %dma_wait3A_618 = tpu.memref_slice %arg2[%dma_wait3A_616, %dma_wait3A_617] : memref<10000x64xf32, #tpu.memory_space<hbm>> -> memref<10000x64xf32, #tpu.memory_space<hbm>>
      tpu.wait_indirect_dma semaphore(%arg20 : memref<!tpu.dma_semaphore, #tpu.memory_space<semaphore_mem>>) src(%dma_wait3A_618 : memref<10000x64xf32, #tpu.memory_space<hbm>>) dst(%dma_wait3A_612 : memref<125x64xf32, #tpu.memory_space<vmem>>)
      %add3A_619 = arith.constant 7 : i32
      %add3A_620 = arith.addi %mul3A_423, %add3A_619 : i32
      %dma_start3A_621 = arith.constant 7 : i32
      %dma_start3A_622 = arith.constant 0 : i32
      %dma_start3A_623 = arith.constant 0 : i32
      %dma_start3A_624 = tpu.memref_slice %arg11[%dma_start3A_621, %dma_start3A_622, %dma_start3A_623] : memref<8x125x64xf32, #tpu.memory_space<vmem>> -> memref<1x125x64xf32, #tpu.memory_space<vmem>>
      %dma_start3A_625 = tpu.memref_squeeze %dma_start3A_624 : memref<1x125x64xf32, #tpu.memory_space<vmem>> -> memref<125x64xf32, #tpu.memory_space<vmem>>
      %dma_start3A_626 = arith.constant 0 : i32
      %dma_start3A_627 = tpu.memref_slice %arg10[%add3A_620, %dma_start3A_626] : memref<80x125xi32, #tpu.memory_space<vmem>> -> memref<1x125xi32, #tpu.memory_space<vmem>>
      %dma_start3A_628 = tpu.memref_squeeze %dma_start3A_627 : memref<1x125xi32, #tpu.memory_space<vmem>> -> memref<125xi32, #tpu.memory_space<vmem>>
      %dma_start3A_629 = arith.constant 0 : i32
      %dma_start3A_630 = arith.constant 0 : i32
      %dma_start3A_631 = tpu.memref_slice %arg12[%dma_start3A_629, %dma_start3A_630] : memref<10240x64xf32, #tpu.memory_space<vmem_shared>> -> memref<10240x64xf32, #tpu.memory_space<vmem_shared>>
      tpu.enqueue_indirect_dma source(%dma_start3A_625 : memref<125x64xf32, #tpu.memory_space<vmem>>) target(%dma_start3A_631 : memref<10240x64xf32, #tpu.memory_space<vmem_shared>>) offsets(%dma_start3A_628 : memref<125xi32, #tpu.memory_space<vmem>>) semaphore(%arg28 : memref<!tpu.dma_semaphore, #tpu.memory_space<semaphore_mem>>) {add = true}
      %add3A_632 = arith.constant 0 : i32
      %add3A_633 = arith.addi %mul3A_423, %add3A_632 : i32
      %add3A_634 = arith.constant 8 : i32
      %add3A_635 = arith.addi %add3A_633, %add3A_634 : i32
      %lt3A = arith.constant 80 : i32
      %lt3A_636 = arith.cmpi slt, %add3A_635, %lt3A : i32
      %convert_element_type3A = arith.extui %lt3A_636 : i1 to i32
      %cond3A = arith.constant 0 : i32
      %cond3A_637 = arith.cmpi ne, %convert_element_type3A, %cond3A : i32
      scf.if %cond3A_637 {
        %add3A_701 = arith.constant 0 : i32
        %add3A_702 = arith.addi %mul3A_423, %add3A_701 : i32
        %dma_wait3A_703 = arith.constant 0 : i32
        %dma_wait3A_704 = arith.constant 0 : i32
        %dma_wait3A_705 = arith.constant 0 : i32
        %dma_wait3A_706 = tpu.memref_slice %arg11[%dma_wait3A_703, %dma_wait3A_704, %dma_wait3A_705] : memref<8x125x64xf32, #tpu.memory_space<vmem>> -> memref<1x125x64xf32, #tpu.memory_space<vmem>>
        %dma_wait3A_707 = tpu.memref_squeeze %dma_wait3A_706 : memref<1x125x64xf32, #tpu.memory_space<vmem>> -> memref<125x64xf32, #tpu.memory_space<vmem>>
        %dma_wait3A_708 = arith.constant 0 : i32
        %dma_wait3A_709 = tpu.memref_slice %arg10[%add3A_702, %dma_wait3A_708] : memref<80x125xi32, #tpu.memory_space<vmem>> -> memref<1x125xi32, #tpu.memory_space<vmem>>
        %dma_wait3A_710 = tpu.memref_squeeze %dma_wait3A_709 : memref<1x125xi32, #tpu.memory_space<vmem>> -> memref<125xi32, #tpu.memory_space<vmem>>
        %dma_wait3A_711 = arith.constant 0 : i32
        %dma_wait3A_712 = arith.constant 0 : i32
        %dma_wait3A_713 = tpu.memref_slice %arg12[%dma_wait3A_711, %dma_wait3A_712] : memref<10240x64xf32, #tpu.memory_space<vmem_shared>> -> memref<10240x64xf32, #tpu.memory_space<vmem_shared>>
        tpu.wait_indirect_dma semaphore(%arg21 : memref<!tpu.dma_semaphore, #tpu.memory_space<semaphore_mem>>) src(%dma_wait3A_707 : memref<125x64xf32, #tpu.memory_space<vmem>>) dst(%dma_wait3A_713 : memref<10240x64xf32, #tpu.memory_space<vmem_shared>>)
        %add3A_714 = arith.constant 0 : i32
        %add3A_715 = arith.addi %mul3A_423, %add3A_714 : i32
        %add3A_716 = arith.constant 8 : i32
        %add3A_717 = arith.addi %add3A_715, %add3A_716 : i32
        %dma_start3A_718 = arith.constant 0 : i32
        %dma_start3A_719 = arith.constant 0 : i32
        %dma_start3A_720 = arith.constant 0 : i32
        %dma_start3A_721 = tpu.memref_slice %arg11[%dma_start3A_718, %dma_start3A_719, %dma_start3A_720] : memref<8x125x64xf32, #tpu.memory_space<vmem>> -> memref<1x125x64xf32, #tpu.memory_space<vmem>>
        %dma_start3A_722 = tpu.memref_squeeze %dma_start3A_721 : memref<1x125x64xf32, #tpu.memory_space<vmem>> -> memref<125x64xf32, #tpu.memory_space<vmem>>
        %dma_start3A_723 = arith.constant 0 : i32
        %dma_start3A_724 = tpu.memref_slice %arg9[%add3A_717, %dma_start3A_723] : memref<80x125xi32, #tpu.memory_space<vmem>> -> memref<1x125xi32, #tpu.memory_space<vmem>>
        %dma_start3A_725 = tpu.memref_squeeze %dma_start3A_724 : memref<1x125xi32, #tpu.memory_space<vmem>> -> memref<125xi32, #tpu.memory_space<vmem>>
        %dma_start3A_726 = arith.constant 0 : i32
        %dma_start3A_727 = arith.constant 0 : i32
        %dma_start3A_728 = tpu.memref_slice %arg2[%dma_start3A_726, %dma_start3A_727] : memref<10000x64xf32, #tpu.memory_space<hbm>> -> memref<10000x64xf32, #tpu.memory_space<hbm>>
        tpu.enqueue_indirect_dma source(%dma_start3A_728 : memref<10000x64xf32, #tpu.memory_space<hbm>>) target(%dma_start3A_722 : memref<125x64xf32, #tpu.memory_space<vmem>>) offsets(%dma_start3A_725 : memref<125xi32, #tpu.memory_space<vmem>>) semaphore(%arg13 : memref<!tpu.dma_semaphore, #tpu.memory_space<semaphore_mem>>)
      } else {
      }
      %add3A_638 = arith.constant 1 : i32
      %add3A_639 = arith.addi %mul3A_423, %add3A_638 : i32
      %add3A_640 = arith.constant 8 : i32
      %add3A_641 = arith.addi %add3A_639, %add3A_640 : i32
      %lt3A_642 = arith.constant 80 : i32
      %lt3A_643 = arith.cmpi slt, %add3A_641, %lt3A_642 : i32
      %convert_element_type3A_644 = arith.extui %lt3A_643 : i1 to i32
      %cond3A_645 = arith.constant 0 : i32
      %cond3A_646 = arith.cmpi ne, %convert_element_type3A_644, %cond3A_645 : i32
      scf.if %cond3A_646 {
        %add3A_701 = arith.constant 1 : i32
        %add3A_702 = arith.addi %mul3A_423, %add3A_701 : i32
        %dma_wait3A_703 = arith.constant 1 : i32
        %dma_wait3A_704 = arith.constant 0 : i32
        %dma_wait3A_705 = arith.constant 0 : i32
        %dma_wait3A_706 = tpu.memref_slice %arg11[%dma_wait3A_703, %dma_wait3A_704, %dma_wait3A_705] : memref<8x125x64xf32, #tpu.memory_space<vmem>> -> memref<1x125x64xf32, #tpu.memory_space<vmem>>
        %dma_wait3A_707 = tpu.memref_squeeze %dma_wait3A_706 : memref<1x125x64xf32, #tpu.memory_space<vmem>> -> memref<125x64xf32, #tpu.memory_space<vmem>>
        %dma_wait3A_708 = arith.constant 0 : i32
        %dma_wait3A_709 = tpu.memref_slice %arg10[%add3A_702, %dma_wait3A_708] : memref<80x125xi32, #tpu.memory_space<vmem>> -> memref<1x125xi32, #tpu.memory_space<vmem>>
        %dma_wait3A_710 = tpu.memref_squeeze %dma_wait3A_709 : memref<1x125xi32, #tpu.memory_space<vmem>> -> memref<125xi32, #tpu.memory_space<vmem>>
        %dma_wait3A_711 = arith.constant 0 : i32
        %dma_wait3A_712 = arith.constant 0 : i32
        %dma_wait3A_713 = tpu.memref_slice %arg12[%dma_wait3A_711, %dma_wait3A_712] : memref<10240x64xf32, #tpu.memory_space<vmem_shared>> -> memref<10240x64xf32, #tpu.memory_space<vmem_shared>>
        tpu.wait_indirect_dma semaphore(%arg22 : memref<!tpu.dma_semaphore, #tpu.memory_space<semaphore_mem>>) src(%dma_wait3A_707 : memref<125x64xf32, #tpu.memory_space<vmem>>) dst(%dma_wait3A_713 : memref<10240x64xf32, #tpu.memory_space<vmem_shared>>)
        %add3A_714 = arith.constant 1 : i32
        %add3A_715 = arith.addi %mul3A_423, %add3A_714 : i32
        %add3A_716 = arith.constant 8 : i32
        %add3A_717 = arith.addi %add3A_715, %add3A_716 : i32
        %dma_start3A_718 = arith.constant 1 : i32
        %dma_start3A_719 = arith.constant 0 : i32
        %dma_start3A_720 = arith.constant 0 : i32
        %dma_start3A_721 = tpu.memref_slice %arg11[%dma_start3A_718, %dma_start3A_719, %dma_start3A_720] : memref<8x125x64xf32, #tpu.memory_space<vmem>> -> memref<1x125x64xf32, #tpu.memory_space<vmem>>
        %dma_start3A_722 = tpu.memref_squeeze %dma_start3A_721 : memref<1x125x64xf32, #tpu.memory_space<vmem>> -> memref<125x64xf32, #tpu.memory_space<vmem>>
        %dma_start3A_723 = arith.constant 0 : i32
        %dma_start3A_724 = tpu.memref_slice %arg9[%add3A_717, %dma_start3A_723] : memref<80x125xi32, #tpu.memory_space<vmem>> -> memref<1x125xi32, #tpu.memory_space<vmem>>
        %dma_start3A_725 = tpu.memref_squeeze %dma_start3A_724 : memref<1x125xi32, #tpu.memory_space<vmem>> -> memref<125xi32, #tpu.memory_space<vmem>>
        %dma_start3A_726 = arith.constant 0 : i32
        %dma_start3A_727 = arith.constant 0 : i32
        %dma_start3A_728 = tpu.memref_slice %arg2[%dma_start3A_726, %dma_start3A_727] : memref<10000x64xf32, #tpu.memory_space<hbm>> -> memref<10000x64xf32, #tpu.memory_space<hbm>>
        tpu.enqueue_indirect_dma source(%dma_start3A_728 : memref<10000x64xf32, #tpu.memory_space<hbm>>) target(%dma_start3A_722 : memref<125x64xf32, #tpu.memory_space<vmem>>) offsets(%dma_start3A_725 : memref<125xi32, #tpu.memory_space<vmem>>) semaphore(%arg14 : memref<!tpu.dma_semaphore, #tpu.memory_space<semaphore_mem>>)
      } else {
      }
      %add3A_647 = arith.constant 2 : i32
      %add3A_648 = arith.addi %mul3A_423, %add3A_647 : i32
      %add3A_649 = arith.constant 8 : i32
      %add3A_650 = arith.addi %add3A_648, %add3A_649 : i32
      %lt3A_651 = arith.constant 80 : i32
      %lt3A_652 = arith.cmpi slt, %add3A_650, %lt3A_651 : i32
      %convert_element_type3A_653 = arith.extui %lt3A_652 : i1 to i32
      %cond3A_654 = arith.constant 0 : i32
      %cond3A_655 = arith.cmpi ne, %convert_element_type3A_653, %cond3A_654 : i32
      scf.if %cond3A_655 {
        %add3A_701 = arith.constant 2 : i32
        %add3A_702 = arith.addi %mul3A_423, %add3A_701 : i32
        %dma_wait3A_703 = arith.constant 2 : i32
        %dma_wait3A_704 = arith.constant 0 : i32
        %dma_wait3A_705 = arith.constant 0 : i32
        %dma_wait3A_706 = tpu.memref_slice %arg11[%dma_wait3A_703, %dma_wait3A_704, %dma_wait3A_705] : memref<8x125x64xf32, #tpu.memory_space<vmem>> -> memref<1x125x64xf32, #tpu.memory_space<vmem>>
        %dma_wait3A_707 = tpu.memref_squeeze %dma_wait3A_706 : memref<1x125x64xf32, #tpu.memory_space<vmem>> -> memref<125x64xf32, #tpu.memory_space<vmem>>
        %dma_wait3A_708 = arith.constant 0 : i32
        %dma_wait3A_709 = tpu.memref_slice %arg10[%add3A_702, %dma_wait3A_708] : memref<80x125xi32, #tpu.memory_space<vmem>> -> memref<1x125xi32, #tpu.memory_space<vmem>>
        %dma_wait3A_710 = tpu.memref_squeeze %dma_wait3A_709 : memref<1x125xi32, #tpu.memory_space<vmem>> -> memref<125xi32, #tpu.memory_space<vmem>>
        %dma_wait3A_711 = arith.constant 0 : i32
        %dma_wait3A_712 = arith.constant 0 : i32
        %dma_wait3A_713 = tpu.memref_slice %arg12[%dma_wait3A_711, %dma_wait3A_712] : memref<10240x64xf32, #tpu.memory_space<vmem_shared>> -> memref<10240x64xf32, #tpu.memory_space<vmem_shared>>
        tpu.wait_indirect_dma semaphore(%arg23 : memref<!tpu.dma_semaphore, #tpu.memory_space<semaphore_mem>>) src(%dma_wait3A_707 : memref<125x64xf32, #tpu.memory_space<vmem>>) dst(%dma_wait3A_713 : memref<10240x64xf32, #tpu.memory_space<vmem_shared>>)
        %add3A_714 = arith.constant 2 : i32
        %add3A_715 = arith.addi %mul3A_423, %add3A_714 : i32
        %add3A_716 = arith.constant 8 : i32
        %add3A_717 = arith.addi %add3A_715, %add3A_716 : i32
        %dma_start3A_718 = arith.constant 2 : i32
        %dma_start3A_719 = arith.constant 0 : i32
        %dma_start3A_720 = arith.constant 0 : i32
        %dma_start3A_721 = tpu.memref_slice %arg11[%dma_start3A_718, %dma_start3A_719, %dma_start3A_720] : memref<8x125x64xf32, #tpu.memory_space<vmem>> -> memref<1x125x64xf32, #tpu.memory_space<vmem>>
        %dma_start3A_722 = tpu.memref_squeeze %dma_start3A_721 : memref<1x125x64xf32, #tpu.memory_space<vmem>> -> memref<125x64xf32, #tpu.memory_space<vmem>>
        %dma_start3A_723 = arith.constant 0 : i32
        %dma_start3A_724 = tpu.memref_slice %arg9[%add3A_717, %dma_start3A_723] : memref<80x125xi32, #tpu.memory_space<vmem>> -> memref<1x125xi32, #tpu.memory_space<vmem>>
        %dma_start3A_725 = tpu.memref_squeeze %dma_start3A_724 : memref<1x125xi32, #tpu.memory_space<vmem>> -> memref<125xi32, #tpu.memory_space<vmem>>
        %dma_start3A_726 = arith.constant 0 : i32
        %dma_start3A_727 = arith.constant 0 : i32
        %dma_start3A_728 = tpu.memref_slice %arg2[%dma_start3A_726, %dma_start3A_727] : memref<10000x64xf32, #tpu.memory_space<hbm>> -> memref<10000x64xf32, #tpu.memory_space<hbm>>
        tpu.enqueue_indirect_dma source(%dma_start3A_728 : memref<10000x64xf32, #tpu.memory_space<hbm>>) target(%dma_start3A_722 : memref<125x64xf32, #tpu.memory_space<vmem>>) offsets(%dma_start3A_725 : memref<125xi32, #tpu.memory_space<vmem>>) semaphore(%arg15 : memref<!tpu.dma_semaphore, #tpu.memory_space<semaphore_mem>>)
      } else {
      }
      %add3A_656 = arith.constant 3 : i32
      %add3A_657 = arith.addi %mul3A_423, %add3A_656 : i32
      %add3A_658 = arith.constant 8 : i32
      %add3A_659 = arith.addi %add3A_657, %add3A_658 : i32
      %lt3A_660 = arith.constant 80 : i32
      %lt3A_661 = arith.cmpi slt, %add3A_659, %lt3A_660 : i32
      %convert_element_type3A_662 = arith.extui %lt3A_661 : i1 to i32
      %cond3A_663 = arith.constant 0 : i32
      %cond3A_664 = arith.cmpi ne, %convert_element_type3A_662, %cond3A_663 : i32
      scf.if %cond3A_664 {
        %add3A_701 = arith.constant 3 : i32
        %add3A_702 = arith.addi %mul3A_423, %add3A_701 : i32
        %dma_wait3A_703 = arith.constant 3 : i32
        %dma_wait3A_704 = arith.constant 0 : i32
        %dma_wait3A_705 = arith.constant 0 : i32
        %dma_wait3A_706 = tpu.memref_slice %arg11[%dma_wait3A_703, %dma_wait3A_704, %dma_wait3A_705] : memref<8x125x64xf32, #tpu.memory_space<vmem>> -> memref<1x125x64xf32, #tpu.memory_space<vmem>>
        %dma_wait3A_707 = tpu.memref_squeeze %dma_wait3A_706 : memref<1x125x64xf32, #tpu.memory_space<vmem>> -> memref<125x64xf32, #tpu.memory_space<vmem>>
        %dma_wait3A_708 = arith.constant 0 : i32
        %dma_wait3A_709 = tpu.memref_slice %arg10[%add3A_702, %dma_wait3A_708] : memref<80x125xi32, #tpu.memory_space<vmem>> -> memref<1x125xi32, #tpu.memory_space<vmem>>
        %dma_wait3A_710 = tpu.memref_squeeze %dma_wait3A_709 : memref<1x125xi32, #tpu.memory_space<vmem>> -> memref<125xi32, #tpu.memory_space<vmem>>
        %dma_wait3A_711 = arith.constant 0 : i32
        %dma_wait3A_712 = arith.constant 0 : i32
        %dma_wait3A_713 = tpu.memref_slice %arg12[%dma_wait3A_711, %dma_wait3A_712] : memref<10240x64xf32, #tpu.memory_space<vmem_shared>> -> memref<10240x64xf32, #tpu.memory_space<vmem_shared>>
        tpu.wait_indirect_dma semaphore(%arg24 : memref<!tpu.dma_semaphore, #tpu.memory_space<semaphore_mem>>) src(%dma_wait3A_707 : memref<125x64xf32, #tpu.memory_space<vmem>>) dst(%dma_wait3A_713 : memref<10240x64xf32, #tpu.memory_space<vmem_shared>>)
        %add3A_714 = arith.constant 3 : i32
        %add3A_715 = arith.addi %mul3A_423, %add3A_714 : i32
        %add3A_716 = arith.constant 8 : i32
        %add3A_717 = arith.addi %add3A_715, %add3A_716 : i32
        %dma_start3A_718 = arith.constant 3 : i32
        %dma_start3A_719 = arith.constant 0 : i32
        %dma_start3A_720 = arith.constant 0 : i32
        %dma_start3A_721 = tpu.memref_slice %arg11[%dma_start3A_718, %dma_start3A_719, %dma_start3A_720] : memref<8x125x64xf32, #tpu.memory_space<vmem>> -> memref<1x125x64xf32, #tpu.memory_space<vmem>>
        %dma_start3A_722 = tpu.memref_squeeze %dma_start3A_721 : memref<1x125x64xf32, #tpu.memory_space<vmem>> -> memref<125x64xf32, #tpu.memory_space<vmem>>
        %dma_start3A_723 = arith.constant 0 : i32
        %dma_start3A_724 = tpu.memref_slice %arg9[%add3A_717, %dma_start3A_723] : memref<80x125xi32, #tpu.memory_space<vmem>> -> memref<1x125xi32, #tpu.memory_space<vmem>>
        %dma_start3A_725 = tpu.memref_squeeze %dma_start3A_724 : memref<1x125xi32, #tpu.memory_space<vmem>> -> memref<125xi32, #tpu.memory_space<vmem>>
        %dma_start3A_726 = arith.constant 0 : i32
        %dma_start3A_727 = arith.constant 0 : i32
        %dma_start3A_728 = tpu.memref_slice %arg2[%dma_start3A_726, %dma_start3A_727] : memref<10000x64xf32, #tpu.memory_space<hbm>> -> memref<10000x64xf32, #tpu.memory_space<hbm>>
        tpu.enqueue_indirect_dma source(%dma_start3A_728 : memref<10000x64xf32, #tpu.memory_space<hbm>>) target(%dma_start3A_722 : memref<125x64xf32, #tpu.memory_space<vmem>>) offsets(%dma_start3A_725 : memref<125xi32, #tpu.memory_space<vmem>>) semaphore(%arg16 : memref<!tpu.dma_semaphore, #tpu.memory_space<semaphore_mem>>)
      } else {
      }
      %add3A_665 = arith.constant 4 : i32
      %add3A_666 = arith.addi %mul3A_423, %add3A_665 : i32
      %add3A_667 = arith.constant 8 : i32
      %add3A_668 = arith.addi %add3A_666, %add3A_667 : i32
      %lt3A_669 = arith.constant 80 : i32
      %lt3A_670 = arith.cmpi slt, %add3A_668, %lt3A_669 : i32
      %convert_element_type3A_671 = arith.extui %lt3A_670 : i1 to i32
      %cond3A_672 = arith.constant 0 : i32
      %cond3A_673 = arith.cmpi ne, %convert_element_type3A_671, %cond3A_672 : i32
      scf.if %cond3A_673 {
        %add3A_701 = arith.constant 4 : i32
        %add3A_702 = arith.addi %mul3A_423, %add3A_701 : i32
        %dma_wait3A_703 = arith.constant 4 : i32
        %dma_wait3A_704 = arith.constant 0 : i32
        %dma_wait3A_705 = arith.constant 0 : i32
        %dma_wait3A_706 = tpu.memref_slice %arg11[%dma_wait3A_703, %dma_wait3A_704, %dma_wait3A_705] : memref<8x125x64xf32, #tpu.memory_space<vmem>> -> memref<1x125x64xf32, #tpu.memory_space<vmem>>
        %dma_wait3A_707 = tpu.memref_squeeze %dma_wait3A_706 : memref<1x125x64xf32, #tpu.memory_space<vmem>> -> memref<125x64xf32, #tpu.memory_space<vmem>>
        %dma_wait3A_708 = arith.constant 0 : i32
        %dma_wait3A_709 = tpu.memref_slice %arg10[%add3A_702, %dma_wait3A_708] : memref<80x125xi32, #tpu.memory_space<vmem>> -> memref<1x125xi32, #tpu.memory_space<vmem>>
        %dma_wait3A_710 = tpu.memref_squeeze %dma_wait3A_709 : memref<1x125xi32, #tpu.memory_space<vmem>> -> memref<125xi32, #tpu.memory_space<vmem>>
        %dma_wait3A_711 = arith.constant 0 : i32
        %dma_wait3A_712 = arith.constant 0 : i32
        %dma_wait3A_713 = tpu.memref_slice %arg12[%dma_wait3A_711, %dma_wait3A_712] : memref<10240x64xf32, #tpu.memory_space<vmem_shared>> -> memref<10240x64xf32, #tpu.memory_space<vmem_shared>>
        tpu.wait_indirect_dma semaphore(%arg25 : memref<!tpu.dma_semaphore, #tpu.memory_space<semaphore_mem>>) src(%dma_wait3A_707 : memref<125x64xf32, #tpu.memory_space<vmem>>) dst(%dma_wait3A_713 : memref<10240x64xf32, #tpu.memory_space<vmem_shared>>)
        %add3A_714 = arith.constant 4 : i32
        %add3A_715 = arith.addi %mul3A_423, %add3A_714 : i32
        %add3A_716 = arith.constant 8 : i32
        %add3A_717 = arith.addi %add3A_715, %add3A_716 : i32
        %dma_start3A_718 = arith.constant 4 : i32
        %dma_start3A_719 = arith.constant 0 : i32
        %dma_start3A_720 = arith.constant 0 : i32
        %dma_start3A_721 = tpu.memref_slice %arg11[%dma_start3A_718, %dma_start3A_719, %dma_start3A_720] : memref<8x125x64xf32, #tpu.memory_space<vmem>> -> memref<1x125x64xf32, #tpu.memory_space<vmem>>
        %dma_start3A_722 = tpu.memref_squeeze %dma_start3A_721 : memref<1x125x64xf32, #tpu.memory_space<vmem>> -> memref<125x64xf32, #tpu.memory_space<vmem>>
        %dma_start3A_723 = arith.constant 0 : i32
        %dma_start3A_724 = tpu.memref_slice %arg9[%add3A_717, %dma_start3A_723] : memref<80x125xi32, #tpu.memory_space<vmem>> -> memref<1x125xi32, #tpu.memory_space<vmem>>
        %dma_start3A_725 = tpu.memref_squeeze %dma_start3A_724 : memref<1x125xi32, #tpu.memory_space<vmem>> -> memref<125xi32, #tpu.memory_space<vmem>>
        %dma_start3A_726 = arith.constant 0 : i32
        %dma_start3A_727 = arith.constant 0 : i32
        %dma_start3A_728 = tpu.memref_slice %arg2[%dma_start3A_726, %dma_start3A_727] : memref<10000x64xf32, #tpu.memory_space<hbm>> -> memref<10000x64xf32, #tpu.memory_space<hbm>>
        tpu.enqueue_indirect_dma source(%dma_start3A_728 : memref<10000x64xf32, #tpu.memory_space<hbm>>) target(%dma_start3A_722 : memref<125x64xf32, #tpu.memory_space<vmem>>) offsets(%dma_start3A_725 : memref<125xi32, #tpu.memory_space<vmem>>) semaphore(%arg17 : memref<!tpu.dma_semaphore, #tpu.memory_space<semaphore_mem>>)
      } else {
      }
      %add3A_674 = arith.constant 5 : i32
      %add3A_675 = arith.addi %mul3A_423, %add3A_674 : i32
      %add3A_676 = arith.constant 8 : i32
      %add3A_677 = arith.addi %add3A_675, %add3A_676 : i32
      %lt3A_678 = arith.constant 80 : i32
      %lt3A_679 = arith.cmpi slt, %add3A_677, %lt3A_678 : i32
      %convert_element_type3A_680 = arith.extui %lt3A_679 : i1 to i32
      %cond3A_681 = arith.constant 0 : i32
      %cond3A_682 = arith.cmpi ne, %convert_element_type3A_680, %cond3A_681 : i32
      scf.if %cond3A_682 {
        %add3A_701 = arith.constant 5 : i32
        %add3A_702 = arith.addi %mul3A_423, %add3A_701 : i32
        %dma_wait3A_703 = arith.constant 5 : i32
        %dma_wait3A_704 = arith.constant 0 : i32
        %dma_wait3A_705 = arith.constant 0 : i32
        %dma_wait3A_706 = tpu.memref_slice %arg11[%dma_wait3A_703, %dma_wait3A_704, %dma_wait3A_705] : memref<8x125x64xf32, #tpu.memory_space<vmem>> -> memref<1x125x64xf32, #tpu.memory_space<vmem>>
        %dma_wait3A_707 = tpu.memref_squeeze %dma_wait3A_706 : memref<1x125x64xf32, #tpu.memory_space<vmem>> -> memref<125x64xf32, #tpu.memory_space<vmem>>
        %dma_wait3A_708 = arith.constant 0 : i32
        %dma_wait3A_709 = tpu.memref_slice %arg10[%add3A_702, %dma_wait3A_708] : memref<80x125xi32, #tpu.memory_space<vmem>> -> memref<1x125xi32, #tpu.memory_space<vmem>>
        %dma_wait3A_710 = tpu.memref_squeeze %dma_wait3A_709 : memref<1x125xi32, #tpu.memory_space<vmem>> -> memref<125xi32, #tpu.memory_space<vmem>>
        %dma_wait3A_711 = arith.constant 0 : i32
        %dma_wait3A_712 = arith.constant 0 : i32
        %dma_wait3A_713 = tpu.memref_slice %arg12[%dma_wait3A_711, %dma_wait3A_712] : memref<10240x64xf32, #tpu.memory_space<vmem_shared>> -> memref<10240x64xf32, #tpu.memory_space<vmem_shared>>
        tpu.wait_indirect_dma semaphore(%arg26 : memref<!tpu.dma_semaphore, #tpu.memory_space<semaphore_mem>>) src(%dma_wait3A_707 : memref<125x64xf32, #tpu.memory_space<vmem>>) dst(%dma_wait3A_713 : memref<10240x64xf32, #tpu.memory_space<vmem_shared>>)
        %add3A_714 = arith.constant 5 : i32
        %add3A_715 = arith.addi %mul3A_423, %add3A_714 : i32
        %add3A_716 = arith.constant 8 : i32
        %add3A_717 = arith.addi %add3A_715, %add3A_716 : i32
        %dma_start3A_718 = arith.constant 5 : i32
        %dma_start3A_719 = arith.constant 0 : i32
        %dma_start3A_720 = arith.constant 0 : i32
        %dma_start3A_721 = tpu.memref_slice %arg11[%dma_start3A_718, %dma_start3A_719, %dma_start3A_720] : memref<8x125x64xf32, #tpu.memory_space<vmem>> -> memref<1x125x64xf32, #tpu.memory_space<vmem>>
        %dma_start3A_722 = tpu.memref_squeeze %dma_start3A_721 : memref<1x125x64xf32, #tpu.memory_space<vmem>> -> memref<125x64xf32, #tpu.memory_space<vmem>>
        %dma_start3A_723 = arith.constant 0 : i32
        %dma_start3A_724 = tpu.memref_slice %arg9[%add3A_717, %dma_start3A_723] : memref<80x125xi32, #tpu.memory_space<vmem>> -> memref<1x125xi32, #tpu.memory_space<vmem>>
        %dma_start3A_725 = tpu.memref_squeeze %dma_start3A_724 : memref<1x125xi32, #tpu.memory_space<vmem>> -> memref<125xi32, #tpu.memory_space<vmem>>
        %dma_start3A_726 = arith.constant 0 : i32
        %dma_start3A_727 = arith.constant 0 : i32
        %dma_start3A_728 = tpu.memref_slice %arg2[%dma_start3A_726, %dma_start3A_727] : memref<10000x64xf32, #tpu.memory_space<hbm>> -> memref<10000x64xf32, #tpu.memory_space<hbm>>
        tpu.enqueue_indirect_dma source(%dma_start3A_728 : memref<10000x64xf32, #tpu.memory_space<hbm>>) target(%dma_start3A_722 : memref<125x64xf32, #tpu.memory_space<vmem>>) offsets(%dma_start3A_725 : memref<125xi32, #tpu.memory_space<vmem>>) semaphore(%arg18 : memref<!tpu.dma_semaphore, #tpu.memory_space<semaphore_mem>>)
      } else {
      }
      %add3A_683 = arith.constant 6 : i32
      %add3A_684 = arith.addi %mul3A_423, %add3A_683 : i32
      %add3A_685 = arith.constant 8 : i32
      %add3A_686 = arith.addi %add3A_684, %add3A_685 : i32
      %lt3A_687 = arith.constant 80 : i32
      %lt3A_688 = arith.cmpi slt, %add3A_686, %lt3A_687 : i32
      %convert_element_type3A_689 = arith.extui %lt3A_688 : i1 to i32
      %cond3A_690 = arith.constant 0 : i32
      %cond3A_691 = arith.cmpi ne, %convert_element_type3A_689, %cond3A_690 : i32
      scf.if %cond3A_691 {
        %add3A_701 = arith.constant 6 : i32
        %add3A_702 = arith.addi %mul3A_423, %add3A_701 : i32
        %dma_wait3A_703 = arith.constant 6 : i32
        %dma_wait3A_704 = arith.constant 0 : i32
        %dma_wait3A_705 = arith.constant 0 : i32
        %dma_wait3A_706 = tpu.memref_slice %arg11[%dma_wait3A_703, %dma_wait3A_704, %dma_wait3A_705] : memref<8x125x64xf32, #tpu.memory_space<vmem>> -> memref<1x125x64xf32, #tpu.memory_space<vmem>>
        %dma_wait3A_707 = tpu.memref_squeeze %dma_wait3A_706 : memref<1x125x64xf32, #tpu.memory_space<vmem>> -> memref<125x64xf32, #tpu.memory_space<vmem>>
        %dma_wait3A_708 = arith.constant 0 : i32
        %dma_wait3A_709 = tpu.memref_slice %arg10[%add3A_702, %dma_wait3A_708] : memref<80x125xi32, #tpu.memory_space<vmem>> -> memref<1x125xi32, #tpu.memory_space<vmem>>
        %dma_wait3A_710 = tpu.memref_squeeze %dma_wait3A_709 : memref<1x125xi32, #tpu.memory_space<vmem>> -> memref<125xi32, #tpu.memory_space<vmem>>
        %dma_wait3A_711 = arith.constant 0 : i32
        %dma_wait3A_712 = arith.constant 0 : i32
        %dma_wait3A_713 = tpu.memref_slice %arg12[%dma_wait3A_711, %dma_wait3A_712] : memref<10240x64xf32, #tpu.memory_space<vmem_shared>> -> memref<10240x64xf32, #tpu.memory_space<vmem_shared>>
        tpu.wait_indirect_dma semaphore(%arg27 : memref<!tpu.dma_semaphore, #tpu.memory_space<semaphore_mem>>) src(%dma_wait3A_707 : memref<125x64xf32, #tpu.memory_space<vmem>>) dst(%dma_wait3A_713 : memref<10240x64xf32, #tpu.memory_space<vmem_shared>>)
        %add3A_714 = arith.constant 6 : i32
        %add3A_715 = arith.addi %mul3A_423, %add3A_714 : i32
        %add3A_716 = arith.constant 8 : i32
        %add3A_717 = arith.addi %add3A_715, %add3A_716 : i32
        %dma_start3A_718 = arith.constant 6 : i32
        %dma_start3A_719 = arith.constant 0 : i32
        %dma_start3A_720 = arith.constant 0 : i32
        %dma_start3A_721 = tpu.memref_slice %arg11[%dma_start3A_718, %dma_start3A_719, %dma_start3A_720] : memref<8x125x64xf32, #tpu.memory_space<vmem>> -> memref<1x125x64xf32, #tpu.memory_space<vmem>>
        %dma_start3A_722 = tpu.memref_squeeze %dma_start3A_721 : memref<1x125x64xf32, #tpu.memory_space<vmem>> -> memref<125x64xf32, #tpu.memory_space<vmem>>
        %dma_start3A_723 = arith.constant 0 : i32
        %dma_start3A_724 = tpu.memref_slice %arg9[%add3A_717, %dma_start3A_723] : memref<80x125xi32, #tpu.memory_space<vmem>> -> memref<1x125xi32, #tpu.memory_space<vmem>>
        %dma_start3A_725 = tpu.memref_squeeze %dma_start3A_724 : memref<1x125xi32, #tpu.memory_space<vmem>> -> memref<125xi32, #tpu.memory_space<vmem>>
        %dma_start3A_726 = arith.constant 0 : i32
        %dma_start3A_727 = arith.constant 0 : i32
        %dma_start3A_728 = tpu.memref_slice %arg2[%dma_start3A_726, %dma_start3A_727] : memref<10000x64xf32, #tpu.memory_space<hbm>> -> memref<10000x64xf32, #tpu.memory_space<hbm>>
        tpu.enqueue_indirect_dma source(%dma_start3A_728 : memref<10000x64xf32, #tpu.memory_space<hbm>>) target(%dma_start3A_722 : memref<125x64xf32, #tpu.memory_space<vmem>>) offsets(%dma_start3A_725 : memref<125xi32, #tpu.memory_space<vmem>>) semaphore(%arg19 : memref<!tpu.dma_semaphore, #tpu.memory_space<semaphore_mem>>)
      } else {
      }
      %add3A_692 = arith.constant 7 : i32
      %add3A_693 = arith.addi %mul3A_423, %add3A_692 : i32
      %add3A_694 = arith.constant 8 : i32
      %add3A_695 = arith.addi %add3A_693, %add3A_694 : i32
      %lt3A_696 = arith.constant 80 : i32
      %lt3A_697 = arith.cmpi slt, %add3A_695, %lt3A_696 : i32
      %convert_element_type3A_698 = arith.extui %lt3A_697 : i1 to i32
      %cond3A_699 = arith.constant 0 : i32
      %cond3A_700 = arith.cmpi ne, %convert_element_type3A_698, %cond3A_699 : i32
      scf.if %cond3A_700 {
        %add3A_701 = arith.constant 7 : i32
        %add3A_702 = arith.addi %mul3A_423, %add3A_701 : i32
        %dma_wait3A_703 = arith.constant 7 : i32
        %dma_wait3A_704 = arith.constant 0 : i32
        %dma_wait3A_705 = arith.constant 0 : i32
        %dma_wait3A_706 = tpu.memref_slice %arg11[%dma_wait3A_703, %dma_wait3A_704, %dma_wait3A_705] : memref<8x125x64xf32, #tpu.memory_space<vmem>> -> memref<1x125x64xf32, #tpu.memory_space<vmem>>
        %dma_wait3A_707 = tpu.memref_squeeze %dma_wait3A_706 : memref<1x125x64xf32, #tpu.memory_space<vmem>> -> memref<125x64xf32, #tpu.memory_space<vmem>>
        %dma_wait3A_708 = arith.constant 0 : i32
        %dma_wait3A_709 = tpu.memref_slice %arg10[%add3A_702, %dma_wait3A_708] : memref<80x125xi32, #tpu.memory_space<vmem>> -> memref<1x125xi32, #tpu.memory_space<vmem>>
        %dma_wait3A_710 = tpu.memref_squeeze %dma_wait3A_709 : memref<1x125xi32, #tpu.memory_space<vmem>> -> memref<125xi32, #tpu.memory_space<vmem>>
        %dma_wait3A_711 = arith.constant 0 : i32
        %dma_wait3A_712 = arith.constant 0 : i32
        %dma_wait3A_713 = tpu.memref_slice %arg12[%dma_wait3A_711, %dma_wait3A_712] : memref<10240x64xf32, #tpu.memory_space<vmem_shared>> -> memref<10240x64xf32, #tpu.memory_space<vmem_shared>>
        tpu.wait_indirect_dma semaphore(%arg28 : memref<!tpu.dma_semaphore, #tpu.memory_space<semaphore_mem>>) src(%dma_wait3A_707 : memref<125x64xf32, #tpu.memory_space<vmem>>) dst(%dma_wait3A_713 : memref<10240x64xf32, #tpu.memory_space<vmem_shared>>)
        %add3A_714 = arith.constant 7 : i32
        %add3A_715 = arith.addi %mul3A_423, %add3A_714 : i32
        %add3A_716 = arith.constant 8 : i32
        %add3A_717 = arith.addi %add3A_715, %add3A_716 : i32
        %dma_start3A_718 = arith.constant 7 : i32
        %dma_start3A_719 = arith.constant 0 : i32
        %dma_start3A_720 = arith.constant 0 : i32
        %dma_start3A_721 = tpu.memref_slice %arg11[%dma_start3A_718, %dma_start3A_719, %dma_start3A_720] : memref<8x125x64xf32, #tpu.memory_space<vmem>> -> memref<1x125x64xf32, #tpu.memory_space<vmem>>
        %dma_start3A_722 = tpu.memref_squeeze %dma_start3A_721 : memref<1x125x64xf32, #tpu.memory_space<vmem>> -> memref<125x64xf32, #tpu.memory_space<vmem>>
        %dma_start3A_723 = arith.constant 0 : i32
        %dma_start3A_724 = tpu.memref_slice %arg9[%add3A_717, %dma_start3A_723] : memref<80x125xi32, #tpu.memory_space<vmem>> -> memref<1x125xi32, #tpu.memory_space<vmem>>
        %dma_start3A_725 = tpu.memref_squeeze %dma_start3A_724 : memref<1x125xi32, #tpu.memory_space<vmem>> -> memref<125xi32, #tpu.memory_space<vmem>>
        %dma_start3A_726 = arith.constant 0 : i32
        %dma_start3A_727 = arith.constant 0 : i32
        %dma_start3A_728 = tpu.memref_slice %arg2[%dma_start3A_726, %dma_start3A_727] : memref<10000x64xf32, #tpu.memory_space<hbm>> -> memref<10000x64xf32, #tpu.memory_space<hbm>>
        tpu.enqueue_indirect_dma source(%dma_start3A_728 : memref<10000x64xf32, #tpu.memory_space<hbm>>) target(%dma_start3A_722 : memref<125x64xf32, #tpu.memory_space<vmem>>) offsets(%dma_start3A_725 : memref<125xi32, #tpu.memory_space<vmem>>) semaphore(%arg20 : memref<!tpu.dma_semaphore, #tpu.memory_space<semaphore_mem>>)
      } else {
      }
    }
    %scan3A_107 = arith.constant 10 : i32
    %dma_wait3A_108 = arith.constant 0 : i32
    %dma_wait3A_109 = arith.constant 72 : i32
    %dma_wait3A_110 = arith.constant 0 : i32
    %dma_wait3A_111 = arith.constant 0 : i32
    %dma_wait3A_112 = tpu.memref_slice %arg11[%dma_wait3A_108, %dma_wait3A_110, %dma_wait3A_111] : memref<8x125x64xf32, #tpu.memory_space<vmem>> -> memref<1x125x64xf32, #tpu.memory_space<vmem>>
    %dma_wait3A_113 = tpu.memref_squeeze %dma_wait3A_112 : memref<1x125x64xf32, #tpu.memory_space<vmem>> -> memref<125x64xf32, #tpu.memory_space<vmem>>
    %dma_wait3A_114 = arith.constant 0 : i32
    %dma_wait3A_115 = tpu.memref_slice %arg10[%dma_wait3A_109, %dma_wait3A_114] : memref<80x125xi32, #tpu.memory_space<vmem>> -> memref<1x125xi32, #tpu.memory_space<vmem>>
    %dma_wait3A_116 = tpu.memref_squeeze %dma_wait3A_115 : memref<1x125xi32, #tpu.memory_space<vmem>> -> memref<125xi32, #tpu.memory_space<vmem>>
    %dma_wait3A_117 = arith.constant 0 : i32
    %dma_wait3A_118 = arith.constant 0 : i32
    %dma_wait3A_119 = tpu.memref_slice %arg12[%dma_wait3A_117, %dma_wait3A_118] : memref<10240x64xf32, #tpu.memory_space<vmem_shared>> -> memref<10240x64xf32, #tpu.memory_space<vmem_shared>>
    tpu.wait_indirect_dma semaphore(%arg21 : memref<!tpu.dma_semaphore, #tpu.memory_space<semaphore_mem>>) src(%dma_wait3A_113 : memref<125x64xf32, #tpu.memory_space<vmem>>) dst(%dma_wait3A_119 : memref<10240x64xf32, #tpu.memory_space<vmem_shared>>)
    %dma_wait3A_120 = arith.constant 1 : i32
    %dma_wait3A_121 = arith.constant 73 : i32
    %dma_wait3A_122 = arith.constant 0 : i32
    %dma_wait3A_123 = arith.constant 0 : i32
    %dma_wait3A_124 = tpu.memref_slice %arg11[%dma_wait3A_120, %dma_wait3A_122, %dma_wait3A_123] : memref<8x125x64xf32, #tpu.memory_space<vmem>> -> memref<1x125x64xf32, #tpu.memory_space<vmem>>
    %dma_wait3A_125 = tpu.memref_squeeze %dma_wait3A_124 : memref<1x125x64xf32, #tpu.memory_space<vmem>> -> memref<125x64xf32, #tpu.memory_space<vmem>>
    %dma_wait3A_126 = arith.constant 0 : i32
    %dma_wait3A_127 = tpu.memref_slice %arg10[%dma_wait3A_121, %dma_wait3A_126] : memref<80x125xi32, #tpu.memory_space<vmem>> -> memref<1x125xi32, #tpu.memory_space<vmem>>
    %dma_wait3A_128 = tpu.memref_squeeze %dma_wait3A_127 : memref<1x125xi32, #tpu.memory_space<vmem>> -> memref<125xi32, #tpu.memory_space<vmem>>
    %dma_wait3A_129 = arith.constant 0 : i32
    %dma_wait3A_130 = arith.constant 0 : i32
    %dma_wait3A_131 = tpu.memref_slice %arg12[%dma_wait3A_129, %dma_wait3A_130] : memref<10240x64xf32, #tpu.memory_space<vmem_shared>> -> memref<10240x64xf32, #tpu.memory_space<vmem_shared>>
    tpu.wait_indirect_dma semaphore(%arg22 : memref<!tpu.dma_semaphore, #tpu.memory_space<semaphore_mem>>) src(%dma_wait3A_125 : memref<125x64xf32, #tpu.memory_space<vmem>>) dst(%dma_wait3A_131 : memref<10240x64xf32, #tpu.memory_space<vmem_shared>>)
    %dma_wait3A_132 = arith.constant 2 : i32
    %dma_wait3A_133 = arith.constant 74 : i32
    %dma_wait3A_134 = arith.constant 0 : i32
    %dma_wait3A_135 = arith.constant 0 : i32
    %dma_wait3A_136 = tpu.memref_slice %arg11[%dma_wait3A_132, %dma_wait3A_134, %dma_wait3A_135] : memref<8x125x64xf32, #tpu.memory_space<vmem>> -> memref<1x125x64xf32, #tpu.memory_space<vmem>>
    %dma_wait3A_137 = tpu.memref_squeeze %dma_wait3A_136 : memref<1x125x64xf32, #tpu.memory_space<vmem>> -> memref<125x64xf32, #tpu.memory_space<vmem>>
    %dma_wait3A_138 = arith.constant 0 : i32
    %dma_wait3A_139 = tpu.memref_slice %arg10[%dma_wait3A_133, %dma_wait3A_138] : memref<80x125xi32, #tpu.memory_space<vmem>> -> memref<1x125xi32, #tpu.memory_space<vmem>>
    %dma_wait3A_140 = tpu.memref_squeeze %dma_wait3A_139 : memref<1x125xi32, #tpu.memory_space<vmem>> -> memref<125xi32, #tpu.memory_space<vmem>>
    %dma_wait3A_141 = arith.constant 0 : i32
    %dma_wait3A_142 = arith.constant 0 : i32
    %dma_wait3A_143 = tpu.memref_slice %arg12[%dma_wait3A_141, %dma_wait3A_142] : memref<10240x64xf32, #tpu.memory_space<vmem_shared>> -> memref<10240x64xf32, #tpu.memory_space<vmem_shared>>
    tpu.wait_indirect_dma semaphore(%arg23 : memref<!tpu.dma_semaphore, #tpu.memory_space<semaphore_mem>>) src(%dma_wait3A_137 : memref<125x64xf32, #tpu.memory_space<vmem>>) dst(%dma_wait3A_143 : memref<10240x64xf32, #tpu.memory_space<vmem_shared>>)
    %dma_wait3A_144 = arith.constant 3 : i32
    %dma_wait3A_145 = arith.constant 75 : i32
    %dma_wait3A_146 = arith.constant 0 : i32
    %dma_wait3A_147 = arith.constant 0 : i32
    %dma_wait3A_148 = tpu.memref_slice %arg11[%dma_wait3A_144, %dma_wait3A_146, %dma_wait3A_147] : memref<8x125x64xf32, #tpu.memory_space<vmem>> -> memref<1x125x64xf32, #tpu.memory_space<vmem>>
    %dma_wait3A_149 = tpu.memref_squeeze %dma_wait3A_148 : memref<1x125x64xf32, #tpu.memory_space<vmem>> -> memref<125x64xf32, #tpu.memory_space<vmem>>
    %dma_wait3A_150 = arith.constant 0 : i32
    %dma_wait3A_151 = tpu.memref_slice %arg10[%dma_wait3A_145, %dma_wait3A_150] : memref<80x125xi32, #tpu.memory_space<vmem>> -> memref<1x125xi32, #tpu.memory_space<vmem>>
    %dma_wait3A_152 = tpu.memref_squeeze %dma_wait3A_151 : memref<1x125xi32, #tpu.memory_space<vmem>> -> memref<125xi32, #tpu.memory_space<vmem>>
    %dma_wait3A_153 = arith.constant 0 : i32
    %dma_wait3A_154 = arith.constant 0 : i32
    %dma_wait3A_155 = tpu.memref_slice %arg12[%dma_wait3A_153, %dma_wait3A_154] : memref<10240x64xf32, #tpu.memory_space<vmem_shared>> -> memref<10240x64xf32, #tpu.memory_space<vmem_shared>>
    tpu.wait_indirect_dma semaphore(%arg24 : memref<!tpu.dma_semaphore, #tpu.memory_space<semaphore_mem>>) src(%dma_wait3A_149 : memref<125x64xf32, #tpu.memory_space<vmem>>) dst(%dma_wait3A_155 : memref<10240x64xf32, #tpu.memory_space<vmem_shared>>)
    %dma_wait3A_156 = arith.constant 4 : i32
    %dma_wait3A_157 = arith.constant 76 : i32
    %dma_wait3A_158 = arith.constant 0 : i32
    %dma_wait3A_159 = arith.constant 0 : i32
    %dma_wait3A_160 = tpu.memref_slice %arg11[%dma_wait3A_156, %dma_wait3A_158, %dma_wait3A_159] : memref<8x125x64xf32, #tpu.memory_space<vmem>> -> memref<1x125x64xf32, #tpu.memory_space<vmem>>
    %dma_wait3A_161 = tpu.memref_squeeze %dma_wait3A_160 : memref<1x125x64xf32, #tpu.memory_space<vmem>> -> memref<125x64xf32, #tpu.memory_space<vmem>>
    %dma_wait3A_162 = arith.constant 0 : i32
    %dma_wait3A_163 = tpu.memref_slice %arg10[%dma_wait3A_157, %dma_wait3A_162] : memref<80x125xi32, #tpu.memory_space<vmem>> -> memref<1x125xi32, #tpu.memory_space<vmem>>
    %dma_wait3A_164 = tpu.memref_squeeze %dma_wait3A_163 : memref<1x125xi32, #tpu.memory_space<vmem>> -> memref<125xi32, #tpu.memory_space<vmem>>
    %dma_wait3A_165 = arith.constant 0 : i32
    %dma_wait3A_166 = arith.constant 0 : i32
    %dma_wait3A_167 = tpu.memref_slice %arg12[%dma_wait3A_165, %dma_wait3A_166] : memref<10240x64xf32, #tpu.memory_space<vmem_shared>> -> memref<10240x64xf32, #tpu.memory_space<vmem_shared>>
    tpu.wait_indirect_dma semaphore(%arg25 : memref<!tpu.dma_semaphore, #tpu.memory_space<semaphore_mem>>) src(%dma_wait3A_161 : memref<125x64xf32, #tpu.memory_space<vmem>>) dst(%dma_wait3A_167 : memref<10240x64xf32, #tpu.memory_space<vmem_shared>>)
    %dma_wait3A_168 = arith.constant 5 : i32
    %dma_wait3A_169 = arith.constant 77 : i32
    %dma_wait3A_170 = arith.constant 0 : i32
    %dma_wait3A_171 = arith.constant 0 : i32
    %dma_wait3A_172 = tpu.memref_slice %arg11[%dma_wait3A_168, %dma_wait3A_170, %dma_wait3A_171] : memref<8x125x64xf32, #tpu.memory_space<vmem>> -> memref<1x125x64xf32, #tpu.memory_space<vmem>>
    %dma_wait3A_173 = tpu.memref_squeeze %dma_wait3A_172 : memref<1x125x64xf32, #tpu.memory_space<vmem>> -> memref<125x64xf32, #tpu.memory_space<vmem>>
    %dma_wait3A_174 = arith.constant 0 : i32
    %dma_wait3A_175 = tpu.memref_slice %arg10[%dma_wait3A_169, %dma_wait3A_174] : memref<80x125xi32, #tpu.memory_space<vmem>> -> memref<1x125xi32, #tpu.memory_space<vmem>>
    %dma_wait3A_176 = tpu.memref_squeeze %dma_wait3A_175 : memref<1x125xi32, #tpu.memory_space<vmem>> -> memref<125xi32, #tpu.memory_space<vmem>>
    %dma_wait3A_177 = arith.constant 0 : i32
    %dma_wait3A_178 = arith.constant 0 : i32
    %dma_wait3A_179 = tpu.memref_slice %arg12[%dma_wait3A_177, %dma_wait3A_178] : memref<10240x64xf32, #tpu.memory_space<vmem_shared>> -> memref<10240x64xf32, #tpu.memory_space<vmem_shared>>
    tpu.wait_indirect_dma semaphore(%arg26 : memref<!tpu.dma_semaphore, #tpu.memory_space<semaphore_mem>>) src(%dma_wait3A_173 : memref<125x64xf32, #tpu.memory_space<vmem>>) dst(%dma_wait3A_179 : memref<10240x64xf32, #tpu.memory_space<vmem_shared>>)
    %dma_wait3A_180 = arith.constant 6 : i32
    %dma_wait3A_181 = arith.constant 78 : i32
    %dma_wait3A_182 = arith.constant 0 : i32
    %dma_wait3A_183 = arith.constant 0 : i32
    %dma_wait3A_184 = tpu.memref_slice %arg11[%dma_wait3A_180, %dma_wait3A_182, %dma_wait3A_183] : memref<8x125x64xf32, #tpu.memory_space<vmem>> -> memref<1x125x64xf32, #tpu.memory_space<vmem>>
    %dma_wait3A_185 = tpu.memref_squeeze %dma_wait3A_184 : memref<1x125x64xf32, #tpu.memory_space<vmem>> -> memref<125x64xf32, #tpu.memory_space<vmem>>
    %dma_wait3A_186 = arith.constant 0 : i32
    %dma_wait3A_187 = tpu.memref_slice %arg10[%dma_wait3A_181, %dma_wait3A_186] : memref<80x125xi32, #tpu.memory_space<vmem>> -> memref<1x125xi32, #tpu.memory_space<vmem>>
    %dma_wait3A_188 = tpu.memref_squeeze %dma_wait3A_187 : memref<1x125xi32, #tpu.memory_space<vmem>> -> memref<125xi32, #tpu.memory_space<vmem>>
    %dma_wait3A_189 = arith.constant 0 : i32
    %dma_wait3A_190 = arith.constant 0 : i32
    %dma_wait3A_191 = tpu.memref_slice %arg12[%dma_wait3A_189, %dma_wait3A_190] : memref<10240x64xf32, #tpu.memory_space<vmem_shared>> -> memref<10240x64xf32, #tpu.memory_space<vmem_shared>>
    tpu.wait_indirect_dma semaphore(%arg27 : memref<!tpu.dma_semaphore, #tpu.memory_space<semaphore_mem>>) src(%dma_wait3A_185 : memref<125x64xf32, #tpu.memory_space<vmem>>) dst(%dma_wait3A_191 : memref<10240x64xf32, #tpu.memory_space<vmem_shared>>)
    %dma_wait3A_192 = arith.constant 7 : i32
    %dma_wait3A_193 = arith.constant 79 : i32
    %dma_wait3A_194 = arith.constant 0 : i32
    %dma_wait3A_195 = arith.constant 0 : i32
    %dma_wait3A_196 = tpu.memref_slice %arg11[%dma_wait3A_192, %dma_wait3A_194, %dma_wait3A_195] : memref<8x125x64xf32, #tpu.memory_space<vmem>> -> memref<1x125x64xf32, #tpu.memory_space<vmem>>
    %dma_wait3A_197 = tpu.memref_squeeze %dma_wait3A_196 : memref<1x125x64xf32, #tpu.memory_space<vmem>> -> memref<125x64xf32, #tpu.memory_space<vmem>>
    %dma_wait3A_198 = arith.constant 0 : i32
    %dma_wait3A_199 = tpu.memref_slice %arg10[%dma_wait3A_193, %dma_wait3A_198] : memref<80x125xi32, #tpu.memory_space<vmem>> -> memref<1x125xi32, #tpu.memory_space<vmem>>
    %dma_wait3A_200 = tpu.memref_squeeze %dma_wait3A_199 : memref<1x125xi32, #tpu.memory_space<vmem>> -> memref<125xi32, #tpu.memory_space<vmem>>
    %dma_wait3A_201 = arith.constant 0 : i32
    %dma_wait3A_202 = arith.constant 0 : i32
    %dma_wait3A_203 = tpu.memref_slice %arg12[%dma_wait3A_201, %dma_wait3A_202] : memref<10240x64xf32, #tpu.memory_space<vmem_shared>> -> memref<10240x64xf32, #tpu.memory_space<vmem_shared>>
    tpu.wait_indirect_dma semaphore(%arg28 : memref<!tpu.dma_semaphore, #tpu.memory_space<semaphore_mem>>) src(%dma_wait3A_197 : memref<125x64xf32, #tpu.memory_space<vmem>>) dst(%dma_wait3A_203 : memref<10240x64xf32, #tpu.memory_space<vmem_shared>>)
    %barrier3A_204 = arith.constant 0 : index
    tpu.barrier barrier_id(%barrier3A_204)
    %mul3A_205 = arith.constant 640 : i32
    %mul3A_206 = arith.muli %arg1, %mul3A_205 : i32
    %mul3A_207 = arith.constant 640 : i32
    %mul3A_208 = arith.muli %arg1, %mul3A_207 : i32
    "tpu.region"() ({
      %run_scoped3A = tpu.sem_alloc : memref<!tpu.dma_semaphore, #tpu.memory_space<semaphore_mem>>
      %dma_start3A_421 = arith.constant 0 : i32
      %dma_start3A_422 = tpu.memref_slice %arg7[%arg0, %mul3A_208, %dma_start3A_421] : memref<2x10240x64xf32, #tpu.memory_space<hbm>> -> memref<1x640x64xf32, #tpu.memory_space<hbm>>
      %dma_start3A_423 = tpu.memref_squeeze %dma_start3A_422 : memref<1x640x64xf32, #tpu.memory_space<hbm>> -> memref<640x64xf32, #tpu.memory_space<hbm>>
      %dma_start3A_424 = arith.constant 0 : i32
      %dma_start3A_425 = tpu.memref_slice %arg12[%mul3A_206, %dma_start3A_424] : memref<10240x64xf32, #tpu.memory_space<vmem_shared>> -> memref<640x64xf32, #tpu.memory_space<vmem_shared>>
      tpu.enqueue_dma source(%dma_start3A_425 : memref<640x64xf32, #tpu.memory_space<vmem_shared>>) target(%dma_start3A_423 : memref<640x64xf32, #tpu.memory_space<hbm>>) target_semaphore(%run_scoped3A : memref<!tpu.dma_semaphore, #tpu.memory_space<semaphore_mem>>)
      %dma_wait3A_426 = arith.constant 0 : i32
      %dma_wait3A_427 = tpu.memref_slice %arg7[%arg0, %mul3A_208, %dma_wait3A_426] : memref<2x10240x64xf32, #tpu.memory_space<hbm>> -> memref<1x640x64xf32, #tpu.memory_space<hbm>>
      %dma_wait3A_428 = tpu.memref_squeeze %dma_wait3A_427 : memref<1x640x64xf32, #tpu.memory_space<hbm>> -> memref<640x64xf32, #tpu.memory_space<hbm>>
      %dma_wait3A_429 = arith.constant 0 : i32
      %dma_wait3A_430 = tpu.memref_slice %arg12[%mul3A_206, %dma_wait3A_429] : memref<10240x64xf32, #tpu.memory_space<vmem_shared>> -> memref<640x64xf32, #tpu.memory_space<vmem_shared>>
      tpu.wait_dma2 semaphore(%run_scoped3A : memref<!tpu.dma_semaphore, #tpu.memory_space<semaphore_mem>>) src(%dma_wait3A_430 : memref<640x64xf32, #tpu.memory_space<vmem_shared>>) dst(%dma_wait3A_428 : memref<640x64xf32, #tpu.memory_space<hbm>>)
      tpu.yield
    }) : () -> ()
    %mul3A_209 = arith.constant 640 : i32
    %mul3A_210 = arith.muli %arg1, %mul3A_209 : i32
    %dma_start3A_211 = arith.constant 0 : i32
    %dma_start3A_212 = tpu.memref_slice %arg12[%mul3A_210, %dma_start3A_211] : memref<10240x64xf32, #tpu.memory_space<vmem_shared>> -> memref<640x64xf32, #tpu.memory_space<vmem_shared>>
    tpu.enqueue_dma source(%arg6 : memref<640x64xf32, #tpu.memory_space<hbm>>) target(%dma_start3A_212 : memref<640x64xf32, #tpu.memory_space<vmem_shared>>) target_semaphore(%arg21 : memref<!tpu.dma_semaphore, #tpu.memory_space<semaphore_mem>>)
    %dma_start3A_213 = arith.constant 0 : i32
    %dma_start3A_214 = arith.constant 0 : i32
    %dma_start3A_215 = arith.constant 0 : i32
    %dma_start3A_216 = arith.constant 0 : i32
    %dma_start3A_217 = tpu.memref_slice %arg11[%dma_start3A_214, %dma_start3A_215, %dma_start3A_216] : memref<8x125x64xf32, #tpu.memory_space<vmem>> -> memref<1x125x64xf32, #tpu.memory_space<vmem>>
    %dma_start3A_218 = tpu.memref_squeeze %dma_start3A_217 : memref<1x125x64xf32, #tpu.memory_space<vmem>> -> memref<125x64xf32, #tpu.memory_space<vmem>>
    %dma_start3A_219 = arith.constant 0 : i32
    %dma_start3A_220 = tpu.memref_slice %arg9[%dma_start3A_213, %dma_start3A_219] : memref<80x125xi32, #tpu.memory_space<vmem>> -> memref<1x125xi32, #tpu.memory_space<vmem>>
    %dma_start3A_221 = tpu.memref_squeeze %dma_start3A_220 : memref<1x125xi32, #tpu.memory_space<vmem>> -> memref<125xi32, #tpu.memory_space<vmem>>
    %dma_start3A_222 = arith.constant 0 : i32
    %dma_start3A_223 = arith.constant 0 : i32
    %dma_start3A_224 = tpu.memref_slice %arg3[%dma_start3A_222, %dma_start3A_223] : memref<10000x64xf32, #tpu.memory_space<hbm>> -> memref<10000x64xf32, #tpu.memory_space<hbm>>
    tpu.enqueue_indirect_dma source(%dma_start3A_224 : memref<10000x64xf32, #tpu.memory_space<hbm>>) target(%dma_start3A_218 : memref<125x64xf32, #tpu.memory_space<vmem>>) offsets(%dma_start3A_221 : memref<125xi32, #tpu.memory_space<vmem>>) semaphore(%arg13 : memref<!tpu.dma_semaphore, #tpu.memory_space<semaphore_mem>>)
    %dma_start3A_225 = arith.constant 1 : i32
    %dma_start3A_226 = arith.constant 1 : i32
    %dma_start3A_227 = arith.constant 0 : i32
    %dma_start3A_228 = arith.constant 0 : i32
    %dma_start3A_229 = tpu.memref_slice %arg11[%dma_start3A_226, %dma_start3A_227, %dma_start3A_228] : memref<8x125x64xf32, #tpu.memory_space<vmem>> -> memref<1x125x64xf32, #tpu.memory_space<vmem>>
    %dma_start3A_230 = tpu.memref_squeeze %dma_start3A_229 : memref<1x125x64xf32, #tpu.memory_space<vmem>> -> memref<125x64xf32, #tpu.memory_space<vmem>>
    %dma_start3A_231 = arith.constant 0 : i32
    %dma_start3A_232 = tpu.memref_slice %arg9[%dma_start3A_225, %dma_start3A_231] : memref<80x125xi32, #tpu.memory_space<vmem>> -> memref<1x125xi32, #tpu.memory_space<vmem>>
    %dma_start3A_233 = tpu.memref_squeeze %dma_start3A_232 : memref<1x125xi32, #tpu.memory_space<vmem>> -> memref<125xi32, #tpu.memory_space<vmem>>
    %dma_start3A_234 = arith.constant 0 : i32
    %dma_start3A_235 = arith.constant 0 : i32
    %dma_start3A_236 = tpu.memref_slice %arg3[%dma_start3A_234, %dma_start3A_235] : memref<10000x64xf32, #tpu.memory_space<hbm>> -> memref<10000x64xf32, #tpu.memory_space<hbm>>
    tpu.enqueue_indirect_dma source(%dma_start3A_236 : memref<10000x64xf32, #tpu.memory_space<hbm>>) target(%dma_start3A_230 : memref<125x64xf32, #tpu.memory_space<vmem>>) offsets(%dma_start3A_233 : memref<125xi32, #tpu.memory_space<vmem>>) semaphore(%arg14 : memref<!tpu.dma_semaphore, #tpu.memory_space<semaphore_mem>>)
    %dma_start3A_237 = arith.constant 2 : i32
    %dma_start3A_238 = arith.constant 2 : i32
    %dma_start3A_239 = arith.constant 0 : i32
    %dma_start3A_240 = arith.constant 0 : i32
    %dma_start3A_241 = tpu.memref_slice %arg11[%dma_start3A_238, %dma_start3A_239, %dma_start3A_240] : memref<8x125x64xf32, #tpu.memory_space<vmem>> -> memref<1x125x64xf32, #tpu.memory_space<vmem>>
    %dma_start3A_242 = tpu.memref_squeeze %dma_start3A_241 : memref<1x125x64xf32, #tpu.memory_space<vmem>> -> memref<125x64xf32, #tpu.memory_space<vmem>>
    %dma_start3A_243 = arith.constant 0 : i32
    %dma_start3A_244 = tpu.memref_slice %arg9[%dma_start3A_237, %dma_start3A_243] : memref<80x125xi32, #tpu.memory_space<vmem>> -> memref<1x125xi32, #tpu.memory_space<vmem>>
    %dma_start3A_245 = tpu.memref_squeeze %dma_start3A_244 : memref<1x125xi32, #tpu.memory_space<vmem>> -> memref<125xi32, #tpu.memory_space<vmem>>
    %dma_start3A_246 = arith.constant 0 : i32
    %dma_start3A_247 = arith.constant 0 : i32
    %dma_start3A_248 = tpu.memref_slice %arg3[%dma_start3A_246, %dma_start3A_247] : memref<10000x64xf32, #tpu.memory_space<hbm>> -> memref<10000x64xf32, #tpu.memory_space<hbm>>
    tpu.enqueue_indirect_dma source(%dma_start3A_248 : memref<10000x64xf32, #tpu.memory_space<hbm>>) target(%dma_start3A_242 : memref<125x64xf32, #tpu.memory_space<vmem>>) offsets(%dma_start3A_245 : memref<125xi32, #tpu.memory_space<vmem>>) semaphore(%arg15 : memref<!tpu.dma_semaphore, #tpu.memory_space<semaphore_mem>>)
    %dma_start3A_249 = arith.constant 3 : i32
    %dma_start3A_250 = arith.constant 3 : i32
    %dma_start3A_251 = arith.constant 0 : i32
    %dma_start3A_252 = arith.constant 0 : i32
    %dma_start3A_253 = tpu.memref_slice %arg11[%dma_start3A_250, %dma_start3A_251, %dma_start3A_252] : memref<8x125x64xf32, #tpu.memory_space<vmem>> -> memref<1x125x64xf32, #tpu.memory_space<vmem>>
    %dma_start3A_254 = tpu.memref_squeeze %dma_start3A_253 : memref<1x125x64xf32, #tpu.memory_space<vmem>> -> memref<125x64xf32, #tpu.memory_space<vmem>>
    %dma_start3A_255 = arith.constant 0 : i32
    %dma_start3A_256 = tpu.memref_slice %arg9[%dma_start3A_249, %dma_start3A_255] : memref<80x125xi32, #tpu.memory_space<vmem>> -> memref<1x125xi32, #tpu.memory_space<vmem>>
    %dma_start3A_257 = tpu.memref_squeeze %dma_start3A_256 : memref<1x125xi32, #tpu.memory_space<vmem>> -> memref<125xi32, #tpu.memory_space<vmem>>
    %dma_start3A_258 = arith.constant 0 : i32
    %dma_start3A_259 = arith.constant 0 : i32
    %dma_start3A_260 = tpu.memref_slice %arg3[%dma_start3A_258, %dma_start3A_259] : memref<10000x64xf32, #tpu.memory_space<hbm>> -> memref<10000x64xf32, #tpu.memory_space<hbm>>
    tpu.enqueue_indirect_dma source(%dma_start3A_260 : memref<10000x64xf32, #tpu.memory_space<hbm>>) target(%dma_start3A_254 : memref<125x64xf32, #tpu.memory_space<vmem>>) offsets(%dma_start3A_257 : memref<125xi32, #tpu.memory_space<vmem>>) semaphore(%arg16 : memref<!tpu.dma_semaphore, #tpu.memory_space<semaphore_mem>>)
    %dma_start3A_261 = arith.constant 4 : i32
    %dma_start3A_262 = arith.constant 4 : i32
    %dma_start3A_263 = arith.constant 0 : i32
    %dma_start3A_264 = arith.constant 0 : i32
    %dma_start3A_265 = tpu.memref_slice %arg11[%dma_start3A_262, %dma_start3A_263, %dma_start3A_264] : memref<8x125x64xf32, #tpu.memory_space<vmem>> -> memref<1x125x64xf32, #tpu.memory_space<vmem>>
    %dma_start3A_266 = tpu.memref_squeeze %dma_start3A_265 : memref<1x125x64xf32, #tpu.memory_space<vmem>> -> memref<125x64xf32, #tpu.memory_space<vmem>>
    %dma_start3A_267 = arith.constant 0 : i32
    %dma_start3A_268 = tpu.memref_slice %arg9[%dma_start3A_261, %dma_start3A_267] : memref<80x125xi32, #tpu.memory_space<vmem>> -> memref<1x125xi32, #tpu.memory_space<vmem>>
    %dma_start3A_269 = tpu.memref_squeeze %dma_start3A_268 : memref<1x125xi32, #tpu.memory_space<vmem>> -> memref<125xi32, #tpu.memory_space<vmem>>
    %dma_start3A_270 = arith.constant 0 : i32
    %dma_start3A_271 = arith.constant 0 : i32
    %dma_start3A_272 = tpu.memref_slice %arg3[%dma_start3A_270, %dma_start3A_271] : memref<10000x64xf32, #tpu.memory_space<hbm>> -> memref<10000x64xf32, #tpu.memory_space<hbm>>
    tpu.enqueue_indirect_dma source(%dma_start3A_272 : memref<10000x64xf32, #tpu.memory_space<hbm>>) target(%dma_start3A_266 : memref<125x64xf32, #tpu.memory_space<vmem>>) offsets(%dma_start3A_269 : memref<125xi32, #tpu.memory_space<vmem>>) semaphore(%arg17 : memref<!tpu.dma_semaphore, #tpu.memory_space<semaphore_mem>>)
    %dma_start3A_273 = arith.constant 5 : i32
    %dma_start3A_274 = arith.constant 5 : i32
    %dma_start3A_275 = arith.constant 0 : i32
    %dma_start3A_276 = arith.constant 0 : i32
    %dma_start3A_277 = tpu.memref_slice %arg11[%dma_start3A_274, %dma_start3A_275, %dma_start3A_276] : memref<8x125x64xf32, #tpu.memory_space<vmem>> -> memref<1x125x64xf32, #tpu.memory_space<vmem>>
    %dma_start3A_278 = tpu.memref_squeeze %dma_start3A_277 : memref<1x125x64xf32, #tpu.memory_space<vmem>> -> memref<125x64xf32, #tpu.memory_space<vmem>>
    %dma_start3A_279 = arith.constant 0 : i32
    %dma_start3A_280 = tpu.memref_slice %arg9[%dma_start3A_273, %dma_start3A_279] : memref<80x125xi32, #tpu.memory_space<vmem>> -> memref<1x125xi32, #tpu.memory_space<vmem>>
    %dma_start3A_281 = tpu.memref_squeeze %dma_start3A_280 : memref<1x125xi32, #tpu.memory_space<vmem>> -> memref<125xi32, #tpu.memory_space<vmem>>
    %dma_start3A_282 = arith.constant 0 : i32
    %dma_start3A_283 = arith.constant 0 : i32
    %dma_start3A_284 = tpu.memref_slice %arg3[%dma_start3A_282, %dma_start3A_283] : memref<10000x64xf32, #tpu.memory_space<hbm>> -> memref<10000x64xf32, #tpu.memory_space<hbm>>
    tpu.enqueue_indirect_dma source(%dma_start3A_284 : memref<10000x64xf32, #tpu.memory_space<hbm>>) target(%dma_start3A_278 : memref<125x64xf32, #tpu.memory_space<vmem>>) offsets(%dma_start3A_281 : memref<125xi32, #tpu.memory_space<vmem>>) semaphore(%arg18 : memref<!tpu.dma_semaphore, #tpu.memory_space<semaphore_mem>>)
    %dma_start3A_285 = arith.constant 6 : i32
    %dma_start3A_286 = arith.constant 6 : i32
    %dma_start3A_287 = arith.constant 0 : i32
    %dma_start3A_288 = arith.constant 0 : i32
    %dma_start3A_289 = tpu.memref_slice %arg11[%dma_start3A_286, %dma_start3A_287, %dma_start3A_288] : memref<8x125x64xf32, #tpu.memory_space<vmem>> -> memref<1x125x64xf32, #tpu.memory_space<vmem>>
    %dma_start3A_290 = tpu.memref_squeeze %dma_start3A_289 : memref<1x125x64xf32, #tpu.memory_space<vmem>> -> memref<125x64xf32, #tpu.memory_space<vmem>>
    %dma_start3A_291 = arith.constant 0 : i32
    %dma_start3A_292 = tpu.memref_slice %arg9[%dma_start3A_285, %dma_start3A_291] : memref<80x125xi32, #tpu.memory_space<vmem>> -> memref<1x125xi32, #tpu.memory_space<vmem>>
    %dma_start3A_293 = tpu.memref_squeeze %dma_start3A_292 : memref<1x125xi32, #tpu.memory_space<vmem>> -> memref<125xi32, #tpu.memory_space<vmem>>
    %dma_start3A_294 = arith.constant 0 : i32
    %dma_start3A_295 = arith.constant 0 : i32
    %dma_start3A_296 = tpu.memref_slice %arg3[%dma_start3A_294, %dma_start3A_295] : memref<10000x64xf32, #tpu.memory_space<hbm>> -> memref<10000x64xf32, #tpu.memory_space<hbm>>
    tpu.enqueue_indirect_dma source(%dma_start3A_296 : memref<10000x64xf32, #tpu.memory_space<hbm>>) target(%dma_start3A_290 : memref<125x64xf32, #tpu.memory_space<vmem>>) offsets(%dma_start3A_293 : memref<125xi32, #tpu.memory_space<vmem>>) semaphore(%arg19 : memref<!tpu.dma_semaphore, #tpu.memory_space<semaphore_mem>>)
    %dma_start3A_297 = arith.constant 7 : i32
    %dma_start3A_298 = arith.constant 7 : i32
    %dma_start3A_299 = arith.constant 0 : i32
    %dma_start3A_300 = arith.constant 0 : i32
    %dma_start3A_301 = tpu.memref_slice %arg11[%dma_start3A_298, %dma_start3A_299, %dma_start3A_300] : memref<8x125x64xf32, #tpu.memory_space<vmem>> -> memref<1x125x64xf32, #tpu.memory_space<vmem>>
    %dma_start3A_302 = tpu.memref_squeeze %dma_start3A_301 : memref<1x125x64xf32, #tpu.memory_space<vmem>> -> memref<125x64xf32, #tpu.memory_space<vmem>>
    %dma_start3A_303 = arith.constant 0 : i32
    %dma_start3A_304 = tpu.memref_slice %arg9[%dma_start3A_297, %dma_start3A_303] : memref<80x125xi32, #tpu.memory_space<vmem>> -> memref<1x125xi32, #tpu.memory_space<vmem>>
    %dma_start3A_305 = tpu.memref_squeeze %dma_start3A_304 : memref<1x125xi32, #tpu.memory_space<vmem>> -> memref<125xi32, #tpu.memory_space<vmem>>
    %dma_start3A_306 = arith.constant 0 : i32
    %dma_start3A_307 = arith.constant 0 : i32
    %dma_start3A_308 = tpu.memref_slice %arg3[%dma_start3A_306, %dma_start3A_307] : memref<10000x64xf32, #tpu.memory_space<hbm>> -> memref<10000x64xf32, #tpu.memory_space<hbm>>
    tpu.enqueue_indirect_dma source(%dma_start3A_308 : memref<10000x64xf32, #tpu.memory_space<hbm>>) target(%dma_start3A_302 : memref<125x64xf32, #tpu.memory_space<vmem>>) offsets(%dma_start3A_305 : memref<125xi32, #tpu.memory_space<vmem>>) semaphore(%arg20 : memref<!tpu.dma_semaphore, #tpu.memory_space<semaphore_mem>>)
    %mul3A_309 = arith.constant 640 : i32
    %mul3A_310 = arith.muli %arg1, %mul3A_309 : i32
    %dma_wait3A_311 = arith.constant 0 : i32
    %dma_wait3A_312 = tpu.memref_slice %arg12[%mul3A_310, %dma_wait3A_311] : memref<10240x64xf32, #tpu.memory_space<vmem_shared>> -> memref<640x64xf32, #tpu.memory_space<vmem_shared>>
    tpu.wait_dma2 semaphore(%arg21 : memref<!tpu.dma_semaphore, #tpu.memory_space<semaphore_mem>>) src(%arg6 : memref<640x64xf32, #tpu.memory_space<hbm>>) dst(%dma_wait3A_312 : memref<640x64xf32, #tpu.memory_space<vmem_shared>>)
    %barrier3A_313 = arith.constant 0 : index
    tpu.barrier barrier_id(%barrier3A_313)
    %scan3A_314 = arith.constant 0 : i32
    %scan3A_315 = arith.constant 0 : i32
    %scan3A_316 = arith.constant 10 : i32
    %scan3A_317 = arith.addi %scan3A_315, %scan3A_316 : i32
    %scan3A_318 = arith.constant 1 : i32
    scf.for %scan3A_421 = %scan3A_315 to %scan3A_317 step %scan3A_318  : i32 {
      %mul3A_422 = arith.constant 8 : i32
      %mul3A_423 = arith.muli %scan3A_421, %mul3A_422 : i32
      %add3A_424 = arith.constant 0 : i32
      %add3A_425 = arith.addi %mul3A_423, %add3A_424 : i32
      %dma_wait3A_426 = arith.constant 0 : i32
      %dma_wait3A_427 = arith.constant 0 : i32
      %dma_wait3A_428 = arith.constant 0 : i32
      %dma_wait3A_429 = tpu.memref_slice %arg11[%dma_wait3A_426, %dma_wait3A_427, %dma_wait3A_428] : memref<8x125x64xf32, #tpu.memory_space<vmem>> -> memref<1x125x64xf32, #tpu.memory_space<vmem>>
      %dma_wait3A_430 = tpu.memref_squeeze %dma_wait3A_429 : memref<1x125x64xf32, #tpu.memory_space<vmem>> -> memref<125x64xf32, #tpu.memory_space<vmem>>
      %dma_wait3A_431 = arith.constant 0 : i32
      %dma_wait3A_432 = tpu.memref_slice %arg9[%add3A_425, %dma_wait3A_431] : memref<80x125xi32, #tpu.memory_space<vmem>> -> memref<1x125xi32, #tpu.memory_space<vmem>>
      %dma_wait3A_433 = tpu.memref_squeeze %dma_wait3A_432 : memref<1x125xi32, #tpu.memory_space<vmem>> -> memref<125xi32, #tpu.memory_space<vmem>>
      %dma_wait3A_434 = arith.constant 0 : i32
      %dma_wait3A_435 = arith.constant 0 : i32
      %dma_wait3A_436 = tpu.memref_slice %arg3[%dma_wait3A_434, %dma_wait3A_435] : memref<10000x64xf32, #tpu.memory_space<hbm>> -> memref<10000x64xf32, #tpu.memory_space<hbm>>
      tpu.wait_indirect_dma semaphore(%arg13 : memref<!tpu.dma_semaphore, #tpu.memory_space<semaphore_mem>>) src(%dma_wait3A_436 : memref<10000x64xf32, #tpu.memory_space<hbm>>) dst(%dma_wait3A_430 : memref<125x64xf32, #tpu.memory_space<vmem>>)
      %add3A_437 = arith.constant 0 : i32
      %add3A_438 = arith.addi %mul3A_423, %add3A_437 : i32
      %dma_start3A_439 = arith.constant 0 : i32
      %dma_start3A_440 = arith.constant 0 : i32
      %dma_start3A_441 = arith.constant 0 : i32
      %dma_start3A_442 = tpu.memref_slice %arg11[%dma_start3A_439, %dma_start3A_440, %dma_start3A_441] : memref<8x125x64xf32, #tpu.memory_space<vmem>> -> memref<1x125x64xf32, #tpu.memory_space<vmem>>
      %dma_start3A_443 = tpu.memref_squeeze %dma_start3A_442 : memref<1x125x64xf32, #tpu.memory_space<vmem>> -> memref<125x64xf32, #tpu.memory_space<vmem>>
      %dma_start3A_444 = arith.constant 0 : i32
      %dma_start3A_445 = tpu.memref_slice %arg10[%add3A_438, %dma_start3A_444] : memref<80x125xi32, #tpu.memory_space<vmem>> -> memref<1x125xi32, #tpu.memory_space<vmem>>
      %dma_start3A_446 = tpu.memref_squeeze %dma_start3A_445 : memref<1x125xi32, #tpu.memory_space<vmem>> -> memref<125xi32, #tpu.memory_space<vmem>>
      %dma_start3A_447 = arith.constant 0 : i32
      %dma_start3A_448 = arith.constant 0 : i32
      %dma_start3A_449 = tpu.memref_slice %arg12[%dma_start3A_447, %dma_start3A_448] : memref<10240x64xf32, #tpu.memory_space<vmem_shared>> -> memref<10240x64xf32, #tpu.memory_space<vmem_shared>>
      tpu.enqueue_indirect_dma source(%dma_start3A_443 : memref<125x64xf32, #tpu.memory_space<vmem>>) target(%dma_start3A_449 : memref<10240x64xf32, #tpu.memory_space<vmem_shared>>) offsets(%dma_start3A_446 : memref<125xi32, #tpu.memory_space<vmem>>) semaphore(%arg21 : memref<!tpu.dma_semaphore, #tpu.memory_space<semaphore_mem>>) {add = true}
      %add3A_450 = arith.constant 1 : i32
      %add3A_451 = arith.addi %mul3A_423, %add3A_450 : i32
      %dma_wait3A_452 = arith.constant 1 : i32
      %dma_wait3A_453 = arith.constant 0 : i32
      %dma_wait3A_454 = arith.constant 0 : i32
      %dma_wait3A_455 = tpu.memref_slice %arg11[%dma_wait3A_452, %dma_wait3A_453, %dma_wait3A_454] : memref<8x125x64xf32, #tpu.memory_space<vmem>> -> memref<1x125x64xf32, #tpu.memory_space<vmem>>
      %dma_wait3A_456 = tpu.memref_squeeze %dma_wait3A_455 : memref<1x125x64xf32, #tpu.memory_space<vmem>> -> memref<125x64xf32, #tpu.memory_space<vmem>>
      %dma_wait3A_457 = arith.constant 0 : i32
      %dma_wait3A_458 = tpu.memref_slice %arg9[%add3A_451, %dma_wait3A_457] : memref<80x125xi32, #tpu.memory_space<vmem>> -> memref<1x125xi32, #tpu.memory_space<vmem>>
      %dma_wait3A_459 = tpu.memref_squeeze %dma_wait3A_458 : memref<1x125xi32, #tpu.memory_space<vmem>> -> memref<125xi32, #tpu.memory_space<vmem>>
      %dma_wait3A_460 = arith.constant 0 : i32
      %dma_wait3A_461 = arith.constant 0 : i32
      %dma_wait3A_462 = tpu.memref_slice %arg3[%dma_wait3A_460, %dma_wait3A_461] : memref<10000x64xf32, #tpu.memory_space<hbm>> -> memref<10000x64xf32, #tpu.memory_space<hbm>>
      tpu.wait_indirect_dma semaphore(%arg14 : memref<!tpu.dma_semaphore, #tpu.memory_space<semaphore_mem>>) src(%dma_wait3A_462 : memref<10000x64xf32, #tpu.memory_space<hbm>>) dst(%dma_wait3A_456 : memref<125x64xf32, #tpu.memory_space<vmem>>)
      %add3A_463 = arith.constant 1 : i32
      %add3A_464 = arith.addi %mul3A_423, %add3A_463 : i32
      %dma_start3A_465 = arith.constant 1 : i32
      %dma_start3A_466 = arith.constant 0 : i32
      %dma_start3A_467 = arith.constant 0 : i32
      %dma_start3A_468 = tpu.memref_slice %arg11[%dma_start3A_465, %dma_start3A_466, %dma_start3A_467] : memref<8x125x64xf32, #tpu.memory_space<vmem>> -> memref<1x125x64xf32, #tpu.memory_space<vmem>>
      %dma_start3A_469 = tpu.memref_squeeze %dma_start3A_468 : memref<1x125x64xf32, #tpu.memory_space<vmem>> -> memref<125x64xf32, #tpu.memory_space<vmem>>
      %dma_start3A_470 = arith.constant 0 : i32
      %dma_start3A_471 = tpu.memref_slice %arg10[%add3A_464, %dma_start3A_470] : memref<80x125xi32, #tpu.memory_space<vmem>> -> memref<1x125xi32, #tpu.memory_space<vmem>>
      %dma_start3A_472 = tpu.memref_squeeze %dma_start3A_471 : memref<1x125xi32, #tpu.memory_space<vmem>> -> memref<125xi32, #tpu.memory_space<vmem>>
      %dma_start3A_473 = arith.constant 0 : i32
      %dma_start3A_474 = arith.constant 0 : i32
      %dma_start3A_475 = tpu.memref_slice %arg12[%dma_start3A_473, %dma_start3A_474] : memref<10240x64xf32, #tpu.memory_space<vmem_shared>> -> memref<10240x64xf32, #tpu.memory_space<vmem_shared>>
      tpu.enqueue_indirect_dma source(%dma_start3A_469 : memref<125x64xf32, #tpu.memory_space<vmem>>) target(%dma_start3A_475 : memref<10240x64xf32, #tpu.memory_space<vmem_shared>>) offsets(%dma_start3A_472 : memref<125xi32, #tpu.memory_space<vmem>>) semaphore(%arg22 : memref<!tpu.dma_semaphore, #tpu.memory_space<semaphore_mem>>) {add = true}
      %add3A_476 = arith.constant 2 : i32
      %add3A_477 = arith.addi %mul3A_423, %add3A_476 : i32
      %dma_wait3A_478 = arith.constant 2 : i32
      %dma_wait3A_479 = arith.constant 0 : i32
      %dma_wait3A_480 = arith.constant 0 : i32
      %dma_wait3A_481 = tpu.memref_slice %arg11[%dma_wait3A_478, %dma_wait3A_479, %dma_wait3A_480] : memref<8x125x64xf32, #tpu.memory_space<vmem>> -> memref<1x125x64xf32, #tpu.memory_space<vmem>>
      %dma_wait3A_482 = tpu.memref_squeeze %dma_wait3A_481 : memref<1x125x64xf32, #tpu.memory_space<vmem>> -> memref<125x64xf32, #tpu.memory_space<vmem>>
      %dma_wait3A_483 = arith.constant 0 : i32
      %dma_wait3A_484 = tpu.memref_slice %arg9[%add3A_477, %dma_wait3A_483] : memref<80x125xi32, #tpu.memory_space<vmem>> -> memref<1x125xi32, #tpu.memory_space<vmem>>
      %dma_wait3A_485 = tpu.memref_squeeze %dma_wait3A_484 : memref<1x125xi32, #tpu.memory_space<vmem>> -> memref<125xi32, #tpu.memory_space<vmem>>
      %dma_wait3A_486 = arith.constant 0 : i32
      %dma_wait3A_487 = arith.constant 0 : i32
      %dma_wait3A_488 = tpu.memref_slice %arg3[%dma_wait3A_486, %dma_wait3A_487] : memref<10000x64xf32, #tpu.memory_space<hbm>> -> memref<10000x64xf32, #tpu.memory_space<hbm>>
      tpu.wait_indirect_dma semaphore(%arg15 : memref<!tpu.dma_semaphore, #tpu.memory_space<semaphore_mem>>) src(%dma_wait3A_488 : memref<10000x64xf32, #tpu.memory_space<hbm>>) dst(%dma_wait3A_482 : memref<125x64xf32, #tpu.memory_space<vmem>>)
      %add3A_489 = arith.constant 2 : i32
      %add3A_490 = arith.addi %mul3A_423, %add3A_489 : i32
      %dma_start3A_491 = arith.constant 2 : i32
      %dma_start3A_492 = arith.constant 0 : i32
      %dma_start3A_493 = arith.constant 0 : i32
      %dma_start3A_494 = tpu.memref_slice %arg11[%dma_start3A_491, %dma_start3A_492, %dma_start3A_493] : memref<8x125x64xf32, #tpu.memory_space<vmem>> -> memref<1x125x64xf32, #tpu.memory_space<vmem>>
      %dma_start3A_495 = tpu.memref_squeeze %dma_start3A_494 : memref<1x125x64xf32, #tpu.memory_space<vmem>> -> memref<125x64xf32, #tpu.memory_space<vmem>>
      %dma_start3A_496 = arith.constant 0 : i32
      %dma_start3A_497 = tpu.memref_slice %arg10[%add3A_490, %dma_start3A_496] : memref<80x125xi32, #tpu.memory_space<vmem>> -> memref<1x125xi32, #tpu.memory_space<vmem>>
      %dma_start3A_498 = tpu.memref_squeeze %dma_start3A_497 : memref<1x125xi32, #tpu.memory_space<vmem>> -> memref<125xi32, #tpu.memory_space<vmem>>
      %dma_start3A_499 = arith.constant 0 : i32
      %dma_start3A_500 = arith.constant 0 : i32
      %dma_start3A_501 = tpu.memref_slice %arg12[%dma_start3A_499, %dma_start3A_500] : memref<10240x64xf32, #tpu.memory_space<vmem_shared>> -> memref<10240x64xf32, #tpu.memory_space<vmem_shared>>
      tpu.enqueue_indirect_dma source(%dma_start3A_495 : memref<125x64xf32, #tpu.memory_space<vmem>>) target(%dma_start3A_501 : memref<10240x64xf32, #tpu.memory_space<vmem_shared>>) offsets(%dma_start3A_498 : memref<125xi32, #tpu.memory_space<vmem>>) semaphore(%arg23 : memref<!tpu.dma_semaphore, #tpu.memory_space<semaphore_mem>>) {add = true}
      %add3A_502 = arith.constant 3 : i32
      %add3A_503 = arith.addi %mul3A_423, %add3A_502 : i32
      %dma_wait3A_504 = arith.constant 3 : i32
      %dma_wait3A_505 = arith.constant 0 : i32
      %dma_wait3A_506 = arith.constant 0 : i32
      %dma_wait3A_507 = tpu.memref_slice %arg11[%dma_wait3A_504, %dma_wait3A_505, %dma_wait3A_506] : memref<8x125x64xf32, #tpu.memory_space<vmem>> -> memref<1x125x64xf32, #tpu.memory_space<vmem>>
      %dma_wait3A_508 = tpu.memref_squeeze %dma_wait3A_507 : memref<1x125x64xf32, #tpu.memory_space<vmem>> -> memref<125x64xf32, #tpu.memory_space<vmem>>
      %dma_wait3A_509 = arith.constant 0 : i32
      %dma_wait3A_510 = tpu.memref_slice %arg9[%add3A_503, %dma_wait3A_509] : memref<80x125xi32, #tpu.memory_space<vmem>> -> memref<1x125xi32, #tpu.memory_space<vmem>>
      %dma_wait3A_511 = tpu.memref_squeeze %dma_wait3A_510 : memref<1x125xi32, #tpu.memory_space<vmem>> -> memref<125xi32, #tpu.memory_space<vmem>>
      %dma_wait3A_512 = arith.constant 0 : i32
      %dma_wait3A_513 = arith.constant 0 : i32
      %dma_wait3A_514 = tpu.memref_slice %arg3[%dma_wait3A_512, %dma_wait3A_513] : memref<10000x64xf32, #tpu.memory_space<hbm>> -> memref<10000x64xf32, #tpu.memory_space<hbm>>
      tpu.wait_indirect_dma semaphore(%arg16 : memref<!tpu.dma_semaphore, #tpu.memory_space<semaphore_mem>>) src(%dma_wait3A_514 : memref<10000x64xf32, #tpu.memory_space<hbm>>) dst(%dma_wait3A_508 : memref<125x64xf32, #tpu.memory_space<vmem>>)
      %add3A_515 = arith.constant 3 : i32
      %add3A_516 = arith.addi %mul3A_423, %add3A_515 : i32
      %dma_start3A_517 = arith.constant 3 : i32
      %dma_start3A_518 = arith.constant 0 : i32
      %dma_start3A_519 = arith.constant 0 : i32
      %dma_start3A_520 = tpu.memref_slice %arg11[%dma_start3A_517, %dma_start3A_518, %dma_start3A_519] : memref<8x125x64xf32, #tpu.memory_space<vmem>> -> memref<1x125x64xf32, #tpu.memory_space<vmem>>
      %dma_start3A_521 = tpu.memref_squeeze %dma_start3A_520 : memref<1x125x64xf32, #tpu.memory_space<vmem>> -> memref<125x64xf32, #tpu.memory_space<vmem>>
      %dma_start3A_522 = arith.constant 0 : i32
      %dma_start3A_523 = tpu.memref_slice %arg10[%add3A_516, %dma_start3A_522] : memref<80x125xi32, #tpu.memory_space<vmem>> -> memref<1x125xi32, #tpu.memory_space<vmem>>
      %dma_start3A_524 = tpu.memref_squeeze %dma_start3A_523 : memref<1x125xi32, #tpu.memory_space<vmem>> -> memref<125xi32, #tpu.memory_space<vmem>>
      %dma_start3A_525 = arith.constant 0 : i32
      %dma_start3A_526 = arith.constant 0 : i32
      %dma_start3A_527 = tpu.memref_slice %arg12[%dma_start3A_525, %dma_start3A_526] : memref<10240x64xf32, #tpu.memory_space<vmem_shared>> -> memref<10240x64xf32, #tpu.memory_space<vmem_shared>>
      tpu.enqueue_indirect_dma source(%dma_start3A_521 : memref<125x64xf32, #tpu.memory_space<vmem>>) target(%dma_start3A_527 : memref<10240x64xf32, #tpu.memory_space<vmem_shared>>) offsets(%dma_start3A_524 : memref<125xi32, #tpu.memory_space<vmem>>) semaphore(%arg24 : memref<!tpu.dma_semaphore, #tpu.memory_space<semaphore_mem>>) {add = true}
      %add3A_528 = arith.constant 4 : i32
      %add3A_529 = arith.addi %mul3A_423, %add3A_528 : i32
      %dma_wait3A_530 = arith.constant 4 : i32
      %dma_wait3A_531 = arith.constant 0 : i32
      %dma_wait3A_532 = arith.constant 0 : i32
      %dma_wait3A_533 = tpu.memref_slice %arg11[%dma_wait3A_530, %dma_wait3A_531, %dma_wait3A_532] : memref<8x125x64xf32, #tpu.memory_space<vmem>> -> memref<1x125x64xf32, #tpu.memory_space<vmem>>
      %dma_wait3A_534 = tpu.memref_squeeze %dma_wait3A_533 : memref<1x125x64xf32, #tpu.memory_space<vmem>> -> memref<125x64xf32, #tpu.memory_space<vmem>>
      %dma_wait3A_535 = arith.constant 0 : i32
      %dma_wait3A_536 = tpu.memref_slice %arg9[%add3A_529, %dma_wait3A_535] : memref<80x125xi32, #tpu.memory_space<vmem>> -> memref<1x125xi32, #tpu.memory_space<vmem>>
      %dma_wait3A_537 = tpu.memref_squeeze %dma_wait3A_536 : memref<1x125xi32, #tpu.memory_space<vmem>> -> memref<125xi32, #tpu.memory_space<vmem>>
      %dma_wait3A_538 = arith.constant 0 : i32
      %dma_wait3A_539 = arith.constant 0 : i32
      %dma_wait3A_540 = tpu.memref_slice %arg3[%dma_wait3A_538, %dma_wait3A_539] : memref<10000x64xf32, #tpu.memory_space<hbm>> -> memref<10000x64xf32, #tpu.memory_space<hbm>>
      tpu.wait_indirect_dma semaphore(%arg17 : memref<!tpu.dma_semaphore, #tpu.memory_space<semaphore_mem>>) src(%dma_wait3A_540 : memref<10000x64xf32, #tpu.memory_space<hbm>>) dst(%dma_wait3A_534 : memref<125x64xf32, #tpu.memory_space<vmem>>)
      %add3A_541 = arith.constant 4 : i32
      %add3A_542 = arith.addi %mul3A_423, %add3A_541 : i32
      %dma_start3A_543 = arith.constant 4 : i32
      %dma_start3A_544 = arith.constant 0 : i32
      %dma_start3A_545 = arith.constant 0 : i32
      %dma_start3A_546 = tpu.memref_slice %arg11[%dma_start3A_543, %dma_start3A_544, %dma_start3A_545] : memref<8x125x64xf32, #tpu.memory_space<vmem>> -> memref<1x125x64xf32, #tpu.memory_space<vmem>>
      %dma_start3A_547 = tpu.memref_squeeze %dma_start3A_546 : memref<1x125x64xf32, #tpu.memory_space<vmem>> -> memref<125x64xf32, #tpu.memory_space<vmem>>
      %dma_start3A_548 = arith.constant 0 : i32
      %dma_start3A_549 = tpu.memref_slice %arg10[%add3A_542, %dma_start3A_548] : memref<80x125xi32, #tpu.memory_space<vmem>> -> memref<1x125xi32, #tpu.memory_space<vmem>>
      %dma_start3A_550 = tpu.memref_squeeze %dma_start3A_549 : memref<1x125xi32, #tpu.memory_space<vmem>> -> memref<125xi32, #tpu.memory_space<vmem>>
      %dma_start3A_551 = arith.constant 0 : i32
      %dma_start3A_552 = arith.constant 0 : i32
      %dma_start3A_553 = tpu.memref_slice %arg12[%dma_start3A_551, %dma_start3A_552] : memref<10240x64xf32, #tpu.memory_space<vmem_shared>> -> memref<10240x64xf32, #tpu.memory_space<vmem_shared>>
      tpu.enqueue_indirect_dma source(%dma_start3A_547 : memref<125x64xf32, #tpu.memory_space<vmem>>) target(%dma_start3A_553 : memref<10240x64xf32, #tpu.memory_space<vmem_shared>>) offsets(%dma_start3A_550 : memref<125xi32, #tpu.memory_space<vmem>>) semaphore(%arg25 : memref<!tpu.dma_semaphore, #tpu.memory_space<semaphore_mem>>) {add = true}
      %add3A_554 = arith.constant 5 : i32
      %add3A_555 = arith.addi %mul3A_423, %add3A_554 : i32
      %dma_wait3A_556 = arith.constant 5 : i32
      %dma_wait3A_557 = arith.constant 0 : i32
      %dma_wait3A_558 = arith.constant 0 : i32
      %dma_wait3A_559 = tpu.memref_slice %arg11[%dma_wait3A_556, %dma_wait3A_557, %dma_wait3A_558] : memref<8x125x64xf32, #tpu.memory_space<vmem>> -> memref<1x125x64xf32, #tpu.memory_space<vmem>>
      %dma_wait3A_560 = tpu.memref_squeeze %dma_wait3A_559 : memref<1x125x64xf32, #tpu.memory_space<vmem>> -> memref<125x64xf32, #tpu.memory_space<vmem>>
      %dma_wait3A_561 = arith.constant 0 : i32
      %dma_wait3A_562 = tpu.memref_slice %arg9[%add3A_555, %dma_wait3A_561] : memref<80x125xi32, #tpu.memory_space<vmem>> -> memref<1x125xi32, #tpu.memory_space<vmem>>
      %dma_wait3A_563 = tpu.memref_squeeze %dma_wait3A_562 : memref<1x125xi32, #tpu.memory_space<vmem>> -> memref<125xi32, #tpu.memory_space<vmem>>
      %dma_wait3A_564 = arith.constant 0 : i32
      %dma_wait3A_565 = arith.constant 0 : i32
      %dma_wait3A_566 = tpu.memref_slice %arg3[%dma_wait3A_564, %dma_wait3A_565] : memref<10000x64xf32, #tpu.memory_space<hbm>> -> memref<10000x64xf32, #tpu.memory_space<hbm>>
      tpu.wait_indirect_dma semaphore(%arg18 : memref<!tpu.dma_semaphore, #tpu.memory_space<semaphore_mem>>) src(%dma_wait3A_566 : memref<10000x64xf32, #tpu.memory_space<hbm>>) dst(%dma_wait3A_560 : memref<125x64xf32, #tpu.memory_space<vmem>>)
      %add3A_567 = arith.constant 5 : i32
      %add3A_568 = arith.addi %mul3A_423, %add3A_567 : i32
      %dma_start3A_569 = arith.constant 5 : i32
      %dma_start3A_570 = arith.constant 0 : i32
      %dma_start3A_571 = arith.constant 0 : i32
      %dma_start3A_572 = tpu.memref_slice %arg11[%dma_start3A_569, %dma_start3A_570, %dma_start3A_571] : memref<8x125x64xf32, #tpu.memory_space<vmem>> -> memref<1x125x64xf32, #tpu.memory_space<vmem>>
      %dma_start3A_573 = tpu.memref_squeeze %dma_start3A_572 : memref<1x125x64xf32, #tpu.memory_space<vmem>> -> memref<125x64xf32, #tpu.memory_space<vmem>>
      %dma_start3A_574 = arith.constant 0 : i32
      %dma_start3A_575 = tpu.memref_slice %arg10[%add3A_568, %dma_start3A_574] : memref<80x125xi32, #tpu.memory_space<vmem>> -> memref<1x125xi32, #tpu.memory_space<vmem>>
      %dma_start3A_576 = tpu.memref_squeeze %dma_start3A_575 : memref<1x125xi32, #tpu.memory_space<vmem>> -> memref<125xi32, #tpu.memory_space<vmem>>
      %dma_start3A_577 = arith.constant 0 : i32
      %dma_start3A_578 = arith.constant 0 : i32
      %dma_start3A_579 = tpu.memref_slice %arg12[%dma_start3A_577, %dma_start3A_578] : memref<10240x64xf32, #tpu.memory_space<vmem_shared>> -> memref<10240x64xf32, #tpu.memory_space<vmem_shared>>
      tpu.enqueue_indirect_dma source(%dma_start3A_573 : memref<125x64xf32, #tpu.memory_space<vmem>>) target(%dma_start3A_579 : memref<10240x64xf32, #tpu.memory_space<vmem_shared>>) offsets(%dma_start3A_576 : memref<125xi32, #tpu.memory_space<vmem>>) semaphore(%arg26 : memref<!tpu.dma_semaphore, #tpu.memory_space<semaphore_mem>>) {add = true}
      %add3A_580 = arith.constant 6 : i32
      %add3A_581 = arith.addi %mul3A_423, %add3A_580 : i32
      %dma_wait3A_582 = arith.constant 6 : i32
      %dma_wait3A_583 = arith.constant 0 : i32
      %dma_wait3A_584 = arith.constant 0 : i32
      %dma_wait3A_585 = tpu.memref_slice %arg11[%dma_wait3A_582, %dma_wait3A_583, %dma_wait3A_584] : memref<8x125x64xf32, #tpu.memory_space<vmem>> -> memref<1x125x64xf32, #tpu.memory_space<vmem>>
      %dma_wait3A_586 = tpu.memref_squeeze %dma_wait3A_585 : memref<1x125x64xf32, #tpu.memory_space<vmem>> -> memref<125x64xf32, #tpu.memory_space<vmem>>
      %dma_wait3A_587 = arith.constant 0 : i32
      %dma_wait3A_588 = tpu.memref_slice %arg9[%add3A_581, %dma_wait3A_587] : memref<80x125xi32, #tpu.memory_space<vmem>> -> memref<1x125xi32, #tpu.memory_space<vmem>>
      %dma_wait3A_589 = tpu.memref_squeeze %dma_wait3A_588 : memref<1x125xi32, #tpu.memory_space<vmem>> -> memref<125xi32, #tpu.memory_space<vmem>>
      %dma_wait3A_590 = arith.constant 0 : i32
      %dma_wait3A_591 = arith.constant 0 : i32
      %dma_wait3A_592 = tpu.memref_slice %arg3[%dma_wait3A_590, %dma_wait3A_591] : memref<10000x64xf32, #tpu.memory_space<hbm>> -> memref<10000x64xf32, #tpu.memory_space<hbm>>
      tpu.wait_indirect_dma semaphore(%arg19 : memref<!tpu.dma_semaphore, #tpu.memory_space<semaphore_mem>>) src(%dma_wait3A_592 : memref<10000x64xf32, #tpu.memory_space<hbm>>) dst(%dma_wait3A_586 : memref<125x64xf32, #tpu.memory_space<vmem>>)
      %add3A_593 = arith.constant 6 : i32
      %add3A_594 = arith.addi %mul3A_423, %add3A_593 : i32
      %dma_start3A_595 = arith.constant 6 : i32
      %dma_start3A_596 = arith.constant 0 : i32
      %dma_start3A_597 = arith.constant 0 : i32
      %dma_start3A_598 = tpu.memref_slice %arg11[%dma_start3A_595, %dma_start3A_596, %dma_start3A_597] : memref<8x125x64xf32, #tpu.memory_space<vmem>> -> memref<1x125x64xf32, #tpu.memory_space<vmem>>
      %dma_start3A_599 = tpu.memref_squeeze %dma_start3A_598 : memref<1x125x64xf32, #tpu.memory_space<vmem>> -> memref<125x64xf32, #tpu.memory_space<vmem>>
      %dma_start3A_600 = arith.constant 0 : i32
      %dma_start3A_601 = tpu.memref_slice %arg10[%add3A_594, %dma_start3A_600] : memref<80x125xi32, #tpu.memory_space<vmem>> -> memref<1x125xi32, #tpu.memory_space<vmem>>
      %dma_start3A_602 = tpu.memref_squeeze %dma_start3A_601 : memref<1x125xi32, #tpu.memory_space<vmem>> -> memref<125xi32, #tpu.memory_space<vmem>>
      %dma_start3A_603 = arith.constant 0 : i32
      %dma_start3A_604 = arith.constant 0 : i32
      %dma_start3A_605 = tpu.memref_slice %arg12[%dma_start3A_603, %dma_start3A_604] : memref<10240x64xf32, #tpu.memory_space<vmem_shared>> -> memref<10240x64xf32, #tpu.memory_space<vmem_shared>>
      tpu.enqueue_indirect_dma source(%dma_start3A_599 : memref<125x64xf32, #tpu.memory_space<vmem>>) target(%dma_start3A_605 : memref<10240x64xf32, #tpu.memory_space<vmem_shared>>) offsets(%dma_start3A_602 : memref<125xi32, #tpu.memory_space<vmem>>) semaphore(%arg27 : memref<!tpu.dma_semaphore, #tpu.memory_space<semaphore_mem>>) {add = true}
      %add3A_606 = arith.constant 7 : i32
      %add3A_607 = arith.addi %mul3A_423, %add3A_606 : i32
      %dma_wait3A_608 = arith.constant 7 : i32
      %dma_wait3A_609 = arith.constant 0 : i32
      %dma_wait3A_610 = arith.constant 0 : i32
      %dma_wait3A_611 = tpu.memref_slice %arg11[%dma_wait3A_608, %dma_wait3A_609, %dma_wait3A_610] : memref<8x125x64xf32, #tpu.memory_space<vmem>> -> memref<1x125x64xf32, #tpu.memory_space<vmem>>
      %dma_wait3A_612 = tpu.memref_squeeze %dma_wait3A_611 : memref<1x125x64xf32, #tpu.memory_space<vmem>> -> memref<125x64xf32, #tpu.memory_space<vmem>>
      %dma_wait3A_613 = arith.constant 0 : i32
      %dma_wait3A_614 = tpu.memref_slice %arg9[%add3A_607, %dma_wait3A_613] : memref<80x125xi32, #tpu.memory_space<vmem>> -> memref<1x125xi32, #tpu.memory_space<vmem>>
      %dma_wait3A_615 = tpu.memref_squeeze %dma_wait3A_614 : memref<1x125xi32, #tpu.memory_space<vmem>> -> memref<125xi32, #tpu.memory_space<vmem>>
      %dma_wait3A_616 = arith.constant 0 : i32
      %dma_wait3A_617 = arith.constant 0 : i32
      %dma_wait3A_618 = tpu.memref_slice %arg3[%dma_wait3A_616, %dma_wait3A_617] : memref<10000x64xf32, #tpu.memory_space<hbm>> -> memref<10000x64xf32, #tpu.memory_space<hbm>>
      tpu.wait_indirect_dma semaphore(%arg20 : memref<!tpu.dma_semaphore, #tpu.memory_space<semaphore_mem>>) src(%dma_wait3A_618 : memref<10000x64xf32, #tpu.memory_space<hbm>>) dst(%dma_wait3A_612 : memref<125x64xf32, #tpu.memory_space<vmem>>)
      %add3A_619 = arith.constant 7 : i32
      %add3A_620 = arith.addi %mul3A_423, %add3A_619 : i32
      %dma_start3A_621 = arith.constant 7 : i32
      %dma_start3A_622 = arith.constant 0 : i32
      %dma_start3A_623 = arith.constant 0 : i32
      %dma_start3A_624 = tpu.memref_slice %arg11[%dma_start3A_621, %dma_start3A_622, %dma_start3A_623] : memref<8x125x64xf32, #tpu.memory_space<vmem>> -> memref<1x125x64xf32, #tpu.memory_space<vmem>>
      %dma_start3A_625 = tpu.memref_squeeze %dma_start3A_624 : memref<1x125x64xf32, #tpu.memory_space<vmem>> -> memref<125x64xf32, #tpu.memory_space<vmem>>
      %dma_start3A_626 = arith.constant 0 : i32
      %dma_start3A_627 = tpu.memref_slice %arg10[%add3A_620, %dma_start3A_626] : memref<80x125xi32, #tpu.memory_space<vmem>> -> memref<1x125xi32, #tpu.memory_space<vmem>>
      %dma_start3A_628 = tpu.memref_squeeze %dma_start3A_627 : memref<1x125xi32, #tpu.memory_space<vmem>> -> memref<125xi32, #tpu.memory_space<vmem>>
      %dma_start3A_629 = arith.constant 0 : i32
      %dma_start3A_630 = arith.constant 0 : i32
      %dma_start3A_631 = tpu.memref_slice %arg12[%dma_start3A_629, %dma_start3A_630] : memref<10240x64xf32, #tpu.memory_space<vmem_shared>> -> memref<10240x64xf32, #tpu.memory_space<vmem_shared>>
      tpu.enqueue_indirect_dma source(%dma_start3A_625 : memref<125x64xf32, #tpu.memory_space<vmem>>) target(%dma_start3A_631 : memref<10240x64xf32, #tpu.memory_space<vmem_shared>>) offsets(%dma_start3A_628 : memref<125xi32, #tpu.memory_space<vmem>>) semaphore(%arg28 : memref<!tpu.dma_semaphore, #tpu.memory_space<semaphore_mem>>) {add = true}
      %add3A_632 = arith.constant 0 : i32
      %add3A_633 = arith.addi %mul3A_423, %add3A_632 : i32
      %add3A_634 = arith.constant 8 : i32
      %add3A_635 = arith.addi %add3A_633, %add3A_634 : i32
      %lt3A = arith.constant 80 : i32
      %lt3A_636 = arith.cmpi slt, %add3A_635, %lt3A : i32
      %convert_element_type3A = arith.extui %lt3A_636 : i1 to i32
      %cond3A = arith.constant 0 : i32
      %cond3A_637 = arith.cmpi ne, %convert_element_type3A, %cond3A : i32
      scf.if %cond3A_637 {
        %add3A_701 = arith.constant 0 : i32
        %add3A_702 = arith.addi %mul3A_423, %add3A_701 : i32
        %dma_wait3A_703 = arith.constant 0 : i32
        %dma_wait3A_704 = arith.constant 0 : i32
        %dma_wait3A_705 = arith.constant 0 : i32
        %dma_wait3A_706 = tpu.memref_slice %arg11[%dma_wait3A_703, %dma_wait3A_704, %dma_wait3A_705] : memref<8x125x64xf32, #tpu.memory_space<vmem>> -> memref<1x125x64xf32, #tpu.memory_space<vmem>>
        %dma_wait3A_707 = tpu.memref_squeeze %dma_wait3A_706 : memref<1x125x64xf32, #tpu.memory_space<vmem>> -> memref<125x64xf32, #tpu.memory_space<vmem>>
        %dma_wait3A_708 = arith.constant 0 : i32
        %dma_wait3A_709 = tpu.memref_slice %arg10[%add3A_702, %dma_wait3A_708] : memref<80x125xi32, #tpu.memory_space<vmem>> -> memref<1x125xi32, #tpu.memory_space<vmem>>
        %dma_wait3A_710 = tpu.memref_squeeze %dma_wait3A_709 : memref<1x125xi32, #tpu.memory_space<vmem>> -> memref<125xi32, #tpu.memory_space<vmem>>
        %dma_wait3A_711 = arith.constant 0 : i32
        %dma_wait3A_712 = arith.constant 0 : i32
        %dma_wait3A_713 = tpu.memref_slice %arg12[%dma_wait3A_711, %dma_wait3A_712] : memref<10240x64xf32, #tpu.memory_space<vmem_shared>> -> memref<10240x64xf32, #tpu.memory_space<vmem_shared>>
        tpu.wait_indirect_dma semaphore(%arg21 : memref<!tpu.dma_semaphore, #tpu.memory_space<semaphore_mem>>) src(%dma_wait3A_707 : memref<125x64xf32, #tpu.memory_space<vmem>>) dst(%dma_wait3A_713 : memref<10240x64xf32, #tpu.memory_space<vmem_shared>>)
        %add3A_714 = arith.constant 0 : i32
        %add3A_715 = arith.addi %mul3A_423, %add3A_714 : i32
        %add3A_716 = arith.constant 8 : i32
        %add3A_717 = arith.addi %add3A_715, %add3A_716 : i32
        %dma_start3A_718 = arith.constant 0 : i32
        %dma_start3A_719 = arith.constant 0 : i32
        %dma_start3A_720 = arith.constant 0 : i32
        %dma_start3A_721 = tpu.memref_slice %arg11[%dma_start3A_718, %dma_start3A_719, %dma_start3A_720] : memref<8x125x64xf32, #tpu.memory_space<vmem>> -> memref<1x125x64xf32, #tpu.memory_space<vmem>>
        %dma_start3A_722 = tpu.memref_squeeze %dma_start3A_721 : memref<1x125x64xf32, #tpu.memory_space<vmem>> -> memref<125x64xf32, #tpu.memory_space<vmem>>
        %dma_start3A_723 = arith.constant 0 : i32
        %dma_start3A_724 = tpu.memref_slice %arg9[%add3A_717, %dma_start3A_723] : memref<80x125xi32, #tpu.memory_space<vmem>> -> memref<1x125xi32, #tpu.memory_space<vmem>>
        %dma_start3A_725 = tpu.memref_squeeze %dma_start3A_724 : memref<1x125xi32, #tpu.memory_space<vmem>> -> memref<125xi32, #tpu.memory_space<vmem>>
        %dma_start3A_726 = arith.constant 0 : i32
        %dma_start3A_727 = arith.constant 0 : i32
        %dma_start3A_728 = tpu.memref_slice %arg3[%dma_start3A_726, %dma_start3A_727] : memref<10000x64xf32, #tpu.memory_space<hbm>> -> memref<10000x64xf32, #tpu.memory_space<hbm>>
        tpu.enqueue_indirect_dma source(%dma_start3A_728 : memref<10000x64xf32, #tpu.memory_space<hbm>>) target(%dma_start3A_722 : memref<125x64xf32, #tpu.memory_space<vmem>>) offsets(%dma_start3A_725 : memref<125xi32, #tpu.memory_space<vmem>>) semaphore(%arg13 : memref<!tpu.dma_semaphore, #tpu.memory_space<semaphore_mem>>)
      } else {
      }
      %add3A_638 = arith.constant 1 : i32
      %add3A_639 = arith.addi %mul3A_423, %add3A_638 : i32
      %add3A_640 = arith.constant 8 : i32
      %add3A_641 = arith.addi %add3A_639, %add3A_640 : i32
      %lt3A_642 = arith.constant 80 : i32
      %lt3A_643 = arith.cmpi slt, %add3A_641, %lt3A_642 : i32
      %convert_element_type3A_644 = arith.extui %lt3A_643 : i1 to i32
      %cond3A_645 = arith.constant 0 : i32
      %cond3A_646 = arith.cmpi ne, %convert_element_type3A_644, %cond3A_645 : i32
      scf.if %cond3A_646 {
        %add3A_701 = arith.constant 1 : i32
        %add3A_702 = arith.addi %mul3A_423, %add3A_701 : i32
        %dma_wait3A_703 = arith.constant 1 : i32
        %dma_wait3A_704 = arith.constant 0 : i32
        %dma_wait3A_705 = arith.constant 0 : i32
        %dma_wait3A_706 = tpu.memref_slice %arg11[%dma_wait3A_703, %dma_wait3A_704, %dma_wait3A_705] : memref<8x125x64xf32, #tpu.memory_space<vmem>> -> memref<1x125x64xf32, #tpu.memory_space<vmem>>
        %dma_wait3A_707 = tpu.memref_squeeze %dma_wait3A_706 : memref<1x125x64xf32, #tpu.memory_space<vmem>> -> memref<125x64xf32, #tpu.memory_space<vmem>>
        %dma_wait3A_708 = arith.constant 0 : i32
        %dma_wait3A_709 = tpu.memref_slice %arg10[%add3A_702, %dma_wait3A_708] : memref<80x125xi32, #tpu.memory_space<vmem>> -> memref<1x125xi32, #tpu.memory_space<vmem>>
        %dma_wait3A_710 = tpu.memref_squeeze %dma_wait3A_709 : memref<1x125xi32, #tpu.memory_space<vmem>> -> memref<125xi32, #tpu.memory_space<vmem>>
        %dma_wait3A_711 = arith.constant 0 : i32
        %dma_wait3A_712 = arith.constant 0 : i32
        %dma_wait3A_713 = tpu.memref_slice %arg12[%dma_wait3A_711, %dma_wait3A_712] : memref<10240x64xf32, #tpu.memory_space<vmem_shared>> -> memref<10240x64xf32, #tpu.memory_space<vmem_shared>>
        tpu.wait_indirect_dma semaphore(%arg22 : memref<!tpu.dma_semaphore, #tpu.memory_space<semaphore_mem>>) src(%dma_wait3A_707 : memref<125x64xf32, #tpu.memory_space<vmem>>) dst(%dma_wait3A_713 : memref<10240x64xf32, #tpu.memory_space<vmem_shared>>)
        %add3A_714 = arith.constant 1 : i32
        %add3A_715 = arith.addi %mul3A_423, %add3A_714 : i32
        %add3A_716 = arith.constant 8 : i32
        %add3A_717 = arith.addi %add3A_715, %add3A_716 : i32
        %dma_start3A_718 = arith.constant 1 : i32
        %dma_start3A_719 = arith.constant 0 : i32
        %dma_start3A_720 = arith.constant 0 : i32
        %dma_start3A_721 = tpu.memref_slice %arg11[%dma_start3A_718, %dma_start3A_719, %dma_start3A_720] : memref<8x125x64xf32, #tpu.memory_space<vmem>> -> memref<1x125x64xf32, #tpu.memory_space<vmem>>
        %dma_start3A_722 = tpu.memref_squeeze %dma_start3A_721 : memref<1x125x64xf32, #tpu.memory_space<vmem>> -> memref<125x64xf32, #tpu.memory_space<vmem>>
        %dma_start3A_723 = arith.constant 0 : i32
        %dma_start3A_724 = tpu.memref_slice %arg9[%add3A_717, %dma_start3A_723] : memref<80x125xi32, #tpu.memory_space<vmem>> -> memref<1x125xi32, #tpu.memory_space<vmem>>
        %dma_start3A_725 = tpu.memref_squeeze %dma_start3A_724 : memref<1x125xi32, #tpu.memory_space<vmem>> -> memref<125xi32, #tpu.memory_space<vmem>>
        %dma_start3A_726 = arith.constant 0 : i32
        %dma_start3A_727 = arith.constant 0 : i32
        %dma_start3A_728 = tpu.memref_slice %arg3[%dma_start3A_726, %dma_start3A_727] : memref<10000x64xf32, #tpu.memory_space<hbm>> -> memref<10000x64xf32, #tpu.memory_space<hbm>>
        tpu.enqueue_indirect_dma source(%dma_start3A_728 : memref<10000x64xf32, #tpu.memory_space<hbm>>) target(%dma_start3A_722 : memref<125x64xf32, #tpu.memory_space<vmem>>) offsets(%dma_start3A_725 : memref<125xi32, #tpu.memory_space<vmem>>) semaphore(%arg14 : memref<!tpu.dma_semaphore, #tpu.memory_space<semaphore_mem>>)
      } else {
      }
      %add3A_647 = arith.constant 2 : i32
      %add3A_648 = arith.addi %mul3A_423, %add3A_647 : i32
      %add3A_649 = arith.constant 8 : i32
      %add3A_650 = arith.addi %add3A_648, %add3A_649 : i32
      %lt3A_651 = arith.constant 80 : i32
      %lt3A_652 = arith.cmpi slt, %add3A_650, %lt3A_651 : i32
      %convert_element_type3A_653 = arith.extui %lt3A_652 : i1 to i32
      %cond3A_654 = arith.constant 0 : i32
      %cond3A_655 = arith.cmpi ne, %convert_element_type3A_653, %cond3A_654 : i32
      scf.if %cond3A_655 {
        %add3A_701 = arith.constant 2 : i32
        %add3A_702 = arith.addi %mul3A_423, %add3A_701 : i32
        %dma_wait3A_703 = arith.constant 2 : i32
        %dma_wait3A_704 = arith.constant 0 : i32
        %dma_wait3A_705 = arith.constant 0 : i32
        %dma_wait3A_706 = tpu.memref_slice %arg11[%dma_wait3A_703, %dma_wait3A_704, %dma_wait3A_705] : memref<8x125x64xf32, #tpu.memory_space<vmem>> -> memref<1x125x64xf32, #tpu.memory_space<vmem>>
        %dma_wait3A_707 = tpu.memref_squeeze %dma_wait3A_706 : memref<1x125x64xf32, #tpu.memory_space<vmem>> -> memref<125x64xf32, #tpu.memory_space<vmem>>
        %dma_wait3A_708 = arith.constant 0 : i32
        %dma_wait3A_709 = tpu.memref_slice %arg10[%add3A_702, %dma_wait3A_708] : memref<80x125xi32, #tpu.memory_space<vmem>> -> memref<1x125xi32, #tpu.memory_space<vmem>>
        %dma_wait3A_710 = tpu.memref_squeeze %dma_wait3A_709 : memref<1x125xi32, #tpu.memory_space<vmem>> -> memref<125xi32, #tpu.memory_space<vmem>>
        %dma_wait3A_711 = arith.constant 0 : i32
        %dma_wait3A_712 = arith.constant 0 : i32
        %dma_wait3A_713 = tpu.memref_slice %arg12[%dma_wait3A_711, %dma_wait3A_712] : memref<10240x64xf32, #tpu.memory_space<vmem_shared>> -> memref<10240x64xf32, #tpu.memory_space<vmem_shared>>
        tpu.wait_indirect_dma semaphore(%arg23 : memref<!tpu.dma_semaphore, #tpu.memory_space<semaphore_mem>>) src(%dma_wait3A_707 : memref<125x64xf32, #tpu.memory_space<vmem>>) dst(%dma_wait3A_713 : memref<10240x64xf32, #tpu.memory_space<vmem_shared>>)
        %add3A_714 = arith.constant 2 : i32
        %add3A_715 = arith.addi %mul3A_423, %add3A_714 : i32
        %add3A_716 = arith.constant 8 : i32
        %add3A_717 = arith.addi %add3A_715, %add3A_716 : i32
        %dma_start3A_718 = arith.constant 2 : i32
        %dma_start3A_719 = arith.constant 0 : i32
        %dma_start3A_720 = arith.constant 0 : i32
        %dma_start3A_721 = tpu.memref_slice %arg11[%dma_start3A_718, %dma_start3A_719, %dma_start3A_720] : memref<8x125x64xf32, #tpu.memory_space<vmem>> -> memref<1x125x64xf32, #tpu.memory_space<vmem>>
        %dma_start3A_722 = tpu.memref_squeeze %dma_start3A_721 : memref<1x125x64xf32, #tpu.memory_space<vmem>> -> memref<125x64xf32, #tpu.memory_space<vmem>>
        %dma_start3A_723 = arith.constant 0 : i32
        %dma_start3A_724 = tpu.memref_slice %arg9[%add3A_717, %dma_start3A_723] : memref<80x125xi32, #tpu.memory_space<vmem>> -> memref<1x125xi32, #tpu.memory_space<vmem>>
        %dma_start3A_725 = tpu.memref_squeeze %dma_start3A_724 : memref<1x125xi32, #tpu.memory_space<vmem>> -> memref<125xi32, #tpu.memory_space<vmem>>
        %dma_start3A_726 = arith.constant 0 : i32
        %dma_start3A_727 = arith.constant 0 : i32
        %dma_start3A_728 = tpu.memref_slice %arg3[%dma_start3A_726, %dma_start3A_727] : memref<10000x64xf32, #tpu.memory_space<hbm>> -> memref<10000x64xf32, #tpu.memory_space<hbm>>
        tpu.enqueue_indirect_dma source(%dma_start3A_728 : memref<10000x64xf32, #tpu.memory_space<hbm>>) target(%dma_start3A_722 : memref<125x64xf32, #tpu.memory_space<vmem>>) offsets(%dma_start3A_725 : memref<125xi32, #tpu.memory_space<vmem>>) semaphore(%arg15 : memref<!tpu.dma_semaphore, #tpu.memory_space<semaphore_mem>>)
      } else {
      }
      %add3A_656 = arith.constant 3 : i32
      %add3A_657 = arith.addi %mul3A_423, %add3A_656 : i32
      %add3A_658 = arith.constant 8 : i32
      %add3A_659 = arith.addi %add3A_657, %add3A_658 : i32
      %lt3A_660 = arith.constant 80 : i32
      %lt3A_661 = arith.cmpi slt, %add3A_659, %lt3A_660 : i32
      %convert_element_type3A_662 = arith.extui %lt3A_661 : i1 to i32
      %cond3A_663 = arith.constant 0 : i32
      %cond3A_664 = arith.cmpi ne, %convert_element_type3A_662, %cond3A_663 : i32
      scf.if %cond3A_664 {
        %add3A_701 = arith.constant 3 : i32
        %add3A_702 = arith.addi %mul3A_423, %add3A_701 : i32
        %dma_wait3A_703 = arith.constant 3 : i32
        %dma_wait3A_704 = arith.constant 0 : i32
        %dma_wait3A_705 = arith.constant 0 : i32
        %dma_wait3A_706 = tpu.memref_slice %arg11[%dma_wait3A_703, %dma_wait3A_704, %dma_wait3A_705] : memref<8x125x64xf32, #tpu.memory_space<vmem>> -> memref<1x125x64xf32, #tpu.memory_space<vmem>>
        %dma_wait3A_707 = tpu.memref_squeeze %dma_wait3A_706 : memref<1x125x64xf32, #tpu.memory_space<vmem>> -> memref<125x64xf32, #tpu.memory_space<vmem>>
        %dma_wait3A_708 = arith.constant 0 : i32
        %dma_wait3A_709 = tpu.memref_slice %arg10[%add3A_702, %dma_wait3A_708] : memref<80x125xi32, #tpu.memory_space<vmem>> -> memref<1x125xi32, #tpu.memory_space<vmem>>
        %dma_wait3A_710 = tpu.memref_squeeze %dma_wait3A_709 : memref<1x125xi32, #tpu.memory_space<vmem>> -> memref<125xi32, #tpu.memory_space<vmem>>
        %dma_wait3A_711 = arith.constant 0 : i32
        %dma_wait3A_712 = arith.constant 0 : i32
        %dma_wait3A_713 = tpu.memref_slice %arg12[%dma_wait3A_711, %dma_wait3A_712] : memref<10240x64xf32, #tpu.memory_space<vmem_shared>> -> memref<10240x64xf32, #tpu.memory_space<vmem_shared>>
        tpu.wait_indirect_dma semaphore(%arg24 : memref<!tpu.dma_semaphore, #tpu.memory_space<semaphore_mem>>) src(%dma_wait3A_707 : memref<125x64xf32, #tpu.memory_space<vmem>>) dst(%dma_wait3A_713 : memref<10240x64xf32, #tpu.memory_space<vmem_shared>>)
        %add3A_714 = arith.constant 3 : i32
        %add3A_715 = arith.addi %mul3A_423, %add3A_714 : i32
        %add3A_716 = arith.constant 8 : i32
        %add3A_717 = arith.addi %add3A_715, %add3A_716 : i32
        %dma_start3A_718 = arith.constant 3 : i32
        %dma_start3A_719 = arith.constant 0 : i32
        %dma_start3A_720 = arith.constant 0 : i32
        %dma_start3A_721 = tpu.memref_slice %arg11[%dma_start3A_718, %dma_start3A_719, %dma_start3A_720] : memref<8x125x64xf32, #tpu.memory_space<vmem>> -> memref<1x125x64xf32, #tpu.memory_space<vmem>>
        %dma_start3A_722 = tpu.memref_squeeze %dma_start3A_721 : memref<1x125x64xf32, #tpu.memory_space<vmem>> -> memref<125x64xf32, #tpu.memory_space<vmem>>
        %dma_start3A_723 = arith.constant 0 : i32
        %dma_start3A_724 = tpu.memref_slice %arg9[%add3A_717, %dma_start3A_723] : memref<80x125xi32, #tpu.memory_space<vmem>> -> memref<1x125xi32, #tpu.memory_space<vmem>>
        %dma_start3A_725 = tpu.memref_squeeze %dma_start3A_724 : memref<1x125xi32, #tpu.memory_space<vmem>> -> memref<125xi32, #tpu.memory_space<vmem>>
        %dma_start3A_726 = arith.constant 0 : i32
        %dma_start3A_727 = arith.constant 0 : i32
        %dma_start3A_728 = tpu.memref_slice %arg3[%dma_start3A_726, %dma_start3A_727] : memref<10000x64xf32, #tpu.memory_space<hbm>> -> memref<10000x64xf32, #tpu.memory_space<hbm>>
        tpu.enqueue_indirect_dma source(%dma_start3A_728 : memref<10000x64xf32, #tpu.memory_space<hbm>>) target(%dma_start3A_722 : memref<125x64xf32, #tpu.memory_space<vmem>>) offsets(%dma_start3A_725 : memref<125xi32, #tpu.memory_space<vmem>>) semaphore(%arg16 : memref<!tpu.dma_semaphore, #tpu.memory_space<semaphore_mem>>)
      } else {
      }
      %add3A_665 = arith.constant 4 : i32
      %add3A_666 = arith.addi %mul3A_423, %add3A_665 : i32
      %add3A_667 = arith.constant 8 : i32
      %add3A_668 = arith.addi %add3A_666, %add3A_667 : i32
      %lt3A_669 = arith.constant 80 : i32
      %lt3A_670 = arith.cmpi slt, %add3A_668, %lt3A_669 : i32
      %convert_element_type3A_671 = arith.extui %lt3A_670 : i1 to i32
      %cond3A_672 = arith.constant 0 : i32
      %cond3A_673 = arith.cmpi ne, %convert_element_type3A_671, %cond3A_672 : i32
      scf.if %cond3A_673 {
        %add3A_701 = arith.constant 4 : i32
        %add3A_702 = arith.addi %mul3A_423, %add3A_701 : i32
        %dma_wait3A_703 = arith.constant 4 : i32
        %dma_wait3A_704 = arith.constant 0 : i32
        %dma_wait3A_705 = arith.constant 0 : i32
        %dma_wait3A_706 = tpu.memref_slice %arg11[%dma_wait3A_703, %dma_wait3A_704, %dma_wait3A_705] : memref<8x125x64xf32, #tpu.memory_space<vmem>> -> memref<1x125x64xf32, #tpu.memory_space<vmem>>
        %dma_wait3A_707 = tpu.memref_squeeze %dma_wait3A_706 : memref<1x125x64xf32, #tpu.memory_space<vmem>> -> memref<125x64xf32, #tpu.memory_space<vmem>>
        %dma_wait3A_708 = arith.constant 0 : i32
        %dma_wait3A_709 = tpu.memref_slice %arg10[%add3A_702, %dma_wait3A_708] : memref<80x125xi32, #tpu.memory_space<vmem>> -> memref<1x125xi32, #tpu.memory_space<vmem>>
        %dma_wait3A_710 = tpu.memref_squeeze %dma_wait3A_709 : memref<1x125xi32, #tpu.memory_space<vmem>> -> memref<125xi32, #tpu.memory_space<vmem>>
        %dma_wait3A_711 = arith.constant 0 : i32
        %dma_wait3A_712 = arith.constant 0 : i32
        %dma_wait3A_713 = tpu.memref_slice %arg12[%dma_wait3A_711, %dma_wait3A_712] : memref<10240x64xf32, #tpu.memory_space<vmem_shared>> -> memref<10240x64xf32, #tpu.memory_space<vmem_shared>>
        tpu.wait_indirect_dma semaphore(%arg25 : memref<!tpu.dma_semaphore, #tpu.memory_space<semaphore_mem>>) src(%dma_wait3A_707 : memref<125x64xf32, #tpu.memory_space<vmem>>) dst(%dma_wait3A_713 : memref<10240x64xf32, #tpu.memory_space<vmem_shared>>)
        %add3A_714 = arith.constant 4 : i32
        %add3A_715 = arith.addi %mul3A_423, %add3A_714 : i32
        %add3A_716 = arith.constant 8 : i32
        %add3A_717 = arith.addi %add3A_715, %add3A_716 : i32
        %dma_start3A_718 = arith.constant 4 : i32
        %dma_start3A_719 = arith.constant 0 : i32
        %dma_start3A_720 = arith.constant 0 : i32
        %dma_start3A_721 = tpu.memref_slice %arg11[%dma_start3A_718, %dma_start3A_719, %dma_start3A_720] : memref<8x125x64xf32, #tpu.memory_space<vmem>> -> memref<1x125x64xf32, #tpu.memory_space<vmem>>
        %dma_start3A_722 = tpu.memref_squeeze %dma_start3A_721 : memref<1x125x64xf32, #tpu.memory_space<vmem>> -> memref<125x64xf32, #tpu.memory_space<vmem>>
        %dma_start3A_723 = arith.constant 0 : i32
        %dma_start3A_724 = tpu.memref_slice %arg9[%add3A_717, %dma_start3A_723] : memref<80x125xi32, #tpu.memory_space<vmem>> -> memref<1x125xi32, #tpu.memory_space<vmem>>
        %dma_start3A_725 = tpu.memref_squeeze %dma_start3A_724 : memref<1x125xi32, #tpu.memory_space<vmem>> -> memref<125xi32, #tpu.memory_space<vmem>>
        %dma_start3A_726 = arith.constant 0 : i32
        %dma_start3A_727 = arith.constant 0 : i32
        %dma_start3A_728 = tpu.memref_slice %arg3[%dma_start3A_726, %dma_start3A_727] : memref<10000x64xf32, #tpu.memory_space<hbm>> -> memref<10000x64xf32, #tpu.memory_space<hbm>>
        tpu.enqueue_indirect_dma source(%dma_start3A_728 : memref<10000x64xf32, #tpu.memory_space<hbm>>) target(%dma_start3A_722 : memref<125x64xf32, #tpu.memory_space<vmem>>) offsets(%dma_start3A_725 : memref<125xi32, #tpu.memory_space<vmem>>) semaphore(%arg17 : memref<!tpu.dma_semaphore, #tpu.memory_space<semaphore_mem>>)
      } else {
      }
      %add3A_674 = arith.constant 5 : i32
      %add3A_675 = arith.addi %mul3A_423, %add3A_674 : i32
      %add3A_676 = arith.constant 8 : i32
      %add3A_677 = arith.addi %add3A_675, %add3A_676 : i32
      %lt3A_678 = arith.constant 80 : i32
      %lt3A_679 = arith.cmpi slt, %add3A_677, %lt3A_678 : i32
      %convert_element_type3A_680 = arith.extui %lt3A_679 : i1 to i32
      %cond3A_681 = arith.constant 0 : i32
      %cond3A_682 = arith.cmpi ne, %convert_element_type3A_680, %cond3A_681 : i32
      scf.if %cond3A_682 {
        %add3A_701 = arith.constant 5 : i32
        %add3A_702 = arith.addi %mul3A_423, %add3A_701 : i32
        %dma_wait3A_703 = arith.constant 5 : i32
        %dma_wait3A_704 = arith.constant 0 : i32
        %dma_wait3A_705 = arith.constant 0 : i32
        %dma_wait3A_706 = tpu.memref_slice %arg11[%dma_wait3A_703, %dma_wait3A_704, %dma_wait3A_705] : memref<8x125x64xf32, #tpu.memory_space<vmem>> -> memref<1x125x64xf32, #tpu.memory_space<vmem>>
        %dma_wait3A_707 = tpu.memref_squeeze %dma_wait3A_706 : memref<1x125x64xf32, #tpu.memory_space<vmem>> -> memref<125x64xf32, #tpu.memory_space<vmem>>
        %dma_wait3A_708 = arith.constant 0 : i32
        %dma_wait3A_709 = tpu.memref_slice %arg10[%add3A_702, %dma_wait3A_708] : memref<80x125xi32, #tpu.memory_space<vmem>> -> memref<1x125xi32, #tpu.memory_space<vmem>>
        %dma_wait3A_710 = tpu.memref_squeeze %dma_wait3A_709 : memref<1x125xi32, #tpu.memory_space<vmem>> -> memref<125xi32, #tpu.memory_space<vmem>>
        %dma_wait3A_711 = arith.constant 0 : i32
        %dma_wait3A_712 = arith.constant 0 : i32
        %dma_wait3A_713 = tpu.memref_slice %arg12[%dma_wait3A_711, %dma_wait3A_712] : memref<10240x64xf32, #tpu.memory_space<vmem_shared>> -> memref<10240x64xf32, #tpu.memory_space<vmem_shared>>
        tpu.wait_indirect_dma semaphore(%arg26 : memref<!tpu.dma_semaphore, #tpu.memory_space<semaphore_mem>>) src(%dma_wait3A_707 : memref<125x64xf32, #tpu.memory_space<vmem>>) dst(%dma_wait3A_713 : memref<10240x64xf32, #tpu.memory_space<vmem_shared>>)
        %add3A_714 = arith.constant 5 : i32
        %add3A_715 = arith.addi %mul3A_423, %add3A_714 : i32
        %add3A_716 = arith.constant 8 : i32
        %add3A_717 = arith.addi %add3A_715, %add3A_716 : i32
        %dma_start3A_718 = arith.constant 5 : i32
        %dma_start3A_719 = arith.constant 0 : i32
        %dma_start3A_720 = arith.constant 0 : i32
        %dma_start3A_721 = tpu.memref_slice %arg11[%dma_start3A_718, %dma_start3A_719, %dma_start3A_720] : memref<8x125x64xf32, #tpu.memory_space<vmem>> -> memref<1x125x64xf32, #tpu.memory_space<vmem>>
        %dma_start3A_722 = tpu.memref_squeeze %dma_start3A_721 : memref<1x125x64xf32, #tpu.memory_space<vmem>> -> memref<125x64xf32, #tpu.memory_space<vmem>>
        %dma_start3A_723 = arith.constant 0 : i32
        %dma_start3A_724 = tpu.memref_slice %arg9[%add3A_717, %dma_start3A_723] : memref<80x125xi32, #tpu.memory_space<vmem>> -> memref<1x125xi32, #tpu.memory_space<vmem>>
        %dma_start3A_725 = tpu.memref_squeeze %dma_start3A_724 : memref<1x125xi32, #tpu.memory_space<vmem>> -> memref<125xi32, #tpu.memory_space<vmem>>
        %dma_start3A_726 = arith.constant 0 : i32
        %dma_start3A_727 = arith.constant 0 : i32
        %dma_start3A_728 = tpu.memref_slice %arg3[%dma_start3A_726, %dma_start3A_727] : memref<10000x64xf32, #tpu.memory_space<hbm>> -> memref<10000x64xf32, #tpu.memory_space<hbm>>
        tpu.enqueue_indirect_dma source(%dma_start3A_728 : memref<10000x64xf32, #tpu.memory_space<hbm>>) target(%dma_start3A_722 : memref<125x64xf32, #tpu.memory_space<vmem>>) offsets(%dma_start3A_725 : memref<125xi32, #tpu.memory_space<vmem>>) semaphore(%arg18 : memref<!tpu.dma_semaphore, #tpu.memory_space<semaphore_mem>>)
      } else {
      }
      %add3A_683 = arith.constant 6 : i32
      %add3A_684 = arith.addi %mul3A_423, %add3A_683 : i32
      %add3A_685 = arith.constant 8 : i32
      %add3A_686 = arith.addi %add3A_684, %add3A_685 : i32
      %lt3A_687 = arith.constant 80 : i32
      %lt3A_688 = arith.cmpi slt, %add3A_686, %lt3A_687 : i32
      %convert_element_type3A_689 = arith.extui %lt3A_688 : i1 to i32
      %cond3A_690 = arith.constant 0 : i32
      %cond3A_691 = arith.cmpi ne, %convert_element_type3A_689, %cond3A_690 : i32
      scf.if %cond3A_691 {
        %add3A_701 = arith.constant 6 : i32
        %add3A_702 = arith.addi %mul3A_423, %add3A_701 : i32
        %dma_wait3A_703 = arith.constant 6 : i32
        %dma_wait3A_704 = arith.constant 0 : i32
        %dma_wait3A_705 = arith.constant 0 : i32
        %dma_wait3A_706 = tpu.memref_slice %arg11[%dma_wait3A_703, %dma_wait3A_704, %dma_wait3A_705] : memref<8x125x64xf32, #tpu.memory_space<vmem>> -> memref<1x125x64xf32, #tpu.memory_space<vmem>>
        %dma_wait3A_707 = tpu.memref_squeeze %dma_wait3A_706 : memref<1x125x64xf32, #tpu.memory_space<vmem>> -> memref<125x64xf32, #tpu.memory_space<vmem>>
        %dma_wait3A_708 = arith.constant 0 : i32
        %dma_wait3A_709 = tpu.memref_slice %arg10[%add3A_702, %dma_wait3A_708] : memref<80x125xi32, #tpu.memory_space<vmem>> -> memref<1x125xi32, #tpu.memory_space<vmem>>
        %dma_wait3A_710 = tpu.memref_squeeze %dma_wait3A_709 : memref<1x125xi32, #tpu.memory_space<vmem>> -> memref<125xi32, #tpu.memory_space<vmem>>
        %dma_wait3A_711 = arith.constant 0 : i32
        %dma_wait3A_712 = arith.constant 0 : i32
        %dma_wait3A_713 = tpu.memref_slice %arg12[%dma_wait3A_711, %dma_wait3A_712] : memref<10240x64xf32, #tpu.memory_space<vmem_shared>> -> memref<10240x64xf32, #tpu.memory_space<vmem_shared>>
        tpu.wait_indirect_dma semaphore(%arg27 : memref<!tpu.dma_semaphore, #tpu.memory_space<semaphore_mem>>) src(%dma_wait3A_707 : memref<125x64xf32, #tpu.memory_space<vmem>>) dst(%dma_wait3A_713 : memref<10240x64xf32, #tpu.memory_space<vmem_shared>>)
        %add3A_714 = arith.constant 6 : i32
        %add3A_715 = arith.addi %mul3A_423, %add3A_714 : i32
        %add3A_716 = arith.constant 8 : i32
        %add3A_717 = arith.addi %add3A_715, %add3A_716 : i32
        %dma_start3A_718 = arith.constant 6 : i32
        %dma_start3A_719 = arith.constant 0 : i32
        %dma_start3A_720 = arith.constant 0 : i32
        %dma_start3A_721 = tpu.memref_slice %arg11[%dma_start3A_718, %dma_start3A_719, %dma_start3A_720] : memref<8x125x64xf32, #tpu.memory_space<vmem>> -> memref<1x125x64xf32, #tpu.memory_space<vmem>>
        %dma_start3A_722 = tpu.memref_squeeze %dma_start3A_721 : memref<1x125x64xf32, #tpu.memory_space<vmem>> -> memref<125x64xf32, #tpu.memory_space<vmem>>
        %dma_start3A_723 = arith.constant 0 : i32
        %dma_start3A_724 = tpu.memref_slice %arg9[%add3A_717, %dma_start3A_723] : memref<80x125xi32, #tpu.memory_space<vmem>> -> memref<1x125xi32, #tpu.memory_space<vmem>>
        %dma_start3A_725 = tpu.memref_squeeze %dma_start3A_724 : memref<1x125xi32, #tpu.memory_space<vmem>> -> memref<125xi32, #tpu.memory_space<vmem>>
        %dma_start3A_726 = arith.constant 0 : i32
        %dma_start3A_727 = arith.constant 0 : i32
        %dma_start3A_728 = tpu.memref_slice %arg3[%dma_start3A_726, %dma_start3A_727] : memref<10000x64xf32, #tpu.memory_space<hbm>> -> memref<10000x64xf32, #tpu.memory_space<hbm>>
        tpu.enqueue_indirect_dma source(%dma_start3A_728 : memref<10000x64xf32, #tpu.memory_space<hbm>>) target(%dma_start3A_722 : memref<125x64xf32, #tpu.memory_space<vmem>>) offsets(%dma_start3A_725 : memref<125xi32, #tpu.memory_space<vmem>>) semaphore(%arg19 : memref<!tpu.dma_semaphore, #tpu.memory_space<semaphore_mem>>)
      } else {
      }
      %add3A_692 = arith.constant 7 : i32
      %add3A_693 = arith.addi %mul3A_423, %add3A_692 : i32
      %add3A_694 = arith.constant 8 : i32
      %add3A_695 = arith.addi %add3A_693, %add3A_694 : i32
      %lt3A_696 = arith.constant 80 : i32
      %lt3A_697 = arith.cmpi slt, %add3A_695, %lt3A_696 : i32
      %convert_element_type3A_698 = arith.extui %lt3A_697 : i1 to i32
      %cond3A_699 = arith.constant 0 : i32
      %cond3A_700 = arith.cmpi ne, %convert_element_type3A_698, %cond3A_699 : i32
      scf.if %cond3A_700 {
        %add3A_701 = arith.constant 7 : i32
        %add3A_702 = arith.addi %mul3A_423, %add3A_701 : i32
        %dma_wait3A_703 = arith.constant 7 : i32
        %dma_wait3A_704 = arith.constant 0 : i32
        %dma_wait3A_705 = arith.constant 0 : i32
        %dma_wait3A_706 = tpu.memref_slice %arg11[%dma_wait3A_703, %dma_wait3A_704, %dma_wait3A_705] : memref<8x125x64xf32, #tpu.memory_space<vmem>> -> memref<1x125x64xf32, #tpu.memory_space<vmem>>
        %dma_wait3A_707 = tpu.memref_squeeze %dma_wait3A_706 : memref<1x125x64xf32, #tpu.memory_space<vmem>> -> memref<125x64xf32, #tpu.memory_space<vmem>>
        %dma_wait3A_708 = arith.constant 0 : i32
        %dma_wait3A_709 = tpu.memref_slice %arg10[%add3A_702, %dma_wait3A_708] : memref<80x125xi32, #tpu.memory_space<vmem>> -> memref<1x125xi32, #tpu.memory_space<vmem>>
        %dma_wait3A_710 = tpu.memref_squeeze %dma_wait3A_709 : memref<1x125xi32, #tpu.memory_space<vmem>> -> memref<125xi32, #tpu.memory_space<vmem>>
        %dma_wait3A_711 = arith.constant 0 : i32
        %dma_wait3A_712 = arith.constant 0 : i32
        %dma_wait3A_713 = tpu.memref_slice %arg12[%dma_wait3A_711, %dma_wait3A_712] : memref<10240x64xf32, #tpu.memory_space<vmem_shared>> -> memref<10240x64xf32, #tpu.memory_space<vmem_shared>>
        tpu.wait_indirect_dma semaphore(%arg28 : memref<!tpu.dma_semaphore, #tpu.memory_space<semaphore_mem>>) src(%dma_wait3A_707 : memref<125x64xf32, #tpu.memory_space<vmem>>) dst(%dma_wait3A_713 : memref<10240x64xf32, #tpu.memory_space<vmem_shared>>)
        %add3A_714 = arith.constant 7 : i32
        %add3A_715 = arith.addi %mul3A_423, %add3A_714 : i32
        %add3A_716 = arith.constant 8 : i32
        %add3A_717 = arith.addi %add3A_715, %add3A_716 : i32
        %dma_start3A_718 = arith.constant 7 : i32
        %dma_start3A_719 = arith.constant 0 : i32
        %dma_start3A_720 = arith.constant 0 : i32
        %dma_start3A_721 = tpu.memref_slice %arg11[%dma_start3A_718, %dma_start3A_719, %dma_start3A_720] : memref<8x125x64xf32, #tpu.memory_space<vmem>> -> memref<1x125x64xf32, #tpu.memory_space<vmem>>
        %dma_start3A_722 = tpu.memref_squeeze %dma_start3A_721 : memref<1x125x64xf32, #tpu.memory_space<vmem>> -> memref<125x64xf32, #tpu.memory_space<vmem>>
        %dma_start3A_723 = arith.constant 0 : i32
        %dma_start3A_724 = tpu.memref_slice %arg9[%add3A_717, %dma_start3A_723] : memref<80x125xi32, #tpu.memory_space<vmem>> -> memref<1x125xi32, #tpu.memory_space<vmem>>
        %dma_start3A_725 = tpu.memref_squeeze %dma_start3A_724 : memref<1x125xi32, #tpu.memory_space<vmem>> -> memref<125xi32, #tpu.memory_space<vmem>>
        %dma_start3A_726 = arith.constant 0 : i32
        %dma_start3A_727 = arith.constant 0 : i32
        %dma_start3A_728 = tpu.memref_slice %arg3[%dma_start3A_726, %dma_start3A_727] : memref<10000x64xf32, #tpu.memory_space<hbm>> -> memref<10000x64xf32, #tpu.memory_space<hbm>>
        tpu.enqueue_indirect_dma source(%dma_start3A_728 : memref<10000x64xf32, #tpu.memory_space<hbm>>) target(%dma_start3A_722 : memref<125x64xf32, #tpu.memory_space<vmem>>) offsets(%dma_start3A_725 : memref<125xi32, #tpu.memory_space<vmem>>) semaphore(%arg20 : memref<!tpu.dma_semaphore, #tpu.memory_space<semaphore_mem>>)
      } else {
      }
    }
    %scan3A_319 = arith.constant 10 : i32
    %dma_wait3A_320 = arith.constant 0 : i32
    %dma_wait3A_321 = arith.constant 72 : i32
    %dma_wait3A_322 = arith.constant 0 : i32
    %dma_wait3A_323 = arith.constant 0 : i32
    %dma_wait3A_324 = tpu.memref_slice %arg11[%dma_wait3A_320, %dma_wait3A_322, %dma_wait3A_323] : memref<8x125x64xf32, #tpu.memory_space<vmem>> -> memref<1x125x64xf32, #tpu.memory_space<vmem>>
    %dma_wait3A_325 = tpu.memref_squeeze %dma_wait3A_324 : memref<1x125x64xf32, #tpu.memory_space<vmem>> -> memref<125x64xf32, #tpu.memory_space<vmem>>
    %dma_wait3A_326 = arith.constant 0 : i32
    %dma_wait3A_327 = tpu.memref_slice %arg10[%dma_wait3A_321, %dma_wait3A_326] : memref<80x125xi32, #tpu.memory_space<vmem>> -> memref<1x125xi32, #tpu.memory_space<vmem>>
    %dma_wait3A_328 = tpu.memref_squeeze %dma_wait3A_327 : memref<1x125xi32, #tpu.memory_space<vmem>> -> memref<125xi32, #tpu.memory_space<vmem>>
    %dma_wait3A_329 = arith.constant 0 : i32
    %dma_wait3A_330 = arith.constant 0 : i32
    %dma_wait3A_331 = tpu.memref_slice %arg12[%dma_wait3A_329, %dma_wait3A_330] : memref<10240x64xf32, #tpu.memory_space<vmem_shared>> -> memref<10240x64xf32, #tpu.memory_space<vmem_shared>>
    tpu.wait_indirect_dma semaphore(%arg21 : memref<!tpu.dma_semaphore, #tpu.memory_space<semaphore_mem>>) src(%dma_wait3A_325 : memref<125x64xf32, #tpu.memory_space<vmem>>) dst(%dma_wait3A_331 : memref<10240x64xf32, #tpu.memory_space<vmem_shared>>)
    %dma_wait3A_332 = arith.constant 1 : i32
    %dma_wait3A_333 = arith.constant 73 : i32
    %dma_wait3A_334 = arith.constant 0 : i32
    %dma_wait3A_335 = arith.constant 0 : i32
    %dma_wait3A_336 = tpu.memref_slice %arg11[%dma_wait3A_332, %dma_wait3A_334, %dma_wait3A_335] : memref<8x125x64xf32, #tpu.memory_space<vmem>> -> memref<1x125x64xf32, #tpu.memory_space<vmem>>
    %dma_wait3A_337 = tpu.memref_squeeze %dma_wait3A_336 : memref<1x125x64xf32, #tpu.memory_space<vmem>> -> memref<125x64xf32, #tpu.memory_space<vmem>>
    %dma_wait3A_338 = arith.constant 0 : i32
    %dma_wait3A_339 = tpu.memref_slice %arg10[%dma_wait3A_333, %dma_wait3A_338] : memref<80x125xi32, #tpu.memory_space<vmem>> -> memref<1x125xi32, #tpu.memory_space<vmem>>
    %dma_wait3A_340 = tpu.memref_squeeze %dma_wait3A_339 : memref<1x125xi32, #tpu.memory_space<vmem>> -> memref<125xi32, #tpu.memory_space<vmem>>
    %dma_wait3A_341 = arith.constant 0 : i32
    %dma_wait3A_342 = arith.constant 0 : i32
    %dma_wait3A_343 = tpu.memref_slice %arg12[%dma_wait3A_341, %dma_wait3A_342] : memref<10240x64xf32, #tpu.memory_space<vmem_shared>> -> memref<10240x64xf32, #tpu.memory_space<vmem_shared>>
    tpu.wait_indirect_dma semaphore(%arg22 : memref<!tpu.dma_semaphore, #tpu.memory_space<semaphore_mem>>) src(%dma_wait3A_337 : memref<125x64xf32, #tpu.memory_space<vmem>>) dst(%dma_wait3A_343 : memref<10240x64xf32, #tpu.memory_space<vmem_shared>>)
    %dma_wait3A_344 = arith.constant 2 : i32
    %dma_wait3A_345 = arith.constant 74 : i32
    %dma_wait3A_346 = arith.constant 0 : i32
    %dma_wait3A_347 = arith.constant 0 : i32
    %dma_wait3A_348 = tpu.memref_slice %arg11[%dma_wait3A_344, %dma_wait3A_346, %dma_wait3A_347] : memref<8x125x64xf32, #tpu.memory_space<vmem>> -> memref<1x125x64xf32, #tpu.memory_space<vmem>>
    %dma_wait3A_349 = tpu.memref_squeeze %dma_wait3A_348 : memref<1x125x64xf32, #tpu.memory_space<vmem>> -> memref<125x64xf32, #tpu.memory_space<vmem>>
    %dma_wait3A_350 = arith.constant 0 : i32
    %dma_wait3A_351 = tpu.memref_slice %arg10[%dma_wait3A_345, %dma_wait3A_350] : memref<80x125xi32, #tpu.memory_space<vmem>> -> memref<1x125xi32, #tpu.memory_space<vmem>>
    %dma_wait3A_352 = tpu.memref_squeeze %dma_wait3A_351 : memref<1x125xi32, #tpu.memory_space<vmem>> -> memref<125xi32, #tpu.memory_space<vmem>>
    %dma_wait3A_353 = arith.constant 0 : i32
    %dma_wait3A_354 = arith.constant 0 : i32
    %dma_wait3A_355 = tpu.memref_slice %arg12[%dma_wait3A_353, %dma_wait3A_354] : memref<10240x64xf32, #tpu.memory_space<vmem_shared>> -> memref<10240x64xf32, #tpu.memory_space<vmem_shared>>
    tpu.wait_indirect_dma semaphore(%arg23 : memref<!tpu.dma_semaphore, #tpu.memory_space<semaphore_mem>>) src(%dma_wait3A_349 : memref<125x64xf32, #tpu.memory_space<vmem>>) dst(%dma_wait3A_355 : memref<10240x64xf32, #tpu.memory_space<vmem_shared>>)
    %dma_wait3A_356 = arith.constant 3 : i32
    %dma_wait3A_357 = arith.constant 75 : i32
    %dma_wait3A_358 = arith.constant 0 : i32
    %dma_wait3A_359 = arith.constant 0 : i32
    %dma_wait3A_360 = tpu.memref_slice %arg11[%dma_wait3A_356, %dma_wait3A_358, %dma_wait3A_359] : memref<8x125x64xf32, #tpu.memory_space<vmem>> -> memref<1x125x64xf32, #tpu.memory_space<vmem>>
    %dma_wait3A_361 = tpu.memref_squeeze %dma_wait3A_360 : memref<1x125x64xf32, #tpu.memory_space<vmem>> -> memref<125x64xf32, #tpu.memory_space<vmem>>
    %dma_wait3A_362 = arith.constant 0 : i32
    %dma_wait3A_363 = tpu.memref_slice %arg10[%dma_wait3A_357, %dma_wait3A_362] : memref<80x125xi32, #tpu.memory_space<vmem>> -> memref<1x125xi32, #tpu.memory_space<vmem>>
    %dma_wait3A_364 = tpu.memref_squeeze %dma_wait3A_363 : memref<1x125xi32, #tpu.memory_space<vmem>> -> memref<125xi32, #tpu.memory_space<vmem>>
    %dma_wait3A_365 = arith.constant 0 : i32
    %dma_wait3A_366 = arith.constant 0 : i32
    %dma_wait3A_367 = tpu.memref_slice %arg12[%dma_wait3A_365, %dma_wait3A_366] : memref<10240x64xf32, #tpu.memory_space<vmem_shared>> -> memref<10240x64xf32, #tpu.memory_space<vmem_shared>>
    tpu.wait_indirect_dma semaphore(%arg24 : memref<!tpu.dma_semaphore, #tpu.memory_space<semaphore_mem>>) src(%dma_wait3A_361 : memref<125x64xf32, #tpu.memory_space<vmem>>) dst(%dma_wait3A_367 : memref<10240x64xf32, #tpu.memory_space<vmem_shared>>)
    %dma_wait3A_368 = arith.constant 4 : i32
    %dma_wait3A_369 = arith.constant 76 : i32
    %dma_wait3A_370 = arith.constant 0 : i32
    %dma_wait3A_371 = arith.constant 0 : i32
    %dma_wait3A_372 = tpu.memref_slice %arg11[%dma_wait3A_368, %dma_wait3A_370, %dma_wait3A_371] : memref<8x125x64xf32, #tpu.memory_space<vmem>> -> memref<1x125x64xf32, #tpu.memory_space<vmem>>
    %dma_wait3A_373 = tpu.memref_squeeze %dma_wait3A_372 : memref<1x125x64xf32, #tpu.memory_space<vmem>> -> memref<125x64xf32, #tpu.memory_space<vmem>>
    %dma_wait3A_374 = arith.constant 0 : i32
    %dma_wait3A_375 = tpu.memref_slice %arg10[%dma_wait3A_369, %dma_wait3A_374] : memref<80x125xi32, #tpu.memory_space<vmem>> -> memref<1x125xi32, #tpu.memory_space<vmem>>
    %dma_wait3A_376 = tpu.memref_squeeze %dma_wait3A_375 : memref<1x125xi32, #tpu.memory_space<vmem>> -> memref<125xi32, #tpu.memory_space<vmem>>
    %dma_wait3A_377 = arith.constant 0 : i32
    %dma_wait3A_378 = arith.constant 0 : i32
    %dma_wait3A_379 = tpu.memref_slice %arg12[%dma_wait3A_377, %dma_wait3A_378] : memref<10240x64xf32, #tpu.memory_space<vmem_shared>> -> memref<10240x64xf32, #tpu.memory_space<vmem_shared>>
    tpu.wait_indirect_dma semaphore(%arg25 : memref<!tpu.dma_semaphore, #tpu.memory_space<semaphore_mem>>) src(%dma_wait3A_373 : memref<125x64xf32, #tpu.memory_space<vmem>>) dst(%dma_wait3A_379 : memref<10240x64xf32, #tpu.memory_space<vmem_shared>>)
    %dma_wait3A_380 = arith.constant 5 : i32
    %dma_wait3A_381 = arith.constant 77 : i32
    %dma_wait3A_382 = arith.constant 0 : i32
    %dma_wait3A_383 = arith.constant 0 : i32
    %dma_wait3A_384 = tpu.memref_slice %arg11[%dma_wait3A_380, %dma_wait3A_382, %dma_wait3A_383] : memref<8x125x64xf32, #tpu.memory_space<vmem>> -> memref<1x125x64xf32, #tpu.memory_space<vmem>>
    %dma_wait3A_385 = tpu.memref_squeeze %dma_wait3A_384 : memref<1x125x64xf32, #tpu.memory_space<vmem>> -> memref<125x64xf32, #tpu.memory_space<vmem>>
    %dma_wait3A_386 = arith.constant 0 : i32
    %dma_wait3A_387 = tpu.memref_slice %arg10[%dma_wait3A_381, %dma_wait3A_386] : memref<80x125xi32, #tpu.memory_space<vmem>> -> memref<1x125xi32, #tpu.memory_space<vmem>>
    %dma_wait3A_388 = tpu.memref_squeeze %dma_wait3A_387 : memref<1x125xi32, #tpu.memory_space<vmem>> -> memref<125xi32, #tpu.memory_space<vmem>>
    %dma_wait3A_389 = arith.constant 0 : i32
    %dma_wait3A_390 = arith.constant 0 : i32
    %dma_wait3A_391 = tpu.memref_slice %arg12[%dma_wait3A_389, %dma_wait3A_390] : memref<10240x64xf32, #tpu.memory_space<vmem_shared>> -> memref<10240x64xf32, #tpu.memory_space<vmem_shared>>
    tpu.wait_indirect_dma semaphore(%arg26 : memref<!tpu.dma_semaphore, #tpu.memory_space<semaphore_mem>>) src(%dma_wait3A_385 : memref<125x64xf32, #tpu.memory_space<vmem>>) dst(%dma_wait3A_391 : memref<10240x64xf32, #tpu.memory_space<vmem_shared>>)
    %dma_wait3A_392 = arith.constant 6 : i32
    %dma_wait3A_393 = arith.constant 78 : i32
    %dma_wait3A_394 = arith.constant 0 : i32
    %dma_wait3A_395 = arith.constant 0 : i32
    %dma_wait3A_396 = tpu.memref_slice %arg11[%dma_wait3A_392, %dma_wait3A_394, %dma_wait3A_395] : memref<8x125x64xf32, #tpu.memory_space<vmem>> -> memref<1x125x64xf32, #tpu.memory_space<vmem>>
    %dma_wait3A_397 = tpu.memref_squeeze %dma_wait3A_396 : memref<1x125x64xf32, #tpu.memory_space<vmem>> -> memref<125x64xf32, #tpu.memory_space<vmem>>
    %dma_wait3A_398 = arith.constant 0 : i32
    %dma_wait3A_399 = tpu.memref_slice %arg10[%dma_wait3A_393, %dma_wait3A_398] : memref<80x125xi32, #tpu.memory_space<vmem>> -> memref<1x125xi32, #tpu.memory_space<vmem>>
    %dma_wait3A_400 = tpu.memref_squeeze %dma_wait3A_399 : memref<1x125xi32, #tpu.memory_space<vmem>> -> memref<125xi32, #tpu.memory_space<vmem>>
    %dma_wait3A_401 = arith.constant 0 : i32
    %dma_wait3A_402 = arith.constant 0 : i32
    %dma_wait3A_403 = tpu.memref_slice %arg12[%dma_wait3A_401, %dma_wait3A_402] : memref<10240x64xf32, #tpu.memory_space<vmem_shared>> -> memref<10240x64xf32, #tpu.memory_space<vmem_shared>>
    tpu.wait_indirect_dma semaphore(%arg27 : memref<!tpu.dma_semaphore, #tpu.memory_space<semaphore_mem>>) src(%dma_wait3A_397 : memref<125x64xf32, #tpu.memory_space<vmem>>) dst(%dma_wait3A_403 : memref<10240x64xf32, #tpu.memory_space<vmem_shared>>)
    %dma_wait3A_404 = arith.constant 7 : i32
    %dma_wait3A_405 = arith.constant 79 : i32
    %dma_wait3A_406 = arith.constant 0 : i32
    %dma_wait3A_407 = arith.constant 0 : i32
    %dma_wait3A_408 = tpu.memref_slice %arg11[%dma_wait3A_404, %dma_wait3A_406, %dma_wait3A_407] : memref<8x125x64xf32, #tpu.memory_space<vmem>> -> memref<1x125x64xf32, #tpu.memory_space<vmem>>
    %dma_wait3A_409 = tpu.memref_squeeze %dma_wait3A_408 : memref<1x125x64xf32, #tpu.memory_space<vmem>> -> memref<125x64xf32, #tpu.memory_space<vmem>>
    %dma_wait3A_410 = arith.constant 0 : i32
    %dma_wait3A_411 = tpu.memref_slice %arg10[%dma_wait3A_405, %dma_wait3A_410] : memref<80x125xi32, #tpu.memory_space<vmem>> -> memref<1x125xi32, #tpu.memory_space<vmem>>
    %dma_wait3A_412 = tpu.memref_squeeze %dma_wait3A_411 : memref<1x125xi32, #tpu.memory_space<vmem>> -> memref<125xi32, #tpu.memory_space<vmem>>
    %dma_wait3A_413 = arith.constant 0 : i32
    %dma_wait3A_414 = arith.constant 0 : i32
    %dma_wait3A_415 = tpu.memref_slice %arg12[%dma_wait3A_413, %dma_wait3A_414] : memref<10240x64xf32, #tpu.memory_space<vmem_shared>> -> memref<10240x64xf32, #tpu.memory_space<vmem_shared>>
    tpu.wait_indirect_dma semaphore(%arg28 : memref<!tpu.dma_semaphore, #tpu.memory_space<semaphore_mem>>) src(%dma_wait3A_409 : memref<125x64xf32, #tpu.memory_space<vmem>>) dst(%dma_wait3A_415 : memref<10240x64xf32, #tpu.memory_space<vmem_shared>>)
    %barrier3A_416 = arith.constant 0 : index
    tpu.barrier barrier_id(%barrier3A_416)
    %mul3A_417 = arith.constant 640 : i32
    %mul3A_418 = arith.muli %arg1, %mul3A_417 : i32
    %mul3A_419 = arith.constant 640 : i32
    %mul3A_420 = arith.muli %arg1, %mul3A_419 : i32
    "tpu.region"() ({
      %run_scoped3A = tpu.sem_alloc : memref<!tpu.dma_semaphore, #tpu.memory_space<semaphore_mem>>
      %dma_start3A_421 = arith.constant 0 : i32
      %dma_start3A_422 = tpu.memref_slice %arg8[%arg0, %mul3A_420, %dma_start3A_421] : memref<2x10240x64xf32, #tpu.memory_space<hbm>> -> memref<1x640x64xf32, #tpu.memory_space<hbm>>
      %dma_start3A_423 = tpu.memref_squeeze %dma_start3A_422 : memref<1x640x64xf32, #tpu.memory_space<hbm>> -> memref<640x64xf32, #tpu.memory_space<hbm>>
      %dma_start3A_424 = arith.constant 0 : i32
      %dma_start3A_425 = tpu.memref_slice %arg12[%mul3A_418, %dma_start3A_424] : memref<10240x64xf32, #tpu.memory_space<vmem_shared>> -> memref<640x64xf32, #tpu.memory_space<vmem_shared>>
      tpu.enqueue_dma source(%dma_start3A_425 : memref<640x64xf32, #tpu.memory_space<vmem_shared>>) target(%dma_start3A_423 : memref<640x64xf32, #tpu.memory_space<hbm>>) target_semaphore(%run_scoped3A : memref<!tpu.dma_semaphore, #tpu.memory_space<semaphore_mem>>)
      %dma_wait3A_426 = arith.constant 0 : i32
      %dma_wait3A_427 = tpu.memref_slice %arg8[%arg0, %mul3A_420, %dma_wait3A_426] : memref<2x10240x64xf32, #tpu.memory_space<hbm>> -> memref<1x640x64xf32, #tpu.memory_space<hbm>>
      %dma_wait3A_428 = tpu.memref_squeeze %dma_wait3A_427 : memref<1x640x64xf32, #tpu.memory_space<hbm>> -> memref<640x64xf32, #tpu.memory_space<hbm>>
      %dma_wait3A_429 = arith.constant 0 : i32
      %dma_wait3A_430 = tpu.memref_slice %arg12[%mul3A_418, %dma_wait3A_429] : memref<10240x64xf32, #tpu.memory_space<vmem_shared>> -> memref<640x64xf32, #tpu.memory_space<vmem_shared>>
      tpu.wait_dma2 semaphore(%run_scoped3A : memref<!tpu.dma_semaphore, #tpu.memory_space<semaphore_mem>>) src(%dma_wait3A_430 : memref<640x64xf32, #tpu.memory_space<vmem_shared>>) dst(%dma_wait3A_428 : memref<640x64xf32, #tpu.memory_space<hbm>>)
      tpu.yield
    }) : () -> ()
    return
  }
}

#map = affine_map<(d0, d1) -> (0, 0)>
#map1 = affine_map<(d0, d1) -> (0, 0, 0)>
module attributes {stable_mosaic.version = 14 : i64} {
  func.func @sc_scatter(%arg0: i32, %arg1: i32, %arg2: memref<10240x64xf32, #tpu.memory_space<hbm>>, %arg3: memref<10240x64xf32, #tpu.memory_space<hbm>>, %arg4: memref<32x80x125xi32, #tpu.memory_space<hbm>>, %arg5: memref<32x80x125xi32, #tpu.memory_space<hbm>>, %arg6: memref<640x64xf32, #tpu.memory_space<hbm>>, %arg7: memref<2x10240x64xf32, #tpu.memory_space<hbm>>, %arg8: memref<2x10240x64xf32, #tpu.memory_space<hbm>>, %arg9: memref<80x125xi32, #tpu.memory_space<vmem>>, %arg10: memref<80x125xi32, #tpu.memory_space<vmem>>, %arg11: memref<8x125x64xf32, #tpu.memory_space<vmem>>, %arg12: memref<10240x64xf32, #tpu.memory_space<vmem_shared>>, %arg13: memref<!tpu.dma_semaphore, #tpu.memory_space<semaphore_mem>>, %arg14: memref<!tpu.dma_semaphore, #tpu.memory_space<semaphore_mem>>, %arg15: memref<!tpu.dma_semaphore, #tpu.memory_space<semaphore_mem>>, %arg16: memref<!tpu.dma_semaphore, #tpu.memory_space<semaphore_mem>>, %arg17: memref<!tpu.dma_semaphore, #tpu.memory_space<semaphore_mem>>, %arg18: memref<!tpu.dma_semaphore, #tpu.memory_space<semaphore_mem>>, %arg19: memref<!tpu.dma_semaphore, #tpu.memory_space<semaphore_mem>>, %arg20: memref<!tpu.dma_semaphore, #tpu.memory_space<semaphore_mem>>, %arg21: memref<!tpu.dma_semaphore, #tpu.memory_space<semaphore_mem>>, %arg22: memref<!tpu.dma_semaphore, #tpu.memory_space<semaphore_mem>>, %arg23: memref<!tpu.dma_semaphore, #tpu.memory_space<semaphore_mem>>, %arg24: memref<!tpu.dma_semaphore, #tpu.memory_space<semaphore_mem>>, %arg25: memref<!tpu.dma_semaphore, #tpu.memory_space<semaphore_mem>>, %arg26: memref<!tpu.dma_semaphore, #tpu.memory_space<semaphore_mem>>, %arg27: memref<!tpu.dma_semaphore, #tpu.memory_space<semaphore_mem>>, %arg28: memref<!tpu.dma_semaphore, #tpu.memory_space<semaphore_mem>>) attributes {dimension_semantics = [#tpu.dimension_semantics<core_parallel>, #tpu.dimension_semantics<subcore_parallel>], iteration_bounds = array<i64: 2, 16>, scalar_prefetch = 0 : i64, scratch_operands = 20 : i64, tpu.core_type = #tpu.core_type<sc_vector_subcore>, window_params = [{transform_indices = #map}, {transform_indices = #map}, {transform_indices = #map1}, {transform_indices = #map1}, {transform_indices = #map}, {transform_indices = #map1}, {transform_indices = #map1}]} {
    %mul3A = arith.constant 16 : i32
    %mul3A_0 = arith.muli %arg0, %mul3A : i32
    %add3A = arith.addi %mul3A_0, %arg1 : i32
    "tpu.region"() ({
      %run_scoped3A = tpu.sem_alloc : memref<!tpu.dma_semaphore, #tpu.memory_space<semaphore_mem>>
      %dma_start3A_421 = arith.constant 0 : i32
      %dma_start3A_422 = arith.constant 0 : i32
      %dma_start3A_423 = tpu.memref_slice %arg4[%add3A, %dma_start3A_421, %dma_start3A_422] : memref<32x80x125xi32, #tpu.memory_space<hbm>> -> memref<1x80x125xi32, #tpu.memory_space<hbm>>
      %dma_start3A_424 = tpu.memref_squeeze %dma_start3A_423 : memref<1x80x125xi32, #tpu.memory_space<hbm>> -> memref<80x125xi32, #tpu.memory_space<hbm>>
      %dma_start3A_425 = arith.constant 0 : i32
      %dma_start3A_426 = arith.constant 0 : i32
      %dma_start3A_427 = tpu.memref_slice %arg4[%add3A, %dma_start3A_425, %dma_start3A_426] : memref<32x80x125xi32, #tpu.memory_space<hbm>> -> memref<1x80x125xi32, #tpu.memory_space<hbm>>
      %dma_start3A_428 = tpu.memref_squeeze %dma_start3A_427 : memref<1x80x125xi32, #tpu.memory_space<hbm>> -> memref<80x125xi32, #tpu.memory_space<hbm>>
      tpu.enqueue_dma source(%dma_start3A_428 : memref<80x125xi32, #tpu.memory_space<hbm>>) target(%arg9 : memref<80x125xi32, #tpu.memory_space<vmem>>) target_semaphore(%run_scoped3A : memref<!tpu.dma_semaphore, #tpu.memory_space<semaphore_mem>>)
      %dma_wait3A_429 = arith.constant 0 : i32
      %dma_wait3A_430 = arith.constant 0 : i32
      %dma_wait3A_431 = tpu.memref_slice %arg4[%add3A, %dma_wait3A_429, %dma_wait3A_430] : memref<32x80x125xi32, #tpu.memory_space<hbm>> -> memref<1x80x125xi32, #tpu.memory_space<hbm>>
      %dma_wait3A_432 = tpu.memref_squeeze %dma_wait3A_431 : memref<1x80x125xi32, #tpu.memory_space<hbm>> -> memref<80x125xi32, #tpu.memory_space<hbm>>
      %dma_wait3A_433 = arith.constant 0 : i32
      %dma_wait3A_434 = arith.constant 0 : i32
      %dma_wait3A_435 = tpu.memref_slice %arg4[%add3A, %dma_wait3A_433, %dma_wait3A_434] : memref<32x80x125xi32, #tpu.memory_space<hbm>> -> memref<1x80x125xi32, #tpu.memory_space<hbm>>
      %dma_wait3A_436 = tpu.memref_squeeze %dma_wait3A_435 : memref<1x80x125xi32, #tpu.memory_space<hbm>> -> memref<80x125xi32, #tpu.memory_space<hbm>>
      tpu.wait_dma2 semaphore(%run_scoped3A : memref<!tpu.dma_semaphore, #tpu.memory_space<semaphore_mem>>) src(%dma_wait3A_436 : memref<80x125xi32, #tpu.memory_space<hbm>>) dst(%arg9 : memref<80x125xi32, #tpu.memory_space<vmem>>)
      tpu.yield
    }) : () -> ()
    "tpu.region"() ({
      %run_scoped3A = tpu.sem_alloc : memref<!tpu.dma_semaphore, #tpu.memory_space<semaphore_mem>>
      %dma_start3A_421 = arith.constant 0 : i32
      %dma_start3A_422 = arith.constant 0 : i32
      %dma_start3A_423 = tpu.memref_slice %arg5[%add3A, %dma_start3A_421, %dma_start3A_422] : memref<32x80x125xi32, #tpu.memory_space<hbm>> -> memref<1x80x125xi32, #tpu.memory_space<hbm>>
      %dma_start3A_424 = tpu.memref_squeeze %dma_start3A_423 : memref<1x80x125xi32, #tpu.memory_space<hbm>> -> memref<80x125xi32, #tpu.memory_space<hbm>>
      %dma_start3A_425 = arith.constant 0 : i32
      %dma_start3A_426 = arith.constant 0 : i32
      %dma_start3A_427 = tpu.memref_slice %arg5[%add3A, %dma_start3A_425, %dma_start3A_426] : memref<32x80x125xi32, #tpu.memory_space<hbm>> -> memref<1x80x125xi32, #tpu.memory_space<hbm>>
      %dma_start3A_428 = tpu.memref_squeeze %dma_start3A_427 : memref<1x80x125xi32, #tpu.memory_space<hbm>> -> memref<80x125xi32, #tpu.memory_space<hbm>>
      tpu.enqueue_dma source(%dma_start3A_428 : memref<80x125xi32, #tpu.memory_space<hbm>>) target(%arg10 : memref<80x125xi32, #tpu.memory_space<vmem>>) target_semaphore(%run_scoped3A : memref<!tpu.dma_semaphore, #tpu.memory_space<semaphore_mem>>)
      %dma_wait3A_429 = arith.constant 0 : i32
      %dma_wait3A_430 = arith.constant 0 : i32
      %dma_wait3A_431 = tpu.memref_slice %arg5[%add3A, %dma_wait3A_429, %dma_wait3A_430] : memref<32x80x125xi32, #tpu.memory_space<hbm>> -> memref<1x80x125xi32, #tpu.memory_space<hbm>>
      %dma_wait3A_432 = tpu.memref_squeeze %dma_wait3A_431 : memref<1x80x125xi32, #tpu.memory_space<hbm>> -> memref<80x125xi32, #tpu.memory_space<hbm>>
      %dma_wait3A_433 = arith.constant 0 : i32
      %dma_wait3A_434 = arith.constant 0 : i32
      %dma_wait3A_435 = tpu.memref_slice %arg5[%add3A, %dma_wait3A_433, %dma_wait3A_434] : memref<32x80x125xi32, #tpu.memory_space<hbm>> -> memref<1x80x125xi32, #tpu.memory_space<hbm>>
      %dma_wait3A_436 = tpu.memref_squeeze %dma_wait3A_435 : memref<1x80x125xi32, #tpu.memory_space<hbm>> -> memref<80x125xi32, #tpu.memory_space<hbm>>
      tpu.wait_dma2 semaphore(%run_scoped3A : memref<!tpu.dma_semaphore, #tpu.memory_space<semaphore_mem>>) src(%dma_wait3A_436 : memref<80x125xi32, #tpu.memory_space<hbm>>) dst(%arg10 : memref<80x125xi32, #tpu.memory_space<vmem>>)
      tpu.yield
    }) : () -> ()
    %mul3A_1 = arith.constant 640 : i32
    %mul3A_2 = arith.muli %arg1, %mul3A_1 : i32
    %dma_start3A = arith.constant 0 : i32
    %dma_start3A_3 = tpu.memref_slice %arg12[%mul3A_2, %dma_start3A] : memref<10240x64xf32, #tpu.memory_space<vmem_shared>> -> memref<640x64xf32, #tpu.memory_space<vmem_shared>>
    tpu.enqueue_dma source(%arg6 : memref<640x64xf32, #tpu.memory_space<hbm>>) target(%dma_start3A_3 : memref<640x64xf32, #tpu.memory_space<vmem_shared>>) target_semaphore(%arg21 : memref<!tpu.dma_semaphore, #tpu.memory_space<semaphore_mem>>)
    %dma_start3A_4 = arith.constant 0 : i32
    %dma_start3A_5 = arith.constant 0 : i32
    %dma_start3A_6 = arith.constant 0 : i32
    %dma_start3A_7 = arith.constant 0 : i32
    %dma_start3A_8 = tpu.memref_slice %arg11[%dma_start3A_5, %dma_start3A_6, %dma_start3A_7] : memref<8x125x64xf32, #tpu.memory_space<vmem>> -> memref<1x125x64xf32, #tpu.memory_space<vmem>>
    %dma_start3A_9 = tpu.memref_squeeze %dma_start3A_8 : memref<1x125x64xf32, #tpu.memory_space<vmem>> -> memref<125x64xf32, #tpu.memory_space<vmem>>
    %dma_start3A_10 = arith.constant 0 : i32
    %dma_start3A_11 = tpu.memref_slice %arg9[%dma_start3A_4, %dma_start3A_10] : memref<80x125xi32, #tpu.memory_space<vmem>> -> memref<1x125xi32, #tpu.memory_space<vmem>>
    %dma_start3A_12 = tpu.memref_squeeze %dma_start3A_11 : memref<1x125xi32, #tpu.memory_space<vmem>> -> memref<125xi32, #tpu.memory_space<vmem>>
    %dma_start3A_13 = arith.constant 0 : i32
    %dma_start3A_14 = arith.constant 0 : i32
    %dma_start3A_15 = tpu.memref_slice %arg2[%dma_start3A_13, %dma_start3A_14] : memref<10240x64xf32, #tpu.memory_space<hbm>> -> memref<10240x64xf32, #tpu.memory_space<hbm>>
    tpu.enqueue_indirect_dma source(%dma_start3A_15 : memref<10240x64xf32, #tpu.memory_space<hbm>>) target(%dma_start3A_9 : memref<125x64xf32, #tpu.memory_space<vmem>>) offsets(%dma_start3A_12 : memref<125xi32, #tpu.memory_space<vmem>>) semaphore(%arg13 : memref<!tpu.dma_semaphore, #tpu.memory_space<semaphore_mem>>)
    %dma_start3A_16 = arith.constant 1 : i32
    %dma_start3A_17 = arith.constant 1 : i32
    %dma_start3A_18 = arith.constant 0 : i32
    %dma_start3A_19 = arith.constant 0 : i32
    %dma_start3A_20 = tpu.memref_slice %arg11[%dma_start3A_17, %dma_start3A_18, %dma_start3A_19] : memref<8x125x64xf32, #tpu.memory_space<vmem>> -> memref<1x125x64xf32, #tpu.memory_space<vmem>>
    %dma_start3A_21 = tpu.memref_squeeze %dma_start3A_20 : memref<1x125x64xf32, #tpu.memory_space<vmem>> -> memref<125x64xf32, #tpu.memory_space<vmem>>
    %dma_start3A_22 = arith.constant 0 : i32
    %dma_start3A_23 = tpu.memref_slice %arg9[%dma_start3A_16, %dma_start3A_22] : memref<80x125xi32, #tpu.memory_space<vmem>> -> memref<1x125xi32, #tpu.memory_space<vmem>>
    %dma_start3A_24 = tpu.memref_squeeze %dma_start3A_23 : memref<1x125xi32, #tpu.memory_space<vmem>> -> memref<125xi32, #tpu.memory_space<vmem>>
    %dma_start3A_25 = arith.constant 0 : i32
    %dma_start3A_26 = arith.constant 0 : i32
    %dma_start3A_27 = tpu.memref_slice %arg2[%dma_start3A_25, %dma_start3A_26] : memref<10240x64xf32, #tpu.memory_space<hbm>> -> memref<10240x64xf32, #tpu.memory_space<hbm>>
    tpu.enqueue_indirect_dma source(%dma_start3A_27 : memref<10240x64xf32, #tpu.memory_space<hbm>>) target(%dma_start3A_21 : memref<125x64xf32, #tpu.memory_space<vmem>>) offsets(%dma_start3A_24 : memref<125xi32, #tpu.memory_space<vmem>>) semaphore(%arg14 : memref<!tpu.dma_semaphore, #tpu.memory_space<semaphore_mem>>)
    %dma_start3A_28 = arith.constant 2 : i32
    %dma_start3A_29 = arith.constant 2 : i32
    %dma_start3A_30 = arith.constant 0 : i32
    %dma_start3A_31 = arith.constant 0 : i32
    %dma_start3A_32 = tpu.memref_slice %arg11[%dma_start3A_29, %dma_start3A_30, %dma_start3A_31] : memref<8x125x64xf32, #tpu.memory_space<vmem>> -> memref<1x125x64xf32, #tpu.memory_space<vmem>>
    %dma_start3A_33 = tpu.memref_squeeze %dma_start3A_32 : memref<1x125x64xf32, #tpu.memory_space<vmem>> -> memref<125x64xf32, #tpu.memory_space<vmem>>
    %dma_start3A_34 = arith.constant 0 : i32
    %dma_start3A_35 = tpu.memref_slice %arg9[%dma_start3A_28, %dma_start3A_34] : memref<80x125xi32, #tpu.memory_space<vmem>> -> memref<1x125xi32, #tpu.memory_space<vmem>>
    %dma_start3A_36 = tpu.memref_squeeze %dma_start3A_35 : memref<1x125xi32, #tpu.memory_space<vmem>> -> memref<125xi32, #tpu.memory_space<vmem>>
    %dma_start3A_37 = arith.constant 0 : i32
    %dma_start3A_38 = arith.constant 0 : i32
    %dma_start3A_39 = tpu.memref_slice %arg2[%dma_start3A_37, %dma_start3A_38] : memref<10240x64xf32, #tpu.memory_space<hbm>> -> memref<10240x64xf32, #tpu.memory_space<hbm>>
    tpu.enqueue_indirect_dma source(%dma_start3A_39 : memref<10240x64xf32, #tpu.memory_space<hbm>>) target(%dma_start3A_33 : memref<125x64xf32, #tpu.memory_space<vmem>>) offsets(%dma_start3A_36 : memref<125xi32, #tpu.memory_space<vmem>>) semaphore(%arg15 : memref<!tpu.dma_semaphore, #tpu.memory_space<semaphore_mem>>)
    %dma_start3A_40 = arith.constant 3 : i32
    %dma_start3A_41 = arith.constant 3 : i32
    %dma_start3A_42 = arith.constant 0 : i32
    %dma_start3A_43 = arith.constant 0 : i32
    %dma_start3A_44 = tpu.memref_slice %arg11[%dma_start3A_41, %dma_start3A_42, %dma_start3A_43] : memref<8x125x64xf32, #tpu.memory_space<vmem>> -> memref<1x125x64xf32, #tpu.memory_space<vmem>>
    %dma_start3A_45 = tpu.memref_squeeze %dma_start3A_44 : memref<1x125x64xf32, #tpu.memory_space<vmem>> -> memref<125x64xf32, #tpu.memory_space<vmem>>
    %dma_start3A_46 = arith.constant 0 : i32
    %dma_start3A_47 = tpu.memref_slice %arg9[%dma_start3A_40, %dma_start3A_46] : memref<80x125xi32, #tpu.memory_space<vmem>> -> memref<1x125xi32, #tpu.memory_space<vmem>>
    %dma_start3A_48 = tpu.memref_squeeze %dma_start3A_47 : memref<1x125xi32, #tpu.memory_space<vmem>> -> memref<125xi32, #tpu.memory_space<vmem>>
    %dma_start3A_49 = arith.constant 0 : i32
    %dma_start3A_50 = arith.constant 0 : i32
    %dma_start3A_51 = tpu.memref_slice %arg2[%dma_start3A_49, %dma_start3A_50] : memref<10240x64xf32, #tpu.memory_space<hbm>> -> memref<10240x64xf32, #tpu.memory_space<hbm>>
    tpu.enqueue_indirect_dma source(%dma_start3A_51 : memref<10240x64xf32, #tpu.memory_space<hbm>>) target(%dma_start3A_45 : memref<125x64xf32, #tpu.memory_space<vmem>>) offsets(%dma_start3A_48 : memref<125xi32, #tpu.memory_space<vmem>>) semaphore(%arg16 : memref<!tpu.dma_semaphore, #tpu.memory_space<semaphore_mem>>)
    %dma_start3A_52 = arith.constant 4 : i32
    %dma_start3A_53 = arith.constant 4 : i32
    %dma_start3A_54 = arith.constant 0 : i32
    %dma_start3A_55 = arith.constant 0 : i32
    %dma_start3A_56 = tpu.memref_slice %arg11[%dma_start3A_53, %dma_start3A_54, %dma_start3A_55] : memref<8x125x64xf32, #tpu.memory_space<vmem>> -> memref<1x125x64xf32, #tpu.memory_space<vmem>>
    %dma_start3A_57 = tpu.memref_squeeze %dma_start3A_56 : memref<1x125x64xf32, #tpu.memory_space<vmem>> -> memref<125x64xf32, #tpu.memory_space<vmem>>
    %dma_start3A_58 = arith.constant 0 : i32
    %dma_start3A_59 = tpu.memref_slice %arg9[%dma_start3A_52, %dma_start3A_58] : memref<80x125xi32, #tpu.memory_space<vmem>> -> memref<1x125xi32, #tpu.memory_space<vmem>>
    %dma_start3A_60 = tpu.memref_squeeze %dma_start3A_59 : memref<1x125xi32, #tpu.memory_space<vmem>> -> memref<125xi32, #tpu.memory_space<vmem>>
    %dma_start3A_61 = arith.constant 0 : i32
    %dma_start3A_62 = arith.constant 0 : i32
    %dma_start3A_63 = tpu.memref_slice %arg2[%dma_start3A_61, %dma_start3A_62] : memref<10240x64xf32, #tpu.memory_space<hbm>> -> memref<10240x64xf32, #tpu.memory_space<hbm>>
    tpu.enqueue_indirect_dma source(%dma_start3A_63 : memref<10240x64xf32, #tpu.memory_space<hbm>>) target(%dma_start3A_57 : memref<125x64xf32, #tpu.memory_space<vmem>>) offsets(%dma_start3A_60 : memref<125xi32, #tpu.memory_space<vmem>>) semaphore(%arg17 : memref<!tpu.dma_semaphore, #tpu.memory_space<semaphore_mem>>)
    %dma_start3A_64 = arith.constant 5 : i32
    %dma_start3A_65 = arith.constant 5 : i32
    %dma_start3A_66 = arith.constant 0 : i32
    %dma_start3A_67 = arith.constant 0 : i32
    %dma_start3A_68 = tpu.memref_slice %arg11[%dma_start3A_65, %dma_start3A_66, %dma_start3A_67] : memref<8x125x64xf32, #tpu.memory_space<vmem>> -> memref<1x125x64xf32, #tpu.memory_space<vmem>>
    %dma_start3A_69 = tpu.memref_squeeze %dma_start3A_68 : memref<1x125x64xf32, #tpu.memory_space<vmem>> -> memref<125x64xf32, #tpu.memory_space<vmem>>
    %dma_start3A_70 = arith.constant 0 : i32
    %dma_start3A_71 = tpu.memref_slice %arg9[%dma_start3A_64, %dma_start3A_70] : memref<80x125xi32, #tpu.memory_space<vmem>> -> memref<1x125xi32, #tpu.memory_space<vmem>>
    %dma_start3A_72 = tpu.memref_squeeze %dma_start3A_71 : memref<1x125xi32, #tpu.memory_space<vmem>> -> memref<125xi32, #tpu.memory_space<vmem>>
    %dma_start3A_73 = arith.constant 0 : i32
    %dma_start3A_74 = arith.constant 0 : i32
    %dma_start3A_75 = tpu.memref_slice %arg2[%dma_start3A_73, %dma_start3A_74] : memref<10240x64xf32, #tpu.memory_space<hbm>> -> memref<10240x64xf32, #tpu.memory_space<hbm>>
    tpu.enqueue_indirect_dma source(%dma_start3A_75 : memref<10240x64xf32, #tpu.memory_space<hbm>>) target(%dma_start3A_69 : memref<125x64xf32, #tpu.memory_space<vmem>>) offsets(%dma_start3A_72 : memref<125xi32, #tpu.memory_space<vmem>>) semaphore(%arg18 : memref<!tpu.dma_semaphore, #tpu.memory_space<semaphore_mem>>)
    %dma_start3A_76 = arith.constant 6 : i32
    %dma_start3A_77 = arith.constant 6 : i32
    %dma_start3A_78 = arith.constant 0 : i32
    %dma_start3A_79 = arith.constant 0 : i32
    %dma_start3A_80 = tpu.memref_slice %arg11[%dma_start3A_77, %dma_start3A_78, %dma_start3A_79] : memref<8x125x64xf32, #tpu.memory_space<vmem>> -> memref<1x125x64xf32, #tpu.memory_space<vmem>>
    %dma_start3A_81 = tpu.memref_squeeze %dma_start3A_80 : memref<1x125x64xf32, #tpu.memory_space<vmem>> -> memref<125x64xf32, #tpu.memory_space<vmem>>
    %dma_start3A_82 = arith.constant 0 : i32
    %dma_start3A_83 = tpu.memref_slice %arg9[%dma_start3A_76, %dma_start3A_82] : memref<80x125xi32, #tpu.memory_space<vmem>> -> memref<1x125xi32, #tpu.memory_space<vmem>>
    %dma_start3A_84 = tpu.memref_squeeze %dma_start3A_83 : memref<1x125xi32, #tpu.memory_space<vmem>> -> memref<125xi32, #tpu.memory_space<vmem>>
    %dma_start3A_85 = arith.constant 0 : i32
    %dma_start3A_86 = arith.constant 0 : i32
    %dma_start3A_87 = tpu.memref_slice %arg2[%dma_start3A_85, %dma_start3A_86] : memref<10240x64xf32, #tpu.memory_space<hbm>> -> memref<10240x64xf32, #tpu.memory_space<hbm>>
    tpu.enqueue_indirect_dma source(%dma_start3A_87 : memref<10240x64xf32, #tpu.memory_space<hbm>>) target(%dma_start3A_81 : memref<125x64xf32, #tpu.memory_space<vmem>>) offsets(%dma_start3A_84 : memref<125xi32, #tpu.memory_space<vmem>>) semaphore(%arg19 : memref<!tpu.dma_semaphore, #tpu.memory_space<semaphore_mem>>)
    %dma_start3A_88 = arith.constant 7 : i32
    %dma_start3A_89 = arith.constant 7 : i32
    %dma_start3A_90 = arith.constant 0 : i32
    %dma_start3A_91 = arith.constant 0 : i32
    %dma_start3A_92 = tpu.memref_slice %arg11[%dma_start3A_89, %dma_start3A_90, %dma_start3A_91] : memref<8x125x64xf32, #tpu.memory_space<vmem>> -> memref<1x125x64xf32, #tpu.memory_space<vmem>>
    %dma_start3A_93 = tpu.memref_squeeze %dma_start3A_92 : memref<1x125x64xf32, #tpu.memory_space<vmem>> -> memref<125x64xf32, #tpu.memory_space<vmem>>
    %dma_start3A_94 = arith.constant 0 : i32
    %dma_start3A_95 = tpu.memref_slice %arg9[%dma_start3A_88, %dma_start3A_94] : memref<80x125xi32, #tpu.memory_space<vmem>> -> memref<1x125xi32, #tpu.memory_space<vmem>>
    %dma_start3A_96 = tpu.memref_squeeze %dma_start3A_95 : memref<1x125xi32, #tpu.memory_space<vmem>> -> memref<125xi32, #tpu.memory_space<vmem>>
    %dma_start3A_97 = arith.constant 0 : i32
    %dma_start3A_98 = arith.constant 0 : i32
    %dma_start3A_99 = tpu.memref_slice %arg2[%dma_start3A_97, %dma_start3A_98] : memref<10240x64xf32, #tpu.memory_space<hbm>> -> memref<10240x64xf32, #tpu.memory_space<hbm>>
    tpu.enqueue_indirect_dma source(%dma_start3A_99 : memref<10240x64xf32, #tpu.memory_space<hbm>>) target(%dma_start3A_93 : memref<125x64xf32, #tpu.memory_space<vmem>>) offsets(%dma_start3A_96 : memref<125xi32, #tpu.memory_space<vmem>>) semaphore(%arg20 : memref<!tpu.dma_semaphore, #tpu.memory_space<semaphore_mem>>)
    %mul3A_100 = arith.constant 640 : i32
    %mul3A_101 = arith.muli %arg1, %mul3A_100 : i32
    %dma_wait3A = arith.constant 0 : i32
    %dma_wait3A_102 = tpu.memref_slice %arg12[%mul3A_101, %dma_wait3A] : memref<10240x64xf32, #tpu.memory_space<vmem_shared>> -> memref<640x64xf32, #tpu.memory_space<vmem_shared>>
    tpu.wait_dma2 semaphore(%arg21 : memref<!tpu.dma_semaphore, #tpu.memory_space<semaphore_mem>>) src(%arg6 : memref<640x64xf32, #tpu.memory_space<hbm>>) dst(%dma_wait3A_102 : memref<640x64xf32, #tpu.memory_space<vmem_shared>>)
    %barrier3A = arith.constant 0 : index
    tpu.barrier barrier_id(%barrier3A)
    %scan3A = arith.constant 0 : i32
    %scan3A_103 = arith.constant 0 : i32
    %scan3A_104 = arith.constant 10 : i32
    %scan3A_105 = arith.addi %scan3A_103, %scan3A_104 : i32
    %scan3A_106 = arith.constant 1 : i32
    scf.for %scan3A_421 = %scan3A_103 to %scan3A_105 step %scan3A_106  : i32 {
      %mul3A_422 = arith.constant 8 : i32
      %mul3A_423 = arith.muli %scan3A_421, %mul3A_422 : i32
      %add3A_424 = arith.constant 0 : i32
      %add3A_425 = arith.addi %mul3A_423, %add3A_424 : i32
      %dma_wait3A_426 = arith.constant 0 : i32
      %dma_wait3A_427 = arith.constant 0 : i32
      %dma_wait3A_428 = arith.constant 0 : i32
      %dma_wait3A_429 = tpu.memref_slice %arg11[%dma_wait3A_426, %dma_wait3A_427, %dma_wait3A_428] : memref<8x125x64xf32, #tpu.memory_space<vmem>> -> memref<1x125x64xf32, #tpu.memory_space<vmem>>
      %dma_wait3A_430 = tpu.memref_squeeze %dma_wait3A_429 : memref<1x125x64xf32, #tpu.memory_space<vmem>> -> memref<125x64xf32, #tpu.memory_space<vmem>>
      %dma_wait3A_431 = arith.constant 0 : i32
      %dma_wait3A_432 = tpu.memref_slice %arg9[%add3A_425, %dma_wait3A_431] : memref<80x125xi32, #tpu.memory_space<vmem>> -> memref<1x125xi32, #tpu.memory_space<vmem>>
      %dma_wait3A_433 = tpu.memref_squeeze %dma_wait3A_432 : memref<1x125xi32, #tpu.memory_space<vmem>> -> memref<125xi32, #tpu.memory_space<vmem>>
      %dma_wait3A_434 = arith.constant 0 : i32
      %dma_wait3A_435 = arith.constant 0 : i32
      %dma_wait3A_436 = tpu.memref_slice %arg2[%dma_wait3A_434, %dma_wait3A_435] : memref<10240x64xf32, #tpu.memory_space<hbm>> -> memref<10240x64xf32, #tpu.memory_space<hbm>>
      tpu.wait_indirect_dma semaphore(%arg13 : memref<!tpu.dma_semaphore, #tpu.memory_space<semaphore_mem>>) src(%dma_wait3A_436 : memref<10240x64xf32, #tpu.memory_space<hbm>>) dst(%dma_wait3A_430 : memref<125x64xf32, #tpu.memory_space<vmem>>)
      %add3A_437 = arith.constant 0 : i32
      %add3A_438 = arith.addi %mul3A_423, %add3A_437 : i32
      %dma_start3A_439 = arith.constant 0 : i32
      %dma_start3A_440 = arith.constant 0 : i32
      %dma_start3A_441 = arith.constant 0 : i32
      %dma_start3A_442 = tpu.memref_slice %arg11[%dma_start3A_439, %dma_start3A_440, %dma_start3A_441] : memref<8x125x64xf32, #tpu.memory_space<vmem>> -> memref<1x125x64xf32, #tpu.memory_space<vmem>>
      %dma_start3A_443 = tpu.memref_squeeze %dma_start3A_442 : memref<1x125x64xf32, #tpu.memory_space<vmem>> -> memref<125x64xf32, #tpu.memory_space<vmem>>
      %dma_start3A_444 = arith.constant 0 : i32
      %dma_start3A_445 = tpu.memref_slice %arg10[%add3A_438, %dma_start3A_444] : memref<80x125xi32, #tpu.memory_space<vmem>> -> memref<1x125xi32, #tpu.memory_space<vmem>>
      %dma_start3A_446 = tpu.memref_squeeze %dma_start3A_445 : memref<1x125xi32, #tpu.memory_space<vmem>> -> memref<125xi32, #tpu.memory_space<vmem>>
      %dma_start3A_447 = arith.constant 0 : i32
      %dma_start3A_448 = arith.constant 0 : i32
      %dma_start3A_449 = tpu.memref_slice %arg12[%dma_start3A_447, %dma_start3A_448] : memref<10240x64xf32, #tpu.memory_space<vmem_shared>> -> memref<10240x64xf32, #tpu.memory_space<vmem_shared>>
      tpu.enqueue_indirect_dma source(%dma_start3A_443 : memref<125x64xf32, #tpu.memory_space<vmem>>) target(%dma_start3A_449 : memref<10240x64xf32, #tpu.memory_space<vmem_shared>>) offsets(%dma_start3A_446 : memref<125xi32, #tpu.memory_space<vmem>>) semaphore(%arg21 : memref<!tpu.dma_semaphore, #tpu.memory_space<semaphore_mem>>) {add = true}
      %add3A_450 = arith.constant 1 : i32
      %add3A_451 = arith.addi %mul3A_423, %add3A_450 : i32
      %dma_wait3A_452 = arith.constant 1 : i32
      %dma_wait3A_453 = arith.constant 0 : i32
      %dma_wait3A_454 = arith.constant 0 : i32
      %dma_wait3A_455 = tpu.memref_slice %arg11[%dma_wait3A_452, %dma_wait3A_453, %dma_wait3A_454] : memref<8x125x64xf32, #tpu.memory_space<vmem>> -> memref<1x125x64xf32, #tpu.memory_space<vmem>>
      %dma_wait3A_456 = tpu.memref_squeeze %dma_wait3A_455 : memref<1x125x64xf32, #tpu.memory_space<vmem>> -> memref<125x64xf32, #tpu.memory_space<vmem>>
      %dma_wait3A_457 = arith.constant 0 : i32
      %dma_wait3A_458 = tpu.memref_slice %arg9[%add3A_451, %dma_wait3A_457] : memref<80x125xi32, #tpu.memory_space<vmem>> -> memref<1x125xi32, #tpu.memory_space<vmem>>
      %dma_wait3A_459 = tpu.memref_squeeze %dma_wait3A_458 : memref<1x125xi32, #tpu.memory_space<vmem>> -> memref<125xi32, #tpu.memory_space<vmem>>
      %dma_wait3A_460 = arith.constant 0 : i32
      %dma_wait3A_461 = arith.constant 0 : i32
      %dma_wait3A_462 = tpu.memref_slice %arg2[%dma_wait3A_460, %dma_wait3A_461] : memref<10240x64xf32, #tpu.memory_space<hbm>> -> memref<10240x64xf32, #tpu.memory_space<hbm>>
      tpu.wait_indirect_dma semaphore(%arg14 : memref<!tpu.dma_semaphore, #tpu.memory_space<semaphore_mem>>) src(%dma_wait3A_462 : memref<10240x64xf32, #tpu.memory_space<hbm>>) dst(%dma_wait3A_456 : memref<125x64xf32, #tpu.memory_space<vmem>>)
      %add3A_463 = arith.constant 1 : i32
      %add3A_464 = arith.addi %mul3A_423, %add3A_463 : i32
      %dma_start3A_465 = arith.constant 1 : i32
      %dma_start3A_466 = arith.constant 0 : i32
      %dma_start3A_467 = arith.constant 0 : i32
      %dma_start3A_468 = tpu.memref_slice %arg11[%dma_start3A_465, %dma_start3A_466, %dma_start3A_467] : memref<8x125x64xf32, #tpu.memory_space<vmem>> -> memref<1x125x64xf32, #tpu.memory_space<vmem>>
      %dma_start3A_469 = tpu.memref_squeeze %dma_start3A_468 : memref<1x125x64xf32, #tpu.memory_space<vmem>> -> memref<125x64xf32, #tpu.memory_space<vmem>>
      %dma_start3A_470 = arith.constant 0 : i32
      %dma_start3A_471 = tpu.memref_slice %arg10[%add3A_464, %dma_start3A_470] : memref<80x125xi32, #tpu.memory_space<vmem>> -> memref<1x125xi32, #tpu.memory_space<vmem>>
      %dma_start3A_472 = tpu.memref_squeeze %dma_start3A_471 : memref<1x125xi32, #tpu.memory_space<vmem>> -> memref<125xi32, #tpu.memory_space<vmem>>
      %dma_start3A_473 = arith.constant 0 : i32
      %dma_start3A_474 = arith.constant 0 : i32
      %dma_start3A_475 = tpu.memref_slice %arg12[%dma_start3A_473, %dma_start3A_474] : memref<10240x64xf32, #tpu.memory_space<vmem_shared>> -> memref<10240x64xf32, #tpu.memory_space<vmem_shared>>
      tpu.enqueue_indirect_dma source(%dma_start3A_469 : memref<125x64xf32, #tpu.memory_space<vmem>>) target(%dma_start3A_475 : memref<10240x64xf32, #tpu.memory_space<vmem_shared>>) offsets(%dma_start3A_472 : memref<125xi32, #tpu.memory_space<vmem>>) semaphore(%arg22 : memref<!tpu.dma_semaphore, #tpu.memory_space<semaphore_mem>>) {add = true}
      %add3A_476 = arith.constant 2 : i32
      %add3A_477 = arith.addi %mul3A_423, %add3A_476 : i32
      %dma_wait3A_478 = arith.constant 2 : i32
      %dma_wait3A_479 = arith.constant 0 : i32
      %dma_wait3A_480 = arith.constant 0 : i32
      %dma_wait3A_481 = tpu.memref_slice %arg11[%dma_wait3A_478, %dma_wait3A_479, %dma_wait3A_480] : memref<8x125x64xf32, #tpu.memory_space<vmem>> -> memref<1x125x64xf32, #tpu.memory_space<vmem>>
      %dma_wait3A_482 = tpu.memref_squeeze %dma_wait3A_481 : memref<1x125x64xf32, #tpu.memory_space<vmem>> -> memref<125x64xf32, #tpu.memory_space<vmem>>
      %dma_wait3A_483 = arith.constant 0 : i32
      %dma_wait3A_484 = tpu.memref_slice %arg9[%add3A_477, %dma_wait3A_483] : memref<80x125xi32, #tpu.memory_space<vmem>> -> memref<1x125xi32, #tpu.memory_space<vmem>>
      %dma_wait3A_485 = tpu.memref_squeeze %dma_wait3A_484 : memref<1x125xi32, #tpu.memory_space<vmem>> -> memref<125xi32, #tpu.memory_space<vmem>>
      %dma_wait3A_486 = arith.constant 0 : i32
      %dma_wait3A_487 = arith.constant 0 : i32
      %dma_wait3A_488 = tpu.memref_slice %arg2[%dma_wait3A_486, %dma_wait3A_487] : memref<10240x64xf32, #tpu.memory_space<hbm>> -> memref<10240x64xf32, #tpu.memory_space<hbm>>
      tpu.wait_indirect_dma semaphore(%arg15 : memref<!tpu.dma_semaphore, #tpu.memory_space<semaphore_mem>>) src(%dma_wait3A_488 : memref<10240x64xf32, #tpu.memory_space<hbm>>) dst(%dma_wait3A_482 : memref<125x64xf32, #tpu.memory_space<vmem>>)
      %add3A_489 = arith.constant 2 : i32
      %add3A_490 = arith.addi %mul3A_423, %add3A_489 : i32
      %dma_start3A_491 = arith.constant 2 : i32
      %dma_start3A_492 = arith.constant 0 : i32
      %dma_start3A_493 = arith.constant 0 : i32
      %dma_start3A_494 = tpu.memref_slice %arg11[%dma_start3A_491, %dma_start3A_492, %dma_start3A_493] : memref<8x125x64xf32, #tpu.memory_space<vmem>> -> memref<1x125x64xf32, #tpu.memory_space<vmem>>
      %dma_start3A_495 = tpu.memref_squeeze %dma_start3A_494 : memref<1x125x64xf32, #tpu.memory_space<vmem>> -> memref<125x64xf32, #tpu.memory_space<vmem>>
      %dma_start3A_496 = arith.constant 0 : i32
      %dma_start3A_497 = tpu.memref_slice %arg10[%add3A_490, %dma_start3A_496] : memref<80x125xi32, #tpu.memory_space<vmem>> -> memref<1x125xi32, #tpu.memory_space<vmem>>
      %dma_start3A_498 = tpu.memref_squeeze %dma_start3A_497 : memref<1x125xi32, #tpu.memory_space<vmem>> -> memref<125xi32, #tpu.memory_space<vmem>>
      %dma_start3A_499 = arith.constant 0 : i32
      %dma_start3A_500 = arith.constant 0 : i32
      %dma_start3A_501 = tpu.memref_slice %arg12[%dma_start3A_499, %dma_start3A_500] : memref<10240x64xf32, #tpu.memory_space<vmem_shared>> -> memref<10240x64xf32, #tpu.memory_space<vmem_shared>>
      tpu.enqueue_indirect_dma source(%dma_start3A_495 : memref<125x64xf32, #tpu.memory_space<vmem>>) target(%dma_start3A_501 : memref<10240x64xf32, #tpu.memory_space<vmem_shared>>) offsets(%dma_start3A_498 : memref<125xi32, #tpu.memory_space<vmem>>) semaphore(%arg23 : memref<!tpu.dma_semaphore, #tpu.memory_space<semaphore_mem>>) {add = true}
      %add3A_502 = arith.constant 3 : i32
      %add3A_503 = arith.addi %mul3A_423, %add3A_502 : i32
      %dma_wait3A_504 = arith.constant 3 : i32
      %dma_wait3A_505 = arith.constant 0 : i32
      %dma_wait3A_506 = arith.constant 0 : i32
      %dma_wait3A_507 = tpu.memref_slice %arg11[%dma_wait3A_504, %dma_wait3A_505, %dma_wait3A_506] : memref<8x125x64xf32, #tpu.memory_space<vmem>> -> memref<1x125x64xf32, #tpu.memory_space<vmem>>
      %dma_wait3A_508 = tpu.memref_squeeze %dma_wait3A_507 : memref<1x125x64xf32, #tpu.memory_space<vmem>> -> memref<125x64xf32, #tpu.memory_space<vmem>>
      %dma_wait3A_509 = arith.constant 0 : i32
      %dma_wait3A_510 = tpu.memref_slice %arg9[%add3A_503, %dma_wait3A_509] : memref<80x125xi32, #tpu.memory_space<vmem>> -> memref<1x125xi32, #tpu.memory_space<vmem>>
      %dma_wait3A_511 = tpu.memref_squeeze %dma_wait3A_510 : memref<1x125xi32, #tpu.memory_space<vmem>> -> memref<125xi32, #tpu.memory_space<vmem>>
      %dma_wait3A_512 = arith.constant 0 : i32
      %dma_wait3A_513 = arith.constant 0 : i32
      %dma_wait3A_514 = tpu.memref_slice %arg2[%dma_wait3A_512, %dma_wait3A_513] : memref<10240x64xf32, #tpu.memory_space<hbm>> -> memref<10240x64xf32, #tpu.memory_space<hbm>>
      tpu.wait_indirect_dma semaphore(%arg16 : memref<!tpu.dma_semaphore, #tpu.memory_space<semaphore_mem>>) src(%dma_wait3A_514 : memref<10240x64xf32, #tpu.memory_space<hbm>>) dst(%dma_wait3A_508 : memref<125x64xf32, #tpu.memory_space<vmem>>)
      %add3A_515 = arith.constant 3 : i32
      %add3A_516 = arith.addi %mul3A_423, %add3A_515 : i32
      %dma_start3A_517 = arith.constant 3 : i32
      %dma_start3A_518 = arith.constant 0 : i32
      %dma_start3A_519 = arith.constant 0 : i32
      %dma_start3A_520 = tpu.memref_slice %arg11[%dma_start3A_517, %dma_start3A_518, %dma_start3A_519] : memref<8x125x64xf32, #tpu.memory_space<vmem>> -> memref<1x125x64xf32, #tpu.memory_space<vmem>>
      %dma_start3A_521 = tpu.memref_squeeze %dma_start3A_520 : memref<1x125x64xf32, #tpu.memory_space<vmem>> -> memref<125x64xf32, #tpu.memory_space<vmem>>
      %dma_start3A_522 = arith.constant 0 : i32
      %dma_start3A_523 = tpu.memref_slice %arg10[%add3A_516, %dma_start3A_522] : memref<80x125xi32, #tpu.memory_space<vmem>> -> memref<1x125xi32, #tpu.memory_space<vmem>>
      %dma_start3A_524 = tpu.memref_squeeze %dma_start3A_523 : memref<1x125xi32, #tpu.memory_space<vmem>> -> memref<125xi32, #tpu.memory_space<vmem>>
      %dma_start3A_525 = arith.constant 0 : i32
      %dma_start3A_526 = arith.constant 0 : i32
      %dma_start3A_527 = tpu.memref_slice %arg12[%dma_start3A_525, %dma_start3A_526] : memref<10240x64xf32, #tpu.memory_space<vmem_shared>> -> memref<10240x64xf32, #tpu.memory_space<vmem_shared>>
      tpu.enqueue_indirect_dma source(%dma_start3A_521 : memref<125x64xf32, #tpu.memory_space<vmem>>) target(%dma_start3A_527 : memref<10240x64xf32, #tpu.memory_space<vmem_shared>>) offsets(%dma_start3A_524 : memref<125xi32, #tpu.memory_space<vmem>>) semaphore(%arg24 : memref<!tpu.dma_semaphore, #tpu.memory_space<semaphore_mem>>) {add = true}
      %add3A_528 = arith.constant 4 : i32
      %add3A_529 = arith.addi %mul3A_423, %add3A_528 : i32
      %dma_wait3A_530 = arith.constant 4 : i32
      %dma_wait3A_531 = arith.constant 0 : i32
      %dma_wait3A_532 = arith.constant 0 : i32
      %dma_wait3A_533 = tpu.memref_slice %arg11[%dma_wait3A_530, %dma_wait3A_531, %dma_wait3A_532] : memref<8x125x64xf32, #tpu.memory_space<vmem>> -> memref<1x125x64xf32, #tpu.memory_space<vmem>>
      %dma_wait3A_534 = tpu.memref_squeeze %dma_wait3A_533 : memref<1x125x64xf32, #tpu.memory_space<vmem>> -> memref<125x64xf32, #tpu.memory_space<vmem>>
      %dma_wait3A_535 = arith.constant 0 : i32
      %dma_wait3A_536 = tpu.memref_slice %arg9[%add3A_529, %dma_wait3A_535] : memref<80x125xi32, #tpu.memory_space<vmem>> -> memref<1x125xi32, #tpu.memory_space<vmem>>
      %dma_wait3A_537 = tpu.memref_squeeze %dma_wait3A_536 : memref<1x125xi32, #tpu.memory_space<vmem>> -> memref<125xi32, #tpu.memory_space<vmem>>
      %dma_wait3A_538 = arith.constant 0 : i32
      %dma_wait3A_539 = arith.constant 0 : i32
      %dma_wait3A_540 = tpu.memref_slice %arg2[%dma_wait3A_538, %dma_wait3A_539] : memref<10240x64xf32, #tpu.memory_space<hbm>> -> memref<10240x64xf32, #tpu.memory_space<hbm>>
      tpu.wait_indirect_dma semaphore(%arg17 : memref<!tpu.dma_semaphore, #tpu.memory_space<semaphore_mem>>) src(%dma_wait3A_540 : memref<10240x64xf32, #tpu.memory_space<hbm>>) dst(%dma_wait3A_534 : memref<125x64xf32, #tpu.memory_space<vmem>>)
      %add3A_541 = arith.constant 4 : i32
      %add3A_542 = arith.addi %mul3A_423, %add3A_541 : i32
      %dma_start3A_543 = arith.constant 4 : i32
      %dma_start3A_544 = arith.constant 0 : i32
      %dma_start3A_545 = arith.constant 0 : i32
      %dma_start3A_546 = tpu.memref_slice %arg11[%dma_start3A_543, %dma_start3A_544, %dma_start3A_545] : memref<8x125x64xf32, #tpu.memory_space<vmem>> -> memref<1x125x64xf32, #tpu.memory_space<vmem>>
      %dma_start3A_547 = tpu.memref_squeeze %dma_start3A_546 : memref<1x125x64xf32, #tpu.memory_space<vmem>> -> memref<125x64xf32, #tpu.memory_space<vmem>>
      %dma_start3A_548 = arith.constant 0 : i32
      %dma_start3A_549 = tpu.memref_slice %arg10[%add3A_542, %dma_start3A_548] : memref<80x125xi32, #tpu.memory_space<vmem>> -> memref<1x125xi32, #tpu.memory_space<vmem>>
      %dma_start3A_550 = tpu.memref_squeeze %dma_start3A_549 : memref<1x125xi32, #tpu.memory_space<vmem>> -> memref<125xi32, #tpu.memory_space<vmem>>
      %dma_start3A_551 = arith.constant 0 : i32
      %dma_start3A_552 = arith.constant 0 : i32
      %dma_start3A_553 = tpu.memref_slice %arg12[%dma_start3A_551, %dma_start3A_552] : memref<10240x64xf32, #tpu.memory_space<vmem_shared>> -> memref<10240x64xf32, #tpu.memory_space<vmem_shared>>
      tpu.enqueue_indirect_dma source(%dma_start3A_547 : memref<125x64xf32, #tpu.memory_space<vmem>>) target(%dma_start3A_553 : memref<10240x64xf32, #tpu.memory_space<vmem_shared>>) offsets(%dma_start3A_550 : memref<125xi32, #tpu.memory_space<vmem>>) semaphore(%arg25 : memref<!tpu.dma_semaphore, #tpu.memory_space<semaphore_mem>>) {add = true}
      %add3A_554 = arith.constant 5 : i32
      %add3A_555 = arith.addi %mul3A_423, %add3A_554 : i32
      %dma_wait3A_556 = arith.constant 5 : i32
      %dma_wait3A_557 = arith.constant 0 : i32
      %dma_wait3A_558 = arith.constant 0 : i32
      %dma_wait3A_559 = tpu.memref_slice %arg11[%dma_wait3A_556, %dma_wait3A_557, %dma_wait3A_558] : memref<8x125x64xf32, #tpu.memory_space<vmem>> -> memref<1x125x64xf32, #tpu.memory_space<vmem>>
      %dma_wait3A_560 = tpu.memref_squeeze %dma_wait3A_559 : memref<1x125x64xf32, #tpu.memory_space<vmem>> -> memref<125x64xf32, #tpu.memory_space<vmem>>
      %dma_wait3A_561 = arith.constant 0 : i32
      %dma_wait3A_562 = tpu.memref_slice %arg9[%add3A_555, %dma_wait3A_561] : memref<80x125xi32, #tpu.memory_space<vmem>> -> memref<1x125xi32, #tpu.memory_space<vmem>>
      %dma_wait3A_563 = tpu.memref_squeeze %dma_wait3A_562 : memref<1x125xi32, #tpu.memory_space<vmem>> -> memref<125xi32, #tpu.memory_space<vmem>>
      %dma_wait3A_564 = arith.constant 0 : i32
      %dma_wait3A_565 = arith.constant 0 : i32
      %dma_wait3A_566 = tpu.memref_slice %arg2[%dma_wait3A_564, %dma_wait3A_565] : memref<10240x64xf32, #tpu.memory_space<hbm>> -> memref<10240x64xf32, #tpu.memory_space<hbm>>
      tpu.wait_indirect_dma semaphore(%arg18 : memref<!tpu.dma_semaphore, #tpu.memory_space<semaphore_mem>>) src(%dma_wait3A_566 : memref<10240x64xf32, #tpu.memory_space<hbm>>) dst(%dma_wait3A_560 : memref<125x64xf32, #tpu.memory_space<vmem>>)
      %add3A_567 = arith.constant 5 : i32
      %add3A_568 = arith.addi %mul3A_423, %add3A_567 : i32
      %dma_start3A_569 = arith.constant 5 : i32
      %dma_start3A_570 = arith.constant 0 : i32
      %dma_start3A_571 = arith.constant 0 : i32
      %dma_start3A_572 = tpu.memref_slice %arg11[%dma_start3A_569, %dma_start3A_570, %dma_start3A_571] : memref<8x125x64xf32, #tpu.memory_space<vmem>> -> memref<1x125x64xf32, #tpu.memory_space<vmem>>
      %dma_start3A_573 = tpu.memref_squeeze %dma_start3A_572 : memref<1x125x64xf32, #tpu.memory_space<vmem>> -> memref<125x64xf32, #tpu.memory_space<vmem>>
      %dma_start3A_574 = arith.constant 0 : i32
      %dma_start3A_575 = tpu.memref_slice %arg10[%add3A_568, %dma_start3A_574] : memref<80x125xi32, #tpu.memory_space<vmem>> -> memref<1x125xi32, #tpu.memory_space<vmem>>
      %dma_start3A_576 = tpu.memref_squeeze %dma_start3A_575 : memref<1x125xi32, #tpu.memory_space<vmem>> -> memref<125xi32, #tpu.memory_space<vmem>>
      %dma_start3A_577 = arith.constant 0 : i32
      %dma_start3A_578 = arith.constant 0 : i32
      %dma_start3A_579 = tpu.memref_slice %arg12[%dma_start3A_577, %dma_start3A_578] : memref<10240x64xf32, #tpu.memory_space<vmem_shared>> -> memref<10240x64xf32, #tpu.memory_space<vmem_shared>>
      tpu.enqueue_indirect_dma source(%dma_start3A_573 : memref<125x64xf32, #tpu.memory_space<vmem>>) target(%dma_start3A_579 : memref<10240x64xf32, #tpu.memory_space<vmem_shared>>) offsets(%dma_start3A_576 : memref<125xi32, #tpu.memory_space<vmem>>) semaphore(%arg26 : memref<!tpu.dma_semaphore, #tpu.memory_space<semaphore_mem>>) {add = true}
      %add3A_580 = arith.constant 6 : i32
      %add3A_581 = arith.addi %mul3A_423, %add3A_580 : i32
      %dma_wait3A_582 = arith.constant 6 : i32
      %dma_wait3A_583 = arith.constant 0 : i32
      %dma_wait3A_584 = arith.constant 0 : i32
      %dma_wait3A_585 = tpu.memref_slice %arg11[%dma_wait3A_582, %dma_wait3A_583, %dma_wait3A_584] : memref<8x125x64xf32, #tpu.memory_space<vmem>> -> memref<1x125x64xf32, #tpu.memory_space<vmem>>
      %dma_wait3A_586 = tpu.memref_squeeze %dma_wait3A_585 : memref<1x125x64xf32, #tpu.memory_space<vmem>> -> memref<125x64xf32, #tpu.memory_space<vmem>>
      %dma_wait3A_587 = arith.constant 0 : i32
      %dma_wait3A_588 = tpu.memref_slice %arg9[%add3A_581, %dma_wait3A_587] : memref<80x125xi32, #tpu.memory_space<vmem>> -> memref<1x125xi32, #tpu.memory_space<vmem>>
      %dma_wait3A_589 = tpu.memref_squeeze %dma_wait3A_588 : memref<1x125xi32, #tpu.memory_space<vmem>> -> memref<125xi32, #tpu.memory_space<vmem>>
      %dma_wait3A_590 = arith.constant 0 : i32
      %dma_wait3A_591 = arith.constant 0 : i32
      %dma_wait3A_592 = tpu.memref_slice %arg2[%dma_wait3A_590, %dma_wait3A_591] : memref<10240x64xf32, #tpu.memory_space<hbm>> -> memref<10240x64xf32, #tpu.memory_space<hbm>>
      tpu.wait_indirect_dma semaphore(%arg19 : memref<!tpu.dma_semaphore, #tpu.memory_space<semaphore_mem>>) src(%dma_wait3A_592 : memref<10240x64xf32, #tpu.memory_space<hbm>>) dst(%dma_wait3A_586 : memref<125x64xf32, #tpu.memory_space<vmem>>)
      %add3A_593 = arith.constant 6 : i32
      %add3A_594 = arith.addi %mul3A_423, %add3A_593 : i32
      %dma_start3A_595 = arith.constant 6 : i32
      %dma_start3A_596 = arith.constant 0 : i32
      %dma_start3A_597 = arith.constant 0 : i32
      %dma_start3A_598 = tpu.memref_slice %arg11[%dma_start3A_595, %dma_start3A_596, %dma_start3A_597] : memref<8x125x64xf32, #tpu.memory_space<vmem>> -> memref<1x125x64xf32, #tpu.memory_space<vmem>>
      %dma_start3A_599 = tpu.memref_squeeze %dma_start3A_598 : memref<1x125x64xf32, #tpu.memory_space<vmem>> -> memref<125x64xf32, #tpu.memory_space<vmem>>
      %dma_start3A_600 = arith.constant 0 : i32
      %dma_start3A_601 = tpu.memref_slice %arg10[%add3A_594, %dma_start3A_600] : memref<80x125xi32, #tpu.memory_space<vmem>> -> memref<1x125xi32, #tpu.memory_space<vmem>>
      %dma_start3A_602 = tpu.memref_squeeze %dma_start3A_601 : memref<1x125xi32, #tpu.memory_space<vmem>> -> memref<125xi32, #tpu.memory_space<vmem>>
      %dma_start3A_603 = arith.constant 0 : i32
      %dma_start3A_604 = arith.constant 0 : i32
      %dma_start3A_605 = tpu.memref_slice %arg12[%dma_start3A_603, %dma_start3A_604] : memref<10240x64xf32, #tpu.memory_space<vmem_shared>> -> memref<10240x64xf32, #tpu.memory_space<vmem_shared>>
      tpu.enqueue_indirect_dma source(%dma_start3A_599 : memref<125x64xf32, #tpu.memory_space<vmem>>) target(%dma_start3A_605 : memref<10240x64xf32, #tpu.memory_space<vmem_shared>>) offsets(%dma_start3A_602 : memref<125xi32, #tpu.memory_space<vmem>>) semaphore(%arg27 : memref<!tpu.dma_semaphore, #tpu.memory_space<semaphore_mem>>) {add = true}
      %add3A_606 = arith.constant 7 : i32
      %add3A_607 = arith.addi %mul3A_423, %add3A_606 : i32
      %dma_wait3A_608 = arith.constant 7 : i32
      %dma_wait3A_609 = arith.constant 0 : i32
      %dma_wait3A_610 = arith.constant 0 : i32
      %dma_wait3A_611 = tpu.memref_slice %arg11[%dma_wait3A_608, %dma_wait3A_609, %dma_wait3A_610] : memref<8x125x64xf32, #tpu.memory_space<vmem>> -> memref<1x125x64xf32, #tpu.memory_space<vmem>>
      %dma_wait3A_612 = tpu.memref_squeeze %dma_wait3A_611 : memref<1x125x64xf32, #tpu.memory_space<vmem>> -> memref<125x64xf32, #tpu.memory_space<vmem>>
      %dma_wait3A_613 = arith.constant 0 : i32
      %dma_wait3A_614 = tpu.memref_slice %arg9[%add3A_607, %dma_wait3A_613] : memref<80x125xi32, #tpu.memory_space<vmem>> -> memref<1x125xi32, #tpu.memory_space<vmem>>
      %dma_wait3A_615 = tpu.memref_squeeze %dma_wait3A_614 : memref<1x125xi32, #tpu.memory_space<vmem>> -> memref<125xi32, #tpu.memory_space<vmem>>
      %dma_wait3A_616 = arith.constant 0 : i32
      %dma_wait3A_617 = arith.constant 0 : i32
      %dma_wait3A_618 = tpu.memref_slice %arg2[%dma_wait3A_616, %dma_wait3A_617] : memref<10240x64xf32, #tpu.memory_space<hbm>> -> memref<10240x64xf32, #tpu.memory_space<hbm>>
      tpu.wait_indirect_dma semaphore(%arg20 : memref<!tpu.dma_semaphore, #tpu.memory_space<semaphore_mem>>) src(%dma_wait3A_618 : memref<10240x64xf32, #tpu.memory_space<hbm>>) dst(%dma_wait3A_612 : memref<125x64xf32, #tpu.memory_space<vmem>>)
      %add3A_619 = arith.constant 7 : i32
      %add3A_620 = arith.addi %mul3A_423, %add3A_619 : i32
      %dma_start3A_621 = arith.constant 7 : i32
      %dma_start3A_622 = arith.constant 0 : i32
      %dma_start3A_623 = arith.constant 0 : i32
      %dma_start3A_624 = tpu.memref_slice %arg11[%dma_start3A_621, %dma_start3A_622, %dma_start3A_623] : memref<8x125x64xf32, #tpu.memory_space<vmem>> -> memref<1x125x64xf32, #tpu.memory_space<vmem>>
      %dma_start3A_625 = tpu.memref_squeeze %dma_start3A_624 : memref<1x125x64xf32, #tpu.memory_space<vmem>> -> memref<125x64xf32, #tpu.memory_space<vmem>>
      %dma_start3A_626 = arith.constant 0 : i32
      %dma_start3A_627 = tpu.memref_slice %arg10[%add3A_620, %dma_start3A_626] : memref<80x125xi32, #tpu.memory_space<vmem>> -> memref<1x125xi32, #tpu.memory_space<vmem>>
      %dma_start3A_628 = tpu.memref_squeeze %dma_start3A_627 : memref<1x125xi32, #tpu.memory_space<vmem>> -> memref<125xi32, #tpu.memory_space<vmem>>
      %dma_start3A_629 = arith.constant 0 : i32
      %dma_start3A_630 = arith.constant 0 : i32
      %dma_start3A_631 = tpu.memref_slice %arg12[%dma_start3A_629, %dma_start3A_630] : memref<10240x64xf32, #tpu.memory_space<vmem_shared>> -> memref<10240x64xf32, #tpu.memory_space<vmem_shared>>
      tpu.enqueue_indirect_dma source(%dma_start3A_625 : memref<125x64xf32, #tpu.memory_space<vmem>>) target(%dma_start3A_631 : memref<10240x64xf32, #tpu.memory_space<vmem_shared>>) offsets(%dma_start3A_628 : memref<125xi32, #tpu.memory_space<vmem>>) semaphore(%arg28 : memref<!tpu.dma_semaphore, #tpu.memory_space<semaphore_mem>>) {add = true}
      %add3A_632 = arith.constant 0 : i32
      %add3A_633 = arith.addi %mul3A_423, %add3A_632 : i32
      %add3A_634 = arith.constant 8 : i32
      %add3A_635 = arith.addi %add3A_633, %add3A_634 : i32
      %lt3A = arith.constant 80 : i32
      %lt3A_636 = arith.cmpi slt, %add3A_635, %lt3A : i32
      %convert_element_type3A = arith.extui %lt3A_636 : i1 to i32
      %cond3A = arith.constant 0 : i32
      %cond3A_637 = arith.cmpi ne, %convert_element_type3A, %cond3A : i32
      scf.if %cond3A_637 {
        %add3A_701 = arith.constant 0 : i32
        %add3A_702 = arith.addi %mul3A_423, %add3A_701 : i32
        %dma_wait3A_703 = arith.constant 0 : i32
        %dma_wait3A_704 = arith.constant 0 : i32
        %dma_wait3A_705 = arith.constant 0 : i32
        %dma_wait3A_706 = tpu.memref_slice %arg11[%dma_wait3A_703, %dma_wait3A_704, %dma_wait3A_705] : memref<8x125x64xf32, #tpu.memory_space<vmem>> -> memref<1x125x64xf32, #tpu.memory_space<vmem>>
        %dma_wait3A_707 = tpu.memref_squeeze %dma_wait3A_706 : memref<1x125x64xf32, #tpu.memory_space<vmem>> -> memref<125x64xf32, #tpu.memory_space<vmem>>
        %dma_wait3A_708 = arith.constant 0 : i32
        %dma_wait3A_709 = tpu.memref_slice %arg10[%add3A_702, %dma_wait3A_708] : memref<80x125xi32, #tpu.memory_space<vmem>> -> memref<1x125xi32, #tpu.memory_space<vmem>>
        %dma_wait3A_710 = tpu.memref_squeeze %dma_wait3A_709 : memref<1x125xi32, #tpu.memory_space<vmem>> -> memref<125xi32, #tpu.memory_space<vmem>>
        %dma_wait3A_711 = arith.constant 0 : i32
        %dma_wait3A_712 = arith.constant 0 : i32
        %dma_wait3A_713 = tpu.memref_slice %arg12[%dma_wait3A_711, %dma_wait3A_712] : memref<10240x64xf32, #tpu.memory_space<vmem_shared>> -> memref<10240x64xf32, #tpu.memory_space<vmem_shared>>
        tpu.wait_indirect_dma semaphore(%arg21 : memref<!tpu.dma_semaphore, #tpu.memory_space<semaphore_mem>>) src(%dma_wait3A_707 : memref<125x64xf32, #tpu.memory_space<vmem>>) dst(%dma_wait3A_713 : memref<10240x64xf32, #tpu.memory_space<vmem_shared>>)
        %add3A_714 = arith.constant 0 : i32
        %add3A_715 = arith.addi %mul3A_423, %add3A_714 : i32
        %add3A_716 = arith.constant 8 : i32
        %add3A_717 = arith.addi %add3A_715, %add3A_716 : i32
        %dma_start3A_718 = arith.constant 0 : i32
        %dma_start3A_719 = arith.constant 0 : i32
        %dma_start3A_720 = arith.constant 0 : i32
        %dma_start3A_721 = tpu.memref_slice %arg11[%dma_start3A_718, %dma_start3A_719, %dma_start3A_720] : memref<8x125x64xf32, #tpu.memory_space<vmem>> -> memref<1x125x64xf32, #tpu.memory_space<vmem>>
        %dma_start3A_722 = tpu.memref_squeeze %dma_start3A_721 : memref<1x125x64xf32, #tpu.memory_space<vmem>> -> memref<125x64xf32, #tpu.memory_space<vmem>>
        %dma_start3A_723 = arith.constant 0 : i32
        %dma_start3A_724 = tpu.memref_slice %arg9[%add3A_717, %dma_start3A_723] : memref<80x125xi32, #tpu.memory_space<vmem>> -> memref<1x125xi32, #tpu.memory_space<vmem>>
        %dma_start3A_725 = tpu.memref_squeeze %dma_start3A_724 : memref<1x125xi32, #tpu.memory_space<vmem>> -> memref<125xi32, #tpu.memory_space<vmem>>
        %dma_start3A_726 = arith.constant 0 : i32
        %dma_start3A_727 = arith.constant 0 : i32
        %dma_start3A_728 = tpu.memref_slice %arg2[%dma_start3A_726, %dma_start3A_727] : memref<10240x64xf32, #tpu.memory_space<hbm>> -> memref<10240x64xf32, #tpu.memory_space<hbm>>
        tpu.enqueue_indirect_dma source(%dma_start3A_728 : memref<10240x64xf32, #tpu.memory_space<hbm>>) target(%dma_start3A_722 : memref<125x64xf32, #tpu.memory_space<vmem>>) offsets(%dma_start3A_725 : memref<125xi32, #tpu.memory_space<vmem>>) semaphore(%arg13 : memref<!tpu.dma_semaphore, #tpu.memory_space<semaphore_mem>>)
      } else {
      }
      %add3A_638 = arith.constant 1 : i32
      %add3A_639 = arith.addi %mul3A_423, %add3A_638 : i32
      %add3A_640 = arith.constant 8 : i32
      %add3A_641 = arith.addi %add3A_639, %add3A_640 : i32
      %lt3A_642 = arith.constant 80 : i32
      %lt3A_643 = arith.cmpi slt, %add3A_641, %lt3A_642 : i32
      %convert_element_type3A_644 = arith.extui %lt3A_643 : i1 to i32
      %cond3A_645 = arith.constant 0 : i32
      %cond3A_646 = arith.cmpi ne, %convert_element_type3A_644, %cond3A_645 : i32
      scf.if %cond3A_646 {
        %add3A_701 = arith.constant 1 : i32
        %add3A_702 = arith.addi %mul3A_423, %add3A_701 : i32
        %dma_wait3A_703 = arith.constant 1 : i32
        %dma_wait3A_704 = arith.constant 0 : i32
        %dma_wait3A_705 = arith.constant 0 : i32
        %dma_wait3A_706 = tpu.memref_slice %arg11[%dma_wait3A_703, %dma_wait3A_704, %dma_wait3A_705] : memref<8x125x64xf32, #tpu.memory_space<vmem>> -> memref<1x125x64xf32, #tpu.memory_space<vmem>>
        %dma_wait3A_707 = tpu.memref_squeeze %dma_wait3A_706 : memref<1x125x64xf32, #tpu.memory_space<vmem>> -> memref<125x64xf32, #tpu.memory_space<vmem>>
        %dma_wait3A_708 = arith.constant 0 : i32
        %dma_wait3A_709 = tpu.memref_slice %arg10[%add3A_702, %dma_wait3A_708] : memref<80x125xi32, #tpu.memory_space<vmem>> -> memref<1x125xi32, #tpu.memory_space<vmem>>
        %dma_wait3A_710 = tpu.memref_squeeze %dma_wait3A_709 : memref<1x125xi32, #tpu.memory_space<vmem>> -> memref<125xi32, #tpu.memory_space<vmem>>
        %dma_wait3A_711 = arith.constant 0 : i32
        %dma_wait3A_712 = arith.constant 0 : i32
        %dma_wait3A_713 = tpu.memref_slice %arg12[%dma_wait3A_711, %dma_wait3A_712] : memref<10240x64xf32, #tpu.memory_space<vmem_shared>> -> memref<10240x64xf32, #tpu.memory_space<vmem_shared>>
        tpu.wait_indirect_dma semaphore(%arg22 : memref<!tpu.dma_semaphore, #tpu.memory_space<semaphore_mem>>) src(%dma_wait3A_707 : memref<125x64xf32, #tpu.memory_space<vmem>>) dst(%dma_wait3A_713 : memref<10240x64xf32, #tpu.memory_space<vmem_shared>>)
        %add3A_714 = arith.constant 1 : i32
        %add3A_715 = arith.addi %mul3A_423, %add3A_714 : i32
        %add3A_716 = arith.constant 8 : i32
        %add3A_717 = arith.addi %add3A_715, %add3A_716 : i32
        %dma_start3A_718 = arith.constant 1 : i32
        %dma_start3A_719 = arith.constant 0 : i32
        %dma_start3A_720 = arith.constant 0 : i32
        %dma_start3A_721 = tpu.memref_slice %arg11[%dma_start3A_718, %dma_start3A_719, %dma_start3A_720] : memref<8x125x64xf32, #tpu.memory_space<vmem>> -> memref<1x125x64xf32, #tpu.memory_space<vmem>>
        %dma_start3A_722 = tpu.memref_squeeze %dma_start3A_721 : memref<1x125x64xf32, #tpu.memory_space<vmem>> -> memref<125x64xf32, #tpu.memory_space<vmem>>
        %dma_start3A_723 = arith.constant 0 : i32
        %dma_start3A_724 = tpu.memref_slice %arg9[%add3A_717, %dma_start3A_723] : memref<80x125xi32, #tpu.memory_space<vmem>> -> memref<1x125xi32, #tpu.memory_space<vmem>>
        %dma_start3A_725 = tpu.memref_squeeze %dma_start3A_724 : memref<1x125xi32, #tpu.memory_space<vmem>> -> memref<125xi32, #tpu.memory_space<vmem>>
        %dma_start3A_726 = arith.constant 0 : i32
        %dma_start3A_727 = arith.constant 0 : i32
        %dma_start3A_728 = tpu.memref_slice %arg2[%dma_start3A_726, %dma_start3A_727] : memref<10240x64xf32, #tpu.memory_space<hbm>> -> memref<10240x64xf32, #tpu.memory_space<hbm>>
        tpu.enqueue_indirect_dma source(%dma_start3A_728 : memref<10240x64xf32, #tpu.memory_space<hbm>>) target(%dma_start3A_722 : memref<125x64xf32, #tpu.memory_space<vmem>>) offsets(%dma_start3A_725 : memref<125xi32, #tpu.memory_space<vmem>>) semaphore(%arg14 : memref<!tpu.dma_semaphore, #tpu.memory_space<semaphore_mem>>)
      } else {
      }
      %add3A_647 = arith.constant 2 : i32
      %add3A_648 = arith.addi %mul3A_423, %add3A_647 : i32
      %add3A_649 = arith.constant 8 : i32
      %add3A_650 = arith.addi %add3A_648, %add3A_649 : i32
      %lt3A_651 = arith.constant 80 : i32
      %lt3A_652 = arith.cmpi slt, %add3A_650, %lt3A_651 : i32
      %convert_element_type3A_653 = arith.extui %lt3A_652 : i1 to i32
      %cond3A_654 = arith.constant 0 : i32
      %cond3A_655 = arith.cmpi ne, %convert_element_type3A_653, %cond3A_654 : i32
      scf.if %cond3A_655 {
        %add3A_701 = arith.constant 2 : i32
        %add3A_702 = arith.addi %mul3A_423, %add3A_701 : i32
        %dma_wait3A_703 = arith.constant 2 : i32
        %dma_wait3A_704 = arith.constant 0 : i32
        %dma_wait3A_705 = arith.constant 0 : i32
        %dma_wait3A_706 = tpu.memref_slice %arg11[%dma_wait3A_703, %dma_wait3A_704, %dma_wait3A_705] : memref<8x125x64xf32, #tpu.memory_space<vmem>> -> memref<1x125x64xf32, #tpu.memory_space<vmem>>
        %dma_wait3A_707 = tpu.memref_squeeze %dma_wait3A_706 : memref<1x125x64xf32, #tpu.memory_space<vmem>> -> memref<125x64xf32, #tpu.memory_space<vmem>>
        %dma_wait3A_708 = arith.constant 0 : i32
        %dma_wait3A_709 = tpu.memref_slice %arg10[%add3A_702, %dma_wait3A_708] : memref<80x125xi32, #tpu.memory_space<vmem>> -> memref<1x125xi32, #tpu.memory_space<vmem>>
        %dma_wait3A_710 = tpu.memref_squeeze %dma_wait3A_709 : memref<1x125xi32, #tpu.memory_space<vmem>> -> memref<125xi32, #tpu.memory_space<vmem>>
        %dma_wait3A_711 = arith.constant 0 : i32
        %dma_wait3A_712 = arith.constant 0 : i32
        %dma_wait3A_713 = tpu.memref_slice %arg12[%dma_wait3A_711, %dma_wait3A_712] : memref<10240x64xf32, #tpu.memory_space<vmem_shared>> -> memref<10240x64xf32, #tpu.memory_space<vmem_shared>>
        tpu.wait_indirect_dma semaphore(%arg23 : memref<!tpu.dma_semaphore, #tpu.memory_space<semaphore_mem>>) src(%dma_wait3A_707 : memref<125x64xf32, #tpu.memory_space<vmem>>) dst(%dma_wait3A_713 : memref<10240x64xf32, #tpu.memory_space<vmem_shared>>)
        %add3A_714 = arith.constant 2 : i32
        %add3A_715 = arith.addi %mul3A_423, %add3A_714 : i32
        %add3A_716 = arith.constant 8 : i32
        %add3A_717 = arith.addi %add3A_715, %add3A_716 : i32
        %dma_start3A_718 = arith.constant 2 : i32
        %dma_start3A_719 = arith.constant 0 : i32
        %dma_start3A_720 = arith.constant 0 : i32
        %dma_start3A_721 = tpu.memref_slice %arg11[%dma_start3A_718, %dma_start3A_719, %dma_start3A_720] : memref<8x125x64xf32, #tpu.memory_space<vmem>> -> memref<1x125x64xf32, #tpu.memory_space<vmem>>
        %dma_start3A_722 = tpu.memref_squeeze %dma_start3A_721 : memref<1x125x64xf32, #tpu.memory_space<vmem>> -> memref<125x64xf32, #tpu.memory_space<vmem>>
        %dma_start3A_723 = arith.constant 0 : i32
        %dma_start3A_724 = tpu.memref_slice %arg9[%add3A_717, %dma_start3A_723] : memref<80x125xi32, #tpu.memory_space<vmem>> -> memref<1x125xi32, #tpu.memory_space<vmem>>
        %dma_start3A_725 = tpu.memref_squeeze %dma_start3A_724 : memref<1x125xi32, #tpu.memory_space<vmem>> -> memref<125xi32, #tpu.memory_space<vmem>>
        %dma_start3A_726 = arith.constant 0 : i32
        %dma_start3A_727 = arith.constant 0 : i32
        %dma_start3A_728 = tpu.memref_slice %arg2[%dma_start3A_726, %dma_start3A_727] : memref<10240x64xf32, #tpu.memory_space<hbm>> -> memref<10240x64xf32, #tpu.memory_space<hbm>>
        tpu.enqueue_indirect_dma source(%dma_start3A_728 : memref<10240x64xf32, #tpu.memory_space<hbm>>) target(%dma_start3A_722 : memref<125x64xf32, #tpu.memory_space<vmem>>) offsets(%dma_start3A_725 : memref<125xi32, #tpu.memory_space<vmem>>) semaphore(%arg15 : memref<!tpu.dma_semaphore, #tpu.memory_space<semaphore_mem>>)
      } else {
      }
      %add3A_656 = arith.constant 3 : i32
      %add3A_657 = arith.addi %mul3A_423, %add3A_656 : i32
      %add3A_658 = arith.constant 8 : i32
      %add3A_659 = arith.addi %add3A_657, %add3A_658 : i32
      %lt3A_660 = arith.constant 80 : i32
      %lt3A_661 = arith.cmpi slt, %add3A_659, %lt3A_660 : i32
      %convert_element_type3A_662 = arith.extui %lt3A_661 : i1 to i32
      %cond3A_663 = arith.constant 0 : i32
      %cond3A_664 = arith.cmpi ne, %convert_element_type3A_662, %cond3A_663 : i32
      scf.if %cond3A_664 {
        %add3A_701 = arith.constant 3 : i32
        %add3A_702 = arith.addi %mul3A_423, %add3A_701 : i32
        %dma_wait3A_703 = arith.constant 3 : i32
        %dma_wait3A_704 = arith.constant 0 : i32
        %dma_wait3A_705 = arith.constant 0 : i32
        %dma_wait3A_706 = tpu.memref_slice %arg11[%dma_wait3A_703, %dma_wait3A_704, %dma_wait3A_705] : memref<8x125x64xf32, #tpu.memory_space<vmem>> -> memref<1x125x64xf32, #tpu.memory_space<vmem>>
        %dma_wait3A_707 = tpu.memref_squeeze %dma_wait3A_706 : memref<1x125x64xf32, #tpu.memory_space<vmem>> -> memref<125x64xf32, #tpu.memory_space<vmem>>
        %dma_wait3A_708 = arith.constant 0 : i32
        %dma_wait3A_709 = tpu.memref_slice %arg10[%add3A_702, %dma_wait3A_708] : memref<80x125xi32, #tpu.memory_space<vmem>> -> memref<1x125xi32, #tpu.memory_space<vmem>>
        %dma_wait3A_710 = tpu.memref_squeeze %dma_wait3A_709 : memref<1x125xi32, #tpu.memory_space<vmem>> -> memref<125xi32, #tpu.memory_space<vmem>>
        %dma_wait3A_711 = arith.constant 0 : i32
        %dma_wait3A_712 = arith.constant 0 : i32
        %dma_wait3A_713 = tpu.memref_slice %arg12[%dma_wait3A_711, %dma_wait3A_712] : memref<10240x64xf32, #tpu.memory_space<vmem_shared>> -> memref<10240x64xf32, #tpu.memory_space<vmem_shared>>
        tpu.wait_indirect_dma semaphore(%arg24 : memref<!tpu.dma_semaphore, #tpu.memory_space<semaphore_mem>>) src(%dma_wait3A_707 : memref<125x64xf32, #tpu.memory_space<vmem>>) dst(%dma_wait3A_713 : memref<10240x64xf32, #tpu.memory_space<vmem_shared>>)
        %add3A_714 = arith.constant 3 : i32
        %add3A_715 = arith.addi %mul3A_423, %add3A_714 : i32
        %add3A_716 = arith.constant 8 : i32
        %add3A_717 = arith.addi %add3A_715, %add3A_716 : i32
        %dma_start3A_718 = arith.constant 3 : i32
        %dma_start3A_719 = arith.constant 0 : i32
        %dma_start3A_720 = arith.constant 0 : i32
        %dma_start3A_721 = tpu.memref_slice %arg11[%dma_start3A_718, %dma_start3A_719, %dma_start3A_720] : memref<8x125x64xf32, #tpu.memory_space<vmem>> -> memref<1x125x64xf32, #tpu.memory_space<vmem>>
        %dma_start3A_722 = tpu.memref_squeeze %dma_start3A_721 : memref<1x125x64xf32, #tpu.memory_space<vmem>> -> memref<125x64xf32, #tpu.memory_space<vmem>>
        %dma_start3A_723 = arith.constant 0 : i32
        %dma_start3A_724 = tpu.memref_slice %arg9[%add3A_717, %dma_start3A_723] : memref<80x125xi32, #tpu.memory_space<vmem>> -> memref<1x125xi32, #tpu.memory_space<vmem>>
        %dma_start3A_725 = tpu.memref_squeeze %dma_start3A_724 : memref<1x125xi32, #tpu.memory_space<vmem>> -> memref<125xi32, #tpu.memory_space<vmem>>
        %dma_start3A_726 = arith.constant 0 : i32
        %dma_start3A_727 = arith.constant 0 : i32
        %dma_start3A_728 = tpu.memref_slice %arg2[%dma_start3A_726, %dma_start3A_727] : memref<10240x64xf32, #tpu.memory_space<hbm>> -> memref<10240x64xf32, #tpu.memory_space<hbm>>
        tpu.enqueue_indirect_dma source(%dma_start3A_728 : memref<10240x64xf32, #tpu.memory_space<hbm>>) target(%dma_start3A_722 : memref<125x64xf32, #tpu.memory_space<vmem>>) offsets(%dma_start3A_725 : memref<125xi32, #tpu.memory_space<vmem>>) semaphore(%arg16 : memref<!tpu.dma_semaphore, #tpu.memory_space<semaphore_mem>>)
      } else {
      }
      %add3A_665 = arith.constant 4 : i32
      %add3A_666 = arith.addi %mul3A_423, %add3A_665 : i32
      %add3A_667 = arith.constant 8 : i32
      %add3A_668 = arith.addi %add3A_666, %add3A_667 : i32
      %lt3A_669 = arith.constant 80 : i32
      %lt3A_670 = arith.cmpi slt, %add3A_668, %lt3A_669 : i32
      %convert_element_type3A_671 = arith.extui %lt3A_670 : i1 to i32
      %cond3A_672 = arith.constant 0 : i32
      %cond3A_673 = arith.cmpi ne, %convert_element_type3A_671, %cond3A_672 : i32
      scf.if %cond3A_673 {
        %add3A_701 = arith.constant 4 : i32
        %add3A_702 = arith.addi %mul3A_423, %add3A_701 : i32
        %dma_wait3A_703 = arith.constant 4 : i32
        %dma_wait3A_704 = arith.constant 0 : i32
        %dma_wait3A_705 = arith.constant 0 : i32
        %dma_wait3A_706 = tpu.memref_slice %arg11[%dma_wait3A_703, %dma_wait3A_704, %dma_wait3A_705] : memref<8x125x64xf32, #tpu.memory_space<vmem>> -> memref<1x125x64xf32, #tpu.memory_space<vmem>>
        %dma_wait3A_707 = tpu.memref_squeeze %dma_wait3A_706 : memref<1x125x64xf32, #tpu.memory_space<vmem>> -> memref<125x64xf32, #tpu.memory_space<vmem>>
        %dma_wait3A_708 = arith.constant 0 : i32
        %dma_wait3A_709 = tpu.memref_slice %arg10[%add3A_702, %dma_wait3A_708] : memref<80x125xi32, #tpu.memory_space<vmem>> -> memref<1x125xi32, #tpu.memory_space<vmem>>
        %dma_wait3A_710 = tpu.memref_squeeze %dma_wait3A_709 : memref<1x125xi32, #tpu.memory_space<vmem>> -> memref<125xi32, #tpu.memory_space<vmem>>
        %dma_wait3A_711 = arith.constant 0 : i32
        %dma_wait3A_712 = arith.constant 0 : i32
        %dma_wait3A_713 = tpu.memref_slice %arg12[%dma_wait3A_711, %dma_wait3A_712] : memref<10240x64xf32, #tpu.memory_space<vmem_shared>> -> memref<10240x64xf32, #tpu.memory_space<vmem_shared>>
        tpu.wait_indirect_dma semaphore(%arg25 : memref<!tpu.dma_semaphore, #tpu.memory_space<semaphore_mem>>) src(%dma_wait3A_707 : memref<125x64xf32, #tpu.memory_space<vmem>>) dst(%dma_wait3A_713 : memref<10240x64xf32, #tpu.memory_space<vmem_shared>>)
        %add3A_714 = arith.constant 4 : i32
        %add3A_715 = arith.addi %mul3A_423, %add3A_714 : i32
        %add3A_716 = arith.constant 8 : i32
        %add3A_717 = arith.addi %add3A_715, %add3A_716 : i32
        %dma_start3A_718 = arith.constant 4 : i32
        %dma_start3A_719 = arith.constant 0 : i32
        %dma_start3A_720 = arith.constant 0 : i32
        %dma_start3A_721 = tpu.memref_slice %arg11[%dma_start3A_718, %dma_start3A_719, %dma_start3A_720] : memref<8x125x64xf32, #tpu.memory_space<vmem>> -> memref<1x125x64xf32, #tpu.memory_space<vmem>>
        %dma_start3A_722 = tpu.memref_squeeze %dma_start3A_721 : memref<1x125x64xf32, #tpu.memory_space<vmem>> -> memref<125x64xf32, #tpu.memory_space<vmem>>
        %dma_start3A_723 = arith.constant 0 : i32
        %dma_start3A_724 = tpu.memref_slice %arg9[%add3A_717, %dma_start3A_723] : memref<80x125xi32, #tpu.memory_space<vmem>> -> memref<1x125xi32, #tpu.memory_space<vmem>>
        %dma_start3A_725 = tpu.memref_squeeze %dma_start3A_724 : memref<1x125xi32, #tpu.memory_space<vmem>> -> memref<125xi32, #tpu.memory_space<vmem>>
        %dma_start3A_726 = arith.constant 0 : i32
        %dma_start3A_727 = arith.constant 0 : i32
        %dma_start3A_728 = tpu.memref_slice %arg2[%dma_start3A_726, %dma_start3A_727] : memref<10240x64xf32, #tpu.memory_space<hbm>> -> memref<10240x64xf32, #tpu.memory_space<hbm>>
        tpu.enqueue_indirect_dma source(%dma_start3A_728 : memref<10240x64xf32, #tpu.memory_space<hbm>>) target(%dma_start3A_722 : memref<125x64xf32, #tpu.memory_space<vmem>>) offsets(%dma_start3A_725 : memref<125xi32, #tpu.memory_space<vmem>>) semaphore(%arg17 : memref<!tpu.dma_semaphore, #tpu.memory_space<semaphore_mem>>)
      } else {
      }
      %add3A_674 = arith.constant 5 : i32
      %add3A_675 = arith.addi %mul3A_423, %add3A_674 : i32
      %add3A_676 = arith.constant 8 : i32
      %add3A_677 = arith.addi %add3A_675, %add3A_676 : i32
      %lt3A_678 = arith.constant 80 : i32
      %lt3A_679 = arith.cmpi slt, %add3A_677, %lt3A_678 : i32
      %convert_element_type3A_680 = arith.extui %lt3A_679 : i1 to i32
      %cond3A_681 = arith.constant 0 : i32
      %cond3A_682 = arith.cmpi ne, %convert_element_type3A_680, %cond3A_681 : i32
      scf.if %cond3A_682 {
        %add3A_701 = arith.constant 5 : i32
        %add3A_702 = arith.addi %mul3A_423, %add3A_701 : i32
        %dma_wait3A_703 = arith.constant 5 : i32
        %dma_wait3A_704 = arith.constant 0 : i32
        %dma_wait3A_705 = arith.constant 0 : i32
        %dma_wait3A_706 = tpu.memref_slice %arg11[%dma_wait3A_703, %dma_wait3A_704, %dma_wait3A_705] : memref<8x125x64xf32, #tpu.memory_space<vmem>> -> memref<1x125x64xf32, #tpu.memory_space<vmem>>
        %dma_wait3A_707 = tpu.memref_squeeze %dma_wait3A_706 : memref<1x125x64xf32, #tpu.memory_space<vmem>> -> memref<125x64xf32, #tpu.memory_space<vmem>>
        %dma_wait3A_708 = arith.constant 0 : i32
        %dma_wait3A_709 = tpu.memref_slice %arg10[%add3A_702, %dma_wait3A_708] : memref<80x125xi32, #tpu.memory_space<vmem>> -> memref<1x125xi32, #tpu.memory_space<vmem>>
        %dma_wait3A_710 = tpu.memref_squeeze %dma_wait3A_709 : memref<1x125xi32, #tpu.memory_space<vmem>> -> memref<125xi32, #tpu.memory_space<vmem>>
        %dma_wait3A_711 = arith.constant 0 : i32
        %dma_wait3A_712 = arith.constant 0 : i32
        %dma_wait3A_713 = tpu.memref_slice %arg12[%dma_wait3A_711, %dma_wait3A_712] : memref<10240x64xf32, #tpu.memory_space<vmem_shared>> -> memref<10240x64xf32, #tpu.memory_space<vmem_shared>>
        tpu.wait_indirect_dma semaphore(%arg26 : memref<!tpu.dma_semaphore, #tpu.memory_space<semaphore_mem>>) src(%dma_wait3A_707 : memref<125x64xf32, #tpu.memory_space<vmem>>) dst(%dma_wait3A_713 : memref<10240x64xf32, #tpu.memory_space<vmem_shared>>)
        %add3A_714 = arith.constant 5 : i32
        %add3A_715 = arith.addi %mul3A_423, %add3A_714 : i32
        %add3A_716 = arith.constant 8 : i32
        %add3A_717 = arith.addi %add3A_715, %add3A_716 : i32
        %dma_start3A_718 = arith.constant 5 : i32
        %dma_start3A_719 = arith.constant 0 : i32
        %dma_start3A_720 = arith.constant 0 : i32
        %dma_start3A_721 = tpu.memref_slice %arg11[%dma_start3A_718, %dma_start3A_719, %dma_start3A_720] : memref<8x125x64xf32, #tpu.memory_space<vmem>> -> memref<1x125x64xf32, #tpu.memory_space<vmem>>
        %dma_start3A_722 = tpu.memref_squeeze %dma_start3A_721 : memref<1x125x64xf32, #tpu.memory_space<vmem>> -> memref<125x64xf32, #tpu.memory_space<vmem>>
        %dma_start3A_723 = arith.constant 0 : i32
        %dma_start3A_724 = tpu.memref_slice %arg9[%add3A_717, %dma_start3A_723] : memref<80x125xi32, #tpu.memory_space<vmem>> -> memref<1x125xi32, #tpu.memory_space<vmem>>
        %dma_start3A_725 = tpu.memref_squeeze %dma_start3A_724 : memref<1x125xi32, #tpu.memory_space<vmem>> -> memref<125xi32, #tpu.memory_space<vmem>>
        %dma_start3A_726 = arith.constant 0 : i32
        %dma_start3A_727 = arith.constant 0 : i32
        %dma_start3A_728 = tpu.memref_slice %arg2[%dma_start3A_726, %dma_start3A_727] : memref<10240x64xf32, #tpu.memory_space<hbm>> -> memref<10240x64xf32, #tpu.memory_space<hbm>>
        tpu.enqueue_indirect_dma source(%dma_start3A_728 : memref<10240x64xf32, #tpu.memory_space<hbm>>) target(%dma_start3A_722 : memref<125x64xf32, #tpu.memory_space<vmem>>) offsets(%dma_start3A_725 : memref<125xi32, #tpu.memory_space<vmem>>) semaphore(%arg18 : memref<!tpu.dma_semaphore, #tpu.memory_space<semaphore_mem>>)
      } else {
      }
      %add3A_683 = arith.constant 6 : i32
      %add3A_684 = arith.addi %mul3A_423, %add3A_683 : i32
      %add3A_685 = arith.constant 8 : i32
      %add3A_686 = arith.addi %add3A_684, %add3A_685 : i32
      %lt3A_687 = arith.constant 80 : i32
      %lt3A_688 = arith.cmpi slt, %add3A_686, %lt3A_687 : i32
      %convert_element_type3A_689 = arith.extui %lt3A_688 : i1 to i32
      %cond3A_690 = arith.constant 0 : i32
      %cond3A_691 = arith.cmpi ne, %convert_element_type3A_689, %cond3A_690 : i32
      scf.if %cond3A_691 {
        %add3A_701 = arith.constant 6 : i32
        %add3A_702 = arith.addi %mul3A_423, %add3A_701 : i32
        %dma_wait3A_703 = arith.constant 6 : i32
        %dma_wait3A_704 = arith.constant 0 : i32
        %dma_wait3A_705 = arith.constant 0 : i32
        %dma_wait3A_706 = tpu.memref_slice %arg11[%dma_wait3A_703, %dma_wait3A_704, %dma_wait3A_705] : memref<8x125x64xf32, #tpu.memory_space<vmem>> -> memref<1x125x64xf32, #tpu.memory_space<vmem>>
        %dma_wait3A_707 = tpu.memref_squeeze %dma_wait3A_706 : memref<1x125x64xf32, #tpu.memory_space<vmem>> -> memref<125x64xf32, #tpu.memory_space<vmem>>
        %dma_wait3A_708 = arith.constant 0 : i32
        %dma_wait3A_709 = tpu.memref_slice %arg10[%add3A_702, %dma_wait3A_708] : memref<80x125xi32, #tpu.memory_space<vmem>> -> memref<1x125xi32, #tpu.memory_space<vmem>>
        %dma_wait3A_710 = tpu.memref_squeeze %dma_wait3A_709 : memref<1x125xi32, #tpu.memory_space<vmem>> -> memref<125xi32, #tpu.memory_space<vmem>>
        %dma_wait3A_711 = arith.constant 0 : i32
        %dma_wait3A_712 = arith.constant 0 : i32
        %dma_wait3A_713 = tpu.memref_slice %arg12[%dma_wait3A_711, %dma_wait3A_712] : memref<10240x64xf32, #tpu.memory_space<vmem_shared>> -> memref<10240x64xf32, #tpu.memory_space<vmem_shared>>
        tpu.wait_indirect_dma semaphore(%arg27 : memref<!tpu.dma_semaphore, #tpu.memory_space<semaphore_mem>>) src(%dma_wait3A_707 : memref<125x64xf32, #tpu.memory_space<vmem>>) dst(%dma_wait3A_713 : memref<10240x64xf32, #tpu.memory_space<vmem_shared>>)
        %add3A_714 = arith.constant 6 : i32
        %add3A_715 = arith.addi %mul3A_423, %add3A_714 : i32
        %add3A_716 = arith.constant 8 : i32
        %add3A_717 = arith.addi %add3A_715, %add3A_716 : i32
        %dma_start3A_718 = arith.constant 6 : i32
        %dma_start3A_719 = arith.constant 0 : i32
        %dma_start3A_720 = arith.constant 0 : i32
        %dma_start3A_721 = tpu.memref_slice %arg11[%dma_start3A_718, %dma_start3A_719, %dma_start3A_720] : memref<8x125x64xf32, #tpu.memory_space<vmem>> -> memref<1x125x64xf32, #tpu.memory_space<vmem>>
        %dma_start3A_722 = tpu.memref_squeeze %dma_start3A_721 : memref<1x125x64xf32, #tpu.memory_space<vmem>> -> memref<125x64xf32, #tpu.memory_space<vmem>>
        %dma_start3A_723 = arith.constant 0 : i32
        %dma_start3A_724 = tpu.memref_slice %arg9[%add3A_717, %dma_start3A_723] : memref<80x125xi32, #tpu.memory_space<vmem>> -> memref<1x125xi32, #tpu.memory_space<vmem>>
        %dma_start3A_725 = tpu.memref_squeeze %dma_start3A_724 : memref<1x125xi32, #tpu.memory_space<vmem>> -> memref<125xi32, #tpu.memory_space<vmem>>
        %dma_start3A_726 = arith.constant 0 : i32
        %dma_start3A_727 = arith.constant 0 : i32
        %dma_start3A_728 = tpu.memref_slice %arg2[%dma_start3A_726, %dma_start3A_727] : memref<10240x64xf32, #tpu.memory_space<hbm>> -> memref<10240x64xf32, #tpu.memory_space<hbm>>
        tpu.enqueue_indirect_dma source(%dma_start3A_728 : memref<10240x64xf32, #tpu.memory_space<hbm>>) target(%dma_start3A_722 : memref<125x64xf32, #tpu.memory_space<vmem>>) offsets(%dma_start3A_725 : memref<125xi32, #tpu.memory_space<vmem>>) semaphore(%arg19 : memref<!tpu.dma_semaphore, #tpu.memory_space<semaphore_mem>>)
      } else {
      }
      %add3A_692 = arith.constant 7 : i32
      %add3A_693 = arith.addi %mul3A_423, %add3A_692 : i32
      %add3A_694 = arith.constant 8 : i32
      %add3A_695 = arith.addi %add3A_693, %add3A_694 : i32
      %lt3A_696 = arith.constant 80 : i32
      %lt3A_697 = arith.cmpi slt, %add3A_695, %lt3A_696 : i32
      %convert_element_type3A_698 = arith.extui %lt3A_697 : i1 to i32
      %cond3A_699 = arith.constant 0 : i32
      %cond3A_700 = arith.cmpi ne, %convert_element_type3A_698, %cond3A_699 : i32
      scf.if %cond3A_700 {
        %add3A_701 = arith.constant 7 : i32
        %add3A_702 = arith.addi %mul3A_423, %add3A_701 : i32
        %dma_wait3A_703 = arith.constant 7 : i32
        %dma_wait3A_704 = arith.constant 0 : i32
        %dma_wait3A_705 = arith.constant 0 : i32
        %dma_wait3A_706 = tpu.memref_slice %arg11[%dma_wait3A_703, %dma_wait3A_704, %dma_wait3A_705] : memref<8x125x64xf32, #tpu.memory_space<vmem>> -> memref<1x125x64xf32, #tpu.memory_space<vmem>>
        %dma_wait3A_707 = tpu.memref_squeeze %dma_wait3A_706 : memref<1x125x64xf32, #tpu.memory_space<vmem>> -> memref<125x64xf32, #tpu.memory_space<vmem>>
        %dma_wait3A_708 = arith.constant 0 : i32
        %dma_wait3A_709 = tpu.memref_slice %arg10[%add3A_702, %dma_wait3A_708] : memref<80x125xi32, #tpu.memory_space<vmem>> -> memref<1x125xi32, #tpu.memory_space<vmem>>
        %dma_wait3A_710 = tpu.memref_squeeze %dma_wait3A_709 : memref<1x125xi32, #tpu.memory_space<vmem>> -> memref<125xi32, #tpu.memory_space<vmem>>
        %dma_wait3A_711 = arith.constant 0 : i32
        %dma_wait3A_712 = arith.constant 0 : i32
        %dma_wait3A_713 = tpu.memref_slice %arg12[%dma_wait3A_711, %dma_wait3A_712] : memref<10240x64xf32, #tpu.memory_space<vmem_shared>> -> memref<10240x64xf32, #tpu.memory_space<vmem_shared>>
        tpu.wait_indirect_dma semaphore(%arg28 : memref<!tpu.dma_semaphore, #tpu.memory_space<semaphore_mem>>) src(%dma_wait3A_707 : memref<125x64xf32, #tpu.memory_space<vmem>>) dst(%dma_wait3A_713 : memref<10240x64xf32, #tpu.memory_space<vmem_shared>>)
        %add3A_714 = arith.constant 7 : i32
        %add3A_715 = arith.addi %mul3A_423, %add3A_714 : i32
        %add3A_716 = arith.constant 8 : i32
        %add3A_717 = arith.addi %add3A_715, %add3A_716 : i32
        %dma_start3A_718 = arith.constant 7 : i32
        %dma_start3A_719 = arith.constant 0 : i32
        %dma_start3A_720 = arith.constant 0 : i32
        %dma_start3A_721 = tpu.memref_slice %arg11[%dma_start3A_718, %dma_start3A_719, %dma_start3A_720] : memref<8x125x64xf32, #tpu.memory_space<vmem>> -> memref<1x125x64xf32, #tpu.memory_space<vmem>>
        %dma_start3A_722 = tpu.memref_squeeze %dma_start3A_721 : memref<1x125x64xf32, #tpu.memory_space<vmem>> -> memref<125x64xf32, #tpu.memory_space<vmem>>
        %dma_start3A_723 = arith.constant 0 : i32
        %dma_start3A_724 = tpu.memref_slice %arg9[%add3A_717, %dma_start3A_723] : memref<80x125xi32, #tpu.memory_space<vmem>> -> memref<1x125xi32, #tpu.memory_space<vmem>>
        %dma_start3A_725 = tpu.memref_squeeze %dma_start3A_724 : memref<1x125xi32, #tpu.memory_space<vmem>> -> memref<125xi32, #tpu.memory_space<vmem>>
        %dma_start3A_726 = arith.constant 0 : i32
        %dma_start3A_727 = arith.constant 0 : i32
        %dma_start3A_728 = tpu.memref_slice %arg2[%dma_start3A_726, %dma_start3A_727] : memref<10240x64xf32, #tpu.memory_space<hbm>> -> memref<10240x64xf32, #tpu.memory_space<hbm>>
        tpu.enqueue_indirect_dma source(%dma_start3A_728 : memref<10240x64xf32, #tpu.memory_space<hbm>>) target(%dma_start3A_722 : memref<125x64xf32, #tpu.memory_space<vmem>>) offsets(%dma_start3A_725 : memref<125xi32, #tpu.memory_space<vmem>>) semaphore(%arg20 : memref<!tpu.dma_semaphore, #tpu.memory_space<semaphore_mem>>)
      } else {
      }
    }
    %scan3A_107 = arith.constant 10 : i32
    %dma_wait3A_108 = arith.constant 0 : i32
    %dma_wait3A_109 = arith.constant 72 : i32
    %dma_wait3A_110 = arith.constant 0 : i32
    %dma_wait3A_111 = arith.constant 0 : i32
    %dma_wait3A_112 = tpu.memref_slice %arg11[%dma_wait3A_108, %dma_wait3A_110, %dma_wait3A_111] : memref<8x125x64xf32, #tpu.memory_space<vmem>> -> memref<1x125x64xf32, #tpu.memory_space<vmem>>
    %dma_wait3A_113 = tpu.memref_squeeze %dma_wait3A_112 : memref<1x125x64xf32, #tpu.memory_space<vmem>> -> memref<125x64xf32, #tpu.memory_space<vmem>>
    %dma_wait3A_114 = arith.constant 0 : i32
    %dma_wait3A_115 = tpu.memref_slice %arg10[%dma_wait3A_109, %dma_wait3A_114] : memref<80x125xi32, #tpu.memory_space<vmem>> -> memref<1x125xi32, #tpu.memory_space<vmem>>
    %dma_wait3A_116 = tpu.memref_squeeze %dma_wait3A_115 : memref<1x125xi32, #tpu.memory_space<vmem>> -> memref<125xi32, #tpu.memory_space<vmem>>
    %dma_wait3A_117 = arith.constant 0 : i32
    %dma_wait3A_118 = arith.constant 0 : i32
    %dma_wait3A_119 = tpu.memref_slice %arg12[%dma_wait3A_117, %dma_wait3A_118] : memref<10240x64xf32, #tpu.memory_space<vmem_shared>> -> memref<10240x64xf32, #tpu.memory_space<vmem_shared>>
    tpu.wait_indirect_dma semaphore(%arg21 : memref<!tpu.dma_semaphore, #tpu.memory_space<semaphore_mem>>) src(%dma_wait3A_113 : memref<125x64xf32, #tpu.memory_space<vmem>>) dst(%dma_wait3A_119 : memref<10240x64xf32, #tpu.memory_space<vmem_shared>>)
    %dma_wait3A_120 = arith.constant 1 : i32
    %dma_wait3A_121 = arith.constant 73 : i32
    %dma_wait3A_122 = arith.constant 0 : i32
    %dma_wait3A_123 = arith.constant 0 : i32
    %dma_wait3A_124 = tpu.memref_slice %arg11[%dma_wait3A_120, %dma_wait3A_122, %dma_wait3A_123] : memref<8x125x64xf32, #tpu.memory_space<vmem>> -> memref<1x125x64xf32, #tpu.memory_space<vmem>>
    %dma_wait3A_125 = tpu.memref_squeeze %dma_wait3A_124 : memref<1x125x64xf32, #tpu.memory_space<vmem>> -> memref<125x64xf32, #tpu.memory_space<vmem>>
    %dma_wait3A_126 = arith.constant 0 : i32
    %dma_wait3A_127 = tpu.memref_slice %arg10[%dma_wait3A_121, %dma_wait3A_126] : memref<80x125xi32, #tpu.memory_space<vmem>> -> memref<1x125xi32, #tpu.memory_space<vmem>>
    %dma_wait3A_128 = tpu.memref_squeeze %dma_wait3A_127 : memref<1x125xi32, #tpu.memory_space<vmem>> -> memref<125xi32, #tpu.memory_space<vmem>>
    %dma_wait3A_129 = arith.constant 0 : i32
    %dma_wait3A_130 = arith.constant 0 : i32
    %dma_wait3A_131 = tpu.memref_slice %arg12[%dma_wait3A_129, %dma_wait3A_130] : memref<10240x64xf32, #tpu.memory_space<vmem_shared>> -> memref<10240x64xf32, #tpu.memory_space<vmem_shared>>
    tpu.wait_indirect_dma semaphore(%arg22 : memref<!tpu.dma_semaphore, #tpu.memory_space<semaphore_mem>>) src(%dma_wait3A_125 : memref<125x64xf32, #tpu.memory_space<vmem>>) dst(%dma_wait3A_131 : memref<10240x64xf32, #tpu.memory_space<vmem_shared>>)
    %dma_wait3A_132 = arith.constant 2 : i32
    %dma_wait3A_133 = arith.constant 74 : i32
    %dma_wait3A_134 = arith.constant 0 : i32
    %dma_wait3A_135 = arith.constant 0 : i32
    %dma_wait3A_136 = tpu.memref_slice %arg11[%dma_wait3A_132, %dma_wait3A_134, %dma_wait3A_135] : memref<8x125x64xf32, #tpu.memory_space<vmem>> -> memref<1x125x64xf32, #tpu.memory_space<vmem>>
    %dma_wait3A_137 = tpu.memref_squeeze %dma_wait3A_136 : memref<1x125x64xf32, #tpu.memory_space<vmem>> -> memref<125x64xf32, #tpu.memory_space<vmem>>
    %dma_wait3A_138 = arith.constant 0 : i32
    %dma_wait3A_139 = tpu.memref_slice %arg10[%dma_wait3A_133, %dma_wait3A_138] : memref<80x125xi32, #tpu.memory_space<vmem>> -> memref<1x125xi32, #tpu.memory_space<vmem>>
    %dma_wait3A_140 = tpu.memref_squeeze %dma_wait3A_139 : memref<1x125xi32, #tpu.memory_space<vmem>> -> memref<125xi32, #tpu.memory_space<vmem>>
    %dma_wait3A_141 = arith.constant 0 : i32
    %dma_wait3A_142 = arith.constant 0 : i32
    %dma_wait3A_143 = tpu.memref_slice %arg12[%dma_wait3A_141, %dma_wait3A_142] : memref<10240x64xf32, #tpu.memory_space<vmem_shared>> -> memref<10240x64xf32, #tpu.memory_space<vmem_shared>>
    tpu.wait_indirect_dma semaphore(%arg23 : memref<!tpu.dma_semaphore, #tpu.memory_space<semaphore_mem>>) src(%dma_wait3A_137 : memref<125x64xf32, #tpu.memory_space<vmem>>) dst(%dma_wait3A_143 : memref<10240x64xf32, #tpu.memory_space<vmem_shared>>)
    %dma_wait3A_144 = arith.constant 3 : i32
    %dma_wait3A_145 = arith.constant 75 : i32
    %dma_wait3A_146 = arith.constant 0 : i32
    %dma_wait3A_147 = arith.constant 0 : i32
    %dma_wait3A_148 = tpu.memref_slice %arg11[%dma_wait3A_144, %dma_wait3A_146, %dma_wait3A_147] : memref<8x125x64xf32, #tpu.memory_space<vmem>> -> memref<1x125x64xf32, #tpu.memory_space<vmem>>
    %dma_wait3A_149 = tpu.memref_squeeze %dma_wait3A_148 : memref<1x125x64xf32, #tpu.memory_space<vmem>> -> memref<125x64xf32, #tpu.memory_space<vmem>>
    %dma_wait3A_150 = arith.constant 0 : i32
    %dma_wait3A_151 = tpu.memref_slice %arg10[%dma_wait3A_145, %dma_wait3A_150] : memref<80x125xi32, #tpu.memory_space<vmem>> -> memref<1x125xi32, #tpu.memory_space<vmem>>
    %dma_wait3A_152 = tpu.memref_squeeze %dma_wait3A_151 : memref<1x125xi32, #tpu.memory_space<vmem>> -> memref<125xi32, #tpu.memory_space<vmem>>
    %dma_wait3A_153 = arith.constant 0 : i32
    %dma_wait3A_154 = arith.constant 0 : i32
    %dma_wait3A_155 = tpu.memref_slice %arg12[%dma_wait3A_153, %dma_wait3A_154] : memref<10240x64xf32, #tpu.memory_space<vmem_shared>> -> memref<10240x64xf32, #tpu.memory_space<vmem_shared>>
    tpu.wait_indirect_dma semaphore(%arg24 : memref<!tpu.dma_semaphore, #tpu.memory_space<semaphore_mem>>) src(%dma_wait3A_149 : memref<125x64xf32, #tpu.memory_space<vmem>>) dst(%dma_wait3A_155 : memref<10240x64xf32, #tpu.memory_space<vmem_shared>>)
    %dma_wait3A_156 = arith.constant 4 : i32
    %dma_wait3A_157 = arith.constant 76 : i32
    %dma_wait3A_158 = arith.constant 0 : i32
    %dma_wait3A_159 = arith.constant 0 : i32
    %dma_wait3A_160 = tpu.memref_slice %arg11[%dma_wait3A_156, %dma_wait3A_158, %dma_wait3A_159] : memref<8x125x64xf32, #tpu.memory_space<vmem>> -> memref<1x125x64xf32, #tpu.memory_space<vmem>>
    %dma_wait3A_161 = tpu.memref_squeeze %dma_wait3A_160 : memref<1x125x64xf32, #tpu.memory_space<vmem>> -> memref<125x64xf32, #tpu.memory_space<vmem>>
    %dma_wait3A_162 = arith.constant 0 : i32
    %dma_wait3A_163 = tpu.memref_slice %arg10[%dma_wait3A_157, %dma_wait3A_162] : memref<80x125xi32, #tpu.memory_space<vmem>> -> memref<1x125xi32, #tpu.memory_space<vmem>>
    %dma_wait3A_164 = tpu.memref_squeeze %dma_wait3A_163 : memref<1x125xi32, #tpu.memory_space<vmem>> -> memref<125xi32, #tpu.memory_space<vmem>>
    %dma_wait3A_165 = arith.constant 0 : i32
    %dma_wait3A_166 = arith.constant 0 : i32
    %dma_wait3A_167 = tpu.memref_slice %arg12[%dma_wait3A_165, %dma_wait3A_166] : memref<10240x64xf32, #tpu.memory_space<vmem_shared>> -> memref<10240x64xf32, #tpu.memory_space<vmem_shared>>
    tpu.wait_indirect_dma semaphore(%arg25 : memref<!tpu.dma_semaphore, #tpu.memory_space<semaphore_mem>>) src(%dma_wait3A_161 : memref<125x64xf32, #tpu.memory_space<vmem>>) dst(%dma_wait3A_167 : memref<10240x64xf32, #tpu.memory_space<vmem_shared>>)
    %dma_wait3A_168 = arith.constant 5 : i32
    %dma_wait3A_169 = arith.constant 77 : i32
    %dma_wait3A_170 = arith.constant 0 : i32
    %dma_wait3A_171 = arith.constant 0 : i32
    %dma_wait3A_172 = tpu.memref_slice %arg11[%dma_wait3A_168, %dma_wait3A_170, %dma_wait3A_171] : memref<8x125x64xf32, #tpu.memory_space<vmem>> -> memref<1x125x64xf32, #tpu.memory_space<vmem>>
    %dma_wait3A_173 = tpu.memref_squeeze %dma_wait3A_172 : memref<1x125x64xf32, #tpu.memory_space<vmem>> -> memref<125x64xf32, #tpu.memory_space<vmem>>
    %dma_wait3A_174 = arith.constant 0 : i32
    %dma_wait3A_175 = tpu.memref_slice %arg10[%dma_wait3A_169, %dma_wait3A_174] : memref<80x125xi32, #tpu.memory_space<vmem>> -> memref<1x125xi32, #tpu.memory_space<vmem>>
    %dma_wait3A_176 = tpu.memref_squeeze %dma_wait3A_175 : memref<1x125xi32, #tpu.memory_space<vmem>> -> memref<125xi32, #tpu.memory_space<vmem>>
    %dma_wait3A_177 = arith.constant 0 : i32
    %dma_wait3A_178 = arith.constant 0 : i32
    %dma_wait3A_179 = tpu.memref_slice %arg12[%dma_wait3A_177, %dma_wait3A_178] : memref<10240x64xf32, #tpu.memory_space<vmem_shared>> -> memref<10240x64xf32, #tpu.memory_space<vmem_shared>>
    tpu.wait_indirect_dma semaphore(%arg26 : memref<!tpu.dma_semaphore, #tpu.memory_space<semaphore_mem>>) src(%dma_wait3A_173 : memref<125x64xf32, #tpu.memory_space<vmem>>) dst(%dma_wait3A_179 : memref<10240x64xf32, #tpu.memory_space<vmem_shared>>)
    %dma_wait3A_180 = arith.constant 6 : i32
    %dma_wait3A_181 = arith.constant 78 : i32
    %dma_wait3A_182 = arith.constant 0 : i32
    %dma_wait3A_183 = arith.constant 0 : i32
    %dma_wait3A_184 = tpu.memref_slice %arg11[%dma_wait3A_180, %dma_wait3A_182, %dma_wait3A_183] : memref<8x125x64xf32, #tpu.memory_space<vmem>> -> memref<1x125x64xf32, #tpu.memory_space<vmem>>
    %dma_wait3A_185 = tpu.memref_squeeze %dma_wait3A_184 : memref<1x125x64xf32, #tpu.memory_space<vmem>> -> memref<125x64xf32, #tpu.memory_space<vmem>>
    %dma_wait3A_186 = arith.constant 0 : i32
    %dma_wait3A_187 = tpu.memref_slice %arg10[%dma_wait3A_181, %dma_wait3A_186] : memref<80x125xi32, #tpu.memory_space<vmem>> -> memref<1x125xi32, #tpu.memory_space<vmem>>
    %dma_wait3A_188 = tpu.memref_squeeze %dma_wait3A_187 : memref<1x125xi32, #tpu.memory_space<vmem>> -> memref<125xi32, #tpu.memory_space<vmem>>
    %dma_wait3A_189 = arith.constant 0 : i32
    %dma_wait3A_190 = arith.constant 0 : i32
    %dma_wait3A_191 = tpu.memref_slice %arg12[%dma_wait3A_189, %dma_wait3A_190] : memref<10240x64xf32, #tpu.memory_space<vmem_shared>> -> memref<10240x64xf32, #tpu.memory_space<vmem_shared>>
    tpu.wait_indirect_dma semaphore(%arg27 : memref<!tpu.dma_semaphore, #tpu.memory_space<semaphore_mem>>) src(%dma_wait3A_185 : memref<125x64xf32, #tpu.memory_space<vmem>>) dst(%dma_wait3A_191 : memref<10240x64xf32, #tpu.memory_space<vmem_shared>>)
    %dma_wait3A_192 = arith.constant 7 : i32
    %dma_wait3A_193 = arith.constant 79 : i32
    %dma_wait3A_194 = arith.constant 0 : i32
    %dma_wait3A_195 = arith.constant 0 : i32
    %dma_wait3A_196 = tpu.memref_slice %arg11[%dma_wait3A_192, %dma_wait3A_194, %dma_wait3A_195] : memref<8x125x64xf32, #tpu.memory_space<vmem>> -> memref<1x125x64xf32, #tpu.memory_space<vmem>>
    %dma_wait3A_197 = tpu.memref_squeeze %dma_wait3A_196 : memref<1x125x64xf32, #tpu.memory_space<vmem>> -> memref<125x64xf32, #tpu.memory_space<vmem>>
    %dma_wait3A_198 = arith.constant 0 : i32
    %dma_wait3A_199 = tpu.memref_slice %arg10[%dma_wait3A_193, %dma_wait3A_198] : memref<80x125xi32, #tpu.memory_space<vmem>> -> memref<1x125xi32, #tpu.memory_space<vmem>>
    %dma_wait3A_200 = tpu.memref_squeeze %dma_wait3A_199 : memref<1x125xi32, #tpu.memory_space<vmem>> -> memref<125xi32, #tpu.memory_space<vmem>>
    %dma_wait3A_201 = arith.constant 0 : i32
    %dma_wait3A_202 = arith.constant 0 : i32
    %dma_wait3A_203 = tpu.memref_slice %arg12[%dma_wait3A_201, %dma_wait3A_202] : memref<10240x64xf32, #tpu.memory_space<vmem_shared>> -> memref<10240x64xf32, #tpu.memory_space<vmem_shared>>
    tpu.wait_indirect_dma semaphore(%arg28 : memref<!tpu.dma_semaphore, #tpu.memory_space<semaphore_mem>>) src(%dma_wait3A_197 : memref<125x64xf32, #tpu.memory_space<vmem>>) dst(%dma_wait3A_203 : memref<10240x64xf32, #tpu.memory_space<vmem_shared>>)
    %barrier3A_204 = arith.constant 0 : index
    tpu.barrier barrier_id(%barrier3A_204)
    %mul3A_205 = arith.constant 640 : i32
    %mul3A_206 = arith.muli %arg1, %mul3A_205 : i32
    %mul3A_207 = arith.constant 640 : i32
    %mul3A_208 = arith.muli %arg1, %mul3A_207 : i32
    "tpu.region"() ({
      %run_scoped3A = tpu.sem_alloc : memref<!tpu.dma_semaphore, #tpu.memory_space<semaphore_mem>>
      %dma_start3A_421 = arith.constant 0 : i32
      %dma_start3A_422 = tpu.memref_slice %arg7[%arg0, %mul3A_208, %dma_start3A_421] : memref<2x10240x64xf32, #tpu.memory_space<hbm>> -> memref<1x640x64xf32, #tpu.memory_space<hbm>>
      %dma_start3A_423 = tpu.memref_squeeze %dma_start3A_422 : memref<1x640x64xf32, #tpu.memory_space<hbm>> -> memref<640x64xf32, #tpu.memory_space<hbm>>
      %dma_start3A_424 = arith.constant 0 : i32
      %dma_start3A_425 = tpu.memref_slice %arg12[%mul3A_206, %dma_start3A_424] : memref<10240x64xf32, #tpu.memory_space<vmem_shared>> -> memref<640x64xf32, #tpu.memory_space<vmem_shared>>
      tpu.enqueue_dma source(%dma_start3A_425 : memref<640x64xf32, #tpu.memory_space<vmem_shared>>) target(%dma_start3A_423 : memref<640x64xf32, #tpu.memory_space<hbm>>) target_semaphore(%run_scoped3A : memref<!tpu.dma_semaphore, #tpu.memory_space<semaphore_mem>>)
      %dma_wait3A_426 = arith.constant 0 : i32
      %dma_wait3A_427 = tpu.memref_slice %arg7[%arg0, %mul3A_208, %dma_wait3A_426] : memref<2x10240x64xf32, #tpu.memory_space<hbm>> -> memref<1x640x64xf32, #tpu.memory_space<hbm>>
      %dma_wait3A_428 = tpu.memref_squeeze %dma_wait3A_427 : memref<1x640x64xf32, #tpu.memory_space<hbm>> -> memref<640x64xf32, #tpu.memory_space<hbm>>
      %dma_wait3A_429 = arith.constant 0 : i32
      %dma_wait3A_430 = tpu.memref_slice %arg12[%mul3A_206, %dma_wait3A_429] : memref<10240x64xf32, #tpu.memory_space<vmem_shared>> -> memref<640x64xf32, #tpu.memory_space<vmem_shared>>
      tpu.wait_dma2 semaphore(%run_scoped3A : memref<!tpu.dma_semaphore, #tpu.memory_space<semaphore_mem>>) src(%dma_wait3A_430 : memref<640x64xf32, #tpu.memory_space<vmem_shared>>) dst(%dma_wait3A_428 : memref<640x64xf32, #tpu.memory_space<hbm>>)
      tpu.yield
    }) : () -> ()
    %mul3A_209 = arith.constant 640 : i32
    %mul3A_210 = arith.muli %arg1, %mul3A_209 : i32
    %dma_start3A_211 = arith.constant 0 : i32
    %dma_start3A_212 = tpu.memref_slice %arg12[%mul3A_210, %dma_start3A_211] : memref<10240x64xf32, #tpu.memory_space<vmem_shared>> -> memref<640x64xf32, #tpu.memory_space<vmem_shared>>
    tpu.enqueue_dma source(%arg6 : memref<640x64xf32, #tpu.memory_space<hbm>>) target(%dma_start3A_212 : memref<640x64xf32, #tpu.memory_space<vmem_shared>>) target_semaphore(%arg21 : memref<!tpu.dma_semaphore, #tpu.memory_space<semaphore_mem>>)
    %dma_start3A_213 = arith.constant 0 : i32
    %dma_start3A_214 = arith.constant 0 : i32
    %dma_start3A_215 = arith.constant 0 : i32
    %dma_start3A_216 = arith.constant 0 : i32
    %dma_start3A_217 = tpu.memref_slice %arg11[%dma_start3A_214, %dma_start3A_215, %dma_start3A_216] : memref<8x125x64xf32, #tpu.memory_space<vmem>> -> memref<1x125x64xf32, #tpu.memory_space<vmem>>
    %dma_start3A_218 = tpu.memref_squeeze %dma_start3A_217 : memref<1x125x64xf32, #tpu.memory_space<vmem>> -> memref<125x64xf32, #tpu.memory_space<vmem>>
    %dma_start3A_219 = arith.constant 0 : i32
    %dma_start3A_220 = tpu.memref_slice %arg9[%dma_start3A_213, %dma_start3A_219] : memref<80x125xi32, #tpu.memory_space<vmem>> -> memref<1x125xi32, #tpu.memory_space<vmem>>
    %dma_start3A_221 = tpu.memref_squeeze %dma_start3A_220 : memref<1x125xi32, #tpu.memory_space<vmem>> -> memref<125xi32, #tpu.memory_space<vmem>>
    %dma_start3A_222 = arith.constant 0 : i32
    %dma_start3A_223 = arith.constant 0 : i32
    %dma_start3A_224 = tpu.memref_slice %arg3[%dma_start3A_222, %dma_start3A_223] : memref<10240x64xf32, #tpu.memory_space<hbm>> -> memref<10240x64xf32, #tpu.memory_space<hbm>>
    tpu.enqueue_indirect_dma source(%dma_start3A_224 : memref<10240x64xf32, #tpu.memory_space<hbm>>) target(%dma_start3A_218 : memref<125x64xf32, #tpu.memory_space<vmem>>) offsets(%dma_start3A_221 : memref<125xi32, #tpu.memory_space<vmem>>) semaphore(%arg13 : memref<!tpu.dma_semaphore, #tpu.memory_space<semaphore_mem>>)
    %dma_start3A_225 = arith.constant 1 : i32
    %dma_start3A_226 = arith.constant 1 : i32
    %dma_start3A_227 = arith.constant 0 : i32
    %dma_start3A_228 = arith.constant 0 : i32
    %dma_start3A_229 = tpu.memref_slice %arg11[%dma_start3A_226, %dma_start3A_227, %dma_start3A_228] : memref<8x125x64xf32, #tpu.memory_space<vmem>> -> memref<1x125x64xf32, #tpu.memory_space<vmem>>
    %dma_start3A_230 = tpu.memref_squeeze %dma_start3A_229 : memref<1x125x64xf32, #tpu.memory_space<vmem>> -> memref<125x64xf32, #tpu.memory_space<vmem>>
    %dma_start3A_231 = arith.constant 0 : i32
    %dma_start3A_232 = tpu.memref_slice %arg9[%dma_start3A_225, %dma_start3A_231] : memref<80x125xi32, #tpu.memory_space<vmem>> -> memref<1x125xi32, #tpu.memory_space<vmem>>
    %dma_start3A_233 = tpu.memref_squeeze %dma_start3A_232 : memref<1x125xi32, #tpu.memory_space<vmem>> -> memref<125xi32, #tpu.memory_space<vmem>>
    %dma_start3A_234 = arith.constant 0 : i32
    %dma_start3A_235 = arith.constant 0 : i32
    %dma_start3A_236 = tpu.memref_slice %arg3[%dma_start3A_234, %dma_start3A_235] : memref<10240x64xf32, #tpu.memory_space<hbm>> -> memref<10240x64xf32, #tpu.memory_space<hbm>>
    tpu.enqueue_indirect_dma source(%dma_start3A_236 : memref<10240x64xf32, #tpu.memory_space<hbm>>) target(%dma_start3A_230 : memref<125x64xf32, #tpu.memory_space<vmem>>) offsets(%dma_start3A_233 : memref<125xi32, #tpu.memory_space<vmem>>) semaphore(%arg14 : memref<!tpu.dma_semaphore, #tpu.memory_space<semaphore_mem>>)
    %dma_start3A_237 = arith.constant 2 : i32
    %dma_start3A_238 = arith.constant 2 : i32
    %dma_start3A_239 = arith.constant 0 : i32
    %dma_start3A_240 = arith.constant 0 : i32
    %dma_start3A_241 = tpu.memref_slice %arg11[%dma_start3A_238, %dma_start3A_239, %dma_start3A_240] : memref<8x125x64xf32, #tpu.memory_space<vmem>> -> memref<1x125x64xf32, #tpu.memory_space<vmem>>
    %dma_start3A_242 = tpu.memref_squeeze %dma_start3A_241 : memref<1x125x64xf32, #tpu.memory_space<vmem>> -> memref<125x64xf32, #tpu.memory_space<vmem>>
    %dma_start3A_243 = arith.constant 0 : i32
    %dma_start3A_244 = tpu.memref_slice %arg9[%dma_start3A_237, %dma_start3A_243] : memref<80x125xi32, #tpu.memory_space<vmem>> -> memref<1x125xi32, #tpu.memory_space<vmem>>
    %dma_start3A_245 = tpu.memref_squeeze %dma_start3A_244 : memref<1x125xi32, #tpu.memory_space<vmem>> -> memref<125xi32, #tpu.memory_space<vmem>>
    %dma_start3A_246 = arith.constant 0 : i32
    %dma_start3A_247 = arith.constant 0 : i32
    %dma_start3A_248 = tpu.memref_slice %arg3[%dma_start3A_246, %dma_start3A_247] : memref<10240x64xf32, #tpu.memory_space<hbm>> -> memref<10240x64xf32, #tpu.memory_space<hbm>>
    tpu.enqueue_indirect_dma source(%dma_start3A_248 : memref<10240x64xf32, #tpu.memory_space<hbm>>) target(%dma_start3A_242 : memref<125x64xf32, #tpu.memory_space<vmem>>) offsets(%dma_start3A_245 : memref<125xi32, #tpu.memory_space<vmem>>) semaphore(%arg15 : memref<!tpu.dma_semaphore, #tpu.memory_space<semaphore_mem>>)
    %dma_start3A_249 = arith.constant 3 : i32
    %dma_start3A_250 = arith.constant 3 : i32
    %dma_start3A_251 = arith.constant 0 : i32
    %dma_start3A_252 = arith.constant 0 : i32
    %dma_start3A_253 = tpu.memref_slice %arg11[%dma_start3A_250, %dma_start3A_251, %dma_start3A_252] : memref<8x125x64xf32, #tpu.memory_space<vmem>> -> memref<1x125x64xf32, #tpu.memory_space<vmem>>
    %dma_start3A_254 = tpu.memref_squeeze %dma_start3A_253 : memref<1x125x64xf32, #tpu.memory_space<vmem>> -> memref<125x64xf32, #tpu.memory_space<vmem>>
    %dma_start3A_255 = arith.constant 0 : i32
    %dma_start3A_256 = tpu.memref_slice %arg9[%dma_start3A_249, %dma_start3A_255] : memref<80x125xi32, #tpu.memory_space<vmem>> -> memref<1x125xi32, #tpu.memory_space<vmem>>
    %dma_start3A_257 = tpu.memref_squeeze %dma_start3A_256 : memref<1x125xi32, #tpu.memory_space<vmem>> -> memref<125xi32, #tpu.memory_space<vmem>>
    %dma_start3A_258 = arith.constant 0 : i32
    %dma_start3A_259 = arith.constant 0 : i32
    %dma_start3A_260 = tpu.memref_slice %arg3[%dma_start3A_258, %dma_start3A_259] : memref<10240x64xf32, #tpu.memory_space<hbm>> -> memref<10240x64xf32, #tpu.memory_space<hbm>>
    tpu.enqueue_indirect_dma source(%dma_start3A_260 : memref<10240x64xf32, #tpu.memory_space<hbm>>) target(%dma_start3A_254 : memref<125x64xf32, #tpu.memory_space<vmem>>) offsets(%dma_start3A_257 : memref<125xi32, #tpu.memory_space<vmem>>) semaphore(%arg16 : memref<!tpu.dma_semaphore, #tpu.memory_space<semaphore_mem>>)
    %dma_start3A_261 = arith.constant 4 : i32
    %dma_start3A_262 = arith.constant 4 : i32
    %dma_start3A_263 = arith.constant 0 : i32
    %dma_start3A_264 = arith.constant 0 : i32
    %dma_start3A_265 = tpu.memref_slice %arg11[%dma_start3A_262, %dma_start3A_263, %dma_start3A_264] : memref<8x125x64xf32, #tpu.memory_space<vmem>> -> memref<1x125x64xf32, #tpu.memory_space<vmem>>
    %dma_start3A_266 = tpu.memref_squeeze %dma_start3A_265 : memref<1x125x64xf32, #tpu.memory_space<vmem>> -> memref<125x64xf32, #tpu.memory_space<vmem>>
    %dma_start3A_267 = arith.constant 0 : i32
    %dma_start3A_268 = tpu.memref_slice %arg9[%dma_start3A_261, %dma_start3A_267] : memref<80x125xi32, #tpu.memory_space<vmem>> -> memref<1x125xi32, #tpu.memory_space<vmem>>
    %dma_start3A_269 = tpu.memref_squeeze %dma_start3A_268 : memref<1x125xi32, #tpu.memory_space<vmem>> -> memref<125xi32, #tpu.memory_space<vmem>>
    %dma_start3A_270 = arith.constant 0 : i32
    %dma_start3A_271 = arith.constant 0 : i32
    %dma_start3A_272 = tpu.memref_slice %arg3[%dma_start3A_270, %dma_start3A_271] : memref<10240x64xf32, #tpu.memory_space<hbm>> -> memref<10240x64xf32, #tpu.memory_space<hbm>>
    tpu.enqueue_indirect_dma source(%dma_start3A_272 : memref<10240x64xf32, #tpu.memory_space<hbm>>) target(%dma_start3A_266 : memref<125x64xf32, #tpu.memory_space<vmem>>) offsets(%dma_start3A_269 : memref<125xi32, #tpu.memory_space<vmem>>) semaphore(%arg17 : memref<!tpu.dma_semaphore, #tpu.memory_space<semaphore_mem>>)
    %dma_start3A_273 = arith.constant 5 : i32
    %dma_start3A_274 = arith.constant 5 : i32
    %dma_start3A_275 = arith.constant 0 : i32
    %dma_start3A_276 = arith.constant 0 : i32
    %dma_start3A_277 = tpu.memref_slice %arg11[%dma_start3A_274, %dma_start3A_275, %dma_start3A_276] : memref<8x125x64xf32, #tpu.memory_space<vmem>> -> memref<1x125x64xf32, #tpu.memory_space<vmem>>
    %dma_start3A_278 = tpu.memref_squeeze %dma_start3A_277 : memref<1x125x64xf32, #tpu.memory_space<vmem>> -> memref<125x64xf32, #tpu.memory_space<vmem>>
    %dma_start3A_279 = arith.constant 0 : i32
    %dma_start3A_280 = tpu.memref_slice %arg9[%dma_start3A_273, %dma_start3A_279] : memref<80x125xi32, #tpu.memory_space<vmem>> -> memref<1x125xi32, #tpu.memory_space<vmem>>
    %dma_start3A_281 = tpu.memref_squeeze %dma_start3A_280 : memref<1x125xi32, #tpu.memory_space<vmem>> -> memref<125xi32, #tpu.memory_space<vmem>>
    %dma_start3A_282 = arith.constant 0 : i32
    %dma_start3A_283 = arith.constant 0 : i32
    %dma_start3A_284 = tpu.memref_slice %arg3[%dma_start3A_282, %dma_start3A_283] : memref<10240x64xf32, #tpu.memory_space<hbm>> -> memref<10240x64xf32, #tpu.memory_space<hbm>>
    tpu.enqueue_indirect_dma source(%dma_start3A_284 : memref<10240x64xf32, #tpu.memory_space<hbm>>) target(%dma_start3A_278 : memref<125x64xf32, #tpu.memory_space<vmem>>) offsets(%dma_start3A_281 : memref<125xi32, #tpu.memory_space<vmem>>) semaphore(%arg18 : memref<!tpu.dma_semaphore, #tpu.memory_space<semaphore_mem>>)
    %dma_start3A_285 = arith.constant 6 : i32
    %dma_start3A_286 = arith.constant 6 : i32
    %dma_start3A_287 = arith.constant 0 : i32
    %dma_start3A_288 = arith.constant 0 : i32
    %dma_start3A_289 = tpu.memref_slice %arg11[%dma_start3A_286, %dma_start3A_287, %dma_start3A_288] : memref<8x125x64xf32, #tpu.memory_space<vmem>> -> memref<1x125x64xf32, #tpu.memory_space<vmem>>
    %dma_start3A_290 = tpu.memref_squeeze %dma_start3A_289 : memref<1x125x64xf32, #tpu.memory_space<vmem>> -> memref<125x64xf32, #tpu.memory_space<vmem>>
    %dma_start3A_291 = arith.constant 0 : i32
    %dma_start3A_292 = tpu.memref_slice %arg9[%dma_start3A_285, %dma_start3A_291] : memref<80x125xi32, #tpu.memory_space<vmem>> -> memref<1x125xi32, #tpu.memory_space<vmem>>
    %dma_start3A_293 = tpu.memref_squeeze %dma_start3A_292 : memref<1x125xi32, #tpu.memory_space<vmem>> -> memref<125xi32, #tpu.memory_space<vmem>>
    %dma_start3A_294 = arith.constant 0 : i32
    %dma_start3A_295 = arith.constant 0 : i32
    %dma_start3A_296 = tpu.memref_slice %arg3[%dma_start3A_294, %dma_start3A_295] : memref<10240x64xf32, #tpu.memory_space<hbm>> -> memref<10240x64xf32, #tpu.memory_space<hbm>>
    tpu.enqueue_indirect_dma source(%dma_start3A_296 : memref<10240x64xf32, #tpu.memory_space<hbm>>) target(%dma_start3A_290 : memref<125x64xf32, #tpu.memory_space<vmem>>) offsets(%dma_start3A_293 : memref<125xi32, #tpu.memory_space<vmem>>) semaphore(%arg19 : memref<!tpu.dma_semaphore, #tpu.memory_space<semaphore_mem>>)
    %dma_start3A_297 = arith.constant 7 : i32
    %dma_start3A_298 = arith.constant 7 : i32
    %dma_start3A_299 = arith.constant 0 : i32
    %dma_start3A_300 = arith.constant 0 : i32
    %dma_start3A_301 = tpu.memref_slice %arg11[%dma_start3A_298, %dma_start3A_299, %dma_start3A_300] : memref<8x125x64xf32, #tpu.memory_space<vmem>> -> memref<1x125x64xf32, #tpu.memory_space<vmem>>
    %dma_start3A_302 = tpu.memref_squeeze %dma_start3A_301 : memref<1x125x64xf32, #tpu.memory_space<vmem>> -> memref<125x64xf32, #tpu.memory_space<vmem>>
    %dma_start3A_303 = arith.constant 0 : i32
    %dma_start3A_304 = tpu.memref_slice %arg9[%dma_start3A_297, %dma_start3A_303] : memref<80x125xi32, #tpu.memory_space<vmem>> -> memref<1x125xi32, #tpu.memory_space<vmem>>
    %dma_start3A_305 = tpu.memref_squeeze %dma_start3A_304 : memref<1x125xi32, #tpu.memory_space<vmem>> -> memref<125xi32, #tpu.memory_space<vmem>>
    %dma_start3A_306 = arith.constant 0 : i32
    %dma_start3A_307 = arith.constant 0 : i32
    %dma_start3A_308 = tpu.memref_slice %arg3[%dma_start3A_306, %dma_start3A_307] : memref<10240x64xf32, #tpu.memory_space<hbm>> -> memref<10240x64xf32, #tpu.memory_space<hbm>>
    tpu.enqueue_indirect_dma source(%dma_start3A_308 : memref<10240x64xf32, #tpu.memory_space<hbm>>) target(%dma_start3A_302 : memref<125x64xf32, #tpu.memory_space<vmem>>) offsets(%dma_start3A_305 : memref<125xi32, #tpu.memory_space<vmem>>) semaphore(%arg20 : memref<!tpu.dma_semaphore, #tpu.memory_space<semaphore_mem>>)
    %mul3A_309 = arith.constant 640 : i32
    %mul3A_310 = arith.muli %arg1, %mul3A_309 : i32
    %dma_wait3A_311 = arith.constant 0 : i32
    %dma_wait3A_312 = tpu.memref_slice %arg12[%mul3A_310, %dma_wait3A_311] : memref<10240x64xf32, #tpu.memory_space<vmem_shared>> -> memref<640x64xf32, #tpu.memory_space<vmem_shared>>
    tpu.wait_dma2 semaphore(%arg21 : memref<!tpu.dma_semaphore, #tpu.memory_space<semaphore_mem>>) src(%arg6 : memref<640x64xf32, #tpu.memory_space<hbm>>) dst(%dma_wait3A_312 : memref<640x64xf32, #tpu.memory_space<vmem_shared>>)
    %barrier3A_313 = arith.constant 0 : index
    tpu.barrier barrier_id(%barrier3A_313)
    %scan3A_314 = arith.constant 0 : i32
    %scan3A_315 = arith.constant 0 : i32
    %scan3A_316 = arith.constant 10 : i32
    %scan3A_317 = arith.addi %scan3A_315, %scan3A_316 : i32
    %scan3A_318 = arith.constant 1 : i32
    scf.for %scan3A_421 = %scan3A_315 to %scan3A_317 step %scan3A_318  : i32 {
      %mul3A_422 = arith.constant 8 : i32
      %mul3A_423 = arith.muli %scan3A_421, %mul3A_422 : i32
      %add3A_424 = arith.constant 0 : i32
      %add3A_425 = arith.addi %mul3A_423, %add3A_424 : i32
      %dma_wait3A_426 = arith.constant 0 : i32
      %dma_wait3A_427 = arith.constant 0 : i32
      %dma_wait3A_428 = arith.constant 0 : i32
      %dma_wait3A_429 = tpu.memref_slice %arg11[%dma_wait3A_426, %dma_wait3A_427, %dma_wait3A_428] : memref<8x125x64xf32, #tpu.memory_space<vmem>> -> memref<1x125x64xf32, #tpu.memory_space<vmem>>
      %dma_wait3A_430 = tpu.memref_squeeze %dma_wait3A_429 : memref<1x125x64xf32, #tpu.memory_space<vmem>> -> memref<125x64xf32, #tpu.memory_space<vmem>>
      %dma_wait3A_431 = arith.constant 0 : i32
      %dma_wait3A_432 = tpu.memref_slice %arg9[%add3A_425, %dma_wait3A_431] : memref<80x125xi32, #tpu.memory_space<vmem>> -> memref<1x125xi32, #tpu.memory_space<vmem>>
      %dma_wait3A_433 = tpu.memref_squeeze %dma_wait3A_432 : memref<1x125xi32, #tpu.memory_space<vmem>> -> memref<125xi32, #tpu.memory_space<vmem>>
      %dma_wait3A_434 = arith.constant 0 : i32
      %dma_wait3A_435 = arith.constant 0 : i32
      %dma_wait3A_436 = tpu.memref_slice %arg3[%dma_wait3A_434, %dma_wait3A_435] : memref<10240x64xf32, #tpu.memory_space<hbm>> -> memref<10240x64xf32, #tpu.memory_space<hbm>>
      tpu.wait_indirect_dma semaphore(%arg13 : memref<!tpu.dma_semaphore, #tpu.memory_space<semaphore_mem>>) src(%dma_wait3A_436 : memref<10240x64xf32, #tpu.memory_space<hbm>>) dst(%dma_wait3A_430 : memref<125x64xf32, #tpu.memory_space<vmem>>)
      %add3A_437 = arith.constant 0 : i32
      %add3A_438 = arith.addi %mul3A_423, %add3A_437 : i32
      %dma_start3A_439 = arith.constant 0 : i32
      %dma_start3A_440 = arith.constant 0 : i32
      %dma_start3A_441 = arith.constant 0 : i32
      %dma_start3A_442 = tpu.memref_slice %arg11[%dma_start3A_439, %dma_start3A_440, %dma_start3A_441] : memref<8x125x64xf32, #tpu.memory_space<vmem>> -> memref<1x125x64xf32, #tpu.memory_space<vmem>>
      %dma_start3A_443 = tpu.memref_squeeze %dma_start3A_442 : memref<1x125x64xf32, #tpu.memory_space<vmem>> -> memref<125x64xf32, #tpu.memory_space<vmem>>
      %dma_start3A_444 = arith.constant 0 : i32
      %dma_start3A_445 = tpu.memref_slice %arg10[%add3A_438, %dma_start3A_444] : memref<80x125xi32, #tpu.memory_space<vmem>> -> memref<1x125xi32, #tpu.memory_space<vmem>>
      %dma_start3A_446 = tpu.memref_squeeze %dma_start3A_445 : memref<1x125xi32, #tpu.memory_space<vmem>> -> memref<125xi32, #tpu.memory_space<vmem>>
      %dma_start3A_447 = arith.constant 0 : i32
      %dma_start3A_448 = arith.constant 0 : i32
      %dma_start3A_449 = tpu.memref_slice %arg12[%dma_start3A_447, %dma_start3A_448] : memref<10240x64xf32, #tpu.memory_space<vmem_shared>> -> memref<10240x64xf32, #tpu.memory_space<vmem_shared>>
      tpu.enqueue_indirect_dma source(%dma_start3A_443 : memref<125x64xf32, #tpu.memory_space<vmem>>) target(%dma_start3A_449 : memref<10240x64xf32, #tpu.memory_space<vmem_shared>>) offsets(%dma_start3A_446 : memref<125xi32, #tpu.memory_space<vmem>>) semaphore(%arg21 : memref<!tpu.dma_semaphore, #tpu.memory_space<semaphore_mem>>) {add = true}
      %add3A_450 = arith.constant 1 : i32
      %add3A_451 = arith.addi %mul3A_423, %add3A_450 : i32
      %dma_wait3A_452 = arith.constant 1 : i32
      %dma_wait3A_453 = arith.constant 0 : i32
      %dma_wait3A_454 = arith.constant 0 : i32
      %dma_wait3A_455 = tpu.memref_slice %arg11[%dma_wait3A_452, %dma_wait3A_453, %dma_wait3A_454] : memref<8x125x64xf32, #tpu.memory_space<vmem>> -> memref<1x125x64xf32, #tpu.memory_space<vmem>>
      %dma_wait3A_456 = tpu.memref_squeeze %dma_wait3A_455 : memref<1x125x64xf32, #tpu.memory_space<vmem>> -> memref<125x64xf32, #tpu.memory_space<vmem>>
      %dma_wait3A_457 = arith.constant 0 : i32
      %dma_wait3A_458 = tpu.memref_slice %arg9[%add3A_451, %dma_wait3A_457] : memref<80x125xi32, #tpu.memory_space<vmem>> -> memref<1x125xi32, #tpu.memory_space<vmem>>
      %dma_wait3A_459 = tpu.memref_squeeze %dma_wait3A_458 : memref<1x125xi32, #tpu.memory_space<vmem>> -> memref<125xi32, #tpu.memory_space<vmem>>
      %dma_wait3A_460 = arith.constant 0 : i32
      %dma_wait3A_461 = arith.constant 0 : i32
      %dma_wait3A_462 = tpu.memref_slice %arg3[%dma_wait3A_460, %dma_wait3A_461] : memref<10240x64xf32, #tpu.memory_space<hbm>> -> memref<10240x64xf32, #tpu.memory_space<hbm>>
      tpu.wait_indirect_dma semaphore(%arg14 : memref<!tpu.dma_semaphore, #tpu.memory_space<semaphore_mem>>) src(%dma_wait3A_462 : memref<10240x64xf32, #tpu.memory_space<hbm>>) dst(%dma_wait3A_456 : memref<125x64xf32, #tpu.memory_space<vmem>>)
      %add3A_463 = arith.constant 1 : i32
      %add3A_464 = arith.addi %mul3A_423, %add3A_463 : i32
      %dma_start3A_465 = arith.constant 1 : i32
      %dma_start3A_466 = arith.constant 0 : i32
      %dma_start3A_467 = arith.constant 0 : i32
      %dma_start3A_468 = tpu.memref_slice %arg11[%dma_start3A_465, %dma_start3A_466, %dma_start3A_467] : memref<8x125x64xf32, #tpu.memory_space<vmem>> -> memref<1x125x64xf32, #tpu.memory_space<vmem>>
      %dma_start3A_469 = tpu.memref_squeeze %dma_start3A_468 : memref<1x125x64xf32, #tpu.memory_space<vmem>> -> memref<125x64xf32, #tpu.memory_space<vmem>>
      %dma_start3A_470 = arith.constant 0 : i32
      %dma_start3A_471 = tpu.memref_slice %arg10[%add3A_464, %dma_start3A_470] : memref<80x125xi32, #tpu.memory_space<vmem>> -> memref<1x125xi32, #tpu.memory_space<vmem>>
      %dma_start3A_472 = tpu.memref_squeeze %dma_start3A_471 : memref<1x125xi32, #tpu.memory_space<vmem>> -> memref<125xi32, #tpu.memory_space<vmem>>
      %dma_start3A_473 = arith.constant 0 : i32
      %dma_start3A_474 = arith.constant 0 : i32
      %dma_start3A_475 = tpu.memref_slice %arg12[%dma_start3A_473, %dma_start3A_474] : memref<10240x64xf32, #tpu.memory_space<vmem_shared>> -> memref<10240x64xf32, #tpu.memory_space<vmem_shared>>
      tpu.enqueue_indirect_dma source(%dma_start3A_469 : memref<125x64xf32, #tpu.memory_space<vmem>>) target(%dma_start3A_475 : memref<10240x64xf32, #tpu.memory_space<vmem_shared>>) offsets(%dma_start3A_472 : memref<125xi32, #tpu.memory_space<vmem>>) semaphore(%arg22 : memref<!tpu.dma_semaphore, #tpu.memory_space<semaphore_mem>>) {add = true}
      %add3A_476 = arith.constant 2 : i32
      %add3A_477 = arith.addi %mul3A_423, %add3A_476 : i32
      %dma_wait3A_478 = arith.constant 2 : i32
      %dma_wait3A_479 = arith.constant 0 : i32
      %dma_wait3A_480 = arith.constant 0 : i32
      %dma_wait3A_481 = tpu.memref_slice %arg11[%dma_wait3A_478, %dma_wait3A_479, %dma_wait3A_480] : memref<8x125x64xf32, #tpu.memory_space<vmem>> -> memref<1x125x64xf32, #tpu.memory_space<vmem>>
      %dma_wait3A_482 = tpu.memref_squeeze %dma_wait3A_481 : memref<1x125x64xf32, #tpu.memory_space<vmem>> -> memref<125x64xf32, #tpu.memory_space<vmem>>
      %dma_wait3A_483 = arith.constant 0 : i32
      %dma_wait3A_484 = tpu.memref_slice %arg9[%add3A_477, %dma_wait3A_483] : memref<80x125xi32, #tpu.memory_space<vmem>> -> memref<1x125xi32, #tpu.memory_space<vmem>>
      %dma_wait3A_485 = tpu.memref_squeeze %dma_wait3A_484 : memref<1x125xi32, #tpu.memory_space<vmem>> -> memref<125xi32, #tpu.memory_space<vmem>>
      %dma_wait3A_486 = arith.constant 0 : i32
      %dma_wait3A_487 = arith.constant 0 : i32
      %dma_wait3A_488 = tpu.memref_slice %arg3[%dma_wait3A_486, %dma_wait3A_487] : memref<10240x64xf32, #tpu.memory_space<hbm>> -> memref<10240x64xf32, #tpu.memory_space<hbm>>
      tpu.wait_indirect_dma semaphore(%arg15 : memref<!tpu.dma_semaphore, #tpu.memory_space<semaphore_mem>>) src(%dma_wait3A_488 : memref<10240x64xf32, #tpu.memory_space<hbm>>) dst(%dma_wait3A_482 : memref<125x64xf32, #tpu.memory_space<vmem>>)
      %add3A_489 = arith.constant 2 : i32
      %add3A_490 = arith.addi %mul3A_423, %add3A_489 : i32
      %dma_start3A_491 = arith.constant 2 : i32
      %dma_start3A_492 = arith.constant 0 : i32
      %dma_start3A_493 = arith.constant 0 : i32
      %dma_start3A_494 = tpu.memref_slice %arg11[%dma_start3A_491, %dma_start3A_492, %dma_start3A_493] : memref<8x125x64xf32, #tpu.memory_space<vmem>> -> memref<1x125x64xf32, #tpu.memory_space<vmem>>
      %dma_start3A_495 = tpu.memref_squeeze %dma_start3A_494 : memref<1x125x64xf32, #tpu.memory_space<vmem>> -> memref<125x64xf32, #tpu.memory_space<vmem>>
      %dma_start3A_496 = arith.constant 0 : i32
      %dma_start3A_497 = tpu.memref_slice %arg10[%add3A_490, %dma_start3A_496] : memref<80x125xi32, #tpu.memory_space<vmem>> -> memref<1x125xi32, #tpu.memory_space<vmem>>
      %dma_start3A_498 = tpu.memref_squeeze %dma_start3A_497 : memref<1x125xi32, #tpu.memory_space<vmem>> -> memref<125xi32, #tpu.memory_space<vmem>>
      %dma_start3A_499 = arith.constant 0 : i32
      %dma_start3A_500 = arith.constant 0 : i32
      %dma_start3A_501 = tpu.memref_slice %arg12[%dma_start3A_499, %dma_start3A_500] : memref<10240x64xf32, #tpu.memory_space<vmem_shared>> -> memref<10240x64xf32, #tpu.memory_space<vmem_shared>>
      tpu.enqueue_indirect_dma source(%dma_start3A_495 : memref<125x64xf32, #tpu.memory_space<vmem>>) target(%dma_start3A_501 : memref<10240x64xf32, #tpu.memory_space<vmem_shared>>) offsets(%dma_start3A_498 : memref<125xi32, #tpu.memory_space<vmem>>) semaphore(%arg23 : memref<!tpu.dma_semaphore, #tpu.memory_space<semaphore_mem>>) {add = true}
      %add3A_502 = arith.constant 3 : i32
      %add3A_503 = arith.addi %mul3A_423, %add3A_502 : i32
      %dma_wait3A_504 = arith.constant 3 : i32
      %dma_wait3A_505 = arith.constant 0 : i32
      %dma_wait3A_506 = arith.constant 0 : i32
      %dma_wait3A_507 = tpu.memref_slice %arg11[%dma_wait3A_504, %dma_wait3A_505, %dma_wait3A_506] : memref<8x125x64xf32, #tpu.memory_space<vmem>> -> memref<1x125x64xf32, #tpu.memory_space<vmem>>
      %dma_wait3A_508 = tpu.memref_squeeze %dma_wait3A_507 : memref<1x125x64xf32, #tpu.memory_space<vmem>> -> memref<125x64xf32, #tpu.memory_space<vmem>>
      %dma_wait3A_509 = arith.constant 0 : i32
      %dma_wait3A_510 = tpu.memref_slice %arg9[%add3A_503, %dma_wait3A_509] : memref<80x125xi32, #tpu.memory_space<vmem>> -> memref<1x125xi32, #tpu.memory_space<vmem>>
      %dma_wait3A_511 = tpu.memref_squeeze %dma_wait3A_510 : memref<1x125xi32, #tpu.memory_space<vmem>> -> memref<125xi32, #tpu.memory_space<vmem>>
      %dma_wait3A_512 = arith.constant 0 : i32
      %dma_wait3A_513 = arith.constant 0 : i32
      %dma_wait3A_514 = tpu.memref_slice %arg3[%dma_wait3A_512, %dma_wait3A_513] : memref<10240x64xf32, #tpu.memory_space<hbm>> -> memref<10240x64xf32, #tpu.memory_space<hbm>>
      tpu.wait_indirect_dma semaphore(%arg16 : memref<!tpu.dma_semaphore, #tpu.memory_space<semaphore_mem>>) src(%dma_wait3A_514 : memref<10240x64xf32, #tpu.memory_space<hbm>>) dst(%dma_wait3A_508 : memref<125x64xf32, #tpu.memory_space<vmem>>)
      %add3A_515 = arith.constant 3 : i32
      %add3A_516 = arith.addi %mul3A_423, %add3A_515 : i32
      %dma_start3A_517 = arith.constant 3 : i32
      %dma_start3A_518 = arith.constant 0 : i32
      %dma_start3A_519 = arith.constant 0 : i32
      %dma_start3A_520 = tpu.memref_slice %arg11[%dma_start3A_517, %dma_start3A_518, %dma_start3A_519] : memref<8x125x64xf32, #tpu.memory_space<vmem>> -> memref<1x125x64xf32, #tpu.memory_space<vmem>>
      %dma_start3A_521 = tpu.memref_squeeze %dma_start3A_520 : memref<1x125x64xf32, #tpu.memory_space<vmem>> -> memref<125x64xf32, #tpu.memory_space<vmem>>
      %dma_start3A_522 = arith.constant 0 : i32
      %dma_start3A_523 = tpu.memref_slice %arg10[%add3A_516, %dma_start3A_522] : memref<80x125xi32, #tpu.memory_space<vmem>> -> memref<1x125xi32, #tpu.memory_space<vmem>>
      %dma_start3A_524 = tpu.memref_squeeze %dma_start3A_523 : memref<1x125xi32, #tpu.memory_space<vmem>> -> memref<125xi32, #tpu.memory_space<vmem>>
      %dma_start3A_525 = arith.constant 0 : i32
      %dma_start3A_526 = arith.constant 0 : i32
      %dma_start3A_527 = tpu.memref_slice %arg12[%dma_start3A_525, %dma_start3A_526] : memref<10240x64xf32, #tpu.memory_space<vmem_shared>> -> memref<10240x64xf32, #tpu.memory_space<vmem_shared>>
      tpu.enqueue_indirect_dma source(%dma_start3A_521 : memref<125x64xf32, #tpu.memory_space<vmem>>) target(%dma_start3A_527 : memref<10240x64xf32, #tpu.memory_space<vmem_shared>>) offsets(%dma_start3A_524 : memref<125xi32, #tpu.memory_space<vmem>>) semaphore(%arg24 : memref<!tpu.dma_semaphore, #tpu.memory_space<semaphore_mem>>) {add = true}
      %add3A_528 = arith.constant 4 : i32
      %add3A_529 = arith.addi %mul3A_423, %add3A_528 : i32
      %dma_wait3A_530 = arith.constant 4 : i32
      %dma_wait3A_531 = arith.constant 0 : i32
      %dma_wait3A_532 = arith.constant 0 : i32
      %dma_wait3A_533 = tpu.memref_slice %arg11[%dma_wait3A_530, %dma_wait3A_531, %dma_wait3A_532] : memref<8x125x64xf32, #tpu.memory_space<vmem>> -> memref<1x125x64xf32, #tpu.memory_space<vmem>>
      %dma_wait3A_534 = tpu.memref_squeeze %dma_wait3A_533 : memref<1x125x64xf32, #tpu.memory_space<vmem>> -> memref<125x64xf32, #tpu.memory_space<vmem>>
      %dma_wait3A_535 = arith.constant 0 : i32
      %dma_wait3A_536 = tpu.memref_slice %arg9[%add3A_529, %dma_wait3A_535] : memref<80x125xi32, #tpu.memory_space<vmem>> -> memref<1x125xi32, #tpu.memory_space<vmem>>
      %dma_wait3A_537 = tpu.memref_squeeze %dma_wait3A_536 : memref<1x125xi32, #tpu.memory_space<vmem>> -> memref<125xi32, #tpu.memory_space<vmem>>
      %dma_wait3A_538 = arith.constant 0 : i32
      %dma_wait3A_539 = arith.constant 0 : i32
      %dma_wait3A_540 = tpu.memref_slice %arg3[%dma_wait3A_538, %dma_wait3A_539] : memref<10240x64xf32, #tpu.memory_space<hbm>> -> memref<10240x64xf32, #tpu.memory_space<hbm>>
      tpu.wait_indirect_dma semaphore(%arg17 : memref<!tpu.dma_semaphore, #tpu.memory_space<semaphore_mem>>) src(%dma_wait3A_540 : memref<10240x64xf32, #tpu.memory_space<hbm>>) dst(%dma_wait3A_534 : memref<125x64xf32, #tpu.memory_space<vmem>>)
      %add3A_541 = arith.constant 4 : i32
      %add3A_542 = arith.addi %mul3A_423, %add3A_541 : i32
      %dma_start3A_543 = arith.constant 4 : i32
      %dma_start3A_544 = arith.constant 0 : i32
      %dma_start3A_545 = arith.constant 0 : i32
      %dma_start3A_546 = tpu.memref_slice %arg11[%dma_start3A_543, %dma_start3A_544, %dma_start3A_545] : memref<8x125x64xf32, #tpu.memory_space<vmem>> -> memref<1x125x64xf32, #tpu.memory_space<vmem>>
      %dma_start3A_547 = tpu.memref_squeeze %dma_start3A_546 : memref<1x125x64xf32, #tpu.memory_space<vmem>> -> memref<125x64xf32, #tpu.memory_space<vmem>>
      %dma_start3A_548 = arith.constant 0 : i32
      %dma_start3A_549 = tpu.memref_slice %arg10[%add3A_542, %dma_start3A_548] : memref<80x125xi32, #tpu.memory_space<vmem>> -> memref<1x125xi32, #tpu.memory_space<vmem>>
      %dma_start3A_550 = tpu.memref_squeeze %dma_start3A_549 : memref<1x125xi32, #tpu.memory_space<vmem>> -> memref<125xi32, #tpu.memory_space<vmem>>
      %dma_start3A_551 = arith.constant 0 : i32
      %dma_start3A_552 = arith.constant 0 : i32
      %dma_start3A_553 = tpu.memref_slice %arg12[%dma_start3A_551, %dma_start3A_552] : memref<10240x64xf32, #tpu.memory_space<vmem_shared>> -> memref<10240x64xf32, #tpu.memory_space<vmem_shared>>
      tpu.enqueue_indirect_dma source(%dma_start3A_547 : memref<125x64xf32, #tpu.memory_space<vmem>>) target(%dma_start3A_553 : memref<10240x64xf32, #tpu.memory_space<vmem_shared>>) offsets(%dma_start3A_550 : memref<125xi32, #tpu.memory_space<vmem>>) semaphore(%arg25 : memref<!tpu.dma_semaphore, #tpu.memory_space<semaphore_mem>>) {add = true}
      %add3A_554 = arith.constant 5 : i32
      %add3A_555 = arith.addi %mul3A_423, %add3A_554 : i32
      %dma_wait3A_556 = arith.constant 5 : i32
      %dma_wait3A_557 = arith.constant 0 : i32
      %dma_wait3A_558 = arith.constant 0 : i32
      %dma_wait3A_559 = tpu.memref_slice %arg11[%dma_wait3A_556, %dma_wait3A_557, %dma_wait3A_558] : memref<8x125x64xf32, #tpu.memory_space<vmem>> -> memref<1x125x64xf32, #tpu.memory_space<vmem>>
      %dma_wait3A_560 = tpu.memref_squeeze %dma_wait3A_559 : memref<1x125x64xf32, #tpu.memory_space<vmem>> -> memref<125x64xf32, #tpu.memory_space<vmem>>
      %dma_wait3A_561 = arith.constant 0 : i32
      %dma_wait3A_562 = tpu.memref_slice %arg9[%add3A_555, %dma_wait3A_561] : memref<80x125xi32, #tpu.memory_space<vmem>> -> memref<1x125xi32, #tpu.memory_space<vmem>>
      %dma_wait3A_563 = tpu.memref_squeeze %dma_wait3A_562 : memref<1x125xi32, #tpu.memory_space<vmem>> -> memref<125xi32, #tpu.memory_space<vmem>>
      %dma_wait3A_564 = arith.constant 0 : i32
      %dma_wait3A_565 = arith.constant 0 : i32
      %dma_wait3A_566 = tpu.memref_slice %arg3[%dma_wait3A_564, %dma_wait3A_565] : memref<10240x64xf32, #tpu.memory_space<hbm>> -> memref<10240x64xf32, #tpu.memory_space<hbm>>
      tpu.wait_indirect_dma semaphore(%arg18 : memref<!tpu.dma_semaphore, #tpu.memory_space<semaphore_mem>>) src(%dma_wait3A_566 : memref<10240x64xf32, #tpu.memory_space<hbm>>) dst(%dma_wait3A_560 : memref<125x64xf32, #tpu.memory_space<vmem>>)
      %add3A_567 = arith.constant 5 : i32
      %add3A_568 = arith.addi %mul3A_423, %add3A_567 : i32
      %dma_start3A_569 = arith.constant 5 : i32
      %dma_start3A_570 = arith.constant 0 : i32
      %dma_start3A_571 = arith.constant 0 : i32
      %dma_start3A_572 = tpu.memref_slice %arg11[%dma_start3A_569, %dma_start3A_570, %dma_start3A_571] : memref<8x125x64xf32, #tpu.memory_space<vmem>> -> memref<1x125x64xf32, #tpu.memory_space<vmem>>
      %dma_start3A_573 = tpu.memref_squeeze %dma_start3A_572 : memref<1x125x64xf32, #tpu.memory_space<vmem>> -> memref<125x64xf32, #tpu.memory_space<vmem>>
      %dma_start3A_574 = arith.constant 0 : i32
      %dma_start3A_575 = tpu.memref_slice %arg10[%add3A_568, %dma_start3A_574] : memref<80x125xi32, #tpu.memory_space<vmem>> -> memref<1x125xi32, #tpu.memory_space<vmem>>
      %dma_start3A_576 = tpu.memref_squeeze %dma_start3A_575 : memref<1x125xi32, #tpu.memory_space<vmem>> -> memref<125xi32, #tpu.memory_space<vmem>>
      %dma_start3A_577 = arith.constant 0 : i32
      %dma_start3A_578 = arith.constant 0 : i32
      %dma_start3A_579 = tpu.memref_slice %arg12[%dma_start3A_577, %dma_start3A_578] : memref<10240x64xf32, #tpu.memory_space<vmem_shared>> -> memref<10240x64xf32, #tpu.memory_space<vmem_shared>>
      tpu.enqueue_indirect_dma source(%dma_start3A_573 : memref<125x64xf32, #tpu.memory_space<vmem>>) target(%dma_start3A_579 : memref<10240x64xf32, #tpu.memory_space<vmem_shared>>) offsets(%dma_start3A_576 : memref<125xi32, #tpu.memory_space<vmem>>) semaphore(%arg26 : memref<!tpu.dma_semaphore, #tpu.memory_space<semaphore_mem>>) {add = true}
      %add3A_580 = arith.constant 6 : i32
      %add3A_581 = arith.addi %mul3A_423, %add3A_580 : i32
      %dma_wait3A_582 = arith.constant 6 : i32
      %dma_wait3A_583 = arith.constant 0 : i32
      %dma_wait3A_584 = arith.constant 0 : i32
      %dma_wait3A_585 = tpu.memref_slice %arg11[%dma_wait3A_582, %dma_wait3A_583, %dma_wait3A_584] : memref<8x125x64xf32, #tpu.memory_space<vmem>> -> memref<1x125x64xf32, #tpu.memory_space<vmem>>
      %dma_wait3A_586 = tpu.memref_squeeze %dma_wait3A_585 : memref<1x125x64xf32, #tpu.memory_space<vmem>> -> memref<125x64xf32, #tpu.memory_space<vmem>>
      %dma_wait3A_587 = arith.constant 0 : i32
      %dma_wait3A_588 = tpu.memref_slice %arg9[%add3A_581, %dma_wait3A_587] : memref<80x125xi32, #tpu.memory_space<vmem>> -> memref<1x125xi32, #tpu.memory_space<vmem>>
      %dma_wait3A_589 = tpu.memref_squeeze %dma_wait3A_588 : memref<1x125xi32, #tpu.memory_space<vmem>> -> memref<125xi32, #tpu.memory_space<vmem>>
      %dma_wait3A_590 = arith.constant 0 : i32
      %dma_wait3A_591 = arith.constant 0 : i32
      %dma_wait3A_592 = tpu.memref_slice %arg3[%dma_wait3A_590, %dma_wait3A_591] : memref<10240x64xf32, #tpu.memory_space<hbm>> -> memref<10240x64xf32, #tpu.memory_space<hbm>>
      tpu.wait_indirect_dma semaphore(%arg19 : memref<!tpu.dma_semaphore, #tpu.memory_space<semaphore_mem>>) src(%dma_wait3A_592 : memref<10240x64xf32, #tpu.memory_space<hbm>>) dst(%dma_wait3A_586 : memref<125x64xf32, #tpu.memory_space<vmem>>)
      %add3A_593 = arith.constant 6 : i32
      %add3A_594 = arith.addi %mul3A_423, %add3A_593 : i32
      %dma_start3A_595 = arith.constant 6 : i32
      %dma_start3A_596 = arith.constant 0 : i32
      %dma_start3A_597 = arith.constant 0 : i32
      %dma_start3A_598 = tpu.memref_slice %arg11[%dma_start3A_595, %dma_start3A_596, %dma_start3A_597] : memref<8x125x64xf32, #tpu.memory_space<vmem>> -> memref<1x125x64xf32, #tpu.memory_space<vmem>>
      %dma_start3A_599 = tpu.memref_squeeze %dma_start3A_598 : memref<1x125x64xf32, #tpu.memory_space<vmem>> -> memref<125x64xf32, #tpu.memory_space<vmem>>
      %dma_start3A_600 = arith.constant 0 : i32
      %dma_start3A_601 = tpu.memref_slice %arg10[%add3A_594, %dma_start3A_600] : memref<80x125xi32, #tpu.memory_space<vmem>> -> memref<1x125xi32, #tpu.memory_space<vmem>>
      %dma_start3A_602 = tpu.memref_squeeze %dma_start3A_601 : memref<1x125xi32, #tpu.memory_space<vmem>> -> memref<125xi32, #tpu.memory_space<vmem>>
      %dma_start3A_603 = arith.constant 0 : i32
      %dma_start3A_604 = arith.constant 0 : i32
      %dma_start3A_605 = tpu.memref_slice %arg12[%dma_start3A_603, %dma_start3A_604] : memref<10240x64xf32, #tpu.memory_space<vmem_shared>> -> memref<10240x64xf32, #tpu.memory_space<vmem_shared>>
      tpu.enqueue_indirect_dma source(%dma_start3A_599 : memref<125x64xf32, #tpu.memory_space<vmem>>) target(%dma_start3A_605 : memref<10240x64xf32, #tpu.memory_space<vmem_shared>>) offsets(%dma_start3A_602 : memref<125xi32, #tpu.memory_space<vmem>>) semaphore(%arg27 : memref<!tpu.dma_semaphore, #tpu.memory_space<semaphore_mem>>) {add = true}
      %add3A_606 = arith.constant 7 : i32
      %add3A_607 = arith.addi %mul3A_423, %add3A_606 : i32
      %dma_wait3A_608 = arith.constant 7 : i32
      %dma_wait3A_609 = arith.constant 0 : i32
      %dma_wait3A_610 = arith.constant 0 : i32
      %dma_wait3A_611 = tpu.memref_slice %arg11[%dma_wait3A_608, %dma_wait3A_609, %dma_wait3A_610] : memref<8x125x64xf32, #tpu.memory_space<vmem>> -> memref<1x125x64xf32, #tpu.memory_space<vmem>>
      %dma_wait3A_612 = tpu.memref_squeeze %dma_wait3A_611 : memref<1x125x64xf32, #tpu.memory_space<vmem>> -> memref<125x64xf32, #tpu.memory_space<vmem>>
      %dma_wait3A_613 = arith.constant 0 : i32
      %dma_wait3A_614 = tpu.memref_slice %arg9[%add3A_607, %dma_wait3A_613] : memref<80x125xi32, #tpu.memory_space<vmem>> -> memref<1x125xi32, #tpu.memory_space<vmem>>
      %dma_wait3A_615 = tpu.memref_squeeze %dma_wait3A_614 : memref<1x125xi32, #tpu.memory_space<vmem>> -> memref<125xi32, #tpu.memory_space<vmem>>
      %dma_wait3A_616 = arith.constant 0 : i32
      %dma_wait3A_617 = arith.constant 0 : i32
      %dma_wait3A_618 = tpu.memref_slice %arg3[%dma_wait3A_616, %dma_wait3A_617] : memref<10240x64xf32, #tpu.memory_space<hbm>> -> memref<10240x64xf32, #tpu.memory_space<hbm>>
      tpu.wait_indirect_dma semaphore(%arg20 : memref<!tpu.dma_semaphore, #tpu.memory_space<semaphore_mem>>) src(%dma_wait3A_618 : memref<10240x64xf32, #tpu.memory_space<hbm>>) dst(%dma_wait3A_612 : memref<125x64xf32, #tpu.memory_space<vmem>>)
      %add3A_619 = arith.constant 7 : i32
      %add3A_620 = arith.addi %mul3A_423, %add3A_619 : i32
      %dma_start3A_621 = arith.constant 7 : i32
      %dma_start3A_622 = arith.constant 0 : i32
      %dma_start3A_623 = arith.constant 0 : i32
      %dma_start3A_624 = tpu.memref_slice %arg11[%dma_start3A_621, %dma_start3A_622, %dma_start3A_623] : memref<8x125x64xf32, #tpu.memory_space<vmem>> -> memref<1x125x64xf32, #tpu.memory_space<vmem>>
      %dma_start3A_625 = tpu.memref_squeeze %dma_start3A_624 : memref<1x125x64xf32, #tpu.memory_space<vmem>> -> memref<125x64xf32, #tpu.memory_space<vmem>>
      %dma_start3A_626 = arith.constant 0 : i32
      %dma_start3A_627 = tpu.memref_slice %arg10[%add3A_620, %dma_start3A_626] : memref<80x125xi32, #tpu.memory_space<vmem>> -> memref<1x125xi32, #tpu.memory_space<vmem>>
      %dma_start3A_628 = tpu.memref_squeeze %dma_start3A_627 : memref<1x125xi32, #tpu.memory_space<vmem>> -> memref<125xi32, #tpu.memory_space<vmem>>
      %dma_start3A_629 = arith.constant 0 : i32
      %dma_start3A_630 = arith.constant 0 : i32
      %dma_start3A_631 = tpu.memref_slice %arg12[%dma_start3A_629, %dma_start3A_630] : memref<10240x64xf32, #tpu.memory_space<vmem_shared>> -> memref<10240x64xf32, #tpu.memory_space<vmem_shared>>
      tpu.enqueue_indirect_dma source(%dma_start3A_625 : memref<125x64xf32, #tpu.memory_space<vmem>>) target(%dma_start3A_631 : memref<10240x64xf32, #tpu.memory_space<vmem_shared>>) offsets(%dma_start3A_628 : memref<125xi32, #tpu.memory_space<vmem>>) semaphore(%arg28 : memref<!tpu.dma_semaphore, #tpu.memory_space<semaphore_mem>>) {add = true}
      %add3A_632 = arith.constant 0 : i32
      %add3A_633 = arith.addi %mul3A_423, %add3A_632 : i32
      %add3A_634 = arith.constant 8 : i32
      %add3A_635 = arith.addi %add3A_633, %add3A_634 : i32
      %lt3A = arith.constant 80 : i32
      %lt3A_636 = arith.cmpi slt, %add3A_635, %lt3A : i32
      %convert_element_type3A = arith.extui %lt3A_636 : i1 to i32
      %cond3A = arith.constant 0 : i32
      %cond3A_637 = arith.cmpi ne, %convert_element_type3A, %cond3A : i32
      scf.if %cond3A_637 {
        %add3A_701 = arith.constant 0 : i32
        %add3A_702 = arith.addi %mul3A_423, %add3A_701 : i32
        %dma_wait3A_703 = arith.constant 0 : i32
        %dma_wait3A_704 = arith.constant 0 : i32
        %dma_wait3A_705 = arith.constant 0 : i32
        %dma_wait3A_706 = tpu.memref_slice %arg11[%dma_wait3A_703, %dma_wait3A_704, %dma_wait3A_705] : memref<8x125x64xf32, #tpu.memory_space<vmem>> -> memref<1x125x64xf32, #tpu.memory_space<vmem>>
        %dma_wait3A_707 = tpu.memref_squeeze %dma_wait3A_706 : memref<1x125x64xf32, #tpu.memory_space<vmem>> -> memref<125x64xf32, #tpu.memory_space<vmem>>
        %dma_wait3A_708 = arith.constant 0 : i32
        %dma_wait3A_709 = tpu.memref_slice %arg10[%add3A_702, %dma_wait3A_708] : memref<80x125xi32, #tpu.memory_space<vmem>> -> memref<1x125xi32, #tpu.memory_space<vmem>>
        %dma_wait3A_710 = tpu.memref_squeeze %dma_wait3A_709 : memref<1x125xi32, #tpu.memory_space<vmem>> -> memref<125xi32, #tpu.memory_space<vmem>>
        %dma_wait3A_711 = arith.constant 0 : i32
        %dma_wait3A_712 = arith.constant 0 : i32
        %dma_wait3A_713 = tpu.memref_slice %arg12[%dma_wait3A_711, %dma_wait3A_712] : memref<10240x64xf32, #tpu.memory_space<vmem_shared>> -> memref<10240x64xf32, #tpu.memory_space<vmem_shared>>
        tpu.wait_indirect_dma semaphore(%arg21 : memref<!tpu.dma_semaphore, #tpu.memory_space<semaphore_mem>>) src(%dma_wait3A_707 : memref<125x64xf32, #tpu.memory_space<vmem>>) dst(%dma_wait3A_713 : memref<10240x64xf32, #tpu.memory_space<vmem_shared>>)
        %add3A_714 = arith.constant 0 : i32
        %add3A_715 = arith.addi %mul3A_423, %add3A_714 : i32
        %add3A_716 = arith.constant 8 : i32
        %add3A_717 = arith.addi %add3A_715, %add3A_716 : i32
        %dma_start3A_718 = arith.constant 0 : i32
        %dma_start3A_719 = arith.constant 0 : i32
        %dma_start3A_720 = arith.constant 0 : i32
        %dma_start3A_721 = tpu.memref_slice %arg11[%dma_start3A_718, %dma_start3A_719, %dma_start3A_720] : memref<8x125x64xf32, #tpu.memory_space<vmem>> -> memref<1x125x64xf32, #tpu.memory_space<vmem>>
        %dma_start3A_722 = tpu.memref_squeeze %dma_start3A_721 : memref<1x125x64xf32, #tpu.memory_space<vmem>> -> memref<125x64xf32, #tpu.memory_space<vmem>>
        %dma_start3A_723 = arith.constant 0 : i32
        %dma_start3A_724 = tpu.memref_slice %arg9[%add3A_717, %dma_start3A_723] : memref<80x125xi32, #tpu.memory_space<vmem>> -> memref<1x125xi32, #tpu.memory_space<vmem>>
        %dma_start3A_725 = tpu.memref_squeeze %dma_start3A_724 : memref<1x125xi32, #tpu.memory_space<vmem>> -> memref<125xi32, #tpu.memory_space<vmem>>
        %dma_start3A_726 = arith.constant 0 : i32
        %dma_start3A_727 = arith.constant 0 : i32
        %dma_start3A_728 = tpu.memref_slice %arg3[%dma_start3A_726, %dma_start3A_727] : memref<10240x64xf32, #tpu.memory_space<hbm>> -> memref<10240x64xf32, #tpu.memory_space<hbm>>
        tpu.enqueue_indirect_dma source(%dma_start3A_728 : memref<10240x64xf32, #tpu.memory_space<hbm>>) target(%dma_start3A_722 : memref<125x64xf32, #tpu.memory_space<vmem>>) offsets(%dma_start3A_725 : memref<125xi32, #tpu.memory_space<vmem>>) semaphore(%arg13 : memref<!tpu.dma_semaphore, #tpu.memory_space<semaphore_mem>>)
      } else {
      }
      %add3A_638 = arith.constant 1 : i32
      %add3A_639 = arith.addi %mul3A_423, %add3A_638 : i32
      %add3A_640 = arith.constant 8 : i32
      %add3A_641 = arith.addi %add3A_639, %add3A_640 : i32
      %lt3A_642 = arith.constant 80 : i32
      %lt3A_643 = arith.cmpi slt, %add3A_641, %lt3A_642 : i32
      %convert_element_type3A_644 = arith.extui %lt3A_643 : i1 to i32
      %cond3A_645 = arith.constant 0 : i32
      %cond3A_646 = arith.cmpi ne, %convert_element_type3A_644, %cond3A_645 : i32
      scf.if %cond3A_646 {
        %add3A_701 = arith.constant 1 : i32
        %add3A_702 = arith.addi %mul3A_423, %add3A_701 : i32
        %dma_wait3A_703 = arith.constant 1 : i32
        %dma_wait3A_704 = arith.constant 0 : i32
        %dma_wait3A_705 = arith.constant 0 : i32
        %dma_wait3A_706 = tpu.memref_slice %arg11[%dma_wait3A_703, %dma_wait3A_704, %dma_wait3A_705] : memref<8x125x64xf32, #tpu.memory_space<vmem>> -> memref<1x125x64xf32, #tpu.memory_space<vmem>>
        %dma_wait3A_707 = tpu.memref_squeeze %dma_wait3A_706 : memref<1x125x64xf32, #tpu.memory_space<vmem>> -> memref<125x64xf32, #tpu.memory_space<vmem>>
        %dma_wait3A_708 = arith.constant 0 : i32
        %dma_wait3A_709 = tpu.memref_slice %arg10[%add3A_702, %dma_wait3A_708] : memref<80x125xi32, #tpu.memory_space<vmem>> -> memref<1x125xi32, #tpu.memory_space<vmem>>
        %dma_wait3A_710 = tpu.memref_squeeze %dma_wait3A_709 : memref<1x125xi32, #tpu.memory_space<vmem>> -> memref<125xi32, #tpu.memory_space<vmem>>
        %dma_wait3A_711 = arith.constant 0 : i32
        %dma_wait3A_712 = arith.constant 0 : i32
        %dma_wait3A_713 = tpu.memref_slice %arg12[%dma_wait3A_711, %dma_wait3A_712] : memref<10240x64xf32, #tpu.memory_space<vmem_shared>> -> memref<10240x64xf32, #tpu.memory_space<vmem_shared>>
        tpu.wait_indirect_dma semaphore(%arg22 : memref<!tpu.dma_semaphore, #tpu.memory_space<semaphore_mem>>) src(%dma_wait3A_707 : memref<125x64xf32, #tpu.memory_space<vmem>>) dst(%dma_wait3A_713 : memref<10240x64xf32, #tpu.memory_space<vmem_shared>>)
        %add3A_714 = arith.constant 1 : i32
        %add3A_715 = arith.addi %mul3A_423, %add3A_714 : i32
        %add3A_716 = arith.constant 8 : i32
        %add3A_717 = arith.addi %add3A_715, %add3A_716 : i32
        %dma_start3A_718 = arith.constant 1 : i32
        %dma_start3A_719 = arith.constant 0 : i32
        %dma_start3A_720 = arith.constant 0 : i32
        %dma_start3A_721 = tpu.memref_slice %arg11[%dma_start3A_718, %dma_start3A_719, %dma_start3A_720] : memref<8x125x64xf32, #tpu.memory_space<vmem>> -> memref<1x125x64xf32, #tpu.memory_space<vmem>>
        %dma_start3A_722 = tpu.memref_squeeze %dma_start3A_721 : memref<1x125x64xf32, #tpu.memory_space<vmem>> -> memref<125x64xf32, #tpu.memory_space<vmem>>
        %dma_start3A_723 = arith.constant 0 : i32
        %dma_start3A_724 = tpu.memref_slice %arg9[%add3A_717, %dma_start3A_723] : memref<80x125xi32, #tpu.memory_space<vmem>> -> memref<1x125xi32, #tpu.memory_space<vmem>>
        %dma_start3A_725 = tpu.memref_squeeze %dma_start3A_724 : memref<1x125xi32, #tpu.memory_space<vmem>> -> memref<125xi32, #tpu.memory_space<vmem>>
        %dma_start3A_726 = arith.constant 0 : i32
        %dma_start3A_727 = arith.constant 0 : i32
        %dma_start3A_728 = tpu.memref_slice %arg3[%dma_start3A_726, %dma_start3A_727] : memref<10240x64xf32, #tpu.memory_space<hbm>> -> memref<10240x64xf32, #tpu.memory_space<hbm>>
        tpu.enqueue_indirect_dma source(%dma_start3A_728 : memref<10240x64xf32, #tpu.memory_space<hbm>>) target(%dma_start3A_722 : memref<125x64xf32, #tpu.memory_space<vmem>>) offsets(%dma_start3A_725 : memref<125xi32, #tpu.memory_space<vmem>>) semaphore(%arg14 : memref<!tpu.dma_semaphore, #tpu.memory_space<semaphore_mem>>)
      } else {
      }
      %add3A_647 = arith.constant 2 : i32
      %add3A_648 = arith.addi %mul3A_423, %add3A_647 : i32
      %add3A_649 = arith.constant 8 : i32
      %add3A_650 = arith.addi %add3A_648, %add3A_649 : i32
      %lt3A_651 = arith.constant 80 : i32
      %lt3A_652 = arith.cmpi slt, %add3A_650, %lt3A_651 : i32
      %convert_element_type3A_653 = arith.extui %lt3A_652 : i1 to i32
      %cond3A_654 = arith.constant 0 : i32
      %cond3A_655 = arith.cmpi ne, %convert_element_type3A_653, %cond3A_654 : i32
      scf.if %cond3A_655 {
        %add3A_701 = arith.constant 2 : i32
        %add3A_702 = arith.addi %mul3A_423, %add3A_701 : i32
        %dma_wait3A_703 = arith.constant 2 : i32
        %dma_wait3A_704 = arith.constant 0 : i32
        %dma_wait3A_705 = arith.constant 0 : i32
        %dma_wait3A_706 = tpu.memref_slice %arg11[%dma_wait3A_703, %dma_wait3A_704, %dma_wait3A_705] : memref<8x125x64xf32, #tpu.memory_space<vmem>> -> memref<1x125x64xf32, #tpu.memory_space<vmem>>
        %dma_wait3A_707 = tpu.memref_squeeze %dma_wait3A_706 : memref<1x125x64xf32, #tpu.memory_space<vmem>> -> memref<125x64xf32, #tpu.memory_space<vmem>>
        %dma_wait3A_708 = arith.constant 0 : i32
        %dma_wait3A_709 = tpu.memref_slice %arg10[%add3A_702, %dma_wait3A_708] : memref<80x125xi32, #tpu.memory_space<vmem>> -> memref<1x125xi32, #tpu.memory_space<vmem>>
        %dma_wait3A_710 = tpu.memref_squeeze %dma_wait3A_709 : memref<1x125xi32, #tpu.memory_space<vmem>> -> memref<125xi32, #tpu.memory_space<vmem>>
        %dma_wait3A_711 = arith.constant 0 : i32
        %dma_wait3A_712 = arith.constant 0 : i32
        %dma_wait3A_713 = tpu.memref_slice %arg12[%dma_wait3A_711, %dma_wait3A_712] : memref<10240x64xf32, #tpu.memory_space<vmem_shared>> -> memref<10240x64xf32, #tpu.memory_space<vmem_shared>>
        tpu.wait_indirect_dma semaphore(%arg23 : memref<!tpu.dma_semaphore, #tpu.memory_space<semaphore_mem>>) src(%dma_wait3A_707 : memref<125x64xf32, #tpu.memory_space<vmem>>) dst(%dma_wait3A_713 : memref<10240x64xf32, #tpu.memory_space<vmem_shared>>)
        %add3A_714 = arith.constant 2 : i32
        %add3A_715 = arith.addi %mul3A_423, %add3A_714 : i32
        %add3A_716 = arith.constant 8 : i32
        %add3A_717 = arith.addi %add3A_715, %add3A_716 : i32
        %dma_start3A_718 = arith.constant 2 : i32
        %dma_start3A_719 = arith.constant 0 : i32
        %dma_start3A_720 = arith.constant 0 : i32
        %dma_start3A_721 = tpu.memref_slice %arg11[%dma_start3A_718, %dma_start3A_719, %dma_start3A_720] : memref<8x125x64xf32, #tpu.memory_space<vmem>> -> memref<1x125x64xf32, #tpu.memory_space<vmem>>
        %dma_start3A_722 = tpu.memref_squeeze %dma_start3A_721 : memref<1x125x64xf32, #tpu.memory_space<vmem>> -> memref<125x64xf32, #tpu.memory_space<vmem>>
        %dma_start3A_723 = arith.constant 0 : i32
        %dma_start3A_724 = tpu.memref_slice %arg9[%add3A_717, %dma_start3A_723] : memref<80x125xi32, #tpu.memory_space<vmem>> -> memref<1x125xi32, #tpu.memory_space<vmem>>
        %dma_start3A_725 = tpu.memref_squeeze %dma_start3A_724 : memref<1x125xi32, #tpu.memory_space<vmem>> -> memref<125xi32, #tpu.memory_space<vmem>>
        %dma_start3A_726 = arith.constant 0 : i32
        %dma_start3A_727 = arith.constant 0 : i32
        %dma_start3A_728 = tpu.memref_slice %arg3[%dma_start3A_726, %dma_start3A_727] : memref<10240x64xf32, #tpu.memory_space<hbm>> -> memref<10240x64xf32, #tpu.memory_space<hbm>>
        tpu.enqueue_indirect_dma source(%dma_start3A_728 : memref<10240x64xf32, #tpu.memory_space<hbm>>) target(%dma_start3A_722 : memref<125x64xf32, #tpu.memory_space<vmem>>) offsets(%dma_start3A_725 : memref<125xi32, #tpu.memory_space<vmem>>) semaphore(%arg15 : memref<!tpu.dma_semaphore, #tpu.memory_space<semaphore_mem>>)
      } else {
      }
      %add3A_656 = arith.constant 3 : i32
      %add3A_657 = arith.addi %mul3A_423, %add3A_656 : i32
      %add3A_658 = arith.constant 8 : i32
      %add3A_659 = arith.addi %add3A_657, %add3A_658 : i32
      %lt3A_660 = arith.constant 80 : i32
      %lt3A_661 = arith.cmpi slt, %add3A_659, %lt3A_660 : i32
      %convert_element_type3A_662 = arith.extui %lt3A_661 : i1 to i32
      %cond3A_663 = arith.constant 0 : i32
      %cond3A_664 = arith.cmpi ne, %convert_element_type3A_662, %cond3A_663 : i32
      scf.if %cond3A_664 {
        %add3A_701 = arith.constant 3 : i32
        %add3A_702 = arith.addi %mul3A_423, %add3A_701 : i32
        %dma_wait3A_703 = arith.constant 3 : i32
        %dma_wait3A_704 = arith.constant 0 : i32
        %dma_wait3A_705 = arith.constant 0 : i32
        %dma_wait3A_706 = tpu.memref_slice %arg11[%dma_wait3A_703, %dma_wait3A_704, %dma_wait3A_705] : memref<8x125x64xf32, #tpu.memory_space<vmem>> -> memref<1x125x64xf32, #tpu.memory_space<vmem>>
        %dma_wait3A_707 = tpu.memref_squeeze %dma_wait3A_706 : memref<1x125x64xf32, #tpu.memory_space<vmem>> -> memref<125x64xf32, #tpu.memory_space<vmem>>
        %dma_wait3A_708 = arith.constant 0 : i32
        %dma_wait3A_709 = tpu.memref_slice %arg10[%add3A_702, %dma_wait3A_708] : memref<80x125xi32, #tpu.memory_space<vmem>> -> memref<1x125xi32, #tpu.memory_space<vmem>>
        %dma_wait3A_710 = tpu.memref_squeeze %dma_wait3A_709 : memref<1x125xi32, #tpu.memory_space<vmem>> -> memref<125xi32, #tpu.memory_space<vmem>>
        %dma_wait3A_711 = arith.constant 0 : i32
        %dma_wait3A_712 = arith.constant 0 : i32
        %dma_wait3A_713 = tpu.memref_slice %arg12[%dma_wait3A_711, %dma_wait3A_712] : memref<10240x64xf32, #tpu.memory_space<vmem_shared>> -> memref<10240x64xf32, #tpu.memory_space<vmem_shared>>
        tpu.wait_indirect_dma semaphore(%arg24 : memref<!tpu.dma_semaphore, #tpu.memory_space<semaphore_mem>>) src(%dma_wait3A_707 : memref<125x64xf32, #tpu.memory_space<vmem>>) dst(%dma_wait3A_713 : memref<10240x64xf32, #tpu.memory_space<vmem_shared>>)
        %add3A_714 = arith.constant 3 : i32
        %add3A_715 = arith.addi %mul3A_423, %add3A_714 : i32
        %add3A_716 = arith.constant 8 : i32
        %add3A_717 = arith.addi %add3A_715, %add3A_716 : i32
        %dma_start3A_718 = arith.constant 3 : i32
        %dma_start3A_719 = arith.constant 0 : i32
        %dma_start3A_720 = arith.constant 0 : i32
        %dma_start3A_721 = tpu.memref_slice %arg11[%dma_start3A_718, %dma_start3A_719, %dma_start3A_720] : memref<8x125x64xf32, #tpu.memory_space<vmem>> -> memref<1x125x64xf32, #tpu.memory_space<vmem>>
        %dma_start3A_722 = tpu.memref_squeeze %dma_start3A_721 : memref<1x125x64xf32, #tpu.memory_space<vmem>> -> memref<125x64xf32, #tpu.memory_space<vmem>>
        %dma_start3A_723 = arith.constant 0 : i32
        %dma_start3A_724 = tpu.memref_slice %arg9[%add3A_717, %dma_start3A_723] : memref<80x125xi32, #tpu.memory_space<vmem>> -> memref<1x125xi32, #tpu.memory_space<vmem>>
        %dma_start3A_725 = tpu.memref_squeeze %dma_start3A_724 : memref<1x125xi32, #tpu.memory_space<vmem>> -> memref<125xi32, #tpu.memory_space<vmem>>
        %dma_start3A_726 = arith.constant 0 : i32
        %dma_start3A_727 = arith.constant 0 : i32
        %dma_start3A_728 = tpu.memref_slice %arg3[%dma_start3A_726, %dma_start3A_727] : memref<10240x64xf32, #tpu.memory_space<hbm>> -> memref<10240x64xf32, #tpu.memory_space<hbm>>
        tpu.enqueue_indirect_dma source(%dma_start3A_728 : memref<10240x64xf32, #tpu.memory_space<hbm>>) target(%dma_start3A_722 : memref<125x64xf32, #tpu.memory_space<vmem>>) offsets(%dma_start3A_725 : memref<125xi32, #tpu.memory_space<vmem>>) semaphore(%arg16 : memref<!tpu.dma_semaphore, #tpu.memory_space<semaphore_mem>>)
      } else {
      }
      %add3A_665 = arith.constant 4 : i32
      %add3A_666 = arith.addi %mul3A_423, %add3A_665 : i32
      %add3A_667 = arith.constant 8 : i32
      %add3A_668 = arith.addi %add3A_666, %add3A_667 : i32
      %lt3A_669 = arith.constant 80 : i32
      %lt3A_670 = arith.cmpi slt, %add3A_668, %lt3A_669 : i32
      %convert_element_type3A_671 = arith.extui %lt3A_670 : i1 to i32
      %cond3A_672 = arith.constant 0 : i32
      %cond3A_673 = arith.cmpi ne, %convert_element_type3A_671, %cond3A_672 : i32
      scf.if %cond3A_673 {
        %add3A_701 = arith.constant 4 : i32
        %add3A_702 = arith.addi %mul3A_423, %add3A_701 : i32
        %dma_wait3A_703 = arith.constant 4 : i32
        %dma_wait3A_704 = arith.constant 0 : i32
        %dma_wait3A_705 = arith.constant 0 : i32
        %dma_wait3A_706 = tpu.memref_slice %arg11[%dma_wait3A_703, %dma_wait3A_704, %dma_wait3A_705] : memref<8x125x64xf32, #tpu.memory_space<vmem>> -> memref<1x125x64xf32, #tpu.memory_space<vmem>>
        %dma_wait3A_707 = tpu.memref_squeeze %dma_wait3A_706 : memref<1x125x64xf32, #tpu.memory_space<vmem>> -> memref<125x64xf32, #tpu.memory_space<vmem>>
        %dma_wait3A_708 = arith.constant 0 : i32
        %dma_wait3A_709 = tpu.memref_slice %arg10[%add3A_702, %dma_wait3A_708] : memref<80x125xi32, #tpu.memory_space<vmem>> -> memref<1x125xi32, #tpu.memory_space<vmem>>
        %dma_wait3A_710 = tpu.memref_squeeze %dma_wait3A_709 : memref<1x125xi32, #tpu.memory_space<vmem>> -> memref<125xi32, #tpu.memory_space<vmem>>
        %dma_wait3A_711 = arith.constant 0 : i32
        %dma_wait3A_712 = arith.constant 0 : i32
        %dma_wait3A_713 = tpu.memref_slice %arg12[%dma_wait3A_711, %dma_wait3A_712] : memref<10240x64xf32, #tpu.memory_space<vmem_shared>> -> memref<10240x64xf32, #tpu.memory_space<vmem_shared>>
        tpu.wait_indirect_dma semaphore(%arg25 : memref<!tpu.dma_semaphore, #tpu.memory_space<semaphore_mem>>) src(%dma_wait3A_707 : memref<125x64xf32, #tpu.memory_space<vmem>>) dst(%dma_wait3A_713 : memref<10240x64xf32, #tpu.memory_space<vmem_shared>>)
        %add3A_714 = arith.constant 4 : i32
        %add3A_715 = arith.addi %mul3A_423, %add3A_714 : i32
        %add3A_716 = arith.constant 8 : i32
        %add3A_717 = arith.addi %add3A_715, %add3A_716 : i32
        %dma_start3A_718 = arith.constant 4 : i32
        %dma_start3A_719 = arith.constant 0 : i32
        %dma_start3A_720 = arith.constant 0 : i32
        %dma_start3A_721 = tpu.memref_slice %arg11[%dma_start3A_718, %dma_start3A_719, %dma_start3A_720] : memref<8x125x64xf32, #tpu.memory_space<vmem>> -> memref<1x125x64xf32, #tpu.memory_space<vmem>>
        %dma_start3A_722 = tpu.memref_squeeze %dma_start3A_721 : memref<1x125x64xf32, #tpu.memory_space<vmem>> -> memref<125x64xf32, #tpu.memory_space<vmem>>
        %dma_start3A_723 = arith.constant 0 : i32
        %dma_start3A_724 = tpu.memref_slice %arg9[%add3A_717, %dma_start3A_723] : memref<80x125xi32, #tpu.memory_space<vmem>> -> memref<1x125xi32, #tpu.memory_space<vmem>>
        %dma_start3A_725 = tpu.memref_squeeze %dma_start3A_724 : memref<1x125xi32, #tpu.memory_space<vmem>> -> memref<125xi32, #tpu.memory_space<vmem>>
        %dma_start3A_726 = arith.constant 0 : i32
        %dma_start3A_727 = arith.constant 0 : i32
        %dma_start3A_728 = tpu.memref_slice %arg3[%dma_start3A_726, %dma_start3A_727] : memref<10240x64xf32, #tpu.memory_space<hbm>> -> memref<10240x64xf32, #tpu.memory_space<hbm>>
        tpu.enqueue_indirect_dma source(%dma_start3A_728 : memref<10240x64xf32, #tpu.memory_space<hbm>>) target(%dma_start3A_722 : memref<125x64xf32, #tpu.memory_space<vmem>>) offsets(%dma_start3A_725 : memref<125xi32, #tpu.memory_space<vmem>>) semaphore(%arg17 : memref<!tpu.dma_semaphore, #tpu.memory_space<semaphore_mem>>)
      } else {
      }
      %add3A_674 = arith.constant 5 : i32
      %add3A_675 = arith.addi %mul3A_423, %add3A_674 : i32
      %add3A_676 = arith.constant 8 : i32
      %add3A_677 = arith.addi %add3A_675, %add3A_676 : i32
      %lt3A_678 = arith.constant 80 : i32
      %lt3A_679 = arith.cmpi slt, %add3A_677, %lt3A_678 : i32
      %convert_element_type3A_680 = arith.extui %lt3A_679 : i1 to i32
      %cond3A_681 = arith.constant 0 : i32
      %cond3A_682 = arith.cmpi ne, %convert_element_type3A_680, %cond3A_681 : i32
      scf.if %cond3A_682 {
        %add3A_701 = arith.constant 5 : i32
        %add3A_702 = arith.addi %mul3A_423, %add3A_701 : i32
        %dma_wait3A_703 = arith.constant 5 : i32
        %dma_wait3A_704 = arith.constant 0 : i32
        %dma_wait3A_705 = arith.constant 0 : i32
        %dma_wait3A_706 = tpu.memref_slice %arg11[%dma_wait3A_703, %dma_wait3A_704, %dma_wait3A_705] : memref<8x125x64xf32, #tpu.memory_space<vmem>> -> memref<1x125x64xf32, #tpu.memory_space<vmem>>
        %dma_wait3A_707 = tpu.memref_squeeze %dma_wait3A_706 : memref<1x125x64xf32, #tpu.memory_space<vmem>> -> memref<125x64xf32, #tpu.memory_space<vmem>>
        %dma_wait3A_708 = arith.constant 0 : i32
        %dma_wait3A_709 = tpu.memref_slice %arg10[%add3A_702, %dma_wait3A_708] : memref<80x125xi32, #tpu.memory_space<vmem>> -> memref<1x125xi32, #tpu.memory_space<vmem>>
        %dma_wait3A_710 = tpu.memref_squeeze %dma_wait3A_709 : memref<1x125xi32, #tpu.memory_space<vmem>> -> memref<125xi32, #tpu.memory_space<vmem>>
        %dma_wait3A_711 = arith.constant 0 : i32
        %dma_wait3A_712 = arith.constant 0 : i32
        %dma_wait3A_713 = tpu.memref_slice %arg12[%dma_wait3A_711, %dma_wait3A_712] : memref<10240x64xf32, #tpu.memory_space<vmem_shared>> -> memref<10240x64xf32, #tpu.memory_space<vmem_shared>>
        tpu.wait_indirect_dma semaphore(%arg26 : memref<!tpu.dma_semaphore, #tpu.memory_space<semaphore_mem>>) src(%dma_wait3A_707 : memref<125x64xf32, #tpu.memory_space<vmem>>) dst(%dma_wait3A_713 : memref<10240x64xf32, #tpu.memory_space<vmem_shared>>)
        %add3A_714 = arith.constant 5 : i32
        %add3A_715 = arith.addi %mul3A_423, %add3A_714 : i32
        %add3A_716 = arith.constant 8 : i32
        %add3A_717 = arith.addi %add3A_715, %add3A_716 : i32
        %dma_start3A_718 = arith.constant 5 : i32
        %dma_start3A_719 = arith.constant 0 : i32
        %dma_start3A_720 = arith.constant 0 : i32
        %dma_start3A_721 = tpu.memref_slice %arg11[%dma_start3A_718, %dma_start3A_719, %dma_start3A_720] : memref<8x125x64xf32, #tpu.memory_space<vmem>> -> memref<1x125x64xf32, #tpu.memory_space<vmem>>
        %dma_start3A_722 = tpu.memref_squeeze %dma_start3A_721 : memref<1x125x64xf32, #tpu.memory_space<vmem>> -> memref<125x64xf32, #tpu.memory_space<vmem>>
        %dma_start3A_723 = arith.constant 0 : i32
        %dma_start3A_724 = tpu.memref_slice %arg9[%add3A_717, %dma_start3A_723] : memref<80x125xi32, #tpu.memory_space<vmem>> -> memref<1x125xi32, #tpu.memory_space<vmem>>
        %dma_start3A_725 = tpu.memref_squeeze %dma_start3A_724 : memref<1x125xi32, #tpu.memory_space<vmem>> -> memref<125xi32, #tpu.memory_space<vmem>>
        %dma_start3A_726 = arith.constant 0 : i32
        %dma_start3A_727 = arith.constant 0 : i32
        %dma_start3A_728 = tpu.memref_slice %arg3[%dma_start3A_726, %dma_start3A_727] : memref<10240x64xf32, #tpu.memory_space<hbm>> -> memref<10240x64xf32, #tpu.memory_space<hbm>>
        tpu.enqueue_indirect_dma source(%dma_start3A_728 : memref<10240x64xf32, #tpu.memory_space<hbm>>) target(%dma_start3A_722 : memref<125x64xf32, #tpu.memory_space<vmem>>) offsets(%dma_start3A_725 : memref<125xi32, #tpu.memory_space<vmem>>) semaphore(%arg18 : memref<!tpu.dma_semaphore, #tpu.memory_space<semaphore_mem>>)
      } else {
      }
      %add3A_683 = arith.constant 6 : i32
      %add3A_684 = arith.addi %mul3A_423, %add3A_683 : i32
      %add3A_685 = arith.constant 8 : i32
      %add3A_686 = arith.addi %add3A_684, %add3A_685 : i32
      %lt3A_687 = arith.constant 80 : i32
      %lt3A_688 = arith.cmpi slt, %add3A_686, %lt3A_687 : i32
      %convert_element_type3A_689 = arith.extui %lt3A_688 : i1 to i32
      %cond3A_690 = arith.constant 0 : i32
      %cond3A_691 = arith.cmpi ne, %convert_element_type3A_689, %cond3A_690 : i32
      scf.if %cond3A_691 {
        %add3A_701 = arith.constant 6 : i32
        %add3A_702 = arith.addi %mul3A_423, %add3A_701 : i32
        %dma_wait3A_703 = arith.constant 6 : i32
        %dma_wait3A_704 = arith.constant 0 : i32
        %dma_wait3A_705 = arith.constant 0 : i32
        %dma_wait3A_706 = tpu.memref_slice %arg11[%dma_wait3A_703, %dma_wait3A_704, %dma_wait3A_705] : memref<8x125x64xf32, #tpu.memory_space<vmem>> -> memref<1x125x64xf32, #tpu.memory_space<vmem>>
        %dma_wait3A_707 = tpu.memref_squeeze %dma_wait3A_706 : memref<1x125x64xf32, #tpu.memory_space<vmem>> -> memref<125x64xf32, #tpu.memory_space<vmem>>
        %dma_wait3A_708 = arith.constant 0 : i32
        %dma_wait3A_709 = tpu.memref_slice %arg10[%add3A_702, %dma_wait3A_708] : memref<80x125xi32, #tpu.memory_space<vmem>> -> memref<1x125xi32, #tpu.memory_space<vmem>>
        %dma_wait3A_710 = tpu.memref_squeeze %dma_wait3A_709 : memref<1x125xi32, #tpu.memory_space<vmem>> -> memref<125xi32, #tpu.memory_space<vmem>>
        %dma_wait3A_711 = arith.constant 0 : i32
        %dma_wait3A_712 = arith.constant 0 : i32
        %dma_wait3A_713 = tpu.memref_slice %arg12[%dma_wait3A_711, %dma_wait3A_712] : memref<10240x64xf32, #tpu.memory_space<vmem_shared>> -> memref<10240x64xf32, #tpu.memory_space<vmem_shared>>
        tpu.wait_indirect_dma semaphore(%arg27 : memref<!tpu.dma_semaphore, #tpu.memory_space<semaphore_mem>>) src(%dma_wait3A_707 : memref<125x64xf32, #tpu.memory_space<vmem>>) dst(%dma_wait3A_713 : memref<10240x64xf32, #tpu.memory_space<vmem_shared>>)
        %add3A_714 = arith.constant 6 : i32
        %add3A_715 = arith.addi %mul3A_423, %add3A_714 : i32
        %add3A_716 = arith.constant 8 : i32
        %add3A_717 = arith.addi %add3A_715, %add3A_716 : i32
        %dma_start3A_718 = arith.constant 6 : i32
        %dma_start3A_719 = arith.constant 0 : i32
        %dma_start3A_720 = arith.constant 0 : i32
        %dma_start3A_721 = tpu.memref_slice %arg11[%dma_start3A_718, %dma_start3A_719, %dma_start3A_720] : memref<8x125x64xf32, #tpu.memory_space<vmem>> -> memref<1x125x64xf32, #tpu.memory_space<vmem>>
        %dma_start3A_722 = tpu.memref_squeeze %dma_start3A_721 : memref<1x125x64xf32, #tpu.memory_space<vmem>> -> memref<125x64xf32, #tpu.memory_space<vmem>>
        %dma_start3A_723 = arith.constant 0 : i32
        %dma_start3A_724 = tpu.memref_slice %arg9[%add3A_717, %dma_start3A_723] : memref<80x125xi32, #tpu.memory_space<vmem>> -> memref<1x125xi32, #tpu.memory_space<vmem>>
        %dma_start3A_725 = tpu.memref_squeeze %dma_start3A_724 : memref<1x125xi32, #tpu.memory_space<vmem>> -> memref<125xi32, #tpu.memory_space<vmem>>
        %dma_start3A_726 = arith.constant 0 : i32
        %dma_start3A_727 = arith.constant 0 : i32
        %dma_start3A_728 = tpu.memref_slice %arg3[%dma_start3A_726, %dma_start3A_727] : memref<10240x64xf32, #tpu.memory_space<hbm>> -> memref<10240x64xf32, #tpu.memory_space<hbm>>
        tpu.enqueue_indirect_dma source(%dma_start3A_728 : memref<10240x64xf32, #tpu.memory_space<hbm>>) target(%dma_start3A_722 : memref<125x64xf32, #tpu.memory_space<vmem>>) offsets(%dma_start3A_725 : memref<125xi32, #tpu.memory_space<vmem>>) semaphore(%arg19 : memref<!tpu.dma_semaphore, #tpu.memory_space<semaphore_mem>>)
      } else {
      }
      %add3A_692 = arith.constant 7 : i32
      %add3A_693 = arith.addi %mul3A_423, %add3A_692 : i32
      %add3A_694 = arith.constant 8 : i32
      %add3A_695 = arith.addi %add3A_693, %add3A_694 : i32
      %lt3A_696 = arith.constant 80 : i32
      %lt3A_697 = arith.cmpi slt, %add3A_695, %lt3A_696 : i32
      %convert_element_type3A_698 = arith.extui %lt3A_697 : i1 to i32
      %cond3A_699 = arith.constant 0 : i32
      %cond3A_700 = arith.cmpi ne, %convert_element_type3A_698, %cond3A_699 : i32
      scf.if %cond3A_700 {
        %add3A_701 = arith.constant 7 : i32
        %add3A_702 = arith.addi %mul3A_423, %add3A_701 : i32
        %dma_wait3A_703 = arith.constant 7 : i32
        %dma_wait3A_704 = arith.constant 0 : i32
        %dma_wait3A_705 = arith.constant 0 : i32
        %dma_wait3A_706 = tpu.memref_slice %arg11[%dma_wait3A_703, %dma_wait3A_704, %dma_wait3A_705] : memref<8x125x64xf32, #tpu.memory_space<vmem>> -> memref<1x125x64xf32, #tpu.memory_space<vmem>>
        %dma_wait3A_707 = tpu.memref_squeeze %dma_wait3A_706 : memref<1x125x64xf32, #tpu.memory_space<vmem>> -> memref<125x64xf32, #tpu.memory_space<vmem>>
        %dma_wait3A_708 = arith.constant 0 : i32
        %dma_wait3A_709 = tpu.memref_slice %arg10[%add3A_702, %dma_wait3A_708] : memref<80x125xi32, #tpu.memory_space<vmem>> -> memref<1x125xi32, #tpu.memory_space<vmem>>
        %dma_wait3A_710 = tpu.memref_squeeze %dma_wait3A_709 : memref<1x125xi32, #tpu.memory_space<vmem>> -> memref<125xi32, #tpu.memory_space<vmem>>
        %dma_wait3A_711 = arith.constant 0 : i32
        %dma_wait3A_712 = arith.constant 0 : i32
        %dma_wait3A_713 = tpu.memref_slice %arg12[%dma_wait3A_711, %dma_wait3A_712] : memref<10240x64xf32, #tpu.memory_space<vmem_shared>> -> memref<10240x64xf32, #tpu.memory_space<vmem_shared>>
        tpu.wait_indirect_dma semaphore(%arg28 : memref<!tpu.dma_semaphore, #tpu.memory_space<semaphore_mem>>) src(%dma_wait3A_707 : memref<125x64xf32, #tpu.memory_space<vmem>>) dst(%dma_wait3A_713 : memref<10240x64xf32, #tpu.memory_space<vmem_shared>>)
        %add3A_714 = arith.constant 7 : i32
        %add3A_715 = arith.addi %mul3A_423, %add3A_714 : i32
        %add3A_716 = arith.constant 8 : i32
        %add3A_717 = arith.addi %add3A_715, %add3A_716 : i32
        %dma_start3A_718 = arith.constant 7 : i32
        %dma_start3A_719 = arith.constant 0 : i32
        %dma_start3A_720 = arith.constant 0 : i32
        %dma_start3A_721 = tpu.memref_slice %arg11[%dma_start3A_718, %dma_start3A_719, %dma_start3A_720] : memref<8x125x64xf32, #tpu.memory_space<vmem>> -> memref<1x125x64xf32, #tpu.memory_space<vmem>>
        %dma_start3A_722 = tpu.memref_squeeze %dma_start3A_721 : memref<1x125x64xf32, #tpu.memory_space<vmem>> -> memref<125x64xf32, #tpu.memory_space<vmem>>
        %dma_start3A_723 = arith.constant 0 : i32
        %dma_start3A_724 = tpu.memref_slice %arg9[%add3A_717, %dma_start3A_723] : memref<80x125xi32, #tpu.memory_space<vmem>> -> memref<1x125xi32, #tpu.memory_space<vmem>>
        %dma_start3A_725 = tpu.memref_squeeze %dma_start3A_724 : memref<1x125xi32, #tpu.memory_space<vmem>> -> memref<125xi32, #tpu.memory_space<vmem>>
        %dma_start3A_726 = arith.constant 0 : i32
        %dma_start3A_727 = arith.constant 0 : i32
        %dma_start3A_728 = tpu.memref_slice %arg3[%dma_start3A_726, %dma_start3A_727] : memref<10240x64xf32, #tpu.memory_space<hbm>> -> memref<10240x64xf32, #tpu.memory_space<hbm>>
        tpu.enqueue_indirect_dma source(%dma_start3A_728 : memref<10240x64xf32, #tpu.memory_space<hbm>>) target(%dma_start3A_722 : memref<125x64xf32, #tpu.memory_space<vmem>>) offsets(%dma_start3A_725 : memref<125xi32, #tpu.memory_space<vmem>>) semaphore(%arg20 : memref<!tpu.dma_semaphore, #tpu.memory_space<semaphore_mem>>)
      } else {
      }
    }
    %scan3A_319 = arith.constant 10 : i32
    %dma_wait3A_320 = arith.constant 0 : i32
    %dma_wait3A_321 = arith.constant 72 : i32
    %dma_wait3A_322 = arith.constant 0 : i32
    %dma_wait3A_323 = arith.constant 0 : i32
    %dma_wait3A_324 = tpu.memref_slice %arg11[%dma_wait3A_320, %dma_wait3A_322, %dma_wait3A_323] : memref<8x125x64xf32, #tpu.memory_space<vmem>> -> memref<1x125x64xf32, #tpu.memory_space<vmem>>
    %dma_wait3A_325 = tpu.memref_squeeze %dma_wait3A_324 : memref<1x125x64xf32, #tpu.memory_space<vmem>> -> memref<125x64xf32, #tpu.memory_space<vmem>>
    %dma_wait3A_326 = arith.constant 0 : i32
    %dma_wait3A_327 = tpu.memref_slice %arg10[%dma_wait3A_321, %dma_wait3A_326] : memref<80x125xi32, #tpu.memory_space<vmem>> -> memref<1x125xi32, #tpu.memory_space<vmem>>
    %dma_wait3A_328 = tpu.memref_squeeze %dma_wait3A_327 : memref<1x125xi32, #tpu.memory_space<vmem>> -> memref<125xi32, #tpu.memory_space<vmem>>
    %dma_wait3A_329 = arith.constant 0 : i32
    %dma_wait3A_330 = arith.constant 0 : i32
    %dma_wait3A_331 = tpu.memref_slice %arg12[%dma_wait3A_329, %dma_wait3A_330] : memref<10240x64xf32, #tpu.memory_space<vmem_shared>> -> memref<10240x64xf32, #tpu.memory_space<vmem_shared>>
    tpu.wait_indirect_dma semaphore(%arg21 : memref<!tpu.dma_semaphore, #tpu.memory_space<semaphore_mem>>) src(%dma_wait3A_325 : memref<125x64xf32, #tpu.memory_space<vmem>>) dst(%dma_wait3A_331 : memref<10240x64xf32, #tpu.memory_space<vmem_shared>>)
    %dma_wait3A_332 = arith.constant 1 : i32
    %dma_wait3A_333 = arith.constant 73 : i32
    %dma_wait3A_334 = arith.constant 0 : i32
    %dma_wait3A_335 = arith.constant 0 : i32
    %dma_wait3A_336 = tpu.memref_slice %arg11[%dma_wait3A_332, %dma_wait3A_334, %dma_wait3A_335] : memref<8x125x64xf32, #tpu.memory_space<vmem>> -> memref<1x125x64xf32, #tpu.memory_space<vmem>>
    %dma_wait3A_337 = tpu.memref_squeeze %dma_wait3A_336 : memref<1x125x64xf32, #tpu.memory_space<vmem>> -> memref<125x64xf32, #tpu.memory_space<vmem>>
    %dma_wait3A_338 = arith.constant 0 : i32
    %dma_wait3A_339 = tpu.memref_slice %arg10[%dma_wait3A_333, %dma_wait3A_338] : memref<80x125xi32, #tpu.memory_space<vmem>> -> memref<1x125xi32, #tpu.memory_space<vmem>>
    %dma_wait3A_340 = tpu.memref_squeeze %dma_wait3A_339 : memref<1x125xi32, #tpu.memory_space<vmem>> -> memref<125xi32, #tpu.memory_space<vmem>>
    %dma_wait3A_341 = arith.constant 0 : i32
    %dma_wait3A_342 = arith.constant 0 : i32
    %dma_wait3A_343 = tpu.memref_slice %arg12[%dma_wait3A_341, %dma_wait3A_342] : memref<10240x64xf32, #tpu.memory_space<vmem_shared>> -> memref<10240x64xf32, #tpu.memory_space<vmem_shared>>
    tpu.wait_indirect_dma semaphore(%arg22 : memref<!tpu.dma_semaphore, #tpu.memory_space<semaphore_mem>>) src(%dma_wait3A_337 : memref<125x64xf32, #tpu.memory_space<vmem>>) dst(%dma_wait3A_343 : memref<10240x64xf32, #tpu.memory_space<vmem_shared>>)
    %dma_wait3A_344 = arith.constant 2 : i32
    %dma_wait3A_345 = arith.constant 74 : i32
    %dma_wait3A_346 = arith.constant 0 : i32
    %dma_wait3A_347 = arith.constant 0 : i32
    %dma_wait3A_348 = tpu.memref_slice %arg11[%dma_wait3A_344, %dma_wait3A_346, %dma_wait3A_347] : memref<8x125x64xf32, #tpu.memory_space<vmem>> -> memref<1x125x64xf32, #tpu.memory_space<vmem>>
    %dma_wait3A_349 = tpu.memref_squeeze %dma_wait3A_348 : memref<1x125x64xf32, #tpu.memory_space<vmem>> -> memref<125x64xf32, #tpu.memory_space<vmem>>
    %dma_wait3A_350 = arith.constant 0 : i32
    %dma_wait3A_351 = tpu.memref_slice %arg10[%dma_wait3A_345, %dma_wait3A_350] : memref<80x125xi32, #tpu.memory_space<vmem>> -> memref<1x125xi32, #tpu.memory_space<vmem>>
    %dma_wait3A_352 = tpu.memref_squeeze %dma_wait3A_351 : memref<1x125xi32, #tpu.memory_space<vmem>> -> memref<125xi32, #tpu.memory_space<vmem>>
    %dma_wait3A_353 = arith.constant 0 : i32
    %dma_wait3A_354 = arith.constant 0 : i32
    %dma_wait3A_355 = tpu.memref_slice %arg12[%dma_wait3A_353, %dma_wait3A_354] : memref<10240x64xf32, #tpu.memory_space<vmem_shared>> -> memref<10240x64xf32, #tpu.memory_space<vmem_shared>>
    tpu.wait_indirect_dma semaphore(%arg23 : memref<!tpu.dma_semaphore, #tpu.memory_space<semaphore_mem>>) src(%dma_wait3A_349 : memref<125x64xf32, #tpu.memory_space<vmem>>) dst(%dma_wait3A_355 : memref<10240x64xf32, #tpu.memory_space<vmem_shared>>)
    %dma_wait3A_356 = arith.constant 3 : i32
    %dma_wait3A_357 = arith.constant 75 : i32
    %dma_wait3A_358 = arith.constant 0 : i32
    %dma_wait3A_359 = arith.constant 0 : i32
    %dma_wait3A_360 = tpu.memref_slice %arg11[%dma_wait3A_356, %dma_wait3A_358, %dma_wait3A_359] : memref<8x125x64xf32, #tpu.memory_space<vmem>> -> memref<1x125x64xf32, #tpu.memory_space<vmem>>
    %dma_wait3A_361 = tpu.memref_squeeze %dma_wait3A_360 : memref<1x125x64xf32, #tpu.memory_space<vmem>> -> memref<125x64xf32, #tpu.memory_space<vmem>>
    %dma_wait3A_362 = arith.constant 0 : i32
    %dma_wait3A_363 = tpu.memref_slice %arg10[%dma_wait3A_357, %dma_wait3A_362] : memref<80x125xi32, #tpu.memory_space<vmem>> -> memref<1x125xi32, #tpu.memory_space<vmem>>
    %dma_wait3A_364 = tpu.memref_squeeze %dma_wait3A_363 : memref<1x125xi32, #tpu.memory_space<vmem>> -> memref<125xi32, #tpu.memory_space<vmem>>
    %dma_wait3A_365 = arith.constant 0 : i32
    %dma_wait3A_366 = arith.constant 0 : i32
    %dma_wait3A_367 = tpu.memref_slice %arg12[%dma_wait3A_365, %dma_wait3A_366] : memref<10240x64xf32, #tpu.memory_space<vmem_shared>> -> memref<10240x64xf32, #tpu.memory_space<vmem_shared>>
    tpu.wait_indirect_dma semaphore(%arg24 : memref<!tpu.dma_semaphore, #tpu.memory_space<semaphore_mem>>) src(%dma_wait3A_361 : memref<125x64xf32, #tpu.memory_space<vmem>>) dst(%dma_wait3A_367 : memref<10240x64xf32, #tpu.memory_space<vmem_shared>>)
    %dma_wait3A_368 = arith.constant 4 : i32
    %dma_wait3A_369 = arith.constant 76 : i32
    %dma_wait3A_370 = arith.constant 0 : i32
    %dma_wait3A_371 = arith.constant 0 : i32
    %dma_wait3A_372 = tpu.memref_slice %arg11[%dma_wait3A_368, %dma_wait3A_370, %dma_wait3A_371] : memref<8x125x64xf32, #tpu.memory_space<vmem>> -> memref<1x125x64xf32, #tpu.memory_space<vmem>>
    %dma_wait3A_373 = tpu.memref_squeeze %dma_wait3A_372 : memref<1x125x64xf32, #tpu.memory_space<vmem>> -> memref<125x64xf32, #tpu.memory_space<vmem>>
    %dma_wait3A_374 = arith.constant 0 : i32
    %dma_wait3A_375 = tpu.memref_slice %arg10[%dma_wait3A_369, %dma_wait3A_374] : memref<80x125xi32, #tpu.memory_space<vmem>> -> memref<1x125xi32, #tpu.memory_space<vmem>>
    %dma_wait3A_376 = tpu.memref_squeeze %dma_wait3A_375 : memref<1x125xi32, #tpu.memory_space<vmem>> -> memref<125xi32, #tpu.memory_space<vmem>>
    %dma_wait3A_377 = arith.constant 0 : i32
    %dma_wait3A_378 = arith.constant 0 : i32
    %dma_wait3A_379 = tpu.memref_slice %arg12[%dma_wait3A_377, %dma_wait3A_378] : memref<10240x64xf32, #tpu.memory_space<vmem_shared>> -> memref<10240x64xf32, #tpu.memory_space<vmem_shared>>
    tpu.wait_indirect_dma semaphore(%arg25 : memref<!tpu.dma_semaphore, #tpu.memory_space<semaphore_mem>>) src(%dma_wait3A_373 : memref<125x64xf32, #tpu.memory_space<vmem>>) dst(%dma_wait3A_379 : memref<10240x64xf32, #tpu.memory_space<vmem_shared>>)
    %dma_wait3A_380 = arith.constant 5 : i32
    %dma_wait3A_381 = arith.constant 77 : i32
    %dma_wait3A_382 = arith.constant 0 : i32
    %dma_wait3A_383 = arith.constant 0 : i32
    %dma_wait3A_384 = tpu.memref_slice %arg11[%dma_wait3A_380, %dma_wait3A_382, %dma_wait3A_383] : memref<8x125x64xf32, #tpu.memory_space<vmem>> -> memref<1x125x64xf32, #tpu.memory_space<vmem>>
    %dma_wait3A_385 = tpu.memref_squeeze %dma_wait3A_384 : memref<1x125x64xf32, #tpu.memory_space<vmem>> -> memref<125x64xf32, #tpu.memory_space<vmem>>
    %dma_wait3A_386 = arith.constant 0 : i32
    %dma_wait3A_387 = tpu.memref_slice %arg10[%dma_wait3A_381, %dma_wait3A_386] : memref<80x125xi32, #tpu.memory_space<vmem>> -> memref<1x125xi32, #tpu.memory_space<vmem>>
    %dma_wait3A_388 = tpu.memref_squeeze %dma_wait3A_387 : memref<1x125xi32, #tpu.memory_space<vmem>> -> memref<125xi32, #tpu.memory_space<vmem>>
    %dma_wait3A_389 = arith.constant 0 : i32
    %dma_wait3A_390 = arith.constant 0 : i32
    %dma_wait3A_391 = tpu.memref_slice %arg12[%dma_wait3A_389, %dma_wait3A_390] : memref<10240x64xf32, #tpu.memory_space<vmem_shared>> -> memref<10240x64xf32, #tpu.memory_space<vmem_shared>>
    tpu.wait_indirect_dma semaphore(%arg26 : memref<!tpu.dma_semaphore, #tpu.memory_space<semaphore_mem>>) src(%dma_wait3A_385 : memref<125x64xf32, #tpu.memory_space<vmem>>) dst(%dma_wait3A_391 : memref<10240x64xf32, #tpu.memory_space<vmem_shared>>)
    %dma_wait3A_392 = arith.constant 6 : i32
    %dma_wait3A_393 = arith.constant 78 : i32
    %dma_wait3A_394 = arith.constant 0 : i32
    %dma_wait3A_395 = arith.constant 0 : i32
    %dma_wait3A_396 = tpu.memref_slice %arg11[%dma_wait3A_392, %dma_wait3A_394, %dma_wait3A_395] : memref<8x125x64xf32, #tpu.memory_space<vmem>> -> memref<1x125x64xf32, #tpu.memory_space<vmem>>
    %dma_wait3A_397 = tpu.memref_squeeze %dma_wait3A_396 : memref<1x125x64xf32, #tpu.memory_space<vmem>> -> memref<125x64xf32, #tpu.memory_space<vmem>>
    %dma_wait3A_398 = arith.constant 0 : i32
    %dma_wait3A_399 = tpu.memref_slice %arg10[%dma_wait3A_393, %dma_wait3A_398] : memref<80x125xi32, #tpu.memory_space<vmem>> -> memref<1x125xi32, #tpu.memory_space<vmem>>
    %dma_wait3A_400 = tpu.memref_squeeze %dma_wait3A_399 : memref<1x125xi32, #tpu.memory_space<vmem>> -> memref<125xi32, #tpu.memory_space<vmem>>
    %dma_wait3A_401 = arith.constant 0 : i32
    %dma_wait3A_402 = arith.constant 0 : i32
    %dma_wait3A_403 = tpu.memref_slice %arg12[%dma_wait3A_401, %dma_wait3A_402] : memref<10240x64xf32, #tpu.memory_space<vmem_shared>> -> memref<10240x64xf32, #tpu.memory_space<vmem_shared>>
    tpu.wait_indirect_dma semaphore(%arg27 : memref<!tpu.dma_semaphore, #tpu.memory_space<semaphore_mem>>) src(%dma_wait3A_397 : memref<125x64xf32, #tpu.memory_space<vmem>>) dst(%dma_wait3A_403 : memref<10240x64xf32, #tpu.memory_space<vmem_shared>>)
    %dma_wait3A_404 = arith.constant 7 : i32
    %dma_wait3A_405 = arith.constant 79 : i32
    %dma_wait3A_406 = arith.constant 0 : i32
    %dma_wait3A_407 = arith.constant 0 : i32
    %dma_wait3A_408 = tpu.memref_slice %arg11[%dma_wait3A_404, %dma_wait3A_406, %dma_wait3A_407] : memref<8x125x64xf32, #tpu.memory_space<vmem>> -> memref<1x125x64xf32, #tpu.memory_space<vmem>>
    %dma_wait3A_409 = tpu.memref_squeeze %dma_wait3A_408 : memref<1x125x64xf32, #tpu.memory_space<vmem>> -> memref<125x64xf32, #tpu.memory_space<vmem>>
    %dma_wait3A_410 = arith.constant 0 : i32
    %dma_wait3A_411 = tpu.memref_slice %arg10[%dma_wait3A_405, %dma_wait3A_410] : memref<80x125xi32, #tpu.memory_space<vmem>> -> memref<1x125xi32, #tpu.memory_space<vmem>>
    %dma_wait3A_412 = tpu.memref_squeeze %dma_wait3A_411 : memref<1x125xi32, #tpu.memory_space<vmem>> -> memref<125xi32, #tpu.memory_space<vmem>>
    %dma_wait3A_413 = arith.constant 0 : i32
    %dma_wait3A_414 = arith.constant 0 : i32
    %dma_wait3A_415 = tpu.memref_slice %arg12[%dma_wait3A_413, %dma_wait3A_414] : memref<10240x64xf32, #tpu.memory_space<vmem_shared>> -> memref<10240x64xf32, #tpu.memory_space<vmem_shared>>
    tpu.wait_indirect_dma semaphore(%arg28 : memref<!tpu.dma_semaphore, #tpu.memory_space<semaphore_mem>>) src(%dma_wait3A_409 : memref<125x64xf32, #tpu.memory_space<vmem>>) dst(%dma_wait3A_415 : memref<10240x64xf32, #tpu.memory_space<vmem_shared>>)
    %barrier3A_416 = arith.constant 0 : index
    tpu.barrier barrier_id(%barrier3A_416)
    %mul3A_417 = arith.constant 640 : i32
    %mul3A_418 = arith.muli %arg1, %mul3A_417 : i32
    %mul3A_419 = arith.constant 640 : i32
    %mul3A_420 = arith.muli %arg1, %mul3A_419 : i32
    "tpu.region"() ({
      %run_scoped3A = tpu.sem_alloc : memref<!tpu.dma_semaphore, #tpu.memory_space<semaphore_mem>>
      %dma_start3A_421 = arith.constant 0 : i32
      %dma_start3A_422 = tpu.memref_slice %arg8[%arg0, %mul3A_420, %dma_start3A_421] : memref<2x10240x64xf32, #tpu.memory_space<hbm>> -> memref<1x640x64xf32, #tpu.memory_space<hbm>>
      %dma_start3A_423 = tpu.memref_squeeze %dma_start3A_422 : memref<1x640x64xf32, #tpu.memory_space<hbm>> -> memref<640x64xf32, #tpu.memory_space<hbm>>
      %dma_start3A_424 = arith.constant 0 : i32
      %dma_start3A_425 = tpu.memref_slice %arg12[%mul3A_418, %dma_start3A_424] : memref<10240x64xf32, #tpu.memory_space<vmem_shared>> -> memref<640x64xf32, #tpu.memory_space<vmem_shared>>
      tpu.enqueue_dma source(%dma_start3A_425 : memref<640x64xf32, #tpu.memory_space<vmem_shared>>) target(%dma_start3A_423 : memref<640x64xf32, #tpu.memory_space<hbm>>) target_semaphore(%run_scoped3A : memref<!tpu.dma_semaphore, #tpu.memory_space<semaphore_mem>>)
      %dma_wait3A_426 = arith.constant 0 : i32
      %dma_wait3A_427 = tpu.memref_slice %arg8[%arg0, %mul3A_420, %dma_wait3A_426] : memref<2x10240x64xf32, #tpu.memory_space<hbm>> -> memref<1x640x64xf32, #tpu.memory_space<hbm>>
      %dma_wait3A_428 = tpu.memref_squeeze %dma_wait3A_427 : memref<1x640x64xf32, #tpu.memory_space<hbm>> -> memref<640x64xf32, #tpu.memory_space<hbm>>
      %dma_wait3A_429 = arith.constant 0 : i32
      %dma_wait3A_430 = tpu.memref_slice %arg12[%mul3A_418, %dma_wait3A_429] : memref<10240x64xf32, #tpu.memory_space<vmem_shared>> -> memref<640x64xf32, #tpu.memory_space<vmem_shared>>
      tpu.wait_dma2 semaphore(%run_scoped3A : memref<!tpu.dma_semaphore, #tpu.memory_space<semaphore_mem>>) src(%dma_wait3A_430 : memref<640x64xf32, #tpu.memory_space<vmem_shared>>) dst(%dma_wait3A_428 : memref<640x64xf32, #tpu.memory_space<hbm>>)
      tpu.yield
    }) : () -> ()
    return
  }
}

module attributes {stable_mosaic.version = 14 : i64} {
  func.func @_mm1_body(%arg0: memref<10000x128xf32, #tpu.memory_space<vmem>>, %arg1: memref<128x128xf32, #tpu.memory_space<vmem>>, %arg2: memref<1x128xf32, #tpu.memory_space<vmem>>, %arg3: memref<10000x64xf32, #tpu.memory_space<vmem>>, %arg4: memref<10000x64xf32, #tpu.memory_space<vmem>>) attributes {dimension_semantics = [], scalar_prefetch = 0 : i64, scratch_operands = 0 : i64, tpu.core_type = #tpu.core_type<tc>} {
    %get3A = arith.constant 0 : index
    %get3A_0 = arith.constant 0 : index
    %get3A_1 = vector.load %arg0[%get3A, %get3A_0] : memref<10000x128xf32, #tpu.memory_space<vmem>>, vector<10000x128xf32>
    %get3A_2 = arith.constant 0 : index
    %get3A_3 = arith.constant 0 : index
    %get3A_4 = vector.load %arg1[%get3A_2, %get3A_3] : memref<128x128xf32, #tpu.memory_space<vmem>>, vector<128x128xf32>
    %dot_general3A = arith.constant dense<0.000000e+00> : vector<10000x128xf32>
    %dot_general3A_5 = tpu.matmul %get3A_1, %get3A_4, %dot_general3A {dimension_numbers = #tpu.dot_dimension_numbers<[1], [0], [0], [1], [0, 0, 1, 1], [], []>, transpose_lhs_hint = false} : vector<10000x128xf32>, vector<128x128xf32>, vector<10000x128xf32> -> vector<10000x128xf32>
    %get3A_6 = arith.constant 0 : index
    %get3A_7 = arith.constant 0 : index
    %get3A_8 = vector.load %arg2[%get3A_6, %get3A_7] : memref<1x128xf32, #tpu.memory_space<vmem>>, vector<1x128xf32>
    %add3A = vector.broadcast %get3A_8 : vector<1x128xf32> to vector<10000x128xf32>
    %add3A_9 = arith.addf %dot_general3A_5, %add3A : vector<10000x128xf32>
    %slice3A = vector.extract_strided_slice %add3A_9 {offsets = [0, 0], sizes = [10000, 64], strides = [1, 1]} : vector<10000x128xf32> to vector<10000x64xf32>
    %swap3A = arith.constant 0 : index
    %swap3A_10 = arith.constant 0 : index
    %swap3A_11 = vector.load %arg3[%swap3A, %swap3A_10] : memref<10000x64xf32, #tpu.memory_space<vmem>>, vector<10000x64xf32>
    tpu.vector_store %arg3[%swap3A, %swap3A_10], %slice3A {strides = array<i32>} : memref<10000x64xf32, #tpu.memory_space<vmem>>, vector<10000x64xf32>,
    %slice3A_12 = vector.extract_strided_slice %add3A_9 {offsets = [0, 64], sizes = [10000, 64], strides = [1, 1]} : vector<10000x128xf32> to vector<10000x64xf32>
    %swap3A_13 = arith.constant 0 : index
    %swap3A_14 = arith.constant 0 : index
    %swap3A_15 = vector.load %arg4[%swap3A_13, %swap3A_14] : memref<10000x64xf32, #tpu.memory_space<vmem>>, vector<10000x64xf32>
    tpu.vector_store %arg4[%swap3A_13, %swap3A_14], %slice3A_12 {strides = array<i32>} : memref<10000x64xf32, #tpu.memory_space<vmem>>, vector<10000x64xf32>,
    return
  }
}

module attributes {stable_mosaic.version = 14 : i64} {
  func.func @_mm2_body(%arg0: memref<2x10240x64xf32, #tpu.memory_space<vmem>>, %arg1: memref<2x10240x64xf32, #tpu.memory_space<vmem>>, %arg2: memref<256x128xf32, #tpu.memory_space<vmem>>, %arg3: memref<1x128xf32, #tpu.memory_space<vmem>>, %arg4: memref<10240x64xf32, #tpu.memory_space<vmem>>, %arg5: memref<10240x64xf32, #tpu.memory_space<vmem>>) attributes {dimension_semantics = [], scalar_prefetch = 0 : i64, scratch_operands = 0 : i64, tpu.core_type = #tpu.core_type<tc>} {
    %get3A = arith.constant 0 : index
    %get3A_0 = arith.constant 0 : index
    %get3A_1 = arith.constant 0 : index
    %get3A_2 = vector.load %arg0[%get3A, %get3A_0, %get3A_1] : memref<2x10240x64xf32, #tpu.memory_space<vmem>>, vector<1x10240x64xf32>
    %get3A_3 = vector.shape_cast %get3A_2 : vector<1x10240x64xf32> to vector<10240x64xf32>
    %get3A_4 = arith.constant 1 : index
    %get3A_5 = arith.constant 0 : index
    %get3A_6 = arith.constant 0 : index
    %get3A_7 = vector.load %arg0[%get3A_4, %get3A_5, %get3A_6] : memref<2x10240x64xf32, #tpu.memory_space<vmem>>, vector<1x10240x64xf32>
    %get3A_8 = vector.shape_cast %get3A_7 : vector<1x10240x64xf32> to vector<10240x64xf32>
    %add3A = arith.addf %get3A_3, %get3A_8 : vector<10240x64xf32>
    %get3A_9 = arith.constant 0 : index
    %get3A_10 = arith.constant 0 : index
    %get3A_11 = arith.constant 0 : index
    %get3A_12 = vector.load %arg1[%get3A_9, %get3A_10, %get3A_11] : memref<2x10240x64xf32, #tpu.memory_space<vmem>>, vector<1x10240x64xf32>
    %get3A_13 = vector.shape_cast %get3A_12 : vector<1x10240x64xf32> to vector<10240x64xf32>
    %get3A_14 = arith.constant 1 : index
    %get3A_15 = arith.constant 0 : index
    %get3A_16 = arith.constant 0 : index
    %get3A_17 = vector.load %arg1[%get3A_14, %get3A_15, %get3A_16] : memref<2x10240x64xf32, #tpu.memory_space<vmem>>, vector<1x10240x64xf32>
    %get3A_18 = vector.shape_cast %get3A_17 : vector<1x10240x64xf32> to vector<10240x64xf32>
    %add3A_19 = arith.addf %get3A_13, %get3A_18 : vector<10240x64xf32>
    %get3A_20 = arith.constant 0 : index
    %get3A_21 = arith.constant 0 : index
    %get3A_22 = vector.load %arg2[%get3A_20, %get3A_21] : memref<256x128xf32, #tpu.memory_space<vmem>>, vector<128x128xf32>
    %get3A_23 = arith.constant 128 : index
    %get3A_24 = arith.constant 0 : index
    %get3A_25 = vector.load %arg2[%get3A_23, %get3A_24] : memref<256x128xf32, #tpu.memory_space<vmem>>, vector<128x128xf32>
    %add3A_26 = arith.addf %get3A_22, %get3A_25 : vector<128x128xf32>
    %slice3A = vector.extract_strided_slice %add3A_26 {offsets = [0, 0], sizes = [64, 128], strides = [1, 1]} : vector<128x128xf32> to vector<64x128xf32>
    %dot_general3A = arith.constant dense<0.000000e+00> : vector<10240x128xf32>
    %dot_general3A_27 = tpu.matmul %add3A, %slice3A, %dot_general3A {dimension_numbers = #tpu.dot_dimension_numbers<[1], [0], [0], [1], [0, 0, 1, 1], [], []>, transpose_lhs_hint = false} : vector<10240x64xf32>, vector<64x128xf32>, vector<10240x128xf32> -> vector<10240x128xf32>
    %slice3A_28 = vector.extract_strided_slice %add3A_26 {offsets = [64, 0], sizes = [64, 128], strides = [1, 1]} : vector<128x128xf32> to vector<64x128xf32>
    %dot_general3A_29 = arith.constant dense<0.000000e+00> : vector<10240x128xf32>
    %dot_general3A_30 = tpu.matmul %add3A_19, %slice3A_28, %dot_general3A_29 {dimension_numbers = #tpu.dot_dimension_numbers<[1], [0], [0], [1], [0, 0, 1, 1], [], []>, transpose_lhs_hint = false} : vector<10240x64xf32>, vector<64x128xf32>, vector<10240x128xf32> -> vector<10240x128xf32>
    %add3A_31 = arith.addf %dot_general3A_27, %dot_general3A_30 : vector<10240x128xf32>
    %get3A_32 = arith.constant 0 : index
    %get3A_33 = arith.constant 0 : index
    %get3A_34 = vector.load %arg3[%get3A_32, %get3A_33] : memref<1x128xf32, #tpu.memory_space<vmem>>, vector<1x128xf32>
    %add3A_35 = vector.broadcast %get3A_34 : vector<1x128xf32> to vector<10240x128xf32>
    %add3A_36 = arith.addf %add3A_31, %add3A_35 : vector<10240x128xf32>
    %slice3A_37 = vector.extract_strided_slice %add3A_36 {offsets = [0, 0], sizes = [10240, 64], strides = [1, 1]} : vector<10240x128xf32> to vector<10240x64xf32>
    %swap3A = arith.constant 0 : index
    %swap3A_38 = arith.constant 0 : index
    %swap3A_39 = vector.load %arg4[%swap3A, %swap3A_38] : memref<10240x64xf32, #tpu.memory_space<vmem>>, vector<10240x64xf32>
    tpu.vector_store %arg4[%swap3A, %swap3A_38], %slice3A_37 {strides = array<i32>} : memref<10240x64xf32, #tpu.memory_space<vmem>>, vector<10240x64xf32>,
    %slice3A_40 = vector.extract_strided_slice %add3A_36 {offsets = [0, 64], sizes = [10240, 64], strides = [1, 1]} : vector<10240x128xf32> to vector<10240x64xf32>
    %swap3A_41 = arith.constant 0 : index
    %swap3A_42 = arith.constant 0 : index
    %swap3A_43 = vector.load %arg5[%swap3A_41, %swap3A_42] : memref<10240x64xf32, #tpu.memory_space<vmem>>, vector<10240x64xf32>
    tpu.vector_store %arg5[%swap3A_41, %swap3A_42], %slice3A_40 {strides = array<i32>} : memref<10240x64xf32, #tpu.memory_space<vmem>>, vector<10240x64xf32>,
    return
  }
}

module attributes {stable_mosaic.version = 14 : i64} {
  func.func @_assemble_body(%arg0: memref<2x10240x64xf32, #tpu.memory_space<vmem>>, %arg1: memref<2x10240x64xf32, #tpu.memory_space<vmem>>, %arg2: memref<10000x256xf32, #tpu.memory_space<vmem>>) attributes {dimension_semantics = [], scalar_prefetch = 0 : i64, scratch_operands = 0 : i64, tpu.core_type = #tpu.core_type<tc>} {
    %get3A = arith.constant 0 : index
    %get3A_0 = arith.constant 0 : index
    %get3A_1 = arith.constant 0 : index
    %get3A_2 = vector.load %arg0[%get3A, %get3A_0, %get3A_1] : memref<2x10240x64xf32, #tpu.memory_space<vmem>>, vector<1x10000x64xf32>
    %get3A_3 = vector.shape_cast %get3A_2 : vector<1x10000x64xf32> to vector<10000x64xf32>
    %get3A_4 = arith.constant 1 : index
    %get3A_5 = arith.constant 0 : index
    %get3A_6 = arith.constant 0 : index
    %get3A_7 = vector.load %arg0[%get3A_4, %get3A_5, %get3A_6] : memref<2x10240x64xf32, #tpu.memory_space<vmem>>, vector<1x10000x64xf32>
    %get3A_8 = vector.shape_cast %get3A_7 : vector<1x10000x64xf32> to vector<10000x64xf32>
    %add3A = arith.addf %get3A_3, %get3A_8 : vector<10000x64xf32>
    %get3A_9 = arith.constant 0 : index
    %get3A_10 = arith.constant 0 : index
    %get3A_11 = arith.constant 0 : index
    %get3A_12 = vector.load %arg1[%get3A_9, %get3A_10, %get3A_11] : memref<2x10240x64xf32, #tpu.memory_space<vmem>>, vector<1x10000x64xf32>
    %get3A_13 = vector.shape_cast %get3A_12 : vector<1x10000x64xf32> to vector<10000x64xf32>
    %get3A_14 = arith.constant 1 : index
    %get3A_15 = arith.constant 0 : index
    %get3A_16 = arith.constant 0 : index
    %get3A_17 = vector.load %arg1[%get3A_14, %get3A_15, %get3A_16] : memref<2x10240x64xf32, #tpu.memory_space<vmem>>, vector<1x10000x64xf32>
    %get3A_18 = vector.shape_cast %get3A_17 : vector<1x10000x64xf32> to vector<10000x64xf32>
    %add3A_19 = arith.addf %get3A_13, %get3A_18 : vector<10000x64xf32>
    %swap3A = arith.constant 0 : index
    %swap3A_20 = arith.constant 0 : index
    %swap3A_21 = vector.load %arg2[%swap3A, %swap3A_20] : memref<10000x256xf32, #tpu.memory_space<vmem>>, vector<10000x64xf32>
    tpu.vector_store %arg2[%swap3A, %swap3A_20], %add3A {strides = array<i32>} : memref<10000x256xf32, #tpu.memory_space<vmem>>, vector<10000x64xf32>,
    %swap3A_22 = arith.constant 0 : index
    %swap3A_23 = arith.constant 64 : index
    %swap3A_24 = vector.load %arg2[%swap3A_22, %swap3A_23] : memref<10000x256xf32, #tpu.memory_space<vmem>>, vector<10000x64xf32>
    tpu.vector_store %arg2[%swap3A_22, %swap3A_23], %add3A_19 {strides = array<i32>} : memref<10000x256xf32, #tpu.memory_space<vmem>>, vector<10000x64xf32>,
    %swap3A_25 = arith.constant 0 : index
    %swap3A_26 = arith.constant 128 : index
    %swap3A_27 = vector.load %arg2[%swap3A_25, %swap3A_26] : memref<10000x256xf32, #tpu.memory_space<vmem>>, vector<10000x64xf32>
    tpu.vector_store %arg2[%swap3A_25, %swap3A_26], %add3A {strides = array<i32>} : memref<10000x256xf32, #tpu.memory_space<vmem>>, vector<10000x64xf32>,
    %swap3A_28 = arith.constant 0 : index
    %swap3A_29 = arith.constant 192 : index
    %swap3A_30 = vector.load %arg2[%swap3A_28, %swap3A_29] : memref<10000x256xf32, #tpu.memory_space<vmem>>, vector<10000x64xf32>
    tpu.vector_store %arg2[%swap3A_28, %swap3A_29], %add3A_19 {strides = array<i32>} : memref<10000x256xf32, #tpu.memory_space<vmem>>, vector<10000x64xf32>,
    return
  }
}

</mosaic_0001>

<sc_bundles>
// kernel: kernel.10.cloned.1.call-start
scs
__scs_entry_jumppad:
0x0: {  	(pc) =	sbr.rel $0x88, $3  }
0x1: {  	(tag) =	ssettag $0x0;
	lr =	simm.s32 $0x1  }
0x2: {  	[smem:$0x3F9B] =	sst lr;
	_ =	strace $0xD0000000  }
0x3: {  	_ = 	snop  }
0x4: {  	_ = 	snop  }
0x5: {  	_ = 	snop  }
0x6: {  	_ = 	snop  }
0x7: {  	_ = 	snop  }
__scs_overlays_trampoline_lowered:
0x8: {  	[smem:$0x3FAA] =	sst s0  }
0x9: {  	[smem:$0x3FAB] =	sst s1  }
0xa: {  	[smem:$0x3FAC] =	sst s2  }
0xb: {  	[smem:$0x3FAD] =	sst s3  }
0xc: {  	[smem:$0x3FAE] =	sst s4  }
0xd: {  	[smem:$0x3FAF] =	sst s5  }
0xe: {  	[smem:$0x3FB0] =	sst s6  }
0xf: {  	[smem:$0x3FB1] =	sst s7  }
0x10: {  	[smem:$0x3FB2] =	sst s8  }
0x11: {  	[smem:$0x3FB3] =	sst s9;
	s0 =	simm.s32 @!p0 $0x0  }
0x12: {  	s1 =	sld [smem:$0x3F99];
	s0 =	simm.s32 @p0 $0x1  }
0x13: {  	[smem:$0x3FB4] =	sst s0;
	s0 =	simm.s32 @!p1 $0x0  }
0x14: {  	s2 =	sld [smem:$0x3F98];
	s0 =	simm.s32 @p1 $0x1  }
0x15: {  	[smem:$0x3FB5] =	sst s0;
	s0 =	simm.s32 @!p2 $0x0  }
0x16: {  	s3 =	sld [smem:$0x3FDB];
	s0 =	simm.s32 @p2 $0x1  }
0x17: {  	s4 =	simm.s32 $0x1BF5;
	[smem:$0x3FB7] =	sst s0  }
0x18: {  	s0 =	sld [smem:$0x3F9A];
	_ =	swait.ge [sflag:s4], $0x0  }
0x19: {  	s7 =	sld [smem:$0x3F9B]  }
0x1a: {  	s8 =	sadd.s32 $0xFFFFE003, lr  }
0x1b: {  	s9 =	sadd.s32 $0xFFFFFEF7, lr;
	s5 =	simm.s32 $0xFFFFFFFF;
	p2 =	slt.u32 s8, $0xFFFFF086  }
0x1c: {  	p1 =	slt.u32 s9, $0xF7A;
	s5 =	simm.s32 @!p2 $0x0  }
0x1d: {  	s5 =	simm.s32 @p1 $0x1;
	p0 =	seq.s32 s7, s2  }
0x1e: {  	s7 =	smul.u32 @!p0 $0xF7A, s2;
	p2 =	seq.s32 @!p0 s5, $0x0  }
0x1f: {  	s9 =	smul.u32 $0xF7A, s1;
	s8 =	simm.s32 @!p0 $0x1BF5;
	p2 =	por !p2, p0  }
0x20: {  	[sflag:s8] =	ssyncset.s32 @!p0 $0xFFFFF086;
	s6 =	sadd.s32 @!p0 s3, s7;
	s7 =	simm.s32 @!p0 $0x108  }
0x21: {  	s3 =	sadd.s32 s3, s9;
	s6 =	sadd.s32 @!p0 $0x88, s6;
	s7 =	simm.s32 @p2 $0x1082  }
0x22: {  	[simem:s7], [sflag:s8] =	dma.local @!p0 [hbm:s6], $0xF7A  }
0x23: {  	s9 =	sor.u32 $0xD0000000, s2;
	s6 =	simm.s32 $0x108;
	_ =	swait.ge @!p0 [sflag:s8], $0x0  }
0x24: {  	s3 =	sadd.s32 $0x88, s3;
	s6 =	simm.s32 @!p1 $0x1082;
	[sflag:s4] =	ssyncset.s32 $0xFFFFF086  }
0x25: {  	[simem:s6], [sflag:s4] =	dma.local [hbm:s3], $0xF7A  }
0x26: {  	[smem:$0x3F9B] =	sst s1;
	(tag) =	ssettag s2;
	_ =	strace s9  }
0x27: {  	s1 =	sld [smem:$0x3FAB]  }
0x28: {  	s2 =	sld [smem:$0x3FAC]  }
0x29: {  	s4 =	sld [smem:$0x3FAE]  }
0x2a: {  	p0 =	seq.s32 s5, $0x0;
	s5 =	sld [smem:$0x3FAF]  }
0x2b: {  	s6 =	sld [smem:$0x3FB0]  }
0x2c: {  	s7 =	sld [smem:$0x3FB1]  }
0x2d: {  	s3 =	simm.s32 $0x108;
	s8 =	sld [smem:$0x3FB2]  }
0x2e: {  	s3 =	simm.s32 @!p0 $0x1082;
	s9 =	sld [smem:$0x3FB3]  }
0x2f: {  	lr =	sadd.s32 s0, s3;
	s0 =	sld [smem:$0x3FAA]  }
0x30: {  	s3 =	sld [smem:$0x3FAD]  }
0x31: {  	[smem:$0x3FB6] =	sst s10  }
0x32: {  	s10 =	sld [smem:$0x3FB4];
	_ =	sdelay $0x3  }
0x33: {  	p0 =	seq.s32 s10, $0x1;
	s10 =	sld [smem:$0x3FB6];
	_ =	sdelay $0x3  }
0x34: {  	[smem:$0x3FB6] =	sst s10  }
0x35: {  	s10 =	sld [smem:$0x3FB5];
	_ =	sdelay $0x3  }
0x36: {  	p1 =	seq.s32 s10, $0x1;
	s10 =	sld [smem:$0x3FB6];
	_ =	sdelay $0x3  }
0x37: {  	[smem:$0x3FB6] =	sst s10  }
0x38: {  	s10 =	sld [smem:$0x3FB7]  }
0x39: {  	_ = 	snop;
	(pc) =	sbr.ind lr, $3  }
0x3a: {  	_ = 	snop  }
0x3b: {  	_ = 	snop  }
0x3c: {  	p2 =	seq.s32 s10, $0x1;
	s10 =	sld [smem:$0x3FB6]  }
0x3d: {  	_ =	shalt  }
0x3e: {  	_ =	shalt  }
0x3f: {  	_ =	shalt  }
0x40: {  	_ =	shalt  }
0x41: {  	_ =	shalt  }
0x42: {  	_ =	shalt  }
0x43: {  	_ =	shalt  }
0x44: {  	_ =	shalt  }
0x45: {  	_ =	shalt  }
0x46: {  	_ =	shalt  }
0x47: {  	_ =	shalt  }
0x48: {  	_ =	shalt  }
0x49: {  	_ =	shalt  }
0x4a: {  	_ =	shalt  }
0x4b: {  	_ =	shalt  }
0x4c: {  	_ =	shalt  }
0x4d: {  	_ =	shalt  }
0x4e: {  	_ =	shalt  }
0x4f: {  	_ =	shalt  }
0x50: {  	_ =	shalt  }
0x51: {  	_ =	shalt  }
0x52: {  	_ =	shalt  }
0x53: {  	_ =	shalt  }
0x54: {  	_ =	shalt  }
0x55: {  	_ =	shalt  }
0x56: {  	_ =	shalt  }
0x57: {  	_ =	shalt  }
0x58: {  	_ =	shalt  }
0x59: {  	_ =	shalt  }
0x5a: {  	_ =	shalt  }
0x5b: {  	_ =	shalt  }
0x5c: {  	_ =	shalt  }
0x5d: {  	_ =	shalt  }
0x5e: {  	_ =	shalt  }
0x5f: {  	_ =	shalt  }
0x60: {  	_ =	shalt  }
0x61: {  	_ =	shalt  }
0x62: {  	_ =	shalt  }
0x63: {  	_ =	shalt  }
0x64: {  	_ =	shalt  }
0x65: {  	_ =	shalt  }
0x66: {  	_ =	shalt  }
0x67: {  	_ =	shalt  }
0x68: {  	_ =	shalt  }
0x69: {  	_ =	shalt  }
0x6a: {  	_ =	shalt  }
0x6b: {  	_ =	shalt  }
0x6c: {  	_ =	shalt  }
0x6d: {  	_ =	shalt  }
0x6e: {  	_ =	shalt  }
0x6f: {  	_ =	shalt  }
0x70: {  	_ =	shalt  }
0x71: {  	_ =	shalt  }
0x72: {  	_ =	shalt  }
0x73: {  	_ =	shalt  }
0x74: {  	_ =	shalt  }
0x75: {  	_ =	shalt  }
0x76: {  	_ =	shalt  }
0x77: {  	_ =	shalt  }
0x78: {  	_ =	shalt  }
0x79: {  	_ =	shalt  }
0x7a: {  	_ =	shalt  }
0x7b: {  	_ =	shalt  }
0x7c: {  	_ =	shalt  }
0x7d: {  	_ =	shalt  }
0x7e: {  	_ =	shalt  }
0x7f: {  	_ =	shalt  }
0x80: {  	_ =	shalt  }
0x81: {  	_ =	shalt  }
0x82: {  	_ =	shalt  }
0x83: {  	_ =	shalt  }
0x84: {  	_ =	shalt  }
0x85: {  	_ =	shalt  }
0x86: {  	_ =	shalt  }
0x87: {  	_ =	shalt  }
.Lfunc_end0:
.L_simem_size_0:
called_computation.1_lowered:
.L_overlay_start_0:
0x88: {  	s2 =	sld [smem:$0x3FD9]  }
0x89: {  	s3 =	sld [smem:$0x3FFE];
	_ =	sdelay $0x1  }
0x8a: {  	s1 =	srdreg.scid  }
0x8b: {  	s0 =	sand.u32 $0x1, s1  }
0x8c: {  	s17 =	sshll.u32 s0, $0xA;
	s2 =	sadd.s32 s3, s2  }
0x8d: {  	s2 =	sadd.s32 s2, s17  }
0x8e: {  	[smem:$0x3FC2] =	sst s2  }
0x8f: {  	_ = 	snop  }
0x90: {  	s2 =	sld [smem:$0x3FD0];
	(tm) =	ssettm $0x1  }
0x91: {  	s18 =	sld [smem:$0x3FFB];
	_ =	sdelay $0x3  }
0x92: {  	_ =	strace s18  }
0x93: {  	s3 =	sld [smem:$0x3FFC];
	_ =	sdelay $0x3  }
0x94: {  	_ =	strace s3  }
0x95: {  	s3 =	sld [smem:$0x3FFD];
	_ =	sdelay $0x3  }
0x96: {  	_ =	strace s3  }
0x97: {  	_ =	strace $0x8FFFFFFF  }
0x98: {  	s19 =	sld [smem:$0x3FDB];
	_ =	sdelay $0x1  }
0x99: {  	s4 =	simm.s32 $_scs_section_size  }
0x9a: {  	s5 =	simm.s32 $_size__tile_overlayer_lowered;
	s6 =	simm.s32 $_tile_overlayer_lowered  }
0x9b: {  	s22 =	simm.s32 $0x1BFF;
	s21 =	sshll.u32 s6, $0x1;
	s3 =	sadd.s32 s4, s19  }
0x9c: {  	s7 =	simm.s32 $0x0;
	s20 =	sshll.u32 s5, $0x1;
	s5 =	sadd.s32 s21, s3  }
0x9d: {  	[timem:s7], [sflag:s22] =	dma.local [hbm:s5], s20  }
0x9e: {  	_ =	swait.ge [sflag:s22], s20  }
0x9f: {  	s4 =	ssub.s32 $0x0, s20;
	[sflag:s22] =	ssyncset.done $0x0  }
0xa0: {  	[sflag:s22] =	ssyncadd.s32 s4;
	_ =	sdelay $0x1  }
0xa1: {  	s23 =	simm.s32 $0x1B8B  }
0xa2: {  	_ =	swait.ge [sflag:s23], $0x1  }
0xa3: {  	[sflag:s23] =	ssyncset.done $0x0  }
0xa4: {  	s25 =	simm.s32 $0x1B8E;
	s24 =	sld [smem:$0x3FFE];
	[sflag:s23] =	ssyncadd.s32 $0xFFFFFFFF  }
0xa5: {  	s26 =	simm.s32 $execute0_lowered;
	[smem:$0x3FD2] =	sst s25  }
0xa6: {  	s5 =	sshll.u32 s26, $0x1;
	_ =	strace $0x80000049;
	[dreg:$0x1] =	wrdreg $0xFFFFFFFF  }
0xa7: {  	s28 =	simm.s32 $_size_execute0_lowered;
	s3 =	sadd.s32 s3, s5;
	[dreg:$0x0] =	wrdreg $0x0  }
0xa8: {  	s5 =	sshll.u32 s28, $0x1;
	[dreg:$0x2] =	wrdreg s3  }
0xa9: {  	[dreg:$0x3] =	wrdreg s5  }
0xaa: {  	[dreg:$0x4] =	wrdreg $0xC0  }
0xab: {  	_ =	task [dreg:s7], $0x5FFFF  }
0xac: {  	[dreg:$0x1] =	wrdreg $0xFFFFFFFF  }
0xad: {  	[dreg:$0x0] =	wrdreg $0x60  }
0xae: {  	[dreg:$0x2] =	wrdreg s24  }
0xaf: {  	[dreg:$0x3] =	wrdreg s2  }
0xb0: {  	[dreg:$0x4] =	wrdreg $0x14A000  }
0xb1: {  	[dreg:$0x5] =	wrdreg $0x9  }
0xb2: {  	_ =	task.clear_ibuf [dreg:s7], $0x6FFFF;
	_ =	strace $0x90000049  }
0xb3: {  	s29 =	simm.s32 $0x9;
	_ =	strace $0x8000004B  }
0xb4: {  	_ =	swait.ge [sflag:s29], $0x1  }
0xb5: {  	[sflag:s29] =	ssyncadd.s32 $0xFFFFFFFF  }
0xb6: {  	_ =	strace $0x9000004B  }
0xb7: {  	_ =	sfence  }
0xb8: {  	s30 =	sld [smem:$0x0];
	_ =	sdelay $0x2  }
0xb9: {  	s31 =	sshll.u32 s1, $0xD;
	s1 =	sshrl.u32 s1, $0x2  }
0xba: {  	s3 =	sand.u32 $0x4000, s31;
	s1 =	sadd.s32 s1, s30  }
0xbb: {  	s0 =	sor.u32 s3, s0;
	s1 =	sshll.u32 s1, $0x11  }
0xbc: {  	s0 =	sor.u32 s1, s0  }
0xbd: {  	s0 =	sadd.s32 $0x8F2B, s0  }
0xbe: {  	[sflag:s0] =	ssyncadd.remote.s32 $0x1  }
0xbf: {  	_ =	sfence.sel $0xFFFF  }
0xc0: {  	[dreg:$0x0] =	wrdreg $0xFFFFFFFF;
	(pc) =	sbr.abs _section_cstart, $3  }
0xc1: {  	[dreg:$0x1] =	wrdreg $0xFFFFFFFF  }
0xc2: {  	_ =	task.clear_ibuf [dreg:s7], $0x2FFFF;
	_ =	strace $0x9FFFFFFF  }
0xc3: {  	(tm) =	ssettm $0x7FFFFFFF  }
tec
execute0_lowered:
.L_overlay_start_1:
0x0: {  	(tag) =	ssettag $0x1  }
0x1: {  	s0 =	srdreg.scid;
	s1 =	rddreg [dreg:$0x0]  }
0x2: {  	s10 =	stileid.u32;
	s3 =	rddreg [dreg:$0x1]  }
0x3: {  	s22 =	simm.s32 $0x0;
	s16 =	simm.s32 $0x11;
	s17 =	simm.s32 $0x7D  }
0x4: {  	s18 =	simm.s32 $0x5000;
	s20 =	simm.s32 $0x6F40;
	s29 =	simm.s32 $0xEC40  }
0x5: {  	s31 =	simm.s32 $0x10B80;
	s14 =	simm.s32 $0x9;
	s19 =	simm.s32 $0x3  }
0x6: {  	s21 =	simm.s32 $0x6;
	s11 =	simm.s32 $0x7;
	s28 =	simm.s32 $0xB  }
0x7: {  	s30 =	simm.s32 $0xC;
	s12 =	simm.s32 $0xE;
	s13 =	simm.s32 $0x0  }
0x8: {  	s0 =	sand.u32 $0x1, s0;
	s7 =	smul.u32 $0xA000, s10;
	[smem:$0x7FF] =	sst s22  }
0x9: {  	s5 =	sadd.s32 $0x3E800, s1;
	s9 =	sadd.s32 $0x3D400, s1;
	s26 =	sshll.u32 s10, $0x6  }
0xa: {  	s22 =	simm.s32 $0x8E80;
	s2 =	sshll.u32 s0, $0x4;
	s8 =	smul.u32 $0xA0000, s0  }
0xb: {  	s0 =	ssub.s32 $0x2, s0;
	s4 =	sor.u32 s10, s2;
	s2 =	rddreg [dreg:$0x2]  }
0xc: {  	_ =	strace $0x8000004A;
	[dreg:$0x4] =	wrdreg s9;
	s23 =	sshrl.u32 s0, $0x1  }
0xd: {  	[dreg:$0xa] =	wrdreg s26;
	s9 =	simm.s32 $0x4;
	s10 =	simm.s32 $0x5  }
0xe: {  	[dreg:$0xd] =	wrdreg s13;
	s6 =	smul.u32 $0x500, s4;
	s4 =	sadd.s32 $0x16000, s1  }
0xf: {  	s8 =	sadd.s32 s7, s8;
	s0 =	ssub.s32 s0, s23;
	s25 =	sadd.s32 s7, s2  }
0x10: {  	s7 =	simm.s32 $0x1;
	s23 =	simm.s32 $0x8;
	s0 =	smax.u32 s0, $0x1  }
0x11: {  	s8 =	sshrl.u32 s8, $0x3;
	s15 =	sshrl.u32 s25, $0x3;
	[dreg:$0x9] =	wrdreg s0  }
0x12: {  	s25 =	simm.s32 $0xA;
	s3 =	sadd.s32 s3, s8;
	[dreg:$0xc] =	wrdreg s15  }
0x13: {  	s6 =	sadd.s32 s6, s1;
	s0 =	sor.u32 $0x1C09, s26;
	[dreg:$0x7] =	wrdreg s3  }
0x14: {  	s1 =	sadd.s32 s8, s1;
	s24 =	sadd.s32 $0xC000, s6;
	[dreg:$0xb] =	wrdreg s0  }
0x15: {  	s26 =	simm.s32 $0xCD00;
	s6 =	sadd.s32 $0x2000, s6;
	[dreg:$0x5] =	wrdreg s24  }
0x16: {  	s8 =	simm.s32 $0x2;
	s1 =	sadd.s32 $0x52800, s1;
	[dreg:$0x6] =	wrdreg s6  }
0x17: {  	s0 =	simm.s32 $0x12AC0;
	s3 =	simm.s32 $0xF;
	[dreg:$0x8] =	wrdreg s1  }
0x18: {  	s24 =	simm.s32 $0xADC0;
	s1 =	simm.s32 $0xD;
	s6 =	simm.s32 $0x10  }
.LBB2_1:
0x19: {  	s13 =	simm.s32 $0x0;
	s15 =	rddreg [dreg:$0x5]  }
0x1a: {  	[tilespmem:s13], [sflag:$0x11] =	stream.linear.gather [hbm4b:s15+s13], $0x2800, $0x38;
	[tilespmem:$0x1EA00] =	vst v63  }
0x1b: {  	_ =	swait.ge [sflag:s16], $0x2800  }
0x1c: {  	s13 =	simm.s32 $0x2800;
	[sflag:s16] =	ssyncset.done $0x0  }
0x1d: {  	s15 =	rddreg [dreg:$0x6];
	[sflag:s16] =	ssyncadd.s32 $0xFFFFD800;
	s16 =	simm.s32 $0x0  }
0x1e: {  	[tilespmem:s13], [sflag:$0x11] =	stream.linear.gather [hbm4b:s15+s16], $0x2800, $0x38;
	[tilespmem:$0x1EA00] =	vst v63  }
0x1f: {  	s15 =	simm.s32 $0x11  }
0x20: {  	_ =	swait.ge [sflag:s15], $0x2800  }
0x21: {  	s13 =	rddreg [dreg:$0xb]  }
0x22: {  	[sflag:s15] =	ssyncset.done $0x0;
	s16 =	rddreg [dreg:$0xc]  }
0x23: {  	[sflag:s15] =	ssyncadd.s32 $0xFFFFD800;
	s15 =	rddreg [dreg:$0x4]  }
0x24: {  	[spmem:s16], [sflag:s13] =	dma.local [hbm:s15], $0x1400  }
0x25: {  	s16 =	simm.s32 $0x0  }
0x26: {  	[tilespmem:s18], [sflag:$0x1] =	stream.indirect.gather [hbm4b:s4+s17], $0x40, s16, s17, $0xb8;
	[tilespmem:$0x1EA00] =	vst v63  }
0x27: {  	s15 =	simm.s32 $0x80  }
0x28: {  	[tilespmem:s20], [sflag:$0x2] =	stream.indirect.gather [hbm4b:s4+s17], $0x40, s15, s17, $0xb8;
	[tilespmem:$0x1EA00] =	vst v63  }
0x29: {  	s16 =	simm.s32 $0x100  }
0x2a: {  	[tilespmem:s22], [sflag:$0x3] =	stream.indirect.gather [hbm4b:s4+s17], $0x40, s16, s17, $0xb8;
	[tilespmem:$0x1EA00] =	vst v63  }
0x2b: {  	s15 =	simm.s32 $0x180  }
0x2c: {  	[tilespmem:s24], [sflag:$0x4] =	stream.indirect.gather [hbm4b:s4+s17], $0x40, s15, s17, $0xb8;
	[tilespmem:$0x1EA00] =	vst v63  }
0x2d: {  	s16 =	simm.s32 $0x200  }
0x2e: {  	[tilespmem:s26], [sflag:$0x5] =	stream.indirect.gather [hbm4b:s4+s17], $0x40, s16, s17, $0xb8;
	[tilespmem:$0x1EA00] =	vst v63  }
0x2f: {  	s15 =	simm.s32 $0x280  }
0x30: {  	[tilespmem:s29], [sflag:$0x6] =	stream.indirect.gather [hbm4b:s4+s17], $0x40, s15, s17, $0xb8;
	[tilespmem:$0x1EA00] =	vst v63  }
0x31: {  	s16 =	simm.s32 $0x300  }
0x32: {  	[tilespmem:s31], [sflag:$0x7] =	stream.indirect.gather [hbm4b:s4+s17], $0x40, s16, s17, $0xb8;
	[tilespmem:$0x1EA00] =	vst v63  }
0x33: {  	s15 =	simm.s32 $0x380  }
0x34: {  	[tilespmem:s0], [sflag:$0x8] =	stream.indirect.gather [hbm4b:s4+s17], $0x40, s15, s17, $0xb8;
	[tilespmem:$0x1EA00] =	vst v63  }
0x35: {  	_ =	swait.ge [sflag:s14], $0x1400  }
0x36: {  	[sflag:s14] =	ssyncset.done $0x0  }
0x37: {  	[sflag:s14] =	ssyncadd.s32 $0xFFFFEC00  }
0x38: {  	[bflag:$0x0] =	sbarrier.arrive $0xFFFF  }
0x39: {  	_ =	swait.ge [sflag:s7], $0x1F40  }
0x3a: {  	[sflag:s7] =	ssyncset.done $0x0  }
0x3b: {  	s16 =	simm.s32 $0x2800;
	[sflag:s7] =	ssyncadd.s32 $0xFFFFE0C0  }
0x3c: {  	[spmem:s2] =	stream.indirect.scatter.add.f32 [tilespmem:s18], [sflag:$0x9], $0x40, s16, s17, $0xb8;
	[tilespmem:$0x1EA00] =	vst v63  }
0x3d: {  	_ =	swait.ge [sflag:s8], $0x1F40  }
0x3e: {  	[sflag:s8] =	ssyncset.done $0x0  }
0x3f: {  	s15 =	simm.s32 $0x2880;
	[sflag:s8] =	ssyncadd.s32 $0xFFFFE0C0  }
0x40: {  	[spmem:s2] =	stream.indirect.scatter.add.f32 [tilespmem:s20], [sflag:$0xA], $0x40, s15, s17, $0xb8;
	[tilespmem:$0x1EA00] =	vst v63  }
0x41: {  	_ =	swait.ge [sflag:s19], $0x1F40  }
0x42: {  	[sflag:s19] =	ssyncset.done $0x0  }
0x43: {  	s16 =	simm.s32 $0x2900;
	[sflag:s19] =	ssyncadd.s32 $0xFFFFE0C0  }
0x44: {  	[spmem:s2] =	stream.indirect.scatter.add.f32 [tilespmem:s22], [sflag:$0xB], $0x40, s16, s17, $0xb8;
	[tilespmem:$0x1EA00] =	vst v63  }
0x45: {  	_ =	swait.ge [sflag:s9], $0x1F40  }
0x46: {  	[sflag:s9] =	ssyncset.done $0x0  }
0x47: {  	s15 =	simm.s32 $0x2980;
	[sflag:s9] =	ssyncadd.s32 $0xFFFFE0C0  }
0x48: {  	[spmem:s2] =	stream.indirect.scatter.add.f32 [tilespmem:s24], [sflag:$0xC], $0x40, s15, s17, $0xb8;
	[tilespmem:$0x1EA00] =	vst v63  }
0x49: {  	_ =	swait.ge [sflag:s10], $0x1F40  }
0x4a: {  	[sflag:s10] =	ssyncset.done $0x0  }
0x4b: {  	s16 =	simm.s32 $0x2A00;
	[sflag:s10] =	ssyncadd.s32 $0xFFFFE0C0  }
0x4c: {  	[spmem:s2] =	stream.indirect.scatter.add.f32 [tilespmem:s26], [sflag:$0xD], $0x40, s16, s17, $0xb8;
	[tilespmem:$0x1EA00] =	vst v63  }
0x4d: {  	_ =	swait.ge [sflag:s21], $0x1F40  }
0x4e: {  	[sflag:s21] =	ssyncset.done $0x0  }
0x4f: {  	s15 =	simm.s32 $0x2A80;
	[sflag:s21] =	ssyncadd.s32 $0xFFFFE0C0  }
0x50: {  	[spmem:s2] =	stream.indirect.scatter.add.f32 [tilespmem:s29], [sflag:$0xE], $0x40, s15, s17, $0xb8;
	[tilespmem:$0x1EA00] =	vst v63  }
0x51: {  	_ =	swait.ge [sflag:s11], $0x1F40  }
0x52: {  	[sflag:s11] =	ssyncset.done $0x0  }
0x53: {  	s16 =	simm.s32 $0x2B00;
	[sflag:s11] =	ssyncadd.s32 $0xFFFFE0C0  }
0x54: {  	[spmem:s2] =	stream.indirect.scatter.add.f32 [tilespmem:s31], [sflag:$0xF], $0x40, s16, s17, $0xb8;
	[tilespmem:$0x1EA00] =	vst v63  }
0x55: {  	_ =	swait.ge [sflag:s23], $0x1F40  }
0x56: {  	[sflag:s23] =	ssyncset.done $0x0  }
0x57: {  	s15 =	simm.s32 $0x2B80;
	[sflag:s23] =	ssyncadd.s32 $0xFFFFE0C0  }
0x58: {  	[spmem:s2] =	stream.indirect.scatter.add.f32 [tilespmem:s0], [sflag:$0x10], $0x40, s15, s17, $0xb8;
	[tilespmem:$0x1EA00] =	vst v63  }
0x59: {  	_ =	swait.ge [sflag:s14], $0x1F40  }
0x5a: {  	[sflag:s14] =	ssyncset.done $0x0  }
0x5b: {  	s16 =	simm.s32 $0x400;
	[sflag:s14] =	ssyncadd.s32 $0xFFFFE0C0  }
0x5c: {  	[tilespmem:s18], [sflag:$0x1] =	stream.indirect.gather [hbm4b:s4+s17], $0x40, s16, s17, $0xb8;
	[tilespmem:$0x1EA00] =	vst v63  }
0x5d: {  	_ =	swait.ge [sflag:s25], $0x1F40  }
0x5e: {  	[sflag:s25] =	ssyncset.done $0x0  }
0x5f: {  	s15 =	simm.s32 $0x480;
	[sflag:s25] =	ssyncadd.s32 $0xFFFFE0C0  }
0x60: {  	[tilespmem:s20], [sflag:$0x2] =	stream.indirect.gather [hbm4b:s4+s17], $0x40, s15, s17, $0xb8;
	[tilespmem:$0x1EA00] =	vst v63  }
0x61: {  	_ =	swait.ge [sflag:s28], $0x1F40  }
0x62: {  	[sflag:s28] =	ssyncset.done $0x0  }
0x63: {  	s16 =	simm.s32 $0x500;
	[sflag:s28] =	ssyncadd.s32 $0xFFFFE0C0  }
0x64: {  	[tilespmem:s22], [sflag:$0x3] =	stream.indirect.gather [hbm4b:s4+s17], $0x40, s16, s17, $0xb8;
	[tilespmem:$0x1EA00] =	vst v63  }
0x65: {  	_ =	swait.ge [sflag:s30], $0x1F40  }
0x66: {  	[sflag:s30] =	ssyncset.done $0x0  }
0x67: {  	s15 =	simm.s32 $0x580;
	[sflag:s30] =	ssyncadd.s32 $0xFFFFE0C0  }
0x68: {  	[tilespmem:s24], [sflag:$0x4] =	stream.indirect.gather [hbm4b:s4+s17], $0x40, s15, s17, $0xb8;
	[tilespmem:$0x1EA00] =	vst v63  }
0x69: {  	_ =	swait.ge [sflag:s1], $0x1F40  }
0x6a: {  	[sflag:s1] =	ssyncset.done $0x0  }
0x6b: {  	s16 =	simm.s32 $0x600;
	[sflag:s1] =	ssyncadd.s32 $0xFFFFE0C0  }
0x6c: {  	[tilespmem:s26], [sflag:$0x5] =	stream.indirect.gather [hbm4b:s4+s17], $0x40, s16, s17, $0xb8;
	[tilespmem:$0x1EA00] =	vst v63  }
0x6d: {  	_ =	swait.ge [sflag:s12], $0x1F40  }
0x6e: {  	[sflag:s12] =	ssyncset.done $0x0  }
0x6f: {  	s15 =	simm.s32 $0x680;
	[sflag:s12] =	ssyncadd.s32 $0xFFFFE0C0  }
0x70: {  	[tilespmem:s29], [sflag:$0x6] =	stream.indirect.gather [hbm4b:s4+s17], $0x40, s15, s17, $0xb8;
	[tilespmem:$0x1EA00] =	vst v63  }
0x71: {  	_ =	swait.ge [sflag:s3], $0x1F40  }
0x72: {  	[sflag:s3] =	ssyncset.done $0x0  }
0x73: {  	s16 =	simm.s32 $0x700;
	[sflag:s3] =	ssyncadd.s32 $0xFFFFE0C0  }
0x74: {  	[tilespmem:s31], [sflag:$0x7] =	stream.indirect.gather [hbm4b:s4+s17], $0x40, s16, s17, $0xb8;
	[tilespmem:$0x1EA00] =	vst v63  }
0x75: {  	_ =	swait.ge [sflag:s6], $0x1F40  }
0x76: {  	[sflag:s6] =	ssyncset.done $0x0  }
0x77: {  	s13 =	simm.s32 $0x780;
	s16 =	simm.s32 $0x1000;
	[sflag:s6] =	ssyncadd.s32 $0xFFFFE0C0  }
.LBB2_2:
0x78: {  	[tilespmem:s0], [sflag:$0x8] =	stream.indirect.gather [hbm4b:s4+s17], $0x40, s13, s17, $0xb8;
	[tilespmem:$0x1EA00] =	vst v63  }
0x79: {  	s13 =	smov.u32 s16  }
0x7a: {  	p0 =	sne.s32 s16, $0x8000;
	s16 =	sadd.s32 $0x1000, s16;
	_ =	swait.ge [sflag:s7], $0x1F40  }
0x7b: {  	s13 =	sshra.s32 s13, $0x2;
	[sflag:s7] =	ssyncset.done $0x0  }
0x7c: {  	s15 =	sadd.s32 $0x2800, s13;
	[sflag:s7] =	ssyncadd.s32 $0xFFFFE0C0  }
0x7d: {  	[spmem:s2] =	stream.indirect.scatter.add.f32 [tilespmem:s18], [sflag:$0x9], $0x40, s15, s17, $0xb8;
	[tilespmem:$0x1EA00] =	vst v63  }
0x7e: {  	_ =	swait.ge [sflag:s8], $0x1F40  }
0x7f: {  	[sflag:s8] =	ssyncset.done $0x0  }
0x80: {  	s15 =	sadd.s32 $0x2880, s13;
	[sflag:s8] =	ssyncadd.s32 $0xFFFFE0C0  }
0x81: {  	[spmem:s2] =	stream.indirect.scatter.add.f32 [tilespmem:s20], [sflag:$0xA], $0x40, s15, s17, $0xb8;
	[tilespmem:$0x1EA00] =	vst v63  }
0x82: {  	_ =	swait.ge [sflag:s19], $0x1F40  }
0x83: {  	[sflag:s19] =	ssyncset.done $0x0  }
0x84: {  	s15 =	sadd.s32 $0x2900, s13;
	[sflag:s19] =	ssyncadd.s32 $0xFFFFE0C0  }
0x85: {  	[spmem:s2] =	stream.indirect.scatter.add.f32 [tilespmem:s22], [sflag:$0xB], $0x40, s15, s17, $0xb8;
	[tilespmem:$0x1EA00] =	vst v63  }
0x86: {  	_ =	swait.ge [sflag:s9], $0x1F40  }
0x87: {  	[sflag:s9] =	ssyncset.done $0x0  }
0x88: {  	s15 =	sadd.s32 $0x2980, s13;
	[sflag:s9] =	ssyncadd.s32 $0xFFFFE0C0  }
0x89: {  	[spmem:s2] =	stream.indirect.scatter.add.f32 [tilespmem:s24], [sflag:$0xC], $0x40, s15, s17, $0xb8;
	[tilespmem:$0x1EA00] =	vst v63  }
0x8a: {  	_ =	swait.ge [sflag:s10], $0x1F40  }
0x8b: {  	[sflag:s10] =	ssyncset.done $0x0  }
0x8c: {  	s15 =	sadd.s32 $0x2A00, s13;
	[sflag:s10] =	ssyncadd.s32 $0xFFFFE0C0  }
0x8d: {  	[spmem:s2] =	stream.indirect.scatter.add.f32 [tilespmem:s26], [sflag:$0xD], $0x40, s15, s17, $0xb8;
	[tilespmem:$0x1EA00] =	vst v63  }
0x8e: {  	_ =	swait.ge [sflag:s21], $0x1F40  }
0x8f: {  	[sflag:s21] =	ssyncset.done $0x0  }
0x90: {  	s15 =	sadd.s32 $0x2A80, s13;
	[sflag:s21] =	ssyncadd.s32 $0xFFFFE0C0  }
0x91: {  	[spmem:s2] =	stream.indirect.scatter.add.f32 [tilespmem:s29], [sflag:$0xE], $0x40, s15, s17, $0xb8;
	[tilespmem:$0x1EA00] =	vst v63  }
0x92: {  	_ =	swait.ge [sflag:s11], $0x1F40  }
0x93: {  	[sflag:s11] =	ssyncset.done $0x0  }
0x94: {  	s15 =	sadd.s32 $0x2B00, s13;
	[sflag:s11] =	ssyncadd.s32 $0xFFFFE0C0  }
0x95: {  	[spmem:s2] =	stream.indirect.scatter.add.f32 [tilespmem:s31], [sflag:$0xF], $0x40, s15, s17, $0xb8;
	[tilespmem:$0x1EA00] =	vst v63  }
0x96: {  	_ =	swait.ge [sflag:s23], $0x1F40  }
0x97: {  	[sflag:s23] =	ssyncset.done $0x0  }
0x98: {  	s15 =	sadd.s32 $0x2B80, s13;
	[sflag:s23] =	ssyncadd.s32 $0xFFFFE0C0  }
0x99: {  	[spmem:s2] =	stream.indirect.scatter.add.f32 [tilespmem:s0], [sflag:$0x10], $0x40, s15, s17, $0xb8;
	[tilespmem:$0x1EA00] =	vst v63  }
0x9a: {  	_ =	swait.ge [sflag:s14], $0x1F40  }
0x9b: {  	[sflag:s14] =	ssyncset.done $0x0  }
0x9c: {  	s15 =	sadd.s32 $0x400, s13;
	[sflag:s14] =	ssyncadd.s32 $0xFFFFE0C0  }
0x9d: {  	[tilespmem:s18], [sflag:$0x1] =	stream.indirect.gather [hbm4b:s4+s17], $0x40, s15, s17, $0xb8;
	[tilespmem:$0x1EA00] =	vst v63  }
0x9e: {  	_ =	swait.ge [sflag:s25], $0x1F40  }
0x9f: {  	[sflag:s25] =	ssyncset.done $0x0  }
0xa0: {  	s15 =	sadd.s32 $0x480, s13;
	[sflag:s25] =	ssyncadd.s32 $0xFFFFE0C0  }
0xa1: {  	[tilespmem:s20], [sflag:$0x2] =	stream.indirect.gather [hbm4b:s4+s17], $0x40, s15, s17, $0xb8;
	[tilespmem:$0x1EA00] =	vst v63  }
0xa2: {  	_ =	swait.ge [sflag:s28], $0x1F40  }
0xa3: {  	[sflag:s28] =	ssyncset.done $0x0  }
0xa4: {  	s15 =	sadd.s32 $0x500, s13;
	[sflag:s28] =	ssyncadd.s32 $0xFFFFE0C0  }
0xa5: {  	[tilespmem:s22], [sflag:$0x3] =	stream.indirect.gather [hbm4b:s4+s17], $0x40, s15, s17, $0xb8;
	[tilespmem:$0x1EA00] =	vst v63  }
0xa6: {  	_ =	swait.ge [sflag:s30], $0x1F40  }
0xa7: {  	[sflag:s30] =	ssyncset.done $0x0  }
0xa8: {  	s15 =	sadd.s32 $0x580, s13;
	[sflag:s30] =	ssyncadd.s32 $0xFFFFE0C0  }
0xa9: {  	[tilespmem:s24], [sflag:$0x4] =	stream.indirect.gather [hbm4b:s4+s17], $0x40, s15, s17, $0xb8;
	[tilespmem:$0x1EA00] =	vst v63  }
0xaa: {  	_ =	swait.ge [sflag:s1], $0x1F40  }
0xab: {  	[sflag:s1] =	ssyncset.done $0x0  }
0xac: {  	s15 =	sadd.s32 $0x600, s13;
	[sflag:s1] =	ssyncadd.s32 $0xFFFFE0C0  }
0xad: {  	[tilespmem:s26], [sflag:$0x5] =	stream.indirect.gather [hbm4b:s4+s17], $0x40, s15, s17, $0xb8;
	[tilespmem:$0x1EA00] =	vst v63  }
0xae: {  	_ =	swait.ge [sflag:s12], $0x1F40  }
0xaf: {  	[sflag:s12] =	ssyncset.done $0x0  }
0xb0: {  	s15 =	sadd.s32 $0x680, s13;
	[sflag:s12] =	ssyncadd.s32 $0xFFFFE0C0  }
0xb1: {  	[tilespmem:s29], [sflag:$0x6] =	stream.indirect.gather [hbm4b:s4+s17], $0x40, s15, s17, $0xb8;
	[tilespmem:$0x1EA00] =	vst v63  }
0xb2: {  	_ =	swait.ge [sflag:s3], $0x1F40  }
0xb3: {  	[sflag:s3] =	ssyncset.done $0x0  }
.Ltmp0:
0xb4: {  	s15 =	sadd.s32 $0x700, s13;
	[sflag:s3] =	ssyncadd.s32 $0xFFFFE0C0;
	(pc) =	sbr.rel @p0 .LBB2_2-.Ltmp0, $4  }
0xb5: {  	[tilespmem:s31], [sflag:$0x7] =	stream.indirect.gather [hbm4b:s4+s17], $0x40, s15, s17, $0xb8;
	[tilespmem:$0x1EA00] =	vst v63  }
0xb6: {  	_ =	swait.ge [sflag:s6], $0x1F40  }
0xb7: {  	[sflag:s6] =	ssyncset.done $0x0  }
0xb8: {  	s13 =	sadd.s32 $0x780, s13;
	[sflag:s6] =	ssyncadd.s32 $0xFFFFE0C0  }
0xb9: {  	[tilespmem:s0], [sflag:$0x8] =	stream.indirect.gather [hbm4b:s4+s17], $0x40, s13, s17, $0xb8;
	[tilespmem:$0x1EA00] =	vst v63  }
0xba: {  	_ =	swait.ge [sflag:s7], $0x1F40  }
0xbb: {  	[sflag:s7] =	ssyncset.done $0x0  }
0xbc: {  	s16 =	simm.s32 $0x4C00;
	[sflag:s7] =	ssyncadd.s32 $0xFFFFE0C0  }
0xbd: {  	[spmem:s2] =	stream.indirect.scatter.add.f32 [tilespmem:s18], [sflag:$0x9], $0x40, s16, s17, $0xb8;
	[tilespmem:$0x1EA00] =	vst v63  }
0xbe: {  	_ =	swait.ge [sflag:s8], $0x1F40  }
0xbf: {  	[sflag:s8] =	ssyncset.done $0x0  }
0xc0: {  	s15 =	simm.s32 $0x4C80;
	[sflag:s8] =	ssyncadd.s32 $0xFFFFE0C0  }
0xc1: {  	[spmem:s2] =	stream.indirect.scatter.add.f32 [tilespmem:s20], [sflag:$0xA], $0x40, s15, s17, $0xb8;
	[tilespmem:$0x1EA00] =	vst v63  }
0xc2: {  	_ =	swait.ge [sflag:s19], $0x1F40  }
0xc3: {  	[sflag:s19] =	ssyncset.done $0x0  }
0xc4: {  	s16 =	simm.s32 $0x4D00;
	[sflag:s19] =	ssyncadd.s32 $0xFFFFE0C0  }
0xc5: {  	[spmem:s2] =	stream.indirect.scatter.add.f32 [tilespmem:s22], [sflag:$0xB], $0x40, s16, s17, $0xb8;
	[tilespmem:$0x1EA00] =	vst v63  }
0xc6: {  	_ =	swait.ge [sflag:s9], $0x1F40  }
0xc7: {  	[sflag:s9] =	ssyncset.done $0x0  }
0xc8: {  	s15 =	simm.s32 $0x4D80;
	[sflag:s9] =	ssyncadd.s32 $0xFFFFE0C0  }
0xc9: {  	[spmem:s2] =	stream.indirect.scatter.add.f32 [tilespmem:s24], [sflag:$0xC], $0x40, s15, s17, $0xb8;
	[tilespmem:$0x1EA00] =	vst v63  }
0xca: {  	_ =	swait.ge [sflag:s10], $0x1F40  }
0xcb: {  	[sflag:s10] =	ssyncset.done $0x0  }
0xcc: {  	s16 =	simm.s32 $0x4E00;
	[sflag:s10] =	ssyncadd.s32 $0xFFFFE0C0  }
0xcd: {  	[spmem:s2] =	stream.indirect.scatter.add.f32 [tilespmem:s26], [sflag:$0xD], $0x40, s16, s17, $0xb8;
	[tilespmem:$0x1EA00] =	vst v63  }
0xce: {  	_ =	swait.ge [sflag:s21], $0x1F40  }
0xcf: {  	[sflag:s21] =	ssyncset.done $0x0  }
0xd0: {  	s15 =	simm.s32 $0x4E80;
	[sflag:s21] =	ssyncadd.s32 $0xFFFFE0C0  }
0xd1: {  	[spmem:s2] =	stream.indirect.scatter.add.f32 [tilespmem:s29], [sflag:$0xE], $0x40, s15, s17, $0xb8;
	[tilespmem:$0x1EA00] =	vst v63  }
0xd2: {  	_ =	swait.ge [sflag:s11], $0x1F40  }
0xd3: {  	[sflag:s11] =	ssyncset.done $0x0  }
0xd4: {  	s16 =	simm.s32 $0x4F00;
	[sflag:s11] =	ssyncadd.s32 $0xFFFFE0C0  }
0xd5: {  	[spmem:s2] =	stream.indirect.scatter.add.f32 [tilespmem:s31], [sflag:$0xF], $0x40, s16, s17, $0xb8;
	[tilespmem:$0x1EA00] =	vst v63  }
0xd6: {  	_ =	swait.ge [sflag:s23], $0x1F40  }
0xd7: {  	[sflag:s23] =	ssyncset.done $0x0  }
0xd8: {  	s15 =	simm.s32 $0x4F80;
	[sflag:s23] =	ssyncadd.s32 $0xFFFFE0C0  }
0xd9: {  	[spmem:s2] =	stream.indirect.scatter.add.f32 [tilespmem:s0], [sflag:$0x10], $0x40, s15, s17, $0xb8;
	[tilespmem:$0x1EA00] =	vst v63  }
0xda: {  	_ =	swait.ge [sflag:s14], $0x1F40  }
0xdb: {  	[sflag:s14] =	ssyncset.done $0x0  }
0xdc: {  	[sflag:s14] =	ssyncadd.s32 $0xFFFFE0C0  }
0xdd: {  	_ =	swait.ge [sflag:s25], $0x1F40  }
0xde: {  	[sflag:s25] =	ssyncset.done $0x0  }
0xdf: {  	[sflag:s25] =	ssyncadd.s32 $0xFFFFE0C0  }
0xe0: {  	_ =	swait.ge [sflag:s28], $0x1F40  }
0xe1: {  	[sflag:s28] =	ssyncset.done $0x0  }
0xe2: {  	[sflag:s28] =	ssyncadd.s32 $0xFFFFE0C0  }
0xe3: {  	_ =	swait.ge [sflag:s30], $0x1F40  }
0xe4: {  	[sflag:s30] =	ssyncset.done $0x0  }
0xe5: {  	[sflag:s30] =	ssyncadd.s32 $0xFFFFE0C0  }
0xe6: {  	_ =	swait.ge [sflag:s1], $0x1F40  }
0xe7: {  	[sflag:s1] =	ssyncset.done $0x0  }
0xe8: {  	[sflag:s1] =	ssyncadd.s32 $0xFFFFE0C0  }
0xe9: {  	_ =	swait.ge [sflag:s12], $0x1F40  }
0xea: {  	[sflag:s12] =	ssyncset.done $0x0  }
0xeb: {  	[sflag:s12] =	ssyncadd.s32 $0xFFFFE0C0  }
0xec: {  	_ =	swait.ge [sflag:s3], $0x1F40  }
0xed: {  	[sflag:s3] =	ssyncset.done $0x0  }
0xee: {  	[sflag:s3] =	ssyncadd.s32 $0xFFFFE0C0  }
0xef: {  	_ =	swait.ge [sflag:s6], $0x1F40  }
0xf0: {  	[sflag:s6] =	ssyncset.done $0x0  }
0xf1: {  	[sflag:s6] =	ssyncadd.s32 $0xFFFFE0C0  }
0xf2: {  	[bflag:$0x0] =	sbarrier.arrive $0xFFFF  }
0xf3: {  	s16 =	rddreg [dreg:$0xa]  }
0xf4: {  	s13 =	rddreg [dreg:$0x7]  }
0xf5: {  	s15 =	sor.u32 $0x1C11, s16;
	s16 =	rddreg [dreg:$0xc]  }
0xf6: {  	[dreg:$0xe] =	wrdreg s15  }
0xf7: {  	[hbm:s13], [sflag:s15] =	dma.local [spmem:s16], $0x1400  }
0xf8: {  	s15 =	simm.s32 $0x11  }
0xf9: {  	_ =	swait.ge [sflag:s15], $0x1400  }
0xfa: {  	[sflag:s15] =	ssyncset.done $0x0;
	s13 =	rddreg [dreg:$0x4]  }
0xfb: {  	[sflag:s15] =	ssyncadd.s32 $0xFFFFEC00;
	s15 =	rddreg [dreg:$0xb]  }
0xfc: {  	[spmem:s16], [sflag:s15] =	dma.local [hbm:s13], $0x1400  }
0xfd: {  	s16 =	simm.s32 $0x0  }
0xfe: {  	[tilespmem:s18], [sflag:$0x1] =	stream.indirect.gather [hbm4b:s5+s17], $0x40, s16, s17, $0xb8;
	[tilespmem:$0x1EA00] =	vst v63  }
0xff: {  	s15 =	simm.s32 $0x80  }
0x100: {  	[tilespmem:s20], [sflag:$0x2] =	stream.indirect.gather [hbm4b:s5+s17], $0x40, s15, s17, $0xb8;
	[tilespmem:$0x1EA00] =	vst v63  }
0x101: {  	s16 =	simm.s32 $0x100  }
0x102: {  	[tilespmem:s22], [sflag:$0x3] =	stream.indirect.gather [hbm4b:s5+s17], $0x40, s16, s17, $0xb8;
	[tilespmem:$0x1EA00] =	vst v63  }
0x103: {  	s15 =	simm.s32 $0x180  }
0x104: {  	[tilespmem:s24], [sflag:$0x4] =	stream.indirect.gather [hbm4b:s5+s17], $0x40, s15, s17, $0xb8;
	[tilespmem:$0x1EA00] =	vst v63  }
0x105: {  	s16 =	simm.s32 $0x200  }
0x106: {  	[tilespmem:s26], [sflag:$0x5] =	stream.indirect.gather [hbm4b:s5+s17], $0x40, s16, s17, $0xb8;
	[tilespmem:$0x1EA00] =	vst v63  }
0x107: {  	s15 =	simm.s32 $0x280  }
0x108: {  	[tilespmem:s29], [sflag:$0x6] =	stream.indirect.gather [hbm4b:s5+s17], $0x40, s15, s17, $0xb8;
	[tilespmem:$0x1EA00] =	vst v63  }
0x109: {  	s16 =	simm.s32 $0x300  }
0x10a: {  	[tilespmem:s31], [sflag:$0x7] =	stream.indirect.gather [hbm4b:s5+s17], $0x40, s16, s17, $0xb8;
	[tilespmem:$0x1EA00] =	vst v63  }
0x10b: {  	s15 =	simm.s32 $0x380  }
0x10c: {  	[tilespmem:s0], [sflag:$0x8] =	stream.indirect.gather [hbm4b:s5+s17], $0x40, s15, s17, $0xb8;
	[tilespmem:$0x1EA00] =	vst v63  }
0x10d: {  	_ =	swait.ge [sflag:s14], $0x1400  }
0x10e: {  	[sflag:s14] =	ssyncset.done $0x0  }
0x10f: {  	[sflag:s14] =	ssyncadd.s32 $0xFFFFEC00  }
0x110: {  	[bflag:$0x0] =	sbarrier.arrive $0xFFFF  }
0x111: {  	_ =	swait.ge [sflag:s7], $0x1F40  }
0x112: {  	[sflag:s7] =	ssyncset.done $0x0  }
0x113: {  	s16 =	simm.s32 $0x2800;
	[sflag:s7] =	ssyncadd.s32 $0xFFFFE0C0  }
0x114: {  	[spmem:s2] =	stream.indirect.scatter.add.f32 [tilespmem:s18], [sflag:$0x9], $0x40, s16, s17, $0xb8;
	[tilespmem:$0x1EA00] =	vst v63  }
0x115: {  	_ =	swait.ge [sflag:s8], $0x1F40  }
0x116: {  	[sflag:s8] =	ssyncset.done $0x0  }
0x117: {  	s15 =	simm.s32 $0x2880;
	[sflag:s8] =	ssyncadd.s32 $0xFFFFE0C0  }
0x118: {  	[spmem:s2] =	stream.indirect.scatter.add.f32 [tilespmem:s20], [sflag:$0xA], $0x40, s15, s17, $0xb8;
	[tilespmem:$0x1EA00] =	vst v63  }
0x119: {  	_ =	swait.ge [sflag:s19], $0x1F40  }
0x11a: {  	[sflag:s19] =	ssyncset.done $0x0  }
0x11b: {  	s16 =	simm.s32 $0x2900;
	[sflag:s19] =	ssyncadd.s32 $0xFFFFE0C0  }
0x11c: {  	[spmem:s2] =	stream.indirect.scatter.add.f32 [tilespmem:s22], [sflag:$0xB], $0x40, s16, s17, $0xb8;
	[tilespmem:$0x1EA00] =	vst v63  }
0x11d: {  	_ =	swait.ge [sflag:s9], $0x1F40  }
0x11e: {  	[sflag:s9] =	ssyncset.done $0x0  }
0x11f: {  	s15 =	simm.s32 $0x2980;
	[sflag:s9] =	ssyncadd.s32 $0xFFFFE0C0  }
0x120: {  	[spmem:s2] =	stream.indirect.scatter.add.f32 [tilespmem:s24], [sflag:$0xC], $0x40, s15, s17, $0xb8;
	[tilespmem:$0x1EA00] =	vst v63  }
0x121: {  	_ =	swait.ge [sflag:s10], $0x1F40  }
0x122: {  	[sflag:s10] =	ssyncset.done $0x0  }
0x123: {  	s16 =	simm.s32 $0x2A00;
	[sflag:s10] =	ssyncadd.s32 $0xFFFFE0C0  }
0x124: {  	[spmem:s2] =	stream.indirect.scatter.add.f32 [tilespmem:s26], [sflag:$0xD], $0x40, s16, s17, $0xb8;
	[tilespmem:$0x1EA00] =	vst v63  }
0x125: {  	_ =	swait.ge [sflag:s21], $0x1F40  }
0x126: {  	[sflag:s21] =	ssyncset.done $0x0  }
0x127: {  	s15 =	simm.s32 $0x2A80;
	[sflag:s21] =	ssyncadd.s32 $0xFFFFE0C0  }
0x128: {  	[spmem:s2] =	stream.indirect.scatter.add.f32 [tilespmem:s29], [sflag:$0xE], $0x40, s15, s17, $0xb8;
	[tilespmem:$0x1EA00] =	vst v63  }
0x129: {  	_ =	swait.ge [sflag:s11], $0x1F40  }
0x12a: {  	[sflag:s11] =	ssyncset.done $0x0  }
0x12b: {  	s16 =	simm.s32 $0x2B00;
	[sflag:s11] =	ssyncadd.s32 $0xFFFFE0C0  }
0x12c: {  	[spmem:s2] =	stream.indirect.scatter.add.f32 [tilespmem:s31], [sflag:$0xF], $0x40, s16, s17, $0xb8;
	[tilespmem:$0x1EA00] =	vst v63  }
0x12d: {  	_ =	swait.ge [sflag:s23], $0x1F40  }
0x12e: {  	[sflag:s23] =	ssyncset.done $0x0  }
0x12f: {  	s15 =	simm.s32 $0x2B80;
	[sflag:s23] =	ssyncadd.s32 $0xFFFFE0C0  }
0x130: {  	[spmem:s2] =	stream.indirect.scatter.add.f32 [tilespmem:s0], [sflag:$0x10], $0x40, s15, s17, $0xb8;
	[tilespmem:$0x1EA00] =	vst v63  }
0x131: {  	_ =	swait.ge [sflag:s14], $0x1F40  }
0x132: {  	[sflag:s14] =	ssyncset.done $0x0  }
0x133: {  	s16 =	simm.s32 $0x400;
	[sflag:s14] =	ssyncadd.s32 $0xFFFFE0C0  }
0x134: {  	[tilespmem:s18], [sflag:$0x1] =	stream.indirect.gather [hbm4b:s5+s17], $0x40, s16, s17, $0xb8;
	[tilespmem:$0x1EA00] =	vst v63  }
0x135: {  	_ =	swait.ge [sflag:s25], $0x1F40  }
0x136: {  	[sflag:s25] =	ssyncset.done $0x0  }
0x137: {  	s15 =	simm.s32 $0x480;
	[sflag:s25] =	ssyncadd.s32 $0xFFFFE0C0  }
0x138: {  	[tilespmem:s20], [sflag:$0x2] =	stream.indirect.gather [hbm4b:s5+s17], $0x40, s15, s17, $0xb8;
	[tilespmem:$0x1EA00] =	vst v63  }
0x139: {  	_ =	swait.ge [sflag:s28], $0x1F40  }
0x13a: {  	[sflag:s28] =	ssyncset.done $0x0  }
0x13b: {  	s16 =	simm.s32 $0x500;
	[sflag:s28] =	ssyncadd.s32 $0xFFFFE0C0  }
0x13c: {  	[tilespmem:s22], [sflag:$0x3] =	stream.indirect.gather [hbm4b:s5+s17], $0x40, s16, s17, $0xb8;
	[tilespmem:$0x1EA00] =	vst v63  }
0x13d: {  	_ =	swait.ge [sflag:s30], $0x1F40  }
0x13e: {  	[sflag:s30] =	ssyncset.done $0x0  }
0x13f: {  	s15 =	simm.s32 $0x580;
	[sflag:s30] =	ssyncadd.s32 $0xFFFFE0C0  }
0x140: {  	[tilespmem:s24], [sflag:$0x4] =	stream.indirect.gather [hbm4b:s5+s17], $0x40, s15, s17, $0xb8;
	[tilespmem:$0x1EA00] =	vst v63  }
0x141: {  	_ =	swait.ge [sflag:s1], $0x1F40  }
0x142: {  	[sflag:s1] =	ssyncset.done $0x0  }
0x143: {  	s16 =	simm.s32 $0x600;
	[sflag:s1] =	ssyncadd.s32 $0xFFFFE0C0  }
0x144: {  	[tilespmem:s26], [sflag:$0x5] =	stream.indirect.gather [hbm4b:s5+s17], $0x40, s16, s17, $0xb8;
	[tilespmem:$0x1EA00] =	vst v63  }
0x145: {  	_ =	swait.ge [sflag:s12], $0x1F40  }
0x146: {  	[sflag:s12] =	ssyncset.done $0x0  }
0x147: {  	s15 =	simm.s32 $0x680;
	[sflag:s12] =	ssyncadd.s32 $0xFFFFE0C0  }
0x148: {  	[tilespmem:s29], [sflag:$0x6] =	stream.indirect.gather [hbm4b:s5+s17], $0x40, s15, s17, $0xb8;
	[tilespmem:$0x1EA00] =	vst v63  }
0x149: {  	_ =	swait.ge [sflag:s3], $0x1F40  }
0x14a: {  	[sflag:s3] =	ssyncset.done $0x0  }
0x14b: {  	s16 =	simm.s32 $0x700;
	[sflag:s3] =	ssyncadd.s32 $0xFFFFE0C0  }
0x14c: {  	[tilespmem:s31], [sflag:$0x7] =	stream.indirect.gather [hbm4b:s5+s17], $0x40, s16, s17, $0xb8;
	[tilespmem:$0x1EA00] =	vst v63  }
0x14d: {  	_ =	swait.ge [sflag:s6], $0x1F40  }
0x14e: {  	[sflag:s6] =	ssyncset.done $0x0  }
0x14f: {  	s13 =	simm.s32 $0x1000;
	s16 =	simm.s32 $0x780;
	[sflag:s6] =	ssyncadd.s32 $0xFFFFE0C0  }
.LBB2_4:
0x150: {  	[tilespmem:s0], [sflag:$0x8] =	stream.indirect.gather [hbm4b:s5+s17], $0x40, s16, s17, $0xb8;
	[tilespmem:$0x1EA00] =	vst v63  }
0x151: {  	s15 =	smov.u32 s13  }
0x152: {  	p0 =	sne.s32 s13, $0x8000;
	s13 =	sadd.s32 $0x1000, s13;
	_ =	swait.ge [sflag:s7], $0x1F40  }
0x153: {  	s16 =	sshra.s32 s15, $0x2;
	[sflag:s7] =	ssyncset.done $0x0  }
0x154: {  	s15 =	sadd.s32 $0x2800, s16;
	[sflag:s7] =	ssyncadd.s32 $0xFFFFE0C0  }
0x155: {  	[spmem:s2] =	stream.indirect.scatter.add.f32 [tilespmem:s18], [sflag:$0x9], $0x40, s15, s17, $0xb8;
	[tilespmem:$0x1EA00] =	vst v63  }
0x156: {  	_ =	swait.ge [sflag:s8], $0x1F40  }
0x157: {  	[sflag:s8] =	ssyncset.done $0x0  }
0x158: {  	s15 =	sadd.s32 $0x2880, s16;
	[sflag:s8] =	ssyncadd.s32 $0xFFFFE0C0  }
0x159: {  	[spmem:s2] =	stream.indirect.scatter.add.f32 [tilespmem:s20], [sflag:$0xA], $0x40, s15, s17, $0xb8;
	[tilespmem:$0x1EA00] =	vst v63  }
0x15a: {  	_ =	swait.ge [sflag:s19], $0x1F40  }
0x15b: {  	[sflag:s19] =	ssyncset.done $0x0  }
0x15c: {  	s15 =	sadd.s32 $0x2900, s16;
	[sflag:s19] =	ssyncadd.s32 $0xFFFFE0C0  }
0x15d: {  	[spmem:s2] =	stream.indirect.scatter.add.f32 [tilespmem:s22], [sflag:$0xB], $0x40, s15, s17, $0xb8;
	[tilespmem:$0x1EA00] =	vst v63  }
0x15e: {  	_ =	swait.ge [sflag:s9], $0x1F40  }
0x15f: {  	[sflag:s9] =	ssyncset.done $0x0  }
0x160: {  	s15 =	sadd.s32 $0x2980, s16;
	[sflag:s9] =	ssyncadd.s32 $0xFFFFE0C0  }
0x161: {  	[spmem:s2] =	stream.indirect.scatter.add.f32 [tilespmem:s24], [sflag:$0xC], $0x40, s15, s17, $0xb8;
	[tilespmem:$0x1EA00] =	vst v63  }
0x162: {  	_ =	swait.ge [sflag:s10], $0x1F40  }
0x163: {  	[sflag:s10] =	ssyncset.done $0x0  }
0x164: {  	s15 =	sadd.s32 $0x2A00, s16;
	[sflag:s10] =	ssyncadd.s32 $0xFFFFE0C0  }
0x165: {  	[spmem:s2] =	stream.indirect.scatter.add.f32 [tilespmem:s26], [sflag:$0xD], $0x40, s15, s17, $0xb8;
	[tilespmem:$0x1EA00] =	vst v63  }
0x166: {  	_ =	swait.ge [sflag:s21], $0x1F40  }
0x167: {  	[sflag:s21] =	ssyncset.done $0x0  }
0x168: {  	s15 =	sadd.s32 $0x2A80, s16;
	[sflag:s21] =	ssyncadd.s32 $0xFFFFE0C0  }
0x169: {  	[spmem:s2] =	stream.indirect.scatter.add.f32 [tilespmem:s29], [sflag:$0xE], $0x40, s15, s17, $0xb8;
	[tilespmem:$0x1EA00] =	vst v63  }
0x16a: {  	_ =	swait.ge [sflag:s11], $0x1F40  }
0x16b: {  	[sflag:s11] =	ssyncset.done $0x0  }
0x16c: {  	s15 =	sadd.s32 $0x2B00, s16;
	[sflag:s11] =	ssyncadd.s32 $0xFFFFE0C0  }
0x16d: {  	[spmem:s2] =	stream.indirect.scatter.add.f32 [tilespmem:s31], [sflag:$0xF], $0x40, s15, s17, $0xb8;
	[tilespmem:$0x1EA00] =	vst v63  }
0x16e: {  	_ =	swait.ge [sflag:s23], $0x1F40  }
0x16f: {  	[sflag:s23] =	ssyncset.done $0x0  }
0x170: {  	s15 =	sadd.s32 $0x2B80, s16;
	[sflag:s23] =	ssyncadd.s32 $0xFFFFE0C0  }
0x171: {  	[spmem:s2] =	stream.indirect.scatter.add.f32 [tilespmem:s0], [sflag:$0x10], $0x40, s15, s17, $0xb8;
	[tilespmem:$0x1EA00] =	vst v63  }
0x172: {  	_ =	swait.ge [sflag:s14], $0x1F40  }
0x173: {  	[sflag:s14] =	ssyncset.done $0x0  }
0x174: {  	s15 =	sadd.s32 $0x400, s16;
	[sflag:s14] =	ssyncadd.s32 $0xFFFFE0C0  }
0x175: {  	[tilespmem:s18], [sflag:$0x1] =	stream.indirect.gather [hbm4b:s5+s17], $0x40, s15, s17, $0xb8;
	[tilespmem:$0x1EA00] =	vst v63  }
0x176: {  	_ =	swait.ge [sflag:s25], $0x1F40  }
0x177: {  	[sflag:s25] =	ssyncset.done $0x0  }
0x178: {  	s15 =	sadd.s32 $0x480, s16;
	[sflag:s25] =	ssyncadd.s32 $0xFFFFE0C0  }
0x179: {  	[tilespmem:s20], [sflag:$0x2] =	stream.indirect.gather [hbm4b:s5+s17], $0x40, s15, s17, $0xb8;
	[tilespmem:$0x1EA00] =	vst v63  }
0x17a: {  	_ =	swait.ge [sflag:s28], $0x1F40  }
0x17b: {  	[sflag:s28] =	ssyncset.done $0x0  }
0x17c: {  	s15 =	sadd.s32 $0x500, s16;
	[sflag:s28] =	ssyncadd.s32 $0xFFFFE0C0  }
0x17d: {  	[tilespmem:s22], [sflag:$0x3] =	stream.indirect.gather [hbm4b:s5+s17], $0x40, s15, s17, $0xb8;
	[tilespmem:$0x1EA00] =	vst v63  }
0x17e: {  	_ =	swait.ge [sflag:s30], $0x1F40  }
0x17f: {  	[sflag:s30] =	ssyncset.done $0x0  }
0x180: {  	s15 =	sadd.s32 $0x580, s16;
	[sflag:s30] =	ssyncadd.s32 $0xFFFFE0C0  }
0x181: {  	[tilespmem:s24], [sflag:$0x4] =	stream.indirect.gather [hbm4b:s5+s17], $0x40, s15, s17, $0xb8;
	[tilespmem:$0x1EA00] =	vst v63  }
0x182: {  	_ =	swait.ge [sflag:s1], $0x1F40  }
0x183: {  	[sflag:s1] =	ssyncset.done $0x0  }
0x184: {  	s15 =	sadd.s32 $0x600, s16;
	[sflag:s1] =	ssyncadd.s32 $0xFFFFE0C0  }
0x185: {  	[tilespmem:s26], [sflag:$0x5] =	stream.indirect.gather [hbm4b:s5+s17], $0x40, s15, s17, $0xb8;
	[tilespmem:$0x1EA00] =	vst v63  }
0x186: {  	_ =	swait.ge [sflag:s12], $0x1F40  }
0x187: {  	[sflag:s12] =	ssyncset.done $0x0  }
0x188: {  	s15 =	sadd.s32 $0x680, s16;
	[sflag:s12] =	ssyncadd.s32 $0xFFFFE0C0  }
0x189: {  	[tilespmem:s29], [sflag:$0x6] =	stream.indirect.gather [hbm4b:s5+s17], $0x40, s15, s17, $0xb8;
	[tilespmem:$0x1EA00] =	vst v63  }
0x18a: {  	_ =	swait.ge [sflag:s3], $0x1F40  }
0x18b: {  	[sflag:s3] =	ssyncset.done $0x0  }
.Ltmp1:
0x18c: {  	s15 =	sadd.s32 $0x700, s16;
	[sflag:s3] =	ssyncadd.s32 $0xFFFFE0C0;
	(pc) =	sbr.rel @p0 .LBB2_4-.Ltmp1, $4  }
0x18d: {  	[tilespmem:s31], [sflag:$0x7] =	stream.indirect.gather [hbm4b:s5+s17], $0x40, s15, s17, $0xb8;
	[tilespmem:$0x1EA00] =	vst v63  }
0x18e: {  	_ =	swait.ge [sflag:s6], $0x1F40  }
0x18f: {  	[sflag:s6] =	ssyncset.done $0x0  }
0x190: {  	s16 =	sadd.s32 $0x780, s16;
	[sflag:s6] =	ssyncadd.s32 $0xFFFFE0C0  }
0x191: {  	[tilespmem:s0], [sflag:$0x8] =	stream.indirect.gather [hbm4b:s5+s17], $0x40, s16, s17, $0xb8;
	[tilespmem:$0x1EA00] =	vst v63  }
0x192: {  	_ =	swait.ge [sflag:s7], $0x1F40  }
0x193: {  	[sflag:s7] =	ssyncset.done $0x0  }
0x194: {  	s13 =	simm.s32 $0x4C00;
	[sflag:s7] =	ssyncadd.s32 $0xFFFFE0C0  }
0x195: {  	[spmem:s2] =	stream.indirect.scatter.add.f32 [tilespmem:s18], [sflag:$0x9], $0x40, s13, s17, $0xb8;
	[tilespmem:$0x1EA00] =	vst v63  }
0x196: {  	_ =	swait.ge [sflag:s8], $0x1F40  }
0x197: {  	[sflag:s8] =	ssyncset.done $0x0  }
0x198: {  	s16 =	simm.s32 $0x4C80;
	[sflag:s8] =	ssyncadd.s32 $0xFFFFE0C0  }
0x199: {  	[spmem:s2] =	stream.indirect.scatter.add.f32 [tilespmem:s20], [sflag:$0xA], $0x40, s16, s17, $0xb8;
	[tilespmem:$0x1EA00] =	vst v63  }
0x19a: {  	_ =	swait.ge [sflag:s19], $0x1F40  }
0x19b: {  	[sflag:s19] =	ssyncset.done $0x0  }
0x19c: {  	s15 =	simm.s32 $0x4D00;
	[sflag:s19] =	ssyncadd.s32 $0xFFFFE0C0  }
0x19d: {  	[spmem:s2] =	stream.indirect.scatter.add.f32 [tilespmem:s22], [sflag:$0xB], $0x40, s15, s17, $0xb8;
	[tilespmem:$0x1EA00] =	vst v63  }
0x19e: {  	_ =	swait.ge [sflag:s9], $0x1F40  }
0x19f: {  	[sflag:s9] =	ssyncset.done $0x0  }
0x1a0: {  	s16 =	simm.s32 $0x4D80;
	[sflag:s9] =	ssyncadd.s32 $0xFFFFE0C0  }
0x1a1: {  	[spmem:s2] =	stream.indirect.scatter.add.f32 [tilespmem:s24], [sflag:$0xC], $0x40, s16, s17, $0xb8;
	[tilespmem:$0x1EA00] =	vst v63  }
0x1a2: {  	_ =	swait.ge [sflag:s10], $0x1F40  }
0x1a3: {  	[sflag:s10] =	ssyncset.done $0x0  }
0x1a4: {  	s15 =	simm.s32 $0x4E00;
	[sflag:s10] =	ssyncadd.s32 $0xFFFFE0C0  }
0x1a5: {  	[spmem:s2] =	stream.indirect.scatter.add.f32 [tilespmem:s26], [sflag:$0xD], $0x40, s15, s17, $0xb8;
	[tilespmem:$0x1EA00] =	vst v63  }
0x1a6: {  	_ =	swait.ge [sflag:s21], $0x1F40  }
0x1a7: {  	[sflag:s21] =	ssyncset.done $0x0  }
0x1a8: {  	s16 =	simm.s32 $0x4E80;
	[sflag:s21] =	ssyncadd.s32 $0xFFFFE0C0  }
0x1a9: {  	[spmem:s2] =	stream.indirect.scatter.add.f32 [tilespmem:s29], [sflag:$0xE], $0x40, s16, s17, $0xb8;
	[tilespmem:$0x1EA00] =	vst v63  }
0x1aa: {  	_ =	swait.ge [sflag:s11], $0x1F40  }
0x1ab: {  	[sflag:s11] =	ssyncset.done $0x0  }
0x1ac: {  	s15 =	simm.s32 $0x4F00;
	[sflag:s11] =	ssyncadd.s32 $0xFFFFE0C0  }
0x1ad: {  	[spmem:s2] =	stream.indirect.scatter.add.f32 [tilespmem:s31], [sflag:$0xF], $0x40, s15, s17, $0xb8;
	[tilespmem:$0x1EA00] =	vst v63  }
0x1ae: {  	_ =	swait.ge [sflag:s23], $0x1F40  }
0x1af: {  	[sflag:s23] =	ssyncset.done $0x0  }
0x1b0: {  	s16 =	simm.s32 $0x4F80;
	[sflag:s23] =	ssyncadd.s32 $0xFFFFE0C0  }
0x1b1: {  	[spmem:s2] =	stream.indirect.scatter.add.f32 [tilespmem:s0], [sflag:$0x10], $0x40, s16, s17, $0xb8;
	[tilespmem:$0x1EA00] =	vst v63  }
0x1b2: {  	_ =	swait.ge [sflag:s14], $0x1F40  }
0x1b3: {  	[sflag:s14] =	ssyncset.done $0x0  }
0x1b4: {  	[sflag:s14] =	ssyncadd.s32 $0xFFFFE0C0  }
0x1b5: {  	_ =	swait.ge [sflag:s25], $0x1F40  }
0x1b6: {  	[sflag:s25] =	ssyncset.done $0x0  }
0x1b7: {  	[sflag:s25] =	ssyncadd.s32 $0xFFFFE0C0  }
0x1b8: {  	_ =	swait.ge [sflag:s28], $0x1F40  }
0x1b9: {  	[sflag:s28] =	ssyncset.done $0x0  }
0x1ba: {  	[sflag:s28] =	ssyncadd.s32 $0xFFFFE0C0  }
0x1bb: {  	_ =	swait.ge [sflag:s30], $0x1F40  }
0x1bc: {  	[sflag:s30] =	ssyncset.done $0x0  }
0x1bd: {  	[sflag:s30] =	ssyncadd.s32 $0xFFFFE0C0  }
0x1be: {  	_ =	swait.ge [sflag:s1], $0x1F40  }
0x1bf: {  	[sflag:s1] =	ssyncset.done $0x0  }
0x1c0: {  	[sflag:s1] =	ssyncadd.s32 $0xFFFFE0C0  }
0x1c1: {  	_ =	swait.ge [sflag:s12], $0x1F40  }
0x1c2: {  	[sflag:s12] =	ssyncset.done $0x0  }
0x1c3: {  	[sflag:s12] =	ssyncadd.s32 $0xFFFFE0C0  }
0x1c4: {  	_ =	swait.ge [sflag:s3], $0x1F40  }
0x1c5: {  	[sflag:s3] =	ssyncset.done $0x0  }
0x1c6: {  	[sflag:s3] =	ssyncadd.s32 $0xFFFFE0C0  }
0x1c7: {  	_ =	swait.ge [sflag:s6], $0x1F40  }
0x1c8: {  	[sflag:s6] =	ssyncset.done $0x0  }
0x1c9: {  	[sflag:s6] =	ssyncadd.s32 $0xFFFFE0C0  }
0x1ca: {  	[bflag:$0x0] =	sbarrier.arrive $0xFFFF  }
0x1cb: {  	s13 =	rddreg [dreg:$0x8]  }
0x1cc: {  	s16 =	rddreg [dreg:$0xc]  }
0x1cd: {  	s15 =	rddreg [dreg:$0xe]  }
0x1ce: {  	[hbm:s13], [sflag:s15] =	dma.local [spmem:s16], $0x1400  }
0x1cf: {  	s16 =	simm.s32 $0x11  }
0x1d0: {  	_ =	swait.ge [sflag:s16], $0x1400  }
0x1d1: {  	s13 =	rddreg [dreg:$0xd]  }
0x1d2: {  	s15 =	sadd.s32 $0x1, s13;
	s13 =	rddreg [dreg:$0x9]  }
0x1d3: {  	p0 =	sne.s32 s15, s13  }
.Ltmp2:
0x1d4: {  	_ = 	snop;
	(pc) =	sbr.rel @p0 .LBB2_1-.Ltmp2, $3  }
0x1d5: {  	_ =	sdelay $0x1  }
0x1d6: {  	[sflag:s16] =	ssyncset.done $0x0  }
0x1d7: {  	[sflag:s16] =	ssyncadd.s32 $0xFFFFEC00;
	[dreg:$0xd] =	wrdreg s15  }
0x1d8: {  	_ =	sfence.sel $0x180000  }
0x1d9: {  	[bflag:$0x0] =	sbarrier.arrive $0xFFFF  }
0x1da: {  	_ =	strace $0x9000004A  }
0x1db: {  	s0 =	stileid.u32;
	[bflag:$0x2] =	sbarrier.arrive $0xFFFF  }
0x1dc: {  	p0 =	sne.s32 s0, $0x0;
	s0 =	rddreg [dreg:$0x3]  }
0x1dd: {  	s0 =	sadd.s32 @!p0 $0x100000, s0  }
0x1de: {  	[sflag:s0] =	ssyncadd.tile.s32 @!p0 $0x1;
	_ =	shalt  }
.Lfunc_end2:
_tile_overlayer_lowered:
.L_overlay_start_2:
0x1df: {  	(tag) =	ssettag $0x2  }
0x1e0: {  	s0 =	rddreg [dreg:$0x0];
	s2 =	stileid.u32  }
0x1e1: {  	s1 =	rddreg [dreg:$0x1];
	p0 =	sne.s32 s2, $0x0  }
0x1e2: {  	s3 =	rddreg [dreg:$0x2];
	[bflag:$0x3] =	sbarrier.arrive $0xFFFF;
	s2 =	simm.s32 @!p0 $0x1C11  }
0x1e3: {  	[timem:s3], [sflag:s2] =	dma.local @!p0 [hbm:s0], s1  }
0x1e4: {  	s0 =	simm.s32 @!p0 $0x11  }
0x1e5: {  	_ =	swait.ge @!p0 [sflag:s0], s1  }
0x1e6: {  	s1 =	ssub.s32 @!p0 $0x0, s1;
	[sflag:s0] =	ssyncset.done @!p0 $0x0  }
0x1e7: {  	[sflag:s0] =	ssyncadd.s32 @!p0 s1  }
0x1e8: {  	[bflag:$0x3] =	sbarrier.arrive $0xFFFF  }
0x1e9: {  	_ =	shalt  }

// kernel: kernel.7.cloned.1.call-start
scs
__scs_entry_jumppad:
0x0: {  	(pc) =	sbr.rel $0x88, $3  }
0x1: {  	(tag) =	ssettag $0x0;
	lr =	simm.s32 $0x1  }
0x2: {  	[smem:$0x3F9B] =	sst lr;
	_ =	strace $0xD0000000  }
0x3: {  	_ = 	snop  }
0x4: {  	_ = 	snop  }
0x5: {  	_ = 	snop  }
0x6: {  	_ = 	snop  }
0x7: {  	_ = 	snop  }
__scs_overlays_trampoline_lowered:
0x8: {  	[smem:$0x3FAA] =	sst s0  }
0x9: {  	[smem:$0x3FAB] =	sst s1  }
0xa: {  	[smem:$0x3FAC] =	sst s2  }
0xb: {  	[smem:$0x3FAD] =	sst s3  }
0xc: {  	[smem:$0x3FAE] =	sst s4  }
0xd: {  	[smem:$0x3FAF] =	sst s5  }
0xe: {  	[smem:$0x3FB0] =	sst s6  }
0xf: {  	[smem:$0x3FB1] =	sst s7  }
0x10: {  	[smem:$0x3FB2] =	sst s8  }
0x11: {  	[smem:$0x3FB3] =	sst s9;
	s0 =	simm.s32 @!p0 $0x0  }
0x12: {  	s1 =	sld [smem:$0x3F99];
	s0 =	simm.s32 @p0 $0x1  }
0x13: {  	[smem:$0x3FB4] =	sst s0;
	s0 =	simm.s32 @!p1 $0x0  }
0x14: {  	s2 =	sld [smem:$0x3F98];
	s0 =	simm.s32 @p1 $0x1  }
0x15: {  	[smem:$0x3FB5] =	sst s0;
	s0 =	simm.s32 @!p2 $0x0  }
0x16: {  	s3 =	sld [smem:$0x3FDB];
	s0 =	simm.s32 @p2 $0x1  }
0x17: {  	s4 =	simm.s32 $0x1BF5;
	[smem:$0x3FB7] =	sst s0  }
0x18: {  	s0 =	sld [smem:$0x3F9A];
	_ =	swait.ge [sflag:s4], $0x0  }
0x19: {  	s7 =	sld [smem:$0x3F9B]  }
0x1a: {  	s8 =	sadd.s32 $0xFFFFE003, lr  }
0x1b: {  	s9 =	sadd.s32 $0xFFFFFEF7, lr;
	s5 =	simm.s32 $0xFFFFFFFF;
	p2 =	slt.u32 s8, $0xFFFFF086  }
0x1c: {  	p1 =	slt.u32 s9, $0xF7A;
	s5 =	simm.s32 @!p2 $0x0  }
0x1d: {  	s5 =	simm.s32 @p1 $0x1;
	p0 =	seq.s32 s7, s2  }
0x1e: {  	s7 =	smul.u32 @!p0 $0xF7A, s2;
	p2 =	seq.s32 @!p0 s5, $0x0  }
0x1f: {  	s9 =	smul.u32 $0xF7A, s1;
	s8 =	simm.s32 @!p0 $0x1BF5;
	p2 =	por !p2, p0  }
0x20: {  	[sflag:s8] =	ssyncset.s32 @!p0 $0xFFFFF086;
	s6 =	sadd.s32 @!p0 s3, s7;
	s7 =	simm.s32 @!p0 $0x108  }
0x21: {  	s3 =	sadd.s32 s3, s9;
	s6 =	sadd.s32 @!p0 $0x88, s6;
	s7 =	simm.s32 @p2 $0x1082  }
0x22: {  	[simem:s7], [sflag:s8] =	dma.local @!p0 [hbm:s6], $0xF7A  }
0x23: {  	s9 =	sor.u32 $0xD0000000, s2;
	s6 =	simm.s32 $0x108;
	_ =	swait.ge @!p0 [sflag:s8], $0x0  }
0x24: {  	s3 =	sadd.s32 $0x88, s3;
	s6 =	simm.s32 @!p1 $0x1082;
	[sflag:s4] =	ssyncset.s32 $0xFFFFF086  }
0x25: {  	[simem:s6], [sflag:s4] =	dma.local [hbm:s3], $0xF7A  }
0x26: {  	[smem:$0x3F9B] =	sst s1;
	(tag) =	ssettag s2;
	_ =	strace s9  }
0x27: {  	s1 =	sld [smem:$0x3FAB]  }
0x28: {  	s2 =	sld [smem:$0x3FAC]  }
0x29: {  	s4 =	sld [smem:$0x3FAE]  }
0x2a: {  	p0 =	seq.s32 s5, $0x0;
	s5 =	sld [smem:$0x3FAF]  }
0x2b: {  	s6 =	sld [smem:$0x3FB0]  }
0x2c: {  	s7 =	sld [smem:$0x3FB1]  }
0x2d: {  	s3 =	simm.s32 $0x108;
	s8 =	sld [smem:$0x3FB2]  }
0x2e: {  	s3 =	simm.s32 @!p0 $0x1082;
	s9 =	sld [smem:$0x3FB3]  }
0x2f: {  	lr =	sadd.s32 s0, s3;
	s0 =	sld [smem:$0x3FAA]  }
0x30: {  	s3 =	sld [smem:$0x3FAD]  }
0x31: {  	[smem:$0x3FB6] =	sst s10  }
0x32: {  	s10 =	sld [smem:$0x3FB4];
	_ =	sdelay $0x3  }
0x33: {  	p0 =	seq.s32 s10, $0x1;
	s10 =	sld [smem:$0x3FB6];
	_ =	sdelay $0x3  }
0x34: {  	[smem:$0x3FB6] =	sst s10  }
0x35: {  	s10 =	sld [smem:$0x3FB5];
	_ =	sdelay $0x3  }
0x36: {  	p1 =	seq.s32 s10, $0x1;
	s10 =	sld [smem:$0x3FB6];
	_ =	sdelay $0x3  }
0x37: {  	[smem:$0x3FB6] =	sst s10  }
0x38: {  	s10 =	sld [smem:$0x3FB7]  }
0x39: {  	_ = 	snop;
	(pc) =	sbr.ind lr, $3  }
0x3a: {  	_ = 	snop  }
0x3b: {  	_ = 	snop  }
0x3c: {  	p2 =	seq.s32 s10, $0x1;
	s10 =	sld [smem:$0x3FB6]  }
0x3d: {  	_ =	shalt  }
0x3e: {  	_ =	shalt  }
0x3f: {  	_ =	shalt  }
0x40: {  	_ =	shalt  }
0x41: {  	_ =	shalt  }
0x42: {  	_ =	shalt  }
0x43: {  	_ =	shalt  }
0x44: {  	_ =	shalt  }
0x45: {  	_ =	shalt  }
0x46: {  	_ =	shalt  }
0x47: {  	_ =	shalt  }
0x48: {  	_ =	shalt  }
0x49: {  	_ =	shalt  }
0x4a: {  	_ =	shalt  }
0x4b: {  	_ =	shalt  }
0x4c: {  	_ =	shalt  }
0x4d: {  	_ =	shalt  }
0x4e: {  	_ =	shalt  }
0x4f: {  	_ =	shalt  }
0x50: {  	_ =	shalt  }
0x51: {  	_ =	shalt  }
0x52: {  	_ =	shalt  }
0x53: {  	_ =	shalt  }
0x54: {  	_ =	shalt  }
0x55: {  	_ =	shalt  }
0x56: {  	_ =	shalt  }
0x57: {  	_ =	shalt  }
0x58: {  	_ =	shalt  }
0x59: {  	_ =	shalt  }
0x5a: {  	_ =	shalt  }
0x5b: {  	_ =	shalt  }
0x5c: {  	_ =	shalt  }
0x5d: {  	_ =	shalt  }
0x5e: {  	_ =	shalt  }
0x5f: {  	_ =	shalt  }
0x60: {  	_ =	shalt  }
0x61: {  	_ =	shalt  }
0x62: {  	_ =	shalt  }
0x63: {  	_ =	shalt  }
0x64: {  	_ =	shalt  }
0x65: {  	_ =	shalt  }
0x66: {  	_ =	shalt  }
0x67: {  	_ =	shalt  }
0x68: {  	_ =	shalt  }
0x69: {  	_ =	shalt  }
0x6a: {  	_ =	shalt  }
0x6b: {  	_ =	shalt  }
0x6c: {  	_ =	shalt  }
0x6d: {  	_ =	shalt  }
0x6e: {  	_ =	shalt  }
0x6f: {  	_ =	shalt  }
0x70: {  	_ =	shalt  }
0x71: {  	_ =	shalt  }
0x72: {  	_ =	shalt  }
0x73: {  	_ =	shalt  }
0x74: {  	_ =	shalt  }
0x75: {  	_ =	shalt  }
0x76: {  	_ =	shalt  }
0x77: {  	_ =	shalt  }
0x78: {  	_ =	shalt  }
0x79: {  	_ =	shalt  }
0x7a: {  	_ =	shalt  }
0x7b: {  	_ =	shalt  }
0x7c: {  	_ =	shalt  }
0x7d: {  	_ =	shalt  }
0x7e: {  	_ =	shalt  }
0x7f: {  	_ =	shalt  }
0x80: {  	_ =	shalt  }
0x81: {  	_ =	shalt  }
0x82: {  	_ =	shalt  }
0x83: {  	_ =	shalt  }
0x84: {  	_ =	shalt  }
0x85: {  	_ =	shalt  }
0x86: {  	_ =	shalt  }
0x87: {  	_ =	shalt  }
.Lfunc_end0:
.L_simem_size_0:
called_computation_lowered:
.L_overlay_start_0:
0x88: {  	s2 =	sld [smem:$0x3FD9]  }
0x89: {  	s3 =	sld [smem:$0x3FFE];
	_ =	sdelay $0x1  }
0x8a: {  	s1 =	srdreg.scid  }
0x8b: {  	s0 =	sand.u32 $0x1, s1  }
0x8c: {  	s17 =	sshll.u32 s0, $0xA;
	s2 =	sadd.s32 s3, s2  }
0x8d: {  	s2 =	sadd.s32 s2, s17  }
0x8e: {  	[smem:$0x3FC2] =	sst s2  }
0x8f: {  	_ = 	snop  }
0x90: {  	s2 =	sld [smem:$0x3FD0];
	(tm) =	ssettm $0x1  }
0x91: {  	s18 =	sld [smem:$0x3FFB];
	_ =	sdelay $0x3  }
0x92: {  	_ =	strace s18  }
0x93: {  	s3 =	sld [smem:$0x3FFC];
	_ =	sdelay $0x3  }
0x94: {  	_ =	strace s3  }
0x95: {  	s3 =	sld [smem:$0x3FFD];
	_ =	sdelay $0x3  }
0x96: {  	_ =	strace s3  }
0x97: {  	_ =	strace $0x8FFFFFFF  }
0x98: {  	s19 =	sld [smem:$0x3FDB];
	_ =	sdelay $0x1  }
0x99: {  	s4 =	simm.s32 $_scs_section_size  }
0x9a: {  	s5 =	simm.s32 $_size__tile_overlayer_lowered;
	s6 =	simm.s32 $_tile_overlayer_lowered  }
0x9b: {  	s22 =	simm.s32 $0x1BFF;
	s21 =	sshll.u32 s6, $0x1;
	s3 =	sadd.s32 s4, s19  }
0x9c: {  	s7 =	simm.s32 $0x0;
	s20 =	sshll.u32 s5, $0x1;
	s5 =	sadd.s32 s21, s3  }
0x9d: {  	[timem:s7], [sflag:s22] =	dma.local [hbm:s5], s20  }
0x9e: {  	_ =	swait.ge [sflag:s22], s20  }
0x9f: {  	s4 =	ssub.s32 $0x0, s20;
	[sflag:s22] =	ssyncset.done $0x0  }
0xa0: {  	[sflag:s22] =	ssyncadd.s32 s4;
	_ =	sdelay $0x1  }
0xa1: {  	s23 =	simm.s32 $0x1B8B  }
0xa2: {  	_ =	swait.ge [sflag:s23], $0x1  }
0xa3: {  	[sflag:s23] =	ssyncset.done $0x0  }
0xa4: {  	s25 =	simm.s32 $0x1B8E;
	s24 =	sld [smem:$0x3FFE];
	[sflag:s23] =	ssyncadd.s32 $0xFFFFFFFF  }
0xa5: {  	s26 =	simm.s32 $execute0_lowered;
	[smem:$0x3FD2] =	sst s25  }
0xa6: {  	s5 =	sshll.u32 s26, $0x1;
	_ =	strace $0x80000046;
	[dreg:$0x1] =	wrdreg $0xFFFFFFFF  }
0xa7: {  	s28 =	simm.s32 $_size_execute0_lowered;
	s3 =	sadd.s32 s3, s5;
	[dreg:$0x0] =	wrdreg $0x0  }
0xa8: {  	s5 =	sshll.u32 s28, $0x1;
	[dreg:$0x2] =	wrdreg s3  }
0xa9: {  	[dreg:$0x3] =	wrdreg s5  }
0xaa: {  	[dreg:$0x4] =	wrdreg $0xC0  }
0xab: {  	_ =	task [dreg:s7], $0x5FFFF  }
0xac: {  	[dreg:$0x1] =	wrdreg $0xFFFFFFFF  }
0xad: {  	[dreg:$0x0] =	wrdreg $0x60  }
0xae: {  	[dreg:$0x2] =	wrdreg s24  }
0xaf: {  	[dreg:$0x3] =	wrdreg s2  }
0xb0: {  	[dreg:$0x4] =	wrdreg $0x14A000  }
0xb1: {  	[dreg:$0x5] =	wrdreg $0x9  }
0xb2: {  	_ =	task.clear_ibuf [dreg:s7], $0x6FFFF;
	_ =	strace $0x90000046  }
0xb3: {  	s29 =	simm.s32 $0x9;
	_ =	strace $0x80000048  }
0xb4: {  	_ =	swait.ge [sflag:s29], $0x1  }
0xb5: {  	[sflag:s29] =	ssyncadd.s32 $0xFFFFFFFF  }
0xb6: {  	_ =	strace $0x90000048  }
0xb7: {  	_ =	sfence  }
0xb8: {  	s30 =	sld [smem:$0x0];
	_ =	sdelay $0x2  }
0xb9: {  	s31 =	sshll.u32 s1, $0xD;
	s1 =	sshrl.u32 s1, $0x2  }
0xba: {  	s3 =	sand.u32 $0x4000, s31;
	s1 =	sadd.s32 s1, s30  }
0xbb: {  	s0 =	sor.u32 s3, s0;
	s1 =	sshll.u32 s1, $0x11  }
0xbc: {  	s0 =	sor.u32 s1, s0  }
0xbd: {  	s0 =	sadd.s32 $0x8F2B, s0  }
0xbe: {  	[sflag:s0] =	ssyncadd.remote.s32 $0x1  }
0xbf: {  	_ =	sfence.sel $0xFFFF  }
0xc0: {  	[dreg:$0x0] =	wrdreg $0xFFFFFFFF;
	(pc) =	sbr.abs _section_cstart, $3  }
0xc1: {  	[dreg:$0x1] =	wrdreg $0xFFFFFFFF  }
0xc2: {  	_ =	task.clear_ibuf [dreg:s7], $0x2FFFF;
	_ =	strace $0x9FFFFFFF  }
0xc3: {  	(tm) =	ssettm $0x7FFFFFFF  }
tec
execute0_lowered:
.L_overlay_start_1:
0x0: {  	(tag) =	ssettag $0x1  }
0x1: {  	s0 =	srdreg.scid;
	s1 =	rddreg [dreg:$0x0]  }
0x2: {  	s10 =	stileid.u32;
	s3 =	rddreg [dreg:$0x1]  }
0x3: {  	s22 =	simm.s32 $0x0;
	s16 =	simm.s32 $0x11;
	s17 =	simm.s32 $0x7D  }
0x4: {  	s18 =	simm.s32 $0x5000;
	s20 =	simm.s32 $0x6F40;
	s29 =	simm.s32 $0xEC40  }
0x5: {  	s31 =	simm.s32 $0x10B80;
	s14 =	simm.s32 $0x9;
	s19 =	simm.s32 $0x3  }
0x6: {  	s21 =	simm.s32 $0x6;
	s11 =	simm.s32 $0x7;
	s28 =	simm.s32 $0xB  }
0x7: {  	s30 =	simm.s32 $0xC;
	s12 =	simm.s32 $0xE;
	s13 =	simm.s32 $0x0  }
0x8: {  	s0 =	sand.u32 $0x1, s0;
	s7 =	smul.u32 $0xA000, s10;
	[smem:$0x7FF] =	sst s22  }
0x9: {  	s5 =	sadd.s32 $0x29A00, s1;
	s9 =	sadd.s32 $0x3D400, s1;
	s26 =	sshll.u32 s10, $0x6  }
0xa: {  	s22 =	simm.s32 $0x8E80;
	s2 =	sshll.u32 s0, $0x4;
	s8 =	smul.u32 $0xA0000, s0  }
0xb: {  	s0 =	ssub.s32 $0x2, s0;
	s4 =	sor.u32 s10, s2;
	s2 =	rddreg [dreg:$0x2]  }
0xc: {  	_ =	strace $0x80000047;
	[dreg:$0x4] =	wrdreg s9;
	s23 =	sshrl.u32 s0, $0x1  }
0xd: {  	[dreg:$0xa] =	wrdreg s26;
	s9 =	simm.s32 $0x4;
	s10 =	simm.s32 $0x5  }
0xe: {  	[dreg:$0xd] =	wrdreg s13;
	s6 =	smul.u32 $0x500, s4;
	s4 =	sadd.s32 $0x16000, s1  }
0xf: {  	s8 =	sadd.s32 s7, s8;
	s0 =	ssub.s32 s0, s23;
	s25 =	sadd.s32 s7, s2  }
0x10: {  	s7 =	simm.s32 $0x1;
	s23 =	simm.s32 $0x8;
	s0 =	smax.u32 s0, $0x1  }
0x11: {  	s8 =	sshrl.u32 s8, $0x3;
	s15 =	sshrl.u32 s25, $0x3;
	[dreg:$0x9] =	wrdreg s0  }
0x12: {  	s25 =	simm.s32 $0xA;
	s3 =	sadd.s32 s3, s8;
	[dreg:$0xc] =	wrdreg s15  }
0x13: {  	s6 =	sadd.s32 s6, s1;
	s0 =	sor.u32 $0x1C09, s26;
	[dreg:$0x7] =	wrdreg s3  }
0x14: {  	s1 =	sadd.s32 s8, s1;
	s24 =	sadd.s32 $0xC000, s6;
	[dreg:$0xb] =	wrdreg s0  }
0x15: {  	s26 =	simm.s32 $0xCD00;
	s6 =	sadd.s32 $0x2000, s6;
	[dreg:$0x5] =	wrdreg s24  }
0x16: {  	s8 =	simm.s32 $0x2;
	s1 =	sadd.s32 $0x3E800, s1;
	[dreg:$0x6] =	wrdreg s6  }
0x17: {  	s0 =	simm.s32 $0x12AC0;
	s3 =	simm.s32 $0xF;
	[dreg:$0x8] =	wrdreg s1  }
0x18: {  	s24 =	simm.s32 $0xADC0;
	s1 =	simm.s32 $0xD;
	s6 =	simm.s32 $0x10  }
.LBB2_1:
0x19: {  	s13 =	simm.s32 $0x0;
	s15 =	rddreg [dreg:$0x5]  }
0x1a: {  	[tilespmem:s13], [sflag:$0x11] =	stream.linear.gather [hbm4b:s15+s13], $0x2800, $0x38;
	[tilespmem:$0x1EA00] =	vst v63  }
0x1b: {  	_ =	swait.ge [sflag:s16], $0x2800  }
0x1c: {  	s13 =	simm.s32 $0x2800;
	[sflag:s16] =	ssyncset.done $0x0  }
0x1d: {  	s15 =	rddreg [dreg:$0x6];
	[sflag:s16] =	ssyncadd.s32 $0xFFFFD800;
	s16 =	simm.s32 $0x0  }
0x1e: {  	[tilespmem:s13], [sflag:$0x11] =	stream.linear.gather [hbm4b:s15+s16], $0x2800, $0x38;
	[tilespmem:$0x1EA00] =	vst v63  }
0x1f: {  	s15 =	simm.s32 $0x11  }
0x20: {  	_ =	swait.ge [sflag:s15], $0x2800  }
0x21: {  	s13 =	rddreg [dreg:$0xb]  }
0x22: {  	[sflag:s15] =	ssyncset.done $0x0;
	s16 =	rddreg [dreg:$0xc]  }
0x23: {  	[sflag:s15] =	ssyncadd.s32 $0xFFFFD800;
	s15 =	rddreg [dreg:$0x4]  }
0x24: {  	[spmem:s16], [sflag:s13] =	dma.local [hbm:s15], $0x1400  }
0x25: {  	s16 =	simm.s32 $0x0  }
0x26: {  	[tilespmem:s18], [sflag:$0x1] =	stream.indirect.gather [hbm4b:s4+s17], $0x40, s16, s17, $0xb8;
	[tilespmem:$0x1EA00] =	vst v63  }
0x27: {  	s15 =	simm.s32 $0x80  }
0x28: {  	[tilespmem:s20], [sflag:$0x2] =	stream.indirect.gather [hbm4b:s4+s17], $0x40, s15, s17, $0xb8;
	[tilespmem:$0x1EA00] =	vst v63  }
0x29: {  	s16 =	simm.s32 $0x100  }
0x2a: {  	[tilespmem:s22], [sflag:$0x3] =	stream.indirect.gather [hbm4b:s4+s17], $0x40, s16, s17, $0xb8;
	[tilespmem:$0x1EA00] =	vst v63  }
0x2b: {  	s15 =	simm.s32 $0x180  }
0x2c: {  	[tilespmem:s24], [sflag:$0x4] =	stream.indirect.gather [hbm4b:s4+s17], $0x40, s15, s17, $0xb8;
	[tilespmem:$0x1EA00] =	vst v63  }
0x2d: {  	s16 =	simm.s32 $0x200  }
0x2e: {  	[tilespmem:s26], [sflag:$0x5] =	stream.indirect.gather [hbm4b:s4+s17], $0x40, s16, s17, $0xb8;
	[tilespmem:$0x1EA00] =	vst v63  }
0x2f: {  	s15 =	simm.s32 $0x280  }
0x30: {  	[tilespmem:s29], [sflag:$0x6] =	stream.indirect.gather [hbm4b:s4+s17], $0x40, s15, s17, $0xb8;
	[tilespmem:$0x1EA00] =	vst v63  }
0x31: {  	s16 =	simm.s32 $0x300  }
0x32: {  	[tilespmem:s31], [sflag:$0x7] =	stream.indirect.gather [hbm4b:s4+s17], $0x40, s16, s17, $0xb8;
	[tilespmem:$0x1EA00] =	vst v63  }
0x33: {  	s15 =	simm.s32 $0x380  }
0x34: {  	[tilespmem:s0], [sflag:$0x8] =	stream.indirect.gather [hbm4b:s4+s17], $0x40, s15, s17, $0xb8;
	[tilespmem:$0x1EA00] =	vst v63  }
0x35: {  	_ =	swait.ge [sflag:s14], $0x1400  }
0x36: {  	[sflag:s14] =	ssyncset.done $0x0  }
0x37: {  	[sflag:s14] =	ssyncadd.s32 $0xFFFFEC00  }
0x38: {  	[bflag:$0x0] =	sbarrier.arrive $0xFFFF  }
0x39: {  	_ =	swait.ge [sflag:s7], $0x1F40  }
0x3a: {  	[sflag:s7] =	ssyncset.done $0x0  }
0x3b: {  	s16 =	simm.s32 $0x2800;
	[sflag:s7] =	ssyncadd.s32 $0xFFFFE0C0  }
0x3c: {  	[spmem:s2] =	stream.indirect.scatter.add.f32 [tilespmem:s18], [sflag:$0x9], $0x40, s16, s17, $0xb8;
	[tilespmem:$0x1EA00] =	vst v63  }
0x3d: {  	_ =	swait.ge [sflag:s8], $0x1F40  }
0x3e: {  	[sflag:s8] =	ssyncset.done $0x0  }
0x3f: {  	s15 =	simm.s32 $0x2880;
	[sflag:s8] =	ssyncadd.s32 $0xFFFFE0C0  }
0x40: {  	[spmem:s2] =	stream.indirect.scatter.add.f32 [tilespmem:s20], [sflag:$0xA], $0x40, s15, s17, $0xb8;
	[tilespmem:$0x1EA00] =	vst v63  }
0x41: {  	_ =	swait.ge [sflag:s19], $0x1F40  }
0x42: {  	[sflag:s19] =	ssyncset.done $0x0  }
0x43: {  	s16 =	simm.s32 $0x2900;
	[sflag:s19] =	ssyncadd.s32 $0xFFFFE0C0  }
0x44: {  	[spmem:s2] =	stream.indirect.scatter.add.f32 [tilespmem:s22], [sflag:$0xB], $0x40, s16, s17, $0xb8;
	[tilespmem:$0x1EA00] =	vst v63  }
0x45: {  	_ =	swait.ge [sflag:s9], $0x1F40  }
0x46: {  	[sflag:s9] =	ssyncset.done $0x0  }
0x47: {  	s15 =	simm.s32 $0x2980;
	[sflag:s9] =	ssyncadd.s32 $0xFFFFE0C0  }
0x48: {  	[spmem:s2] =	stream.indirect.scatter.add.f32 [tilespmem:s24], [sflag:$0xC], $0x40, s15, s17, $0xb8;
	[tilespmem:$0x1EA00] =	vst v63  }
0x49: {  	_ =	swait.ge [sflag:s10], $0x1F40  }
0x4a: {  	[sflag:s10] =	ssyncset.done $0x0  }
0x4b: {  	s16 =	simm.s32 $0x2A00;
	[sflag:s10] =	ssyncadd.s32 $0xFFFFE0C0  }
0x4c: {  	[spmem:s2] =	stream.indirect.scatter.add.f32 [tilespmem:s26], [sflag:$0xD], $0x40, s16, s17, $0xb8;
	[tilespmem:$0x1EA00] =	vst v63  }
0x4d: {  	_ =	swait.ge [sflag:s21], $0x1F40  }
0x4e: {  	[sflag:s21] =	ssyncset.done $0x0  }
0x4f: {  	s15 =	simm.s32 $0x2A80;
	[sflag:s21] =	ssyncadd.s32 $0xFFFFE0C0  }
0x50: {  	[spmem:s2] =	stream.indirect.scatter.add.f32 [tilespmem:s29], [sflag:$0xE], $0x40, s15, s17, $0xb8;
	[tilespmem:$0x1EA00] =	vst v63  }
0x51: {  	_ =	swait.ge [sflag:s11], $0x1F40  }
0x52: {  	[sflag:s11] =	ssyncset.done $0x0  }
0x53: {  	s16 =	simm.s32 $0x2B00;
	[sflag:s11] =	ssyncadd.s32 $0xFFFFE0C0  }
0x54: {  	[spmem:s2] =	stream.indirect.scatter.add.f32 [tilespmem:s31], [sflag:$0xF], $0x40, s16, s17, $0xb8;
	[tilespmem:$0x1EA00] =	vst v63  }
0x55: {  	_ =	swait.ge [sflag:s23], $0x1F40  }
0x56: {  	[sflag:s23] =	ssyncset.done $0x0  }
0x57: {  	s15 =	simm.s32 $0x2B80;
	[sflag:s23] =	ssyncadd.s32 $0xFFFFE0C0  }
0x58: {  	[spmem:s2] =	stream.indirect.scatter.add.f32 [tilespmem:s0], [sflag:$0x10], $0x40, s15, s17, $0xb8;
	[tilespmem:$0x1EA00] =	vst v63  }
0x59: {  	_ =	swait.ge [sflag:s14], $0x1F40  }
0x5a: {  	[sflag:s14] =	ssyncset.done $0x0  }
0x5b: {  	s16 =	simm.s32 $0x400;
	[sflag:s14] =	ssyncadd.s32 $0xFFFFE0C0  }
0x5c: {  	[tilespmem:s18], [sflag:$0x1] =	stream.indirect.gather [hbm4b:s4+s17], $0x40, s16, s17, $0xb8;
	[tilespmem:$0x1EA00] =	vst v63  }
0x5d: {  	_ =	swait.ge [sflag:s25], $0x1F40  }
0x5e: {  	[sflag:s25] =	ssyncset.done $0x0  }
0x5f: {  	s15 =	simm.s32 $0x480;
	[sflag:s25] =	ssyncadd.s32 $0xFFFFE0C0  }
0x60: {  	[tilespmem:s20], [sflag:$0x2] =	stream.indirect.gather [hbm4b:s4+s17], $0x40, s15, s17, $0xb8;
	[tilespmem:$0x1EA00] =	vst v63  }
0x61: {  	_ =	swait.ge [sflag:s28], $0x1F40  }
0x62: {  	[sflag:s28] =	ssyncset.done $0x0  }
0x63: {  	s16 =	simm.s32 $0x500;
	[sflag:s28] =	ssyncadd.s32 $0xFFFFE0C0  }
0x64: {  	[tilespmem:s22], [sflag:$0x3] =	stream.indirect.gather [hbm4b:s4+s17], $0x40, s16, s17, $0xb8;
	[tilespmem:$0x1EA00] =	vst v63  }
0x65: {  	_ =	swait.ge [sflag:s30], $0x1F40  }
0x66: {  	[sflag:s30] =	ssyncset.done $0x0  }
0x67: {  	s15 =	simm.s32 $0x580;
	[sflag:s30] =	ssyncadd.s32 $0xFFFFE0C0  }
0x68: {  	[tilespmem:s24], [sflag:$0x4] =	stream.indirect.gather [hbm4b:s4+s17], $0x40, s15, s17, $0xb8;
	[tilespmem:$0x1EA00] =	vst v63  }
0x69: {  	_ =	swait.ge [sflag:s1], $0x1F40  }
0x6a: {  	[sflag:s1] =	ssyncset.done $0x0  }
0x6b: {  	s16 =	simm.s32 $0x600;
	[sflag:s1] =	ssyncadd.s32 $0xFFFFE0C0  }
0x6c: {  	[tilespmem:s26], [sflag:$0x5] =	stream.indirect.gather [hbm4b:s4+s17], $0x40, s16, s17, $0xb8;
	[tilespmem:$0x1EA00] =	vst v63  }
0x6d: {  	_ =	swait.ge [sflag:s12], $0x1F40  }
0x6e: {  	[sflag:s12] =	ssyncset.done $0x0  }
0x6f: {  	s15 =	simm.s32 $0x680;
	[sflag:s12] =	ssyncadd.s32 $0xFFFFE0C0  }
0x70: {  	[tilespmem:s29], [sflag:$0x6] =	stream.indirect.gather [hbm4b:s4+s17], $0x40, s15, s17, $0xb8;
	[tilespmem:$0x1EA00] =	vst v63  }
0x71: {  	_ =	swait.ge [sflag:s3], $0x1F40  }
0x72: {  	[sflag:s3] =	ssyncset.done $0x0  }
0x73: {  	s16 =	simm.s32 $0x700;
	[sflag:s3] =	ssyncadd.s32 $0xFFFFE0C0  }
0x74: {  	[tilespmem:s31], [sflag:$0x7] =	stream.indirect.gather [hbm4b:s4+s17], $0x40, s16, s17, $0xb8;
	[tilespmem:$0x1EA00] =	vst v63  }
0x75: {  	_ =	swait.ge [sflag:s6], $0x1F40  }
0x76: {  	[sflag:s6] =	ssyncset.done $0x0  }
0x77: {  	s13 =	simm.s32 $0x780;
	s16 =	simm.s32 $0x1000;
	[sflag:s6] =	ssyncadd.s32 $0xFFFFE0C0  }
.LBB2_2:
0x78: {  	[tilespmem:s0], [sflag:$0x8] =	stream.indirect.gather [hbm4b:s4+s17], $0x40, s13, s17, $0xb8;
	[tilespmem:$0x1EA00] =	vst v63  }
0x79: {  	s13 =	smov.u32 s16  }
0x7a: {  	p0 =	sne.s32 s16, $0x8000;
	s16 =	sadd.s32 $0x1000, s16;
	_ =	swait.ge [sflag:s7], $0x1F40  }
0x7b: {  	s13 =	sshra.s32 s13, $0x2;
	[sflag:s7] =	ssyncset.done $0x0  }
0x7c: {  	s15 =	sadd.s32 $0x2800, s13;
	[sflag:s7] =	ssyncadd.s32 $0xFFFFE0C0  }
0x7d: {  	[spmem:s2] =	stream.indirect.scatter.add.f32 [tilespmem:s18], [sflag:$0x9], $0x40, s15, s17, $0xb8;
	[tilespmem:$0x1EA00] =	vst v63  }
0x7e: {  	_ =	swait.ge [sflag:s8], $0x1F40  }
0x7f: {  	[sflag:s8] =	ssyncset.done $0x0  }
0x80: {  	s15 =	sadd.s32 $0x2880, s13;
	[sflag:s8] =	ssyncadd.s32 $0xFFFFE0C0  }
0x81: {  	[spmem:s2] =	stream.indirect.scatter.add.f32 [tilespmem:s20], [sflag:$0xA], $0x40, s15, s17, $0xb8;
	[tilespmem:$0x1EA00] =	vst v63  }
0x82: {  	_ =	swait.ge [sflag:s19], $0x1F40  }
0x83: {  	[sflag:s19] =	ssyncset.done $0x0  }
0x84: {  	s15 =	sadd.s32 $0x2900, s13;
	[sflag:s19] =	ssyncadd.s32 $0xFFFFE0C0  }
0x85: {  	[spmem:s2] =	stream.indirect.scatter.add.f32 [tilespmem:s22], [sflag:$0xB], $0x40, s15, s17, $0xb8;
	[tilespmem:$0x1EA00] =	vst v63  }
0x86: {  	_ =	swait.ge [sflag:s9], $0x1F40  }
0x87: {  	[sflag:s9] =	ssyncset.done $0x0  }
0x88: {  	s15 =	sadd.s32 $0x2980, s13;
	[sflag:s9] =	ssyncadd.s32 $0xFFFFE0C0  }
0x89: {  	[spmem:s2] =	stream.indirect.scatter.add.f32 [tilespmem:s24], [sflag:$0xC], $0x40, s15, s17, $0xb8;
	[tilespmem:$0x1EA00] =	vst v63  }
0x8a: {  	_ =	swait.ge [sflag:s10], $0x1F40  }
0x8b: {  	[sflag:s10] =	ssyncset.done $0x0  }
0x8c: {  	s15 =	sadd.s32 $0x2A00, s13;
	[sflag:s10] =	ssyncadd.s32 $0xFFFFE0C0  }
0x8d: {  	[spmem:s2] =	stream.indirect.scatter.add.f32 [tilespmem:s26], [sflag:$0xD], $0x40, s15, s17, $0xb8;
	[tilespmem:$0x1EA00] =	vst v63  }
0x8e: {  	_ =	swait.ge [sflag:s21], $0x1F40  }
0x8f: {  	[sflag:s21] =	ssyncset.done $0x0  }
0x90: {  	s15 =	sadd.s32 $0x2A80, s13;
	[sflag:s21] =	ssyncadd.s32 $0xFFFFE0C0  }
0x91: {  	[spmem:s2] =	stream.indirect.scatter.add.f32 [tilespmem:s29], [sflag:$0xE], $0x40, s15, s17, $0xb8;
	[tilespmem:$0x1EA00] =	vst v63  }
0x92: {  	_ =	swait.ge [sflag:s11], $0x1F40  }
0x93: {  	[sflag:s11] =	ssyncset.done $0x0  }
0x94: {  	s15 =	sadd.s32 $0x2B00, s13;
	[sflag:s11] =	ssyncadd.s32 $0xFFFFE0C0  }
0x95: {  	[spmem:s2] =	stream.indirect.scatter.add.f32 [tilespmem:s31], [sflag:$0xF], $0x40, s15, s17, $0xb8;
	[tilespmem:$0x1EA00] =	vst v63  }
0x96: {  	_ =	swait.ge [sflag:s23], $0x1F40  }
0x97: {  	[sflag:s23] =	ssyncset.done $0x0  }
0x98: {  	s15 =	sadd.s32 $0x2B80, s13;
	[sflag:s23] =	ssyncadd.s32 $0xFFFFE0C0  }
0x99: {  	[spmem:s2] =	stream.indirect.scatter.add.f32 [tilespmem:s0], [sflag:$0x10], $0x40, s15, s17, $0xb8;
	[tilespmem:$0x1EA00] =	vst v63  }
0x9a: {  	_ =	swait.ge [sflag:s14], $0x1F40  }
0x9b: {  	[sflag:s14] =	ssyncset.done $0x0  }
0x9c: {  	s15 =	sadd.s32 $0x400, s13;
	[sflag:s14] =	ssyncadd.s32 $0xFFFFE0C0  }
0x9d: {  	[tilespmem:s18], [sflag:$0x1] =	stream.indirect.gather [hbm4b:s4+s17], $0x40, s15, s17, $0xb8;
	[tilespmem:$0x1EA00] =	vst v63  }
0x9e: {  	_ =	swait.ge [sflag:s25], $0x1F40  }
0x9f: {  	[sflag:s25] =	ssyncset.done $0x0  }
0xa0: {  	s15 =	sadd.s32 $0x480, s13;
	[sflag:s25] =	ssyncadd.s32 $0xFFFFE0C0  }
0xa1: {  	[tilespmem:s20], [sflag:$0x2] =	stream.indirect.gather [hbm4b:s4+s17], $0x40, s15, s17, $0xb8;
	[tilespmem:$0x1EA00] =	vst v63  }
0xa2: {  	_ =	swait.ge [sflag:s28], $0x1F40  }
0xa3: {  	[sflag:s28] =	ssyncset.done $0x0  }
0xa4: {  	s15 =	sadd.s32 $0x500, s13;
	[sflag:s28] =	ssyncadd.s32 $0xFFFFE0C0  }
0xa5: {  	[tilespmem:s22], [sflag:$0x3] =	stream.indirect.gather [hbm4b:s4+s17], $0x40, s15, s17, $0xb8;
	[tilespmem:$0x1EA00] =	vst v63  }
0xa6: {  	_ =	swait.ge [sflag:s30], $0x1F40  }
0xa7: {  	[sflag:s30] =	ssyncset.done $0x0  }
0xa8: {  	s15 =	sadd.s32 $0x580, s13;
	[sflag:s30] =	ssyncadd.s32 $0xFFFFE0C0  }
0xa9: {  	[tilespmem:s24], [sflag:$0x4] =	stream.indirect.gather [hbm4b:s4+s17], $0x40, s15, s17, $0xb8;
	[tilespmem:$0x1EA00] =	vst v63  }
0xaa: {  	_ =	swait.ge [sflag:s1], $0x1F40  }
0xab: {  	[sflag:s1] =	ssyncset.done $0x0  }
0xac: {  	s15 =	sadd.s32 $0x600, s13;
	[sflag:s1] =	ssyncadd.s32 $0xFFFFE0C0  }
0xad: {  	[tilespmem:s26], [sflag:$0x5] =	stream.indirect.gather [hbm4b:s4+s17], $0x40, s15, s17, $0xb8;
	[tilespmem:$0x1EA00] =	vst v63  }
0xae: {  	_ =	swait.ge [sflag:s12], $0x1F40  }
0xaf: {  	[sflag:s12] =	ssyncset.done $0x0  }
0xb0: {  	s15 =	sadd.s32 $0x680, s13;
	[sflag:s12] =	ssyncadd.s32 $0xFFFFE0C0  }
0xb1: {  	[tilespmem:s29], [sflag:$0x6] =	stream.indirect.gather [hbm4b:s4+s17], $0x40, s15, s17, $0xb8;
	[tilespmem:$0x1EA00] =	vst v63  }
0xb2: {  	_ =	swait.ge [sflag:s3], $0x1F40  }
0xb3: {  	[sflag:s3] =	ssyncset.done $0x0  }
.Ltmp0:
0xb4: {  	s15 =	sadd.s32 $0x700, s13;
	[sflag:s3] =	ssyncadd.s32 $0xFFFFE0C0;
	(pc) =	sbr.rel @p0 .LBB2_2-.Ltmp0, $4  }
0xb5: {  	[tilespmem:s31], [sflag:$0x7] =	stream.indirect.gather [hbm4b:s4+s17], $0x40, s15, s17, $0xb8;
	[tilespmem:$0x1EA00] =	vst v63  }
0xb6: {  	_ =	swait.ge [sflag:s6], $0x1F40  }
0xb7: {  	[sflag:s6] =	ssyncset.done $0x0  }
0xb8: {  	s13 =	sadd.s32 $0x780, s13;
	[sflag:s6] =	ssyncadd.s32 $0xFFFFE0C0  }
0xb9: {  	[tilespmem:s0], [sflag:$0x8] =	stream.indirect.gather [hbm4b:s4+s17], $0x40, s13, s17, $0xb8;
	[tilespmem:$0x1EA00] =	vst v63  }
0xba: {  	_ =	swait.ge [sflag:s7], $0x1F40  }
0xbb: {  	[sflag:s7] =	ssyncset.done $0x0  }
0xbc: {  	s16 =	simm.s32 $0x4C00;
	[sflag:s7] =	ssyncadd.s32 $0xFFFFE0C0  }
0xbd: {  	[spmem:s2] =	stream.indirect.scatter.add.f32 [tilespmem:s18], [sflag:$0x9], $0x40, s16, s17, $0xb8;
	[tilespmem:$0x1EA00] =	vst v63  }
0xbe: {  	_ =	swait.ge [sflag:s8], $0x1F40  }
0xbf: {  	[sflag:s8] =	ssyncset.done $0x0  }
0xc0: {  	s15 =	simm.s32 $0x4C80;
	[sflag:s8] =	ssyncadd.s32 $0xFFFFE0C0  }
0xc1: {  	[spmem:s2] =	stream.indirect.scatter.add.f32 [tilespmem:s20], [sflag:$0xA], $0x40, s15, s17, $0xb8;
	[tilespmem:$0x1EA00] =	vst v63  }
0xc2: {  	_ =	swait.ge [sflag:s19], $0x1F40  }
0xc3: {  	[sflag:s19] =	ssyncset.done $0x0  }
0xc4: {  	s16 =	simm.s32 $0x4D00;
	[sflag:s19] =	ssyncadd.s32 $0xFFFFE0C0  }
0xc5: {  	[spmem:s2] =	stream.indirect.scatter.add.f32 [tilespmem:s22], [sflag:$0xB], $0x40, s16, s17, $0xb8;
	[tilespmem:$0x1EA00] =	vst v63  }
0xc6: {  	_ =	swait.ge [sflag:s9], $0x1F40  }
0xc7: {  	[sflag:s9] =	ssyncset.done $0x0  }
0xc8: {  	s15 =	simm.s32 $0x4D80;
	[sflag:s9] =	ssyncadd.s32 $0xFFFFE0C0  }
0xc9: {  	[spmem:s2] =	stream.indirect.scatter.add.f32 [tilespmem:s24], [sflag:$0xC], $0x40, s15, s17, $0xb8;
	[tilespmem:$0x1EA00] =	vst v63  }
0xca: {  	_ =	swait.ge [sflag:s10], $0x1F40  }
0xcb: {  	[sflag:s10] =	ssyncset.done $0x0  }
0xcc: {  	s16 =	simm.s32 $0x4E00;
	[sflag:s10] =	ssyncadd.s32 $0xFFFFE0C0  }
0xcd: {  	[spmem:s2] =	stream.indirect.scatter.add.f32 [tilespmem:s26], [sflag:$0xD], $0x40, s16, s17, $0xb8;
	[tilespmem:$0x1EA00] =	vst v63  }
0xce: {  	_ =	swait.ge [sflag:s21], $0x1F40  }
0xcf: {  	[sflag:s21] =	ssyncset.done $0x0  }
0xd0: {  	s15 =	simm.s32 $0x4E80;
	[sflag:s21] =	ssyncadd.s32 $0xFFFFE0C0  }
0xd1: {  	[spmem:s2] =	stream.indirect.scatter.add.f32 [tilespmem:s29], [sflag:$0xE], $0x40, s15, s17, $0xb8;
	[tilespmem:$0x1EA00] =	vst v63  }
0xd2: {  	_ =	swait.ge [sflag:s11], $0x1F40  }
0xd3: {  	[sflag:s11] =	ssyncset.done $0x0  }
0xd4: {  	s16 =	simm.s32 $0x4F00;
	[sflag:s11] =	ssyncadd.s32 $0xFFFFE0C0  }
0xd5: {  	[spmem:s2] =	stream.indirect.scatter.add.f32 [tilespmem:s31], [sflag:$0xF], $0x40, s16, s17, $0xb8;
	[tilespmem:$0x1EA00] =	vst v63  }
0xd6: {  	_ =	swait.ge [sflag:s23], $0x1F40  }
0xd7: {  	[sflag:s23] =	ssyncset.done $0x0  }
0xd8: {  	s15 =	simm.s32 $0x4F80;
	[sflag:s23] =	ssyncadd.s32 $0xFFFFE0C0  }
0xd9: {  	[spmem:s2] =	stream.indirect.scatter.add.f32 [tilespmem:s0], [sflag:$0x10], $0x40, s15, s17, $0xb8;
	[tilespmem:$0x1EA00] =	vst v63  }
0xda: {  	_ =	swait.ge [sflag:s14], $0x1F40  }
0xdb: {  	[sflag:s14] =	ssyncset.done $0x0  }
0xdc: {  	[sflag:s14] =	ssyncadd.s32 $0xFFFFE0C0  }
0xdd: {  	_ =	swait.ge [sflag:s25], $0x1F40  }
0xde: {  	[sflag:s25] =	ssyncset.done $0x0  }
0xdf: {  	[sflag:s25] =	ssyncadd.s32 $0xFFFFE0C0  }
0xe0: {  	_ =	swait.ge [sflag:s28], $0x1F40  }
0xe1: {  	[sflag:s28] =	ssyncset.done $0x0  }
0xe2: {  	[sflag:s28] =	ssyncadd.s32 $0xFFFFE0C0  }
0xe3: {  	_ =	swait.ge [sflag:s30], $0x1F40  }
0xe4: {  	[sflag:s30] =	ssyncset.done $0x0  }
0xe5: {  	[sflag:s30] =	ssyncadd.s32 $0xFFFFE0C0  }
0xe6: {  	_ =	swait.ge [sflag:s1], $0x1F40  }
0xe7: {  	[sflag:s1] =	ssyncset.done $0x0  }
0xe8: {  	[sflag:s1] =	ssyncadd.s32 $0xFFFFE0C0  }
0xe9: {  	_ =	swait.ge [sflag:s12], $0x1F40  }
0xea: {  	[sflag:s12] =	ssyncset.done $0x0  }
0xeb: {  	[sflag:s12] =	ssyncadd.s32 $0xFFFFE0C0  }
0xec: {  	_ =	swait.ge [sflag:s3], $0x1F40  }
0xed: {  	[sflag:s3] =	ssyncset.done $0x0  }
0xee: {  	[sflag:s3] =	ssyncadd.s32 $0xFFFFE0C0  }
0xef: {  	_ =	swait.ge [sflag:s6], $0x1F40  }
0xf0: {  	[sflag:s6] =	ssyncset.done $0x0  }
0xf1: {  	[sflag:s6] =	ssyncadd.s32 $0xFFFFE0C0  }
0xf2: {  	[bflag:$0x0] =	sbarrier.arrive $0xFFFF  }
0xf3: {  	s16 =	rddreg [dreg:$0xa]  }
0xf4: {  	s13 =	rddreg [dreg:$0x7]  }
0xf5: {  	s15 =	sor.u32 $0x1C11, s16;
	s16 =	rddreg [dreg:$0xc]  }
0xf6: {  	[dreg:$0xe] =	wrdreg s15  }
0xf7: {  	[hbm:s13], [sflag:s15] =	dma.local [spmem:s16], $0x1400  }
0xf8: {  	s15 =	simm.s32 $0x11  }
0xf9: {  	_ =	swait.ge [sflag:s15], $0x1400  }
0xfa: {  	[sflag:s15] =	ssyncset.done $0x0;
	s13 =	rddreg [dreg:$0x4]  }
0xfb: {  	[sflag:s15] =	ssyncadd.s32 $0xFFFFEC00;
	s15 =	rddreg [dreg:$0xb]  }
0xfc: {  	[spmem:s16], [sflag:s15] =	dma.local [hbm:s13], $0x1400  }
0xfd: {  	s16 =	simm.s32 $0x0  }
0xfe: {  	[tilespmem:s18], [sflag:$0x1] =	stream.indirect.gather [hbm4b:s5+s17], $0x40, s16, s17, $0xb8;
	[tilespmem:$0x1EA00] =	vst v63  }
0xff: {  	s15 =	simm.s32 $0x80  }
0x100: {  	[tilespmem:s20], [sflag:$0x2] =	stream.indirect.gather [hbm4b:s5+s17], $0x40, s15, s17, $0xb8;
	[tilespmem:$0x1EA00] =	vst v63  }
0x101: {  	s16 =	simm.s32 $0x100  }
0x102: {  	[tilespmem:s22], [sflag:$0x3] =	stream.indirect.gather [hbm4b:s5+s17], $0x40, s16, s17, $0xb8;
	[tilespmem:$0x1EA00] =	vst v63  }
0x103: {  	s15 =	simm.s32 $0x180  }
0x104: {  	[tilespmem:s24], [sflag:$0x4] =	stream.indirect.gather [hbm4b:s5+s17], $0x40, s15, s17, $0xb8;
	[tilespmem:$0x1EA00] =	vst v63  }
0x105: {  	s16 =	simm.s32 $0x200  }
0x106: {  	[tilespmem:s26], [sflag:$0x5] =	stream.indirect.gather [hbm4b:s5+s17], $0x40, s16, s17, $0xb8;
	[tilespmem:$0x1EA00] =	vst v63  }
0x107: {  	s15 =	simm.s32 $0x280  }
0x108: {  	[tilespmem:s29], [sflag:$0x6] =	stream.indirect.gather [hbm4b:s5+s17], $0x40, s15, s17, $0xb8;
	[tilespmem:$0x1EA00] =	vst v63  }
0x109: {  	s16 =	simm.s32 $0x300  }
0x10a: {  	[tilespmem:s31], [sflag:$0x7] =	stream.indirect.gather [hbm4b:s5+s17], $0x40, s16, s17, $0xb8;
	[tilespmem:$0x1EA00] =	vst v63  }
0x10b: {  	s15 =	simm.s32 $0x380  }
0x10c: {  	[tilespmem:s0], [sflag:$0x8] =	stream.indirect.gather [hbm4b:s5+s17], $0x40, s15, s17, $0xb8;
	[tilespmem:$0x1EA00] =	vst v63  }
0x10d: {  	_ =	swait.ge [sflag:s14], $0x1400  }
0x10e: {  	[sflag:s14] =	ssyncset.done $0x0  }
0x10f: {  	[sflag:s14] =	ssyncadd.s32 $0xFFFFEC00  }
0x110: {  	[bflag:$0x0] =	sbarrier.arrive $0xFFFF  }
0x111: {  	_ =	swait.ge [sflag:s7], $0x1F40  }
0x112: {  	[sflag:s7] =	ssyncset.done $0x0  }
0x113: {  	s16 =	simm.s32 $0x2800;
	[sflag:s7] =	ssyncadd.s32 $0xFFFFE0C0  }
0x114: {  	[spmem:s2] =	stream.indirect.scatter.add.f32 [tilespmem:s18], [sflag:$0x9], $0x40, s16, s17, $0xb8;
	[tilespmem:$0x1EA00] =	vst v63  }
0x115: {  	_ =	swait.ge [sflag:s8], $0x1F40  }
0x116: {  	[sflag:s8] =	ssyncset.done $0x0  }
0x117: {  	s15 =	simm.s32 $0x2880;
	[sflag:s8] =	ssyncadd.s32 $0xFFFFE0C0  }
0x118: {  	[spmem:s2] =	stream.indirect.scatter.add.f32 [tilespmem:s20], [sflag:$0xA], $0x40, s15, s17, $0xb8;
	[tilespmem:$0x1EA00] =	vst v63  }
0x119: {  	_ =	swait.ge [sflag:s19], $0x1F40  }
0x11a: {  	[sflag:s19] =	ssyncset.done $0x0  }
0x11b: {  	s16 =	simm.s32 $0x2900;
	[sflag:s19] =	ssyncadd.s32 $0xFFFFE0C0  }
0x11c: {  	[spmem:s2] =	stream.indirect.scatter.add.f32 [tilespmem:s22], [sflag:$0xB], $0x40, s16, s17, $0xb8;
	[tilespmem:$0x1EA00] =	vst v63  }
0x11d: {  	_ =	swait.ge [sflag:s9], $0x1F40  }
0x11e: {  	[sflag:s9] =	ssyncset.done $0x0  }
0x11f: {  	s15 =	simm.s32 $0x2980;
	[sflag:s9] =	ssyncadd.s32 $0xFFFFE0C0  }
0x120: {  	[spmem:s2] =	stream.indirect.scatter.add.f32 [tilespmem:s24], [sflag:$0xC], $0x40, s15, s17, $0xb8;
	[tilespmem:$0x1EA00] =	vst v63  }
0x121: {  	_ =	swait.ge [sflag:s10], $0x1F40  }
0x122: {  	[sflag:s10] =	ssyncset.done $0x0  }
0x123: {  	s16 =	simm.s32 $0x2A00;
	[sflag:s10] =	ssyncadd.s32 $0xFFFFE0C0  }
0x124: {  	[spmem:s2] =	stream.indirect.scatter.add.f32 [tilespmem:s26], [sflag:$0xD], $0x40, s16, s17, $0xb8;
	[tilespmem:$0x1EA00] =	vst v63  }
0x125: {  	_ =	swait.ge [sflag:s21], $0x1F40  }
0x126: {  	[sflag:s21] =	ssyncset.done $0x0  }
0x127: {  	s15 =	simm.s32 $0x2A80;
	[sflag:s21] =	ssyncadd.s32 $0xFFFFE0C0  }
0x128: {  	[spmem:s2] =	stream.indirect.scatter.add.f32 [tilespmem:s29], [sflag:$0xE], $0x40, s15, s17, $0xb8;
	[tilespmem:$0x1EA00] =	vst v63  }
0x129: {  	_ =	swait.ge [sflag:s11], $0x1F40  }
0x12a: {  	[sflag:s11] =	ssyncset.done $0x0  }
0x12b: {  	s16 =	simm.s32 $0x2B00;
	[sflag:s11] =	ssyncadd.s32 $0xFFFFE0C0  }
0x12c: {  	[spmem:s2] =	stream.indirect.scatter.add.f32 [tilespmem:s31], [sflag:$0xF], $0x40, s16, s17, $0xb8;
	[tilespmem:$0x1EA00] =	vst v63  }
0x12d: {  	_ =	swait.ge [sflag:s23], $0x1F40  }
0x12e: {  	[sflag:s23] =	ssyncset.done $0x0  }
0x12f: {  	s15 =	simm.s32 $0x2B80;
	[sflag:s23] =	ssyncadd.s32 $0xFFFFE0C0  }
0x130: {  	[spmem:s2] =	stream.indirect.scatter.add.f32 [tilespmem:s0], [sflag:$0x10], $0x40, s15, s17, $0xb8;
	[tilespmem:$0x1EA00] =	vst v63  }
0x131: {  	_ =	swait.ge [sflag:s14], $0x1F40  }
0x132: {  	[sflag:s14] =	ssyncset.done $0x0  }
0x133: {  	s16 =	simm.s32 $0x400;
	[sflag:s14] =	ssyncadd.s32 $0xFFFFE0C0  }
0x134: {  	[tilespmem:s18], [sflag:$0x1] =	stream.indirect.gather [hbm4b:s5+s17], $0x40, s16, s17, $0xb8;
	[tilespmem:$0x1EA00] =	vst v63  }
0x135: {  	_ =	swait.ge [sflag:s25], $0x1F40  }
0x136: {  	[sflag:s25] =	ssyncset.done $0x0  }
0x137: {  	s15 =	simm.s32 $0x480;
	[sflag:s25] =	ssyncadd.s32 $0xFFFFE0C0  }
0x138: {  	[tilespmem:s20], [sflag:$0x2] =	stream.indirect.gather [hbm4b:s5+s17], $0x40, s15, s17, $0xb8;
	[tilespmem:$0x1EA00] =	vst v63  }
0x139: {  	_ =	swait.ge [sflag:s28], $0x1F40  }
0x13a: {  	[sflag:s28] =	ssyncset.done $0x0  }
0x13b: {  	s16 =	simm.s32 $0x500;
	[sflag:s28] =	ssyncadd.s32 $0xFFFFE0C0  }
0x13c: {  	[tilespmem:s22], [sflag:$0x3] =	stream.indirect.gather [hbm4b:s5+s17], $0x40, s16, s17, $0xb8;
	[tilespmem:$0x1EA00] =	vst v63  }
0x13d: {  	_ =	swait.ge [sflag:s30], $0x1F40  }
0x13e: {  	[sflag:s30] =	ssyncset.done $0x0  }
0x13f: {  	s15 =	simm.s32 $0x580;
	[sflag:s30] =	ssyncadd.s32 $0xFFFFE0C0  }
0x140: {  	[tilespmem:s24], [sflag:$0x4] =	stream.indirect.gather [hbm4b:s5+s17], $0x40, s15, s17, $0xb8;
	[tilespmem:$0x1EA00] =	vst v63  }
0x141: {  	_ =	swait.ge [sflag:s1], $0x1F40  }
0x142: {  	[sflag:s1] =	ssyncset.done $0x0  }
0x143: {  	s16 =	simm.s32 $0x600;
	[sflag:s1] =	ssyncadd.s32 $0xFFFFE0C0  }
0x144: {  	[tilespmem:s26], [sflag:$0x5] =	stream.indirect.gather [hbm4b:s5+s17], $0x40, s16, s17, $0xb8;
	[tilespmem:$0x1EA00] =	vst v63  }
0x145: {  	_ =	swait.ge [sflag:s12], $0x1F40  }
0x146: {  	[sflag:s12] =	ssyncset.done $0x0  }
0x147: {  	s15 =	simm.s32 $0x680;
	[sflag:s12] =	ssyncadd.s32 $0xFFFFE0C0  }
0x148: {  	[tilespmem:s29], [sflag:$0x6] =	stream.indirect.gather [hbm4b:s5+s17], $0x40, s15, s17, $0xb8;
	[tilespmem:$0x1EA00] =	vst v63  }
0x149: {  	_ =	swait.ge [sflag:s3], $0x1F40  }
0x14a: {  	[sflag:s3] =	ssyncset.done $0x0  }
0x14b: {  	s16 =	simm.s32 $0x700;
	[sflag:s3] =	ssyncadd.s32 $0xFFFFE0C0  }
0x14c: {  	[tilespmem:s31], [sflag:$0x7] =	stream.indirect.gather [hbm4b:s5+s17], $0x40, s16, s17, $0xb8;
	[tilespmem:$0x1EA00] =	vst v63  }
0x14d: {  	_ =	swait.ge [sflag:s6], $0x1F40  }
0x14e: {  	[sflag:s6] =	ssyncset.done $0x0  }
0x14f: {  	s13 =	simm.s32 $0x1000;
	s16 =	simm.s32 $0x780;
	[sflag:s6] =	ssyncadd.s32 $0xFFFFE0C0  }
.LBB2_4:
0x150: {  	[tilespmem:s0], [sflag:$0x8] =	stream.indirect.gather [hbm4b:s5+s17], $0x40, s16, s17, $0xb8;
	[tilespmem:$0x1EA00] =	vst v63  }
0x151: {  	s15 =	smov.u32 s13  }
0x152: {  	p0 =	sne.s32 s13, $0x8000;
	s13 =	sadd.s32 $0x1000, s13;
	_ =	swait.ge [sflag:s7], $0x1F40  }
0x153: {  	s16 =	sshra.s32 s15, $0x2;
	[sflag:s7] =	ssyncset.done $0x0  }
0x154: {  	s15 =	sadd.s32 $0x2800, s16;
	[sflag:s7] =	ssyncadd.s32 $0xFFFFE0C0  }
0x155: {  	[spmem:s2] =	stream.indirect.scatter.add.f32 [tilespmem:s18], [sflag:$0x9], $0x40, s15, s17, $0xb8;
	[tilespmem:$0x1EA00] =	vst v63  }
0x156: {  	_ =	swait.ge [sflag:s8], $0x1F40  }
0x157: {  	[sflag:s8] =	ssyncset.done $0x0  }
0x158: {  	s15 =	sadd.s32 $0x2880, s16;
	[sflag:s8] =	ssyncadd.s32 $0xFFFFE0C0  }
0x159: {  	[spmem:s2] =	stream.indirect.scatter.add.f32 [tilespmem:s20], [sflag:$0xA], $0x40, s15, s17, $0xb8;
	[tilespmem:$0x1EA00] =	vst v63  }
0x15a: {  	_ =	swait.ge [sflag:s19], $0x1F40  }
0x15b: {  	[sflag:s19] =	ssyncset.done $0x0  }
0x15c: {  	s15 =	sadd.s32 $0x2900, s16;
	[sflag:s19] =	ssyncadd.s32 $0xFFFFE0C0  }
0x15d: {  	[spmem:s2] =	stream.indirect.scatter.add.f32 [tilespmem:s22], [sflag:$0xB], $0x40, s15, s17, $0xb8;
	[tilespmem:$0x1EA00] =	vst v63  }
0x15e: {  	_ =	swait.ge [sflag:s9], $0x1F40  }
0x15f: {  	[sflag:s9] =	ssyncset.done $0x0  }
0x160: {  	s15 =	sadd.s32 $0x2980, s16;
	[sflag:s9] =	ssyncadd.s32 $0xFFFFE0C0  }
0x161: {  	[spmem:s2] =	stream.indirect.scatter.add.f32 [tilespmem:s24], [sflag:$0xC], $0x40, s15, s17, $0xb8;
	[tilespmem:$0x1EA00] =	vst v63  }
0x162: {  	_ =	swait.ge [sflag:s10], $0x1F40  }
0x163: {  	[sflag:s10] =	ssyncset.done $0x0  }
0x164: {  	s15 =	sadd.s32 $0x2A00, s16;
	[sflag:s10] =	ssyncadd.s32 $0xFFFFE0C0  }
0x165: {  	[spmem:s2] =	stream.indirect.scatter.add.f32 [tilespmem:s26], [sflag:$0xD], $0x40, s15, s17, $0xb8;
	[tilespmem:$0x1EA00] =	vst v63  }
0x166: {  	_ =	swait.ge [sflag:s21], $0x1F40  }
0x167: {  	[sflag:s21] =	ssyncset.done $0x0  }
0x168: {  	s15 =	sadd.s32 $0x2A80, s16;
	[sflag:s21] =	ssyncadd.s32 $0xFFFFE0C0  }
0x169: {  	[spmem:s2] =	stream.indirect.scatter.add.f32 [tilespmem:s29], [sflag:$0xE], $0x40, s15, s17, $0xb8;
	[tilespmem:$0x1EA00] =	vst v63  }
0x16a: {  	_ =	swait.ge [sflag:s11], $0x1F40  }
0x16b: {  	[sflag:s11] =	ssyncset.done $0x0  }
0x16c: {  	s15 =	sadd.s32 $0x2B00, s16;
	[sflag:s11] =	ssyncadd.s32 $0xFFFFE0C0  }
0x16d: {  	[spmem:s2] =	stream.indirect.scatter.add.f32 [tilespmem:s31], [sflag:$0xF], $0x40, s15, s17, $0xb8;
	[tilespmem:$0x1EA00] =	vst v63  }
0x16e: {  	_ =	swait.ge [sflag:s23], $0x1F40  }
0x16f: {  	[sflag:s23] =	ssyncset.done $0x0  }
0x170: {  	s15 =	sadd.s32 $0x2B80, s16;
	[sflag:s23] =	ssyncadd.s32 $0xFFFFE0C0  }
0x171: {  	[spmem:s2] =	stream.indirect.scatter.add.f32 [tilespmem:s0], [sflag:$0x10], $0x40, s15, s17, $0xb8;
	[tilespmem:$0x1EA00] =	vst v63  }
0x172: {  	_ =	swait.ge [sflag:s14], $0x1F40  }
0x173: {  	[sflag:s14] =	ssyncset.done $0x0  }
0x174: {  	s15 =	sadd.s32 $0x400, s16;
	[sflag:s14] =	ssyncadd.s32 $0xFFFFE0C0  }
0x175: {  	[tilespmem:s18], [sflag:$0x1] =	stream.indirect.gather [hbm4b:s5+s17], $0x40, s15, s17, $0xb8;
	[tilespmem:$0x1EA00] =	vst v63  }
0x176: {  	_ =	swait.ge [sflag:s25], $0x1F40  }
0x177: {  	[sflag:s25] =	ssyncset.done $0x0  }
0x178: {  	s15 =	sadd.s32 $0x480, s16;
	[sflag:s25] =	ssyncadd.s32 $0xFFFFE0C0  }
0x179: {  	[tilespmem:s20], [sflag:$0x2] =	stream.indirect.gather [hbm4b:s5+s17], $0x40, s15, s17, $0xb8;
	[tilespmem:$0x1EA00] =	vst v63  }
0x17a: {  	_ =	swait.ge [sflag:s28], $0x1F40  }
0x17b: {  	[sflag:s28] =	ssyncset.done $0x0  }
0x17c: {  	s15 =	sadd.s32 $0x500, s16;
	[sflag:s28] =	ssyncadd.s32 $0xFFFFE0C0  }
0x17d: {  	[tilespmem:s22], [sflag:$0x3] =	stream.indirect.gather [hbm4b:s5+s17], $0x40, s15, s17, $0xb8;
	[tilespmem:$0x1EA00] =	vst v63  }
0x17e: {  	_ =	swait.ge [sflag:s30], $0x1F40  }
0x17f: {  	[sflag:s30] =	ssyncset.done $0x0  }
0x180: {  	s15 =	sadd.s32 $0x580, s16;
	[sflag:s30] =	ssyncadd.s32 $0xFFFFE0C0  }
0x181: {  	[tilespmem:s24], [sflag:$0x4] =	stream.indirect.gather [hbm4b:s5+s17], $0x40, s15, s17, $0xb8;
	[tilespmem:$0x1EA00] =	vst v63  }
0x182: {  	_ =	swait.ge [sflag:s1], $0x1F40  }
0x183: {  	[sflag:s1] =	ssyncset.done $0x0  }
0x184: {  	s15 =	sadd.s32 $0x600, s16;
	[sflag:s1] =	ssyncadd.s32 $0xFFFFE0C0  }
0x185: {  	[tilespmem:s26], [sflag:$0x5] =	stream.indirect.gather [hbm4b:s5+s17], $0x40, s15, s17, $0xb8;
	[tilespmem:$0x1EA00] =	vst v63  }
0x186: {  	_ =	swait.ge [sflag:s12], $0x1F40  }
0x187: {  	[sflag:s12] =	ssyncset.done $0x0  }
0x188: {  	s15 =	sadd.s32 $0x680, s16;
	[sflag:s12] =	ssyncadd.s32 $0xFFFFE0C0  }
0x189: {  	[tilespmem:s29], [sflag:$0x6] =	stream.indirect.gather [hbm4b:s5+s17], $0x40, s15, s17, $0xb8;
	[tilespmem:$0x1EA00] =	vst v63  }
0x18a: {  	_ =	swait.ge [sflag:s3], $0x1F40  }
0x18b: {  	[sflag:s3] =	ssyncset.done $0x0  }
.Ltmp1:
0x18c: {  	s15 =	sadd.s32 $0x700, s16;
	[sflag:s3] =	ssyncadd.s32 $0xFFFFE0C0;
	(pc) =	sbr.rel @p0 .LBB2_4-.Ltmp1, $4  }
0x18d: {  	[tilespmem:s31], [sflag:$0x7] =	stream.indirect.gather [hbm4b:s5+s17], $0x40, s15, s17, $0xb8;
	[tilespmem:$0x1EA00] =	vst v63  }
0x18e: {  	_ =	swait.ge [sflag:s6], $0x1F40  }
0x18f: {  	[sflag:s6] =	ssyncset.done $0x0  }
0x190: {  	s16 =	sadd.s32 $0x780, s16;
	[sflag:s6] =	ssyncadd.s32 $0xFFFFE0C0  }
0x191: {  	[tilespmem:s0], [sflag:$0x8] =	stream.indirect.gather [hbm4b:s5+s17], $0x40, s16, s17, $0xb8;
	[tilespmem:$0x1EA00] =	vst v63  }
0x192: {  	_ =	swait.ge [sflag:s7], $0x1F40  }
0x193: {  	[sflag:s7] =	ssyncset.done $0x0  }
0x194: {  	s13 =	simm.s32 $0x4C00;
	[sflag:s7] =	ssyncadd.s32 $0xFFFFE0C0  }
0x195: {  	[spmem:s2] =	stream.indirect.scatter.add.f32 [tilespmem:s18], [sflag:$0x9], $0x40, s13, s17, $0xb8;
	[tilespmem:$0x1EA00] =	vst v63  }
0x196: {  	_ =	swait.ge [sflag:s8], $0x1F40  }
0x197: {  	[sflag:s8] =	ssyncset.done $0x0  }
0x198: {  	s16 =	simm.s32 $0x4C80;
	[sflag:s8] =	ssyncadd.s32 $0xFFFFE0C0  }
0x199: {  	[spmem:s2] =	stream.indirect.scatter.add.f32 [tilespmem:s20], [sflag:$0xA], $0x40, s16, s17, $0xb8;
	[tilespmem:$0x1EA00] =	vst v63  }
0x19a: {  	_ =	swait.ge [sflag:s19], $0x1F40  }
0x19b: {  	[sflag:s19] =	ssyncset.done $0x0  }
0x19c: {  	s15 =	simm.s32 $0x4D00;
	[sflag:s19] =	ssyncadd.s32 $0xFFFFE0C0  }
0x19d: {  	[spmem:s2] =	stream.indirect.scatter.add.f32 [tilespmem:s22], [sflag:$0xB], $0x40, s15, s17, $0xb8;
	[tilespmem:$0x1EA00] =	vst v63  }
0x19e: {  	_ =	swait.ge [sflag:s9], $0x1F40  }
0x19f: {  	[sflag:s9] =	ssyncset.done $0x0  }
0x1a0: {  	s16 =	simm.s32 $0x4D80;
	[sflag:s9] =	ssyncadd.s32 $0xFFFFE0C0  }
0x1a1: {  	[spmem:s2] =	stream.indirect.scatter.add.f32 [tilespmem:s24], [sflag:$0xC], $0x40, s16, s17, $0xb8;
	[tilespmem:$0x1EA00] =	vst v63  }
0x1a2: {  	_ =	swait.ge [sflag:s10], $0x1F40  }
0x1a3: {  	[sflag:s10] =	ssyncset.done $0x0  }
0x1a4: {  	s15 =	simm.s32 $0x4E00;
	[sflag:s10] =	ssyncadd.s32 $0xFFFFE0C0  }
0x1a5: {  	[spmem:s2] =	stream.indirect.scatter.add.f32 [tilespmem:s26], [sflag:$0xD], $0x40, s15, s17, $0xb8;
	[tilespmem:$0x1EA00] =	vst v63  }
0x1a6: {  	_ =	swait.ge [sflag:s21], $0x1F40  }
0x1a7: {  	[sflag:s21] =	ssyncset.done $0x0  }
0x1a8: {  	s16 =	simm.s32 $0x4E80;
	[sflag:s21] =	ssyncadd.s32 $0xFFFFE0C0  }
0x1a9: {  	[spmem:s2] =	stream.indirect.scatter.add.f32 [tilespmem:s29], [sflag:$0xE], $0x40, s16, s17, $0xb8;
	[tilespmem:$0x1EA00] =	vst v63  }
0x1aa: {  	_ =	swait.ge [sflag:s11], $0x1F40  }
0x1ab: {  	[sflag:s11] =	ssyncset.done $0x0  }
0x1ac: {  	s15 =	simm.s32 $0x4F00;
	[sflag:s11] =	ssyncadd.s32 $0xFFFFE0C0  }
0x1ad: {  	[spmem:s2] =	stream.indirect.scatter.add.f32 [tilespmem:s31], [sflag:$0xF], $0x40, s15, s17, $0xb8;
	[tilespmem:$0x1EA00] =	vst v63  }
0x1ae: {  	_ =	swait.ge [sflag:s23], $0x1F40  }
0x1af: {  	[sflag:s23] =	ssyncset.done $0x0  }
0x1b0: {  	s16 =	simm.s32 $0x4F80;
	[sflag:s23] =	ssyncadd.s32 $0xFFFFE0C0  }
0x1b1: {  	[spmem:s2] =	stream.indirect.scatter.add.f32 [tilespmem:s0], [sflag:$0x10], $0x40, s16, s17, $0xb8;
	[tilespmem:$0x1EA00] =	vst v63  }
0x1b2: {  	_ =	swait.ge [sflag:s14], $0x1F40  }
0x1b3: {  	[sflag:s14] =	ssyncset.done $0x0  }
0x1b4: {  	[sflag:s14] =	ssyncadd.s32 $0xFFFFE0C0  }
0x1b5: {  	_ =	swait.ge [sflag:s25], $0x1F40  }
0x1b6: {  	[sflag:s25] =	ssyncset.done $0x0  }
0x1b7: {  	[sflag:s25] =	ssyncadd.s32 $0xFFFFE0C0  }
0x1b8: {  	_ =	swait.ge [sflag:s28], $0x1F40  }
0x1b9: {  	[sflag:s28] =	ssyncset.done $0x0  }
0x1ba: {  	[sflag:s28] =	ssyncadd.s32 $0xFFFFE0C0  }
0x1bb: {  	_ =	swait.ge [sflag:s30], $0x1F40  }
0x1bc: {  	[sflag:s30] =	ssyncset.done $0x0  }
0x1bd: {  	[sflag:s30] =	ssyncadd.s32 $0xFFFFE0C0  }
0x1be: {  	_ =	swait.ge [sflag:s1], $0x1F40  }
0x1bf: {  	[sflag:s1] =	ssyncset.done $0x0  }
0x1c0: {  	[sflag:s1] =	ssyncadd.s32 $0xFFFFE0C0  }
0x1c1: {  	_ =	swait.ge [sflag:s12], $0x1F40  }
0x1c2: {  	[sflag:s12] =	ssyncset.done $0x0  }
0x1c3: {  	[sflag:s12] =	ssyncadd.s32 $0xFFFFE0C0  }
0x1c4: {  	_ =	swait.ge [sflag:s3], $0x1F40  }
0x1c5: {  	[sflag:s3] =	ssyncset.done $0x0  }
0x1c6: {  	[sflag:s3] =	ssyncadd.s32 $0xFFFFE0C0  }
0x1c7: {  	_ =	swait.ge [sflag:s6], $0x1F40  }
0x1c8: {  	[sflag:s6] =	ssyncset.done $0x0  }
0x1c9: {  	[sflag:s6] =	ssyncadd.s32 $0xFFFFE0C0  }
0x1ca: {  	[bflag:$0x0] =	sbarrier.arrive $0xFFFF  }
0x1cb: {  	s13 =	rddreg [dreg:$0x8]  }
0x1cc: {  	s16 =	rddreg [dreg:$0xc]  }
0x1cd: {  	s15 =	rddreg [dreg:$0xe]  }
0x1ce: {  	[hbm:s13], [sflag:s15] =	dma.local [spmem:s16], $0x1400  }
0x1cf: {  	s16 =	simm.s32 $0x11  }
0x1d0: {  	_ =	swait.ge [sflag:s16], $0x1400  }
0x1d1: {  	s13 =	rddreg [dreg:$0xd]  }
0x1d2: {  	s15 =	sadd.s32 $0x1, s13;
	s13 =	rddreg [dreg:$0x9]  }
0x1d3: {  	p0 =	sne.s32 s15, s13  }
.Ltmp2:
0x1d4: {  	_ = 	snop;
	(pc) =	sbr.rel @p0 .LBB2_1-.Ltmp2, $3  }
0x1d5: {  	_ =	sdelay $0x1  }
0x1d6: {  	[sflag:s16] =	ssyncset.done $0x0  }
0x1d7: {  	[sflag:s16] =	ssyncadd.s32 $0xFFFFEC00;
	[dreg:$0xd] =	wrdreg s15  }
0x1d8: {  	_ =	sfence.sel $0x180000  }
0x1d9: {  	[bflag:$0x0] =	sbarrier.arrive $0xFFFF  }
0x1da: {  	_ =	strace $0x90000047  }
0x1db: {  	s0 =	stileid.u32;
	[bflag:$0x2] =	sbarrier.arrive $0xFFFF  }
0x1dc: {  	p0 =	sne.s32 s0, $0x0;
	s0 =	rddreg [dreg:$0x3]  }
0x1dd: {  	s0 =	sadd.s32 @!p0 $0x100000, s0  }
0x1de: {  	[sflag:s0] =	ssyncadd.tile.s32 @!p0 $0x1;
	_ =	shalt  }
.Lfunc_end2:
_tile_overlayer_lowered:
.L_overlay_start_2:
0x1df: {  	(tag) =	ssettag $0x2  }
0x1e0: {  	s0 =	rddreg [dreg:$0x0];
	s2 =	stileid.u32  }
0x1e1: {  	s1 =	rddreg [dreg:$0x1];
	p0 =	sne.s32 s2, $0x0  }
0x1e2: {  	s3 =	rddreg [dreg:$0x2];
	[bflag:$0x3] =	sbarrier.arrive $0xFFFF;
	s2 =	simm.s32 @!p0 $0x1C11  }
0x1e3: {  	[timem:s3], [sflag:s2] =	dma.local @!p0 [hbm:s0], s1  }
0x1e4: {  	s0 =	simm.s32 @!p0 $0x11  }
0x1e5: {  	_ =	swait.ge @!p0 [sflag:s0], s1  }
0x1e6: {  	s1 =	ssub.s32 @!p0 $0x0, s1;
	[sflag:s0] =	ssyncset.done @!p0 $0x0  }
0x1e7: {  	[sflag:s0] =	ssyncadd.s32 @!p0 s1  }
0x1e8: {  	[bflag:$0x3] =	sbarrier.arrive $0xFFFF  }
0x1e9: {  	_ =	shalt  }

</sc_bundles>
